<compile_context>
chip_gen: v7x
topology: tpu7x:2x2x1
jax: 0.10.2.dev20260603
libtpu: 0.0.44.dev20260713+nightly
codegen_flags: <defaults>
</compile_context>

<pallas_src>
import functools

import jax
import jax.numpy as jnp
from jax import lax
from jax.experimental import pallas as pl
from jax.experimental.pallas import tpu as pltpu
from jax.experimental.pallas import tpu_sc as plsc

_B = 16384 * 200
_D = 32
_NC = 2
_NS = 16
_NW = _NC * _NS
_BPW = _B // _NW
_CHUNK = 512
_NIT = _BPW // _CHUNK

_SEQ = 200
_BATCH = 16384
_NBLK = _BATCH // _CHUNK
_TD = _D // 8
_TI = _CHUNK // 128

assert _BPW % _CHUNK == 0 and _NIT % 2 == 0


def _make_gather():
    mesh = plsc.VectorSubcoreMesh(core_axis_name="c", subcore_axis_name="s")

    scratch = (
        [pltpu.VMEM((_CHUNK,), jnp.int32) for _ in range(2)]
        + [pltpu.VMEM((_CHUNK, _D), jnp.float32) for _ in range(2)]
        + [pltpu.VMEM((_CHUNK * _D,), jnp.float32) for _ in range(2)]
        + [pltpu.SemaphoreType.DMA for _ in range(2)]
        + [pltpu.SemaphoreType.DMA for _ in range(2)]
        + [pltpu.SemaphoreType.DMA for _ in range(2)]
    )

    @functools.partial(
        pl.kernel,
        mesh=mesh,
        out_type=jax.ShapeDtypeStruct((_SEQ, _TD, 128 * 8 * 128),
                                      jnp.float32),
        scratch_types=scratch,
        compiler_params=pltpu.CompilerParams(use_tc_tiling_on_sc=False,
                                             needs_layout_passes=False),
    )
    def gather(idx_hbm, table_hbm, out_hbm, *refs):
        idx_bufs = refs[0:2]
        row_bufs = refs[2:4]
        tbs = refs[4:6]
        isems = refs[6:8]
        gsems = refs[8:10]
        osems = refs[10:12]

        wid = lax.axis_index("s") * _NC + lax.axis_index("c")
        base = wid * _BPW
        lane = lax.iota(jnp.int32, 16)

        def off(it):
            return pl.multiple_of(base + it * _CHUNK, 32)

        def start_idx(it, b):
            pltpu.async_copy(idx_hbm.at[pl.ds(off(it), _CHUNK)], idx_bufs[b],
                             isems[b])

        def start_gather(b):
            pltpu.async_copy(table_hbm.at[idx_bufs[b]], row_bufs[b], gsems[b])

        def wait_isem(b):
            pltpu.make_async_copy(
                idx_hbm.at[pl.ds(0, _CHUNK)], idx_bufs[b], isems[b]).wait()

        def wait_gsem(b):
            pltpu.make_async_copy(
                table_hbm.at[idx_bufs[b]], row_bufs[b], gsems[b]).wait()

        def wait_osem(b):
            pltpu.make_async_copy(
                tbs[b], out_hbm.at[0, 0, pl.ds(0, _CHUNK * _D)],
                osems[b]).wait()

        def body(it, b, first, has_next, has_idx2):
            b1 = 1 - b
            wait_gsem(b)
            if has_next:
                wait_isem(b1)
                start_gather(b1)
            if has_idx2:
                start_idx(it + 2, b)
            if not first:
                wait_osem(b)
            def dloop(d, carry):
                rot = jnp.bitwise_and(lane + d, _D - 1)
                fv = ((rot >> 3) << 12) + (jnp.bitwise_and(rot, 7) << 7)
                lfv = lane + fv
                for g in range(_CHUNK // 16):
                    ridx = lane + g * 16
                    v = plsc.load_gather(row_bufs[b], [ridx, rot])
                    plsc.store_scatter(
                        tbs[b],
                        [lfv + ((g // 8) * 1024 + (g % 8) * 16)], v)
                return carry
            lax.fori_loop(0, _D, dloop, 0)
            c = base // _CHUNK + it
            j = c // _NBLK
            x0 = pl.multiple_of((c % _NBLK) * (_TI * 1024), 1024)
            for td in range(_TD):
                pltpu.async_copy(
                    tbs[b].at[pl.ds(td * (_TI * 1024), _TI * 1024)],
                    out_hbm.at[j, td, pl.ds(x0, _TI * 1024)],
                    osems[b])

        start_idx(0, 0)
        start_idx(1, 1)
        wait_isem(0)
        start_gather(0)

        body(0, 0, first=True, has_next=True, has_idx2=True)
        body(1, 1, first=True, has_next=True, has_idx2=True)

        def pair(p, carry):
            it = p * 2
            body(it, 0, first=False, has_next=True, has_idx2=True)
            body(it + 1, 1, first=False, has_next=True, has_idx2=True)
            return carry

        lax.fori_loop(1, _NIT // 2 - 1, pair, 0)

        body(_NIT - 2, 0, first=False, has_next=True, has_idx2=False)
        body(_NIT - 1, 1, first=False, has_next=False, has_idx2=False)

        wait_osem(0)
        wait_osem(1)

    return gather


_gather = _make_gather()


def kernel(x, weight):
    idx = x.T.reshape(-1).astype(jnp.int32)
    o = _gather(idx, weight)
    o = o.reshape(_SEQ, _TD, 128, 8, 128)
    return jnp.transpose(o, (2, 4, 0, 1, 3)).reshape(_BATCH, _SEQ, _D)

# --- scband reference (transcript-rebuilt; emitter-appended) ---
"""Pipeline reference for scband-embedding-22789096472786 (READ-ONLY COPY).

The authoritative reference and input builder live on the scoring server;
editing this copy changes nothing except your own understanding.
"""

import jax, jax.numpy as jnp
import numpy as np

NUM_EMBEDDINGS = 1000000
EMBEDDING_DIM = 32

def setup_inputs(seed: int = 0) -> dict:
    key = jax.random.key(seed)
    k_idx, k_w = jax.random.split(key)
    x = jax.random.randint(k_idx, (16384, 200), 0, NUM_EMBEDDINGS, dtype=jnp.int64)
    # trunc_normal_(std=1, a=-3, b=3)
    weight = jax.random.truncated_normal(k_w, -3.0, 3.0, (NUM_EMBEDDINGS, EMBEDDING_DIM), dtype=jnp.float32)
    return {"x": x, "weight": weight}

def reference(x, weight):
    # forward: self.weight[x]
    return jnp.take(weight, x, axis=0)

if __name__ == "__main__":
    import jax
    _d = setup_inputs()
    print(jax.jit(kernel)(*tuple(_d.values())))

</pallas_src>

<mosaic_0001>
#map = affine_map<(d0, d1) -> (0)>
#map1 = affine_map<(d0, d1) -> (0, 0)>
#map2 = affine_map<(d0, d1) -> (0, 0, 0)>
module attributes {stable_mosaic.version = 14 : i64} {
  func.func @gather(%arg0: i32, %arg1: i32, %arg2: memref<3276800xi32, #tpu.memory_space<hbm>>, %arg3: memref<1000000x32xf32, #tpu.memory_space<hbm>>, %arg4: memref<200x4x131072xf32, #tpu.memory_space<hbm>>, %arg5: memref<512xi32, #tpu.memory_space<vmem>>, %arg6: memref<512xi32, #tpu.memory_space<vmem>>, %arg7: memref<512x32xf32, #tpu.memory_space<vmem>>, %arg8: memref<512x32xf32, #tpu.memory_space<vmem>>, %arg9: memref<16384xf32, #tpu.memory_space<vmem>>, %arg10: memref<16384xf32, #tpu.memory_space<vmem>>, %arg11: memref<!tpu.dma_semaphore, #tpu.memory_space<semaphore_mem>>, %arg12: memref<!tpu.dma_semaphore, #tpu.memory_space<semaphore_mem>>, %arg13: memref<!tpu.dma_semaphore, #tpu.memory_space<semaphore_mem>>, %arg14: memref<!tpu.dma_semaphore, #tpu.memory_space<semaphore_mem>>, %arg15: memref<!tpu.dma_semaphore, #tpu.memory_space<semaphore_mem>>, %arg16: memref<!tpu.dma_semaphore, #tpu.memory_space<semaphore_mem>>) attributes {dimension_semantics = [#tpu.dimension_semantics<core_parallel>, #tpu.dimension_semantics<subcore_parallel>], iteration_bounds = array<i64: 2, 16>, scalar_prefetch = 0 : i64, scratch_operands = 12 : i64, tpu.core_type = #tpu.core_type<sc_vector_subcore>, window_params = [{transform_indices = #map}, {transform_indices = #map1}, {transform_indices = #map2}]} {
    %mul3A = arith.constant 2 : i32
    %mul3A_0 = arith.muli %arg1, %mul3A : i32
    %add3A = arith.addi %mul3A_0, %arg0 : i32
    %mul3A_1 = arith.constant 102400 : i32
    %mul3A_2 = arith.muli %add3A, %mul3A_1 : i32
    %iota3A = tpu.iota {dimensions = array<i32: 0>} : vector<16xi32>
    %add3A_3 = arith.constant 0 : i32
    %add3A_4 = arith.addi %mul3A_2, %add3A_3 : i32
    %multiple_of3A = tpu.assume_multiple %add3A_4, 32 : i32
    %dma_start3A = tpu.memref_slice %arg2[%multiple_of3A] : memref<3276800xi32, #tpu.memory_space<hbm>> -> memref<512xi32, #tpu.memory_space<hbm>>
    %dma_start3A_5 = tpu.memref_slice %arg2[%multiple_of3A] : memref<3276800xi32, #tpu.memory_space<hbm>> -> memref<512xi32, #tpu.memory_space<hbm>>
    tpu.enqueue_dma source(%dma_start3A_5 : memref<512xi32, #tpu.memory_space<hbm>>) target(%arg5 : memref<512xi32, #tpu.memory_space<vmem>>) target_semaphore(%arg11 : memref<!tpu.dma_semaphore, #tpu.memory_space<semaphore_mem>>)
    %add3A_6 = arith.constant 512 : i32
    %add3A_7 = arith.addi %mul3A_2, %add3A_6 : i32
    %multiple_of3A_8 = tpu.assume_multiple %add3A_7, 32 : i32
    %dma_start3A_9 = tpu.memref_slice %arg2[%multiple_of3A_8] : memref<3276800xi32, #tpu.memory_space<hbm>> -> memref<512xi32, #tpu.memory_space<hbm>>
    %dma_start3A_10 = tpu.memref_slice %arg2[%multiple_of3A_8] : memref<3276800xi32, #tpu.memory_space<hbm>> -> memref<512xi32, #tpu.memory_space<hbm>>
    tpu.enqueue_dma source(%dma_start3A_10 : memref<512xi32, #tpu.memory_space<hbm>>) target(%arg6 : memref<512xi32, #tpu.memory_space<vmem>>) target_semaphore(%arg12 : memref<!tpu.dma_semaphore, #tpu.memory_space<semaphore_mem>>)
    %dma_wait3A = arith.constant 0 : i32
    %dma_wait3A_11 = tpu.memref_slice %arg2[%dma_wait3A] : memref<3276800xi32, #tpu.memory_space<hbm>> -> memref<512xi32, #tpu.memory_space<hbm>>
    %dma_wait3A_12 = arith.constant 0 : i32
    %dma_wait3A_13 = tpu.memref_slice %arg2[%dma_wait3A_12] : memref<3276800xi32, #tpu.memory_space<hbm>> -> memref<512xi32, #tpu.memory_space<hbm>>
    tpu.wait_dma2 semaphore(%arg11 : memref<!tpu.dma_semaphore, #tpu.memory_space<semaphore_mem>>) src(%dma_wait3A_13 : memref<512xi32, #tpu.memory_space<hbm>>) dst(%arg5 : memref<512xi32, #tpu.memory_space<vmem>>)
    %dma_start3A_14 = arith.constant 0 : i32
    %dma_start3A_15 = arith.constant 0 : i32
    %dma_start3A_16 = tpu.memref_slice %arg3[%dma_start3A_14, %dma_start3A_15] : memref<1000000x32xf32, #tpu.memory_space<hbm>> -> memref<1000000x32xf32, #tpu.memory_space<hbm>>
    tpu.enqueue_indirect_dma source(%dma_start3A_16 : memref<1000000x32xf32, #tpu.memory_space<hbm>>) target(%arg7 : memref<512x32xf32, #tpu.memory_space<vmem>>) offsets(%arg5 : memref<512xi32, #tpu.memory_space<vmem>>) semaphore(%arg13 : memref<!tpu.dma_semaphore, #tpu.memory_space<semaphore_mem>>)
    %dma_wait3A_17 = arith.constant 0 : i32
    %dma_wait3A_18 = arith.constant 0 : i32
    %dma_wait3A_19 = tpu.memref_slice %arg3[%dma_wait3A_17, %dma_wait3A_18] : memref<1000000x32xf32, #tpu.memory_space<hbm>> -> memref<1000000x32xf32, #tpu.memory_space<hbm>>
    tpu.wait_indirect_dma semaphore(%arg13 : memref<!tpu.dma_semaphore, #tpu.memory_space<semaphore_mem>>) src(%dma_wait3A_19 : memref<1000000x32xf32, #tpu.memory_space<hbm>>) dst(%arg7 : memref<512x32xf32, #tpu.memory_space<vmem>>)
    %dma_wait3A_20 = arith.constant 0 : i32
    %dma_wait3A_21 = tpu.memref_slice %arg2[%dma_wait3A_20] : memref<3276800xi32, #tpu.memory_space<hbm>> -> memref<512xi32, #tpu.memory_space<hbm>>
    %dma_wait3A_22 = arith.constant 0 : i32
    %dma_wait3A_23 = tpu.memref_slice %arg2[%dma_wait3A_22] : memref<3276800xi32, #tpu.memory_space<hbm>> -> memref<512xi32, #tpu.memory_space<hbm>>
    tpu.wait_dma2 semaphore(%arg12 : memref<!tpu.dma_semaphore, #tpu.memory_space<semaphore_mem>>) src(%dma_wait3A_23 : memref<512xi32, #tpu.memory_space<hbm>>) dst(%arg6 : memref<512xi32, #tpu.memory_space<vmem>>)
    %dma_start3A_24 = arith.constant 0 : i32
    %dma_start3A_25 = arith.constant 0 : i32
    %dma_start3A_26 = tpu.memref_slice %arg3[%dma_start3A_24, %dma_start3A_25] : memref<1000000x32xf32, #tpu.memory_space<hbm>> -> memref<1000000x32xf32, #tpu.memory_space<hbm>>
    tpu.enqueue_indirect_dma source(%dma_start3A_26 : memref<1000000x32xf32, #tpu.memory_space<hbm>>) target(%arg8 : memref<512x32xf32, #tpu.memory_space<vmem>>) offsets(%arg6 : memref<512xi32, #tpu.memory_space<vmem>>) semaphore(%arg14 : memref<!tpu.dma_semaphore, #tpu.memory_space<semaphore_mem>>)
    %add3A_27 = arith.constant 1024 : i32
    %add3A_28 = arith.addi %mul3A_2, %add3A_27 : i32
    %multiple_of3A_29 = tpu.assume_multiple %add3A_28, 32 : i32
    %dma_start3A_30 = tpu.memref_slice %arg2[%multiple_of3A_29] : memref<3276800xi32, #tpu.memory_space<hbm>> -> memref<512xi32, #tpu.memory_space<hbm>>
    %dma_start3A_31 = tpu.memref_slice %arg2[%multiple_of3A_29] : memref<3276800xi32, #tpu.memory_space<hbm>> -> memref<512xi32, #tpu.memory_space<hbm>>
    tpu.enqueue_dma source(%dma_start3A_31 : memref<512xi32, #tpu.memory_space<hbm>>) target(%arg5 : memref<512xi32, #tpu.memory_space<vmem>>) target_semaphore(%arg11 : memref<!tpu.dma_semaphore, #tpu.memory_space<semaphore_mem>>)
    %scan3A = arith.constant 0 : i32
    %scan3A_32 = arith.constant 0 : i32
    %scan3A_33 = arith.constant 32 : i32
    %scan3A_34 = arith.addi %scan3A_32, %scan3A_33 : i32
    %scan3A_35 = arith.constant 1 : i32
    scf.for %scan3A_531 = %scan3A_32 to %scan3A_34 step %scan3A_35  : i32 {
      %add3A_532 = vector.broadcast %scan3A_531 : i32 to vector<16xi32>
      %add3A_533 = arith.addi %iota3A, %add3A_532 : vector<16xi32>
      %and3A_534 = arith.constant 31 : i32
      %and3A_535 = vector.broadcast %and3A_534 : i32 to vector<16xi32>
      %and3A_536 = arith.andi %add3A_533, %and3A_535 : vector<16xi32>
      %shift_right_arithmetic3A = arith.constant 3 : i32
      %shift_right_arithmetic3A_537 = vector.broadcast %shift_right_arithmetic3A : i32 to vector<16xi32>
      %shift_right_arithmetic3A_538 = arith.shrsi %and3A_536, %shift_right_arithmetic3A_537 : vector<16xi32>
      %shift_left3A = arith.constant 12 : i32
      %shift_left3A_539 = vector.broadcast %shift_left3A : i32 to vector<16xi32>
      %shift_left3A_540 = arith.shli %shift_right_arithmetic3A_538, %shift_left3A_539 : vector<16xi32>
      %and3A_541 = arith.constant 7 : i32
      %and3A_542 = vector.broadcast %and3A_541 : i32 to vector<16xi32>
      %and3A_543 = arith.andi %and3A_536, %and3A_542 : vector<16xi32>
      %shift_left3A_544 = arith.constant 7 : i32
      %shift_left3A_545 = vector.broadcast %shift_left3A_544 : i32 to vector<16xi32>
      %shift_left3A_546 = arith.shli %and3A_543, %shift_left3A_545 : vector<16xi32>
      %add3A_547 = arith.addi %shift_left3A_540, %shift_left3A_546 : vector<16xi32>
      %add3A_548 = arith.addi %iota3A, %add3A_547 : vector<16xi32>
      %add3A_549 = arith.constant 0 : i32
      %add3A_550 = vector.broadcast %add3A_549 : i32 to vector<16xi32>
      %add3A_551 = arith.addi %iota3A, %add3A_550 : vector<16xi32>
      %gather3A = tpu.vector_load_idx %arg7[%add3A_551, %and3A_536] : memref<512x32xf32, #tpu.memory_space<vmem>>[vector<16xi32>, vector<16xi32>], vector<16xf32>,
      %add3A_552 = arith.constant 0 : i32
      %add3A_553 = vector.broadcast %add3A_552 : i32 to vector<16xi32>
      %add3A_554 = arith.addi %add3A_548, %add3A_553 : vector<16xi32>
      tpu.vector_store_idx %arg9[%add3A_554], %gather3A : memref<16384xf32, #tpu.memory_space<vmem>>[vector<16xi32>], vector<16xf32>,
      %add3A_555 = arith.constant 16 : i32
      %add3A_556 = vector.broadcast %add3A_555 : i32 to vector<16xi32>
      %add3A_557 = arith.addi %iota3A, %add3A_556 : vector<16xi32>
      %gather3A_558 = tpu.vector_load_idx %arg7[%add3A_557, %and3A_536] : memref<512x32xf32, #tpu.memory_space<vmem>>[vector<16xi32>, vector<16xi32>], vector<16xf32>,
      %add3A_559 = arith.constant 16 : i32
      %add3A_560 = vector.broadcast %add3A_559 : i32 to vector<16xi32>
      %add3A_561 = arith.addi %add3A_548, %add3A_560 : vector<16xi32>
      tpu.vector_store_idx %arg9[%add3A_561], %gather3A_558 : memref<16384xf32, #tpu.memory_space<vmem>>[vector<16xi32>], vector<16xf32>,
      %add3A_562 = arith.constant 32 : i32
      %add3A_563 = vector.broadcast %add3A_562 : i32 to vector<16xi32>
      %add3A_564 = arith.addi %iota3A, %add3A_563 : vector<16xi32>
      %gather3A_565 = tpu.vector_load_idx %arg7[%add3A_564, %and3A_536] : memref<512x32xf32, #tpu.memory_space<vmem>>[vector<16xi32>, vector<16xi32>], vector<16xf32>,
      %add3A_566 = arith.constant 32 : i32
      %add3A_567 = vector.broadcast %add3A_566 : i32 to vector<16xi32>
      %add3A_568 = arith.addi %add3A_548, %add3A_567 : vector<16xi32>
      tpu.vector_store_idx %arg9[%add3A_568], %gather3A_565 : memref<16384xf32, #tpu.memory_space<vmem>>[vector<16xi32>], vector<16xf32>,
      %add3A_569 = arith.constant 48 : i32
      %add3A_570 = vector.broadcast %add3A_569 : i32 to vector<16xi32>
      %add3A_571 = arith.addi %iota3A, %add3A_570 : vector<16xi32>
      %gather3A_572 = tpu.vector_load_idx %arg7[%add3A_571, %and3A_536] : memref<512x32xf32, #tpu.memory_space<vmem>>[vector<16xi32>, vector<16xi32>], vector<16xf32>,
      %add3A_573 = arith.constant 48 : i32
      %add3A_574 = vector.broadcast %add3A_573 : i32 to vector<16xi32>
      %add3A_575 = arith.addi %add3A_548, %add3A_574 : vector<16xi32>
      tpu.vector_store_idx %arg9[%add3A_575], %gather3A_572 : memref<16384xf32, #tpu.memory_space<vmem>>[vector<16xi32>], vector<16xf32>,
      %add3A_576 = arith.constant 64 : i32
      %add3A_577 = vector.broadcast %add3A_576 : i32 to vector<16xi32>
      %add3A_578 = arith.addi %iota3A, %add3A_577 : vector<16xi32>
      %gather3A_579 = tpu.vector_load_idx %arg7[%add3A_578, %and3A_536] : memref<512x32xf32, #tpu.memory_space<vmem>>[vector<16xi32>, vector<16xi32>], vector<16xf32>,
      %add3A_580 = arith.constant 64 : i32
      %add3A_581 = vector.broadcast %add3A_580 : i32 to vector<16xi32>
      %add3A_582 = arith.addi %add3A_548, %add3A_581 : vector<16xi32>
      tpu.vector_store_idx %arg9[%add3A_582], %gather3A_579 : memref<16384xf32, #tpu.memory_space<vmem>>[vector<16xi32>], vector<16xf32>,
      %add3A_583 = arith.constant 80 : i32
      %add3A_584 = vector.broadcast %add3A_583 : i32 to vector<16xi32>
      %add3A_585 = arith.addi %iota3A, %add3A_584 : vector<16xi32>
      %gather3A_586 = tpu.vector_load_idx %arg7[%add3A_585, %and3A_536] : memref<512x32xf32, #tpu.memory_space<vmem>>[vector<16xi32>, vector<16xi32>], vector<16xf32>,
      %add3A_587 = arith.constant 80 : i32
      %add3A_588 = vector.broadcast %add3A_587 : i32 to vector<16xi32>
      %add3A_589 = arith.addi %add3A_548, %add3A_588 : vector<16xi32>
      tpu.vector_store_idx %arg9[%add3A_589], %gather3A_586 : memref<16384xf32, #tpu.memory_space<vmem>>[vector<16xi32>], vector<16xf32>,
      %add3A_590 = arith.constant 96 : i32
      %add3A_591 = vector.broadcast %add3A_590 : i32 to vector<16xi32>
      %add3A_592 = arith.addi %iota3A, %add3A_591 : vector<16xi32>
      %gather3A_593 = tpu.vector_load_idx %arg7[%add3A_592, %and3A_536] : memref<512x32xf32, #tpu.memory_space<vmem>>[vector<16xi32>, vector<16xi32>], vector<16xf32>,
      %add3A_594 = arith.constant 96 : i32
      %add3A_595 = vector.broadcast %add3A_594 : i32 to vector<16xi32>
      %add3A_596 = arith.addi %add3A_548, %add3A_595 : vector<16xi32>
      tpu.vector_store_idx %arg9[%add3A_596], %gather3A_593 : memref<16384xf32, #tpu.memory_space<vmem>>[vector<16xi32>], vector<16xf32>,
      %add3A_597 = arith.constant 112 : i32
      %add3A_598 = vector.broadcast %add3A_597 : i32 to vector<16xi32>
      %add3A_599 = arith.addi %iota3A, %add3A_598 : vector<16xi32>
      %gather3A_600 = tpu.vector_load_idx %arg7[%add3A_599, %and3A_536] : memref<512x32xf32, #tpu.memory_space<vmem>>[vector<16xi32>, vector<16xi32>], vector<16xf32>,
      %add3A_601 = arith.constant 112 : i32
      %add3A_602 = vector.broadcast %add3A_601 : i32 to vector<16xi32>
      %add3A_603 = arith.addi %add3A_548, %add3A_602 : vector<16xi32>
      tpu.vector_store_idx %arg9[%add3A_603], %gather3A_600 : memref<16384xf32, #tpu.memory_space<vmem>>[vector<16xi32>], vector<16xf32>,
      %add3A_604 = arith.constant 128 : i32
      %add3A_605 = vector.broadcast %add3A_604 : i32 to vector<16xi32>
      %add3A_606 = arith.addi %iota3A, %add3A_605 : vector<16xi32>
      %gather3A_607 = tpu.vector_load_idx %arg7[%add3A_606, %and3A_536] : memref<512x32xf32, #tpu.memory_space<vmem>>[vector<16xi32>, vector<16xi32>], vector<16xf32>,
      %add3A_608 = arith.constant 1024 : i32
      %add3A_609 = vector.broadcast %add3A_608 : i32 to vector<16xi32>
      %add3A_610 = arith.addi %add3A_548, %add3A_609 : vector<16xi32>
      tpu.vector_store_idx %arg9[%add3A_610], %gather3A_607 : memref<16384xf32, #tpu.memory_space<vmem>>[vector<16xi32>], vector<16xf32>,
      %add3A_611 = arith.constant 144 : i32
      %add3A_612 = vector.broadcast %add3A_611 : i32 to vector<16xi32>
      %add3A_613 = arith.addi %iota3A, %add3A_612 : vector<16xi32>
      %gather3A_614 = tpu.vector_load_idx %arg7[%add3A_613, %and3A_536] : memref<512x32xf32, #tpu.memory_space<vmem>>[vector<16xi32>, vector<16xi32>], vector<16xf32>,
      %add3A_615 = arith.constant 1040 : i32
      %add3A_616 = vector.broadcast %add3A_615 : i32 to vector<16xi32>
      %add3A_617 = arith.addi %add3A_548, %add3A_616 : vector<16xi32>
      tpu.vector_store_idx %arg9[%add3A_617], %gather3A_614 : memref<16384xf32, #tpu.memory_space<vmem>>[vector<16xi32>], vector<16xf32>,
      %add3A_618 = arith.constant 160 : i32
      %add3A_619 = vector.broadcast %add3A_618 : i32 to vector<16xi32>
      %add3A_620 = arith.addi %iota3A, %add3A_619 : vector<16xi32>
      %gather3A_621 = tpu.vector_load_idx %arg7[%add3A_620, %and3A_536] : memref<512x32xf32, #tpu.memory_space<vmem>>[vector<16xi32>, vector<16xi32>], vector<16xf32>,
      %add3A_622 = arith.constant 1056 : i32
      %add3A_623 = vector.broadcast %add3A_622 : i32 to vector<16xi32>
      %add3A_624 = arith.addi %add3A_548, %add3A_623 : vector<16xi32>
      tpu.vector_store_idx %arg9[%add3A_624], %gather3A_621 : memref<16384xf32, #tpu.memory_space<vmem>>[vector<16xi32>], vector<16xf32>,
      %add3A_625 = arith.constant 176 : i32
      %add3A_626 = vector.broadcast %add3A_625 : i32 to vector<16xi32>
      %add3A_627 = arith.addi %iota3A, %add3A_626 : vector<16xi32>
      %gather3A_628 = tpu.vector_load_idx %arg7[%add3A_627, %and3A_536] : memref<512x32xf32, #tpu.memory_space<vmem>>[vector<16xi32>, vector<16xi32>], vector<16xf32>,
      %add3A_629 = arith.constant 1072 : i32
      %add3A_630 = vector.broadcast %add3A_629 : i32 to vector<16xi32>
      %add3A_631 = arith.addi %add3A_548, %add3A_630 : vector<16xi32>
      tpu.vector_store_idx %arg9[%add3A_631], %gather3A_628 : memref<16384xf32, #tpu.memory_space<vmem>>[vector<16xi32>], vector<16xf32>,
      %add3A_632 = arith.constant 192 : i32
      %add3A_633 = vector.broadcast %add3A_632 : i32 to vector<16xi32>
      %add3A_634 = arith.addi %iota3A, %add3A_633 : vector<16xi32>
      %gather3A_635 = tpu.vector_load_idx %arg7[%add3A_634, %and3A_536] : memref<512x32xf32, #tpu.memory_space<vmem>>[vector<16xi32>, vector<16xi32>], vector<16xf32>,
      %add3A_636 = arith.constant 1088 : i32
      %add3A_637 = vector.broadcast %add3A_636 : i32 to vector<16xi32>
      %add3A_638 = arith.addi %add3A_548, %add3A_637 : vector<16xi32>
      tpu.vector_store_idx %arg9[%add3A_638], %gather3A_635 : memref<16384xf32, #tpu.memory_space<vmem>>[vector<16xi32>], vector<16xf32>,
      %add3A_639 = arith.constant 208 : i32
      %add3A_640 = vector.broadcast %add3A_639 : i32 to vector<16xi32>
      %add3A_641 = arith.addi %iota3A, %add3A_640 : vector<16xi32>
      %gather3A_642 = tpu.vector_load_idx %arg7[%add3A_641, %and3A_536] : memref<512x32xf32, #tpu.memory_space<vmem>>[vector<16xi32>, vector<16xi32>], vector<16xf32>,
      %add3A_643 = arith.constant 1104 : i32
      %add3A_644 = vector.broadcast %add3A_643 : i32 to vector<16xi32>
      %add3A_645 = arith.addi %add3A_548, %add3A_644 : vector<16xi32>
      tpu.vector_store_idx %arg9[%add3A_645], %gather3A_642 : memref<16384xf32, #tpu.memory_space<vmem>>[vector<16xi32>], vector<16xf32>,
      %add3A_646 = arith.constant 224 : i32
      %add3A_647 = vector.broadcast %add3A_646 : i32 to vector<16xi32>
      %add3A_648 = arith.addi %iota3A, %add3A_647 : vector<16xi32>
      %gather3A_649 = tpu.vector_load_idx %arg7[%add3A_648, %and3A_536] : memref<512x32xf32, #tpu.memory_space<vmem>>[vector<16xi32>, vector<16xi32>], vector<16xf32>,
      %add3A_650 = arith.constant 1120 : i32
      %add3A_651 = vector.broadcast %add3A_650 : i32 to vector<16xi32>
      %add3A_652 = arith.addi %add3A_548, %add3A_651 : vector<16xi32>
      tpu.vector_store_idx %arg9[%add3A_652], %gather3A_649 : memref<16384xf32, #tpu.memory_space<vmem>>[vector<16xi32>], vector<16xf32>,
      %add3A_653 = arith.constant 240 : i32
      %add3A_654 = vector.broadcast %add3A_653 : i32 to vector<16xi32>
      %add3A_655 = arith.addi %iota3A, %add3A_654 : vector<16xi32>
      %gather3A_656 = tpu.vector_load_idx %arg7[%add3A_655, %and3A_536] : memref<512x32xf32, #tpu.memory_space<vmem>>[vector<16xi32>, vector<16xi32>], vector<16xf32>,
      %add3A_657 = arith.constant 1136 : i32
      %add3A_658 = vector.broadcast %add3A_657 : i32 to vector<16xi32>
      %add3A_659 = arith.addi %add3A_548, %add3A_658 : vector<16xi32>
      tpu.vector_store_idx %arg9[%add3A_659], %gather3A_656 : memref<16384xf32, #tpu.memory_space<vmem>>[vector<16xi32>], vector<16xf32>,
      %add3A_660 = arith.constant 256 : i32
      %add3A_661 = vector.broadcast %add3A_660 : i32 to vector<16xi32>
      %add3A_662 = arith.addi %iota3A, %add3A_661 : vector<16xi32>
      %gather3A_663 = tpu.vector_load_idx %arg7[%add3A_662, %and3A_536] : memref<512x32xf32, #tpu.memory_space<vmem>>[vector<16xi32>, vector<16xi32>], vector<16xf32>,
      %add3A_664 = arith.constant 2048 : i32
      %add3A_665 = vector.broadcast %add3A_664 : i32 to vector<16xi32>
      %add3A_666 = arith.addi %add3A_548, %add3A_665 : vector<16xi32>
      tpu.vector_store_idx %arg9[%add3A_666], %gather3A_663 : memref<16384xf32, #tpu.memory_space<vmem>>[vector<16xi32>], vector<16xf32>,
      %add3A_667 = arith.constant 272 : i32
      %add3A_668 = vector.broadcast %add3A_667 : i32 to vector<16xi32>
      %add3A_669 = arith.addi %iota3A, %add3A_668 : vector<16xi32>
      %gather3A_670 = tpu.vector_load_idx %arg7[%add3A_669, %and3A_536] : memref<512x32xf32, #tpu.memory_space<vmem>>[vector<16xi32>, vector<16xi32>], vector<16xf32>,
      %add3A_671 = arith.constant 2064 : i32
      %add3A_672 = vector.broadcast %add3A_671 : i32 to vector<16xi32>
      %add3A_673 = arith.addi %add3A_548, %add3A_672 : vector<16xi32>
      tpu.vector_store_idx %arg9[%add3A_673], %gather3A_670 : memref<16384xf32, #tpu.memory_space<vmem>>[vector<16xi32>], vector<16xf32>,
      %add3A_674 = arith.constant 288 : i32
      %add3A_675 = vector.broadcast %add3A_674 : i32 to vector<16xi32>
      %add3A_676 = arith.addi %iota3A, %add3A_675 : vector<16xi32>
      %gather3A_677 = tpu.vector_load_idx %arg7[%add3A_676, %and3A_536] : memref<512x32xf32, #tpu.memory_space<vmem>>[vector<16xi32>, vector<16xi32>], vector<16xf32>,
      %add3A_678 = arith.constant 2080 : i32
      %add3A_679 = vector.broadcast %add3A_678 : i32 to vector<16xi32>
      %add3A_680 = arith.addi %add3A_548, %add3A_679 : vector<16xi32>
      tpu.vector_store_idx %arg9[%add3A_680], %gather3A_677 : memref<16384xf32, #tpu.memory_space<vmem>>[vector<16xi32>], vector<16xf32>,
      %add3A_681 = arith.constant 304 : i32
      %add3A_682 = vector.broadcast %add3A_681 : i32 to vector<16xi32>
      %add3A_683 = arith.addi %iota3A, %add3A_682 : vector<16xi32>
      %gather3A_684 = tpu.vector_load_idx %arg7[%add3A_683, %and3A_536] : memref<512x32xf32, #tpu.memory_space<vmem>>[vector<16xi32>, vector<16xi32>], vector<16xf32>,
      %add3A_685 = arith.constant 2096 : i32
      %add3A_686 = vector.broadcast %add3A_685 : i32 to vector<16xi32>
      %add3A_687 = arith.addi %add3A_548, %add3A_686 : vector<16xi32>
      tpu.vector_store_idx %arg9[%add3A_687], %gather3A_684 : memref<16384xf32, #tpu.memory_space<vmem>>[vector<16xi32>], vector<16xf32>,
      %add3A_688 = arith.constant 320 : i32
      %add3A_689 = vector.broadcast %add3A_688 : i32 to vector<16xi32>
      %add3A_690 = arith.addi %iota3A, %add3A_689 : vector<16xi32>
      %gather3A_691 = tpu.vector_load_idx %arg7[%add3A_690, %and3A_536] : memref<512x32xf32, #tpu.memory_space<vmem>>[vector<16xi32>, vector<16xi32>], vector<16xf32>,
      %add3A_692 = arith.constant 2112 : i32
      %add3A_693 = vector.broadcast %add3A_692 : i32 to vector<16xi32>
      %add3A_694 = arith.addi %add3A_548, %add3A_693 : vector<16xi32>
      tpu.vector_store_idx %arg9[%add3A_694], %gather3A_691 : memref<16384xf32, #tpu.memory_space<vmem>>[vector<16xi32>], vector<16xf32>,
      %add3A_695 = arith.constant 336 : i32
      %add3A_696 = vector.broadcast %add3A_695 : i32 to vector<16xi32>
      %add3A_697 = arith.addi %iota3A, %add3A_696 : vector<16xi32>
      %gather3A_698 = tpu.vector_load_idx %arg7[%add3A_697, %and3A_536] : memref<512x32xf32, #tpu.memory_space<vmem>>[vector<16xi32>, vector<16xi32>], vector<16xf32>,
      %add3A_699 = arith.constant 2128 : i32
      %add3A_700 = vector.broadcast %add3A_699 : i32 to vector<16xi32>
      %add3A_701 = arith.addi %add3A_548, %add3A_700 : vector<16xi32>
      tpu.vector_store_idx %arg9[%add3A_701], %gather3A_698 : memref<16384xf32, #tpu.memory_space<vmem>>[vector<16xi32>], vector<16xf32>,
      %add3A_702 = arith.constant 352 : i32
      %add3A_703 = vector.broadcast %add3A_702 : i32 to vector<16xi32>
      %add3A_704 = arith.addi %iota3A, %add3A_703 : vector<16xi32>
      %gather3A_705 = tpu.vector_load_idx %arg7[%add3A_704, %and3A_536] : memref<512x32xf32, #tpu.memory_space<vmem>>[vector<16xi32>, vector<16xi32>], vector<16xf32>,
      %add3A_706 = arith.constant 2144 : i32
      %add3A_707 = vector.broadcast %add3A_706 : i32 to vector<16xi32>
      %add3A_708 = arith.addi %add3A_548, %add3A_707 : vector<16xi32>
      tpu.vector_store_idx %arg9[%add3A_708], %gather3A_705 : memref<16384xf32, #tpu.memory_space<vmem>>[vector<16xi32>], vector<16xf32>,
      %add3A_709 = arith.constant 368 : i32
      %add3A_710 = vector.broadcast %add3A_709 : i32 to vector<16xi32>
      %add3A_711 = arith.addi %iota3A, %add3A_710 : vector<16xi32>
      %gather3A_712 = tpu.vector_load_idx %arg7[%add3A_711, %and3A_536] : memref<512x32xf32, #tpu.memory_space<vmem>>[vector<16xi32>, vector<16xi32>], vector<16xf32>,
      %add3A_713 = arith.constant 2160 : i32
      %add3A_714 = vector.broadcast %add3A_713 : i32 to vector<16xi32>
      %add3A_715 = arith.addi %add3A_548, %add3A_714 : vector<16xi32>
      tpu.vector_store_idx %arg9[%add3A_715], %gather3A_712 : memref<16384xf32, #tpu.memory_space<vmem>>[vector<16xi32>], vector<16xf32>,
      %add3A_716 = arith.constant 384 : i32
      %add3A_717 = vector.broadcast %add3A_716 : i32 to vector<16xi32>
      %add3A_718 = arith.addi %iota3A, %add3A_717 : vector<16xi32>
      %gather3A_719 = tpu.vector_load_idx %arg7[%add3A_718, %and3A_536] : memref<512x32xf32, #tpu.memory_space<vmem>>[vector<16xi32>, vector<16xi32>], vector<16xf32>,
      %add3A_720 = arith.constant 3072 : i32
      %add3A_721 = vector.broadcast %add3A_720 : i32 to vector<16xi32>
      %add3A_722 = arith.addi %add3A_548, %add3A_721 : vector<16xi32>
      tpu.vector_store_idx %arg9[%add3A_722], %gather3A_719 : memref<16384xf32, #tpu.memory_space<vmem>>[vector<16xi32>], vector<16xf32>,
      %add3A_723 = arith.constant 400 : i32
      %add3A_724 = vector.broadcast %add3A_723 : i32 to vector<16xi32>
      %add3A_725 = arith.addi %iota3A, %add3A_724 : vector<16xi32>
      %gather3A_726 = tpu.vector_load_idx %arg7[%add3A_725, %and3A_536] : memref<512x32xf32, #tpu.memory_space<vmem>>[vector<16xi32>, vector<16xi32>], vector<16xf32>,
      %add3A_727 = arith.constant 3088 : i32
      %add3A_728 = vector.broadcast %add3A_727 : i32 to vector<16xi32>
      %add3A_729 = arith.addi %add3A_548, %add3A_728 : vector<16xi32>
      tpu.vector_store_idx %arg9[%add3A_729], %gather3A_726 : memref<16384xf32, #tpu.memory_space<vmem>>[vector<16xi32>], vector<16xf32>,
      %add3A_730 = arith.constant 416 : i32
      %add3A_731 = vector.broadcast %add3A_730 : i32 to vector<16xi32>
      %add3A_732 = arith.addi %iota3A, %add3A_731 : vector<16xi32>
      %gather3A_733 = tpu.vector_load_idx %arg7[%add3A_732, %and3A_536] : memref<512x32xf32, #tpu.memory_space<vmem>>[vector<16xi32>, vector<16xi32>], vector<16xf32>,
      %add3A_734 = arith.constant 3104 : i32
      %add3A_735 = vector.broadcast %add3A_734 : i32 to vector<16xi32>
      %add3A_736 = arith.addi %add3A_548, %add3A_735 : vector<16xi32>
      tpu.vector_store_idx %arg9[%add3A_736], %gather3A_733 : memref<16384xf32, #tpu.memory_space<vmem>>[vector<16xi32>], vector<16xf32>,
      %add3A_737 = arith.constant 432 : i32
      %add3A_738 = vector.broadcast %add3A_737 : i32 to vector<16xi32>
      %add3A_739 = arith.addi %iota3A, %add3A_738 : vector<16xi32>
      %gather3A_740 = tpu.vector_load_idx %arg7[%add3A_739, %and3A_536] : memref<512x32xf32, #tpu.memory_space<vmem>>[vector<16xi32>, vector<16xi32>], vector<16xf32>,
      %add3A_741 = arith.constant 3120 : i32
      %add3A_742 = vector.broadcast %add3A_741 : i32 to vector<16xi32>
      %add3A_743 = arith.addi %add3A_548, %add3A_742 : vector<16xi32>
      tpu.vector_store_idx %arg9[%add3A_743], %gather3A_740 : memref<16384xf32, #tpu.memory_space<vmem>>[vector<16xi32>], vector<16xf32>,
      %add3A_744 = arith.constant 448 : i32
      %add3A_745 = vector.broadcast %add3A_744 : i32 to vector<16xi32>
      %add3A_746 = arith.addi %iota3A, %add3A_745 : vector<16xi32>
      %gather3A_747 = tpu.vector_load_idx %arg7[%add3A_746, %and3A_536] : memref<512x32xf32, #tpu.memory_space<vmem>>[vector<16xi32>, vector<16xi32>], vector<16xf32>,
      %add3A_748 = arith.constant 3136 : i32
      %add3A_749 = vector.broadcast %add3A_748 : i32 to vector<16xi32>
      %add3A_750 = arith.addi %add3A_548, %add3A_749 : vector<16xi32>
      tpu.vector_store_idx %arg9[%add3A_750], %gather3A_747 : memref<16384xf32, #tpu.memory_space<vmem>>[vector<16xi32>], vector<16xf32>,
      %add3A_751 = arith.constant 464 : i32
      %add3A_752 = vector.broadcast %add3A_751 : i32 to vector<16xi32>
      %add3A_753 = arith.addi %iota3A, %add3A_752 : vector<16xi32>
      %gather3A_754 = tpu.vector_load_idx %arg7[%add3A_753, %and3A_536] : memref<512x32xf32, #tpu.memory_space<vmem>>[vector<16xi32>, vector<16xi32>], vector<16xf32>,
      %add3A_755 = arith.constant 3152 : i32
      %add3A_756 = vector.broadcast %add3A_755 : i32 to vector<16xi32>
      %add3A_757 = arith.addi %add3A_548, %add3A_756 : vector<16xi32>
      tpu.vector_store_idx %arg9[%add3A_757], %gather3A_754 : memref<16384xf32, #tpu.memory_space<vmem>>[vector<16xi32>], vector<16xf32>,
      %add3A_758 = arith.constant 480 : i32
      %add3A_759 = vector.broadcast %add3A_758 : i32 to vector<16xi32>
      %add3A_760 = arith.addi %iota3A, %add3A_759 : vector<16xi32>
      %gather3A_761 = tpu.vector_load_idx %arg7[%add3A_760, %and3A_536] : memref<512x32xf32, #tpu.memory_space<vmem>>[vector<16xi32>, vector<16xi32>], vector<16xf32>,
      %add3A_762 = arith.constant 3168 : i32
      %add3A_763 = vector.broadcast %add3A_762 : i32 to vector<16xi32>
      %add3A_764 = arith.addi %add3A_548, %add3A_763 : vector<16xi32>
      tpu.vector_store_idx %arg9[%add3A_764], %gather3A_761 : memref<16384xf32, #tpu.memory_space<vmem>>[vector<16xi32>], vector<16xf32>,
      %add3A_765 = arith.constant 496 : i32
      %add3A_766 = vector.broadcast %add3A_765 : i32 to vector<16xi32>
      %add3A_767 = arith.addi %iota3A, %add3A_766 : vector<16xi32>
      %gather3A_768 = tpu.vector_load_idx %arg7[%add3A_767, %and3A_536] : memref<512x32xf32, #tpu.memory_space<vmem>>[vector<16xi32>, vector<16xi32>], vector<16xf32>,
      %add3A_769 = arith.constant 3184 : i32
      %add3A_770 = vector.broadcast %add3A_769 : i32 to vector<16xi32>
      %add3A_771 = arith.addi %add3A_548, %add3A_770 : vector<16xi32>
      tpu.vector_store_idx %arg9[%add3A_771], %gather3A_768 : memref<16384xf32, #tpu.memory_space<vmem>>[vector<16xi32>], vector<16xf32>,
    }
    %scan3A_36 = arith.constant 32 : i32
    %jit3A = arith.constant 512 : i32
    %div3A = arith.divsi %mul3A_2, %jit3A : i32
    %sign3A = arith.constant 0 : i32
    %sign3A_37 = arith.cmpi sgt, %mul3A_2, %sign3A : i32
    %sign3A_38 = arith.extui %sign3A_37 : i1 to i32
    %sign3A_39 = arith.constant 0 : i32
    %sign3A_40 = arith.cmpi slt, %mul3A_2, %sign3A_39 : i32
    %sign3A_41 = arith.extui %sign3A_40 : i1 to i32
    %sign3A_42 = arith.subi %sign3A_38, %sign3A_41 : i32
    %sign3A_43 = arith.constant 0 : i32
    %sign3A_44 = arith.cmpi sgt, %jit3A, %sign3A_43 : i32
    %sign3A_45 = arith.extui %sign3A_44 : i1 to i32
    %sign3A_46 = arith.constant 0 : i32
    %sign3A_47 = arith.cmpi slt, %jit3A, %sign3A_46 : i32
    %sign3A_48 = arith.extui %sign3A_47 : i1 to i32
    %sign3A_49 = arith.subi %sign3A_45, %sign3A_48 : i32
    %ne3A = arith.cmpi ne, %sign3A_42, %sign3A_49 : i32
    %rem3A = arith.remsi %mul3A_2, %jit3A : i32
    %ne3A_50 = arith.constant 0 : i32
    %ne3A_51 = arith.cmpi ne, %rem3A, %ne3A_50 : i32
    %and3A = arith.andi %ne3A, %ne3A_51 : i1
    %sub3A = arith.constant 1 : i32
    %sub3A_52 = arith.subi %div3A, %sub3A : i32
    %select_n3A = arith.select %and3A, %sub3A_52, %div3A : i32
    %add3A_53 = arith.constant 0 : i32
    %add3A_54 = arith.addi %select_n3A, %add3A_53 : i32
    %jit3A_55 = arith.constant 32 : i32
    %div3A_56 = arith.divsi %add3A_54, %jit3A_55 : i32
    %sign3A_57 = arith.constant 0 : i32
    %sign3A_58 = arith.cmpi sgt, %add3A_54, %sign3A_57 : i32
    %sign3A_59 = arith.extui %sign3A_58 : i1 to i32
    %sign3A_60 = arith.constant 0 : i32
    %sign3A_61 = arith.cmpi slt, %add3A_54, %sign3A_60 : i32
    %sign3A_62 = arith.extui %sign3A_61 : i1 to i32
    %sign3A_63 = arith.subi %sign3A_59, %sign3A_62 : i32
    %sign3A_64 = arith.constant 0 : i32
    %sign3A_65 = arith.cmpi sgt, %jit3A_55, %sign3A_64 : i32
    %sign3A_66 = arith.extui %sign3A_65 : i1 to i32
    %sign3A_67 = arith.constant 0 : i32
    %sign3A_68 = arith.cmpi slt, %jit3A_55, %sign3A_67 : i32
    %sign3A_69 = arith.extui %sign3A_68 : i1 to i32
    %sign3A_70 = arith.subi %sign3A_66, %sign3A_69 : i32
    %ne3A_71 = arith.cmpi ne, %sign3A_63, %sign3A_70 : i32
    %rem3A_72 = arith.remsi %add3A_54, %jit3A_55 : i32
    %ne3A_73 = arith.constant 0 : i32
    %ne3A_74 = arith.cmpi ne, %rem3A_72, %ne3A_73 : i32
    %and3A_75 = arith.andi %ne3A_71, %ne3A_74 : i1
    %sub3A_76 = arith.constant 1 : i32
    %sub3A_77 = arith.subi %div3A_56, %sub3A_76 : i32
    %select_n3A_78 = arith.select %and3A_75, %sub3A_77, %div3A_56 : i32
    %jit3A_79 = arith.constant 32 : i32
    %eq3A = arith.constant 0 : i32
    %eq3A_80 = arith.cmpi eq, %jit3A_79, %eq3A : i32
    %jit3A_81 = arith.constant 1 : i32
    %select_n3A_82 = arith.select %eq3A_80, %jit3A_81, %jit3A_79 : i32
    %rem3A_83 = arith.remsi %add3A_54, %select_n3A_82 : i32
    %ne3A_84 = arith.constant 0 : i32
    %ne3A_85 = arith.cmpi ne, %rem3A_83, %ne3A_84 : i32
    %lt3A = arith.constant 0 : i32
    %lt3A_86 = arith.cmpi slt, %rem3A_83, %lt3A : i32
    %lt3A_87 = arith.constant 0 : i32
    %lt3A_88 = arith.cmpi slt, %select_n3A_82, %lt3A_87 : i32
    %ne3A_89 = arith.xori %lt3A_86, %lt3A_88 : i1
    %and3A_90 = arith.andi %ne3A_89, %ne3A_85 : i1
    %add3A_91 = arith.addi %rem3A_83, %select_n3A_82 : i32
    %select_n3A_92 = arith.select %and3A_90, %add3A_91, %rem3A_83 : i32
    %mul3A_93 = arith.constant 4096 : i32
    %mul3A_94 = arith.muli %select_n3A_92, %mul3A_93 : i32
    %multiple_of3A_95 = tpu.assume_multiple %mul3A_94, 1024 : i32
    %dma_start3A_96 = arith.constant 0 : i32
    %dma_start3A_97 = arith.constant 0 : i32
    %dma_start3A_98 = tpu.memref_slice %arg9[%dma_start3A_97] : memref<16384xf32, #tpu.memory_space<vmem>> -> memref<4096xf32, #tpu.memory_space<vmem>>
    %dma_start3A_99 = tpu.memref_slice %arg4[%select_n3A_78, %dma_start3A_96, %multiple_of3A_95] : memref<200x4x131072xf32, #tpu.memory_space<hbm>> -> memref<1x1x4096xf32, #tpu.memory_space<hbm>>
    %dma_start3A_100 = tpu.memref_squeeze %dma_start3A_99 : memref<1x1x4096xf32, #tpu.memory_space<hbm>> -> memref<4096xf32, #tpu.memory_space<hbm>>
    %dma_start3A_101 = tpu.memref_slice %arg4[%select_n3A_78, %dma_start3A_96, %multiple_of3A_95] : memref<200x4x131072xf32, #tpu.memory_space<hbm>> -> memref<1x1x4096xf32, #tpu.memory_space<hbm>>
    %dma_start3A_102 = tpu.memref_squeeze %dma_start3A_101 : memref<1x1x4096xf32, #tpu.memory_space<hbm>> -> memref<4096xf32, #tpu.memory_space<hbm>>
    %dma_start3A_103 = arith.constant 0 : i32
    %dma_start3A_104 = tpu.memref_slice %arg9[%dma_start3A_103] : memref<16384xf32, #tpu.memory_space<vmem>> -> memref<4096xf32, #tpu.memory_space<vmem>>
    tpu.enqueue_dma source(%dma_start3A_104 : memref<4096xf32, #tpu.memory_space<vmem>>) target(%dma_start3A_102 : memref<4096xf32, #tpu.memory_space<hbm>>) target_semaphore(%arg15 : memref<!tpu.dma_semaphore, #tpu.memory_space<semaphore_mem>>)
    %dma_start3A_105 = arith.constant 1 : i32
    %dma_start3A_106 = arith.constant 4096 : i32
    %dma_start3A_107 = tpu.memref_slice %arg9[%dma_start3A_106] : memref<16384xf32, #tpu.memory_space<vmem>> -> memref<4096xf32, #tpu.memory_space<vmem>>
    %dma_start3A_108 = tpu.memref_slice %arg4[%select_n3A_78, %dma_start3A_105, %multiple_of3A_95] : memref<200x4x131072xf32, #tpu.memory_space<hbm>> -> memref<1x1x4096xf32, #tpu.memory_space<hbm>>
    %dma_start3A_109 = tpu.memref_squeeze %dma_start3A_108 : memref<1x1x4096xf32, #tpu.memory_space<hbm>> -> memref<4096xf32, #tpu.memory_space<hbm>>
    %dma_start3A_110 = tpu.memref_slice %arg4[%select_n3A_78, %dma_start3A_105, %multiple_of3A_95] : memref<200x4x131072xf32, #tpu.memory_space<hbm>> -> memref<1x1x4096xf32, #tpu.memory_space<hbm>>
    %dma_start3A_111 = tpu.memref_squeeze %dma_start3A_110 : memref<1x1x4096xf32, #tpu.memory_space<hbm>> -> memref<4096xf32, #tpu.memory_space<hbm>>
    %dma_start3A_112 = arith.constant 4096 : i32
    %dma_start3A_113 = tpu.memref_slice %arg9[%dma_start3A_112] : memref<16384xf32, #tpu.memory_space<vmem>> -> memref<4096xf32, #tpu.memory_space<vmem>>
    tpu.enqueue_dma source(%dma_start3A_113 : memref<4096xf32, #tpu.memory_space<vmem>>) target(%dma_start3A_111 : memref<4096xf32, #tpu.memory_space<hbm>>) target_semaphore(%arg15 : memref<!tpu.dma_semaphore, #tpu.memory_space<semaphore_mem>>)
    %dma_start3A_114 = arith.constant 2 : i32
    %dma_start3A_115 = arith.constant 8192 : i32
    %dma_start3A_116 = tpu.memref_slice %arg9[%dma_start3A_115] : memref<16384xf32, #tpu.memory_space<vmem>> -> memref<4096xf32, #tpu.memory_space<vmem>>
    %dma_start3A_117 = tpu.memref_slice %arg4[%select_n3A_78, %dma_start3A_114, %multiple_of3A_95] : memref<200x4x131072xf32, #tpu.memory_space<hbm>> -> memref<1x1x4096xf32, #tpu.memory_space<hbm>>
    %dma_start3A_118 = tpu.memref_squeeze %dma_start3A_117 : memref<1x1x4096xf32, #tpu.memory_space<hbm>> -> memref<4096xf32, #tpu.memory_space<hbm>>
    %dma_start3A_119 = tpu.memref_slice %arg4[%select_n3A_78, %dma_start3A_114, %multiple_of3A_95] : memref<200x4x131072xf32, #tpu.memory_space<hbm>> -> memref<1x1x4096xf32, #tpu.memory_space<hbm>>
    %dma_start3A_120 = tpu.memref_squeeze %dma_start3A_119 : memref<1x1x4096xf32, #tpu.memory_space<hbm>> -> memref<4096xf32, #tpu.memory_space<hbm>>
    %dma_start3A_121 = arith.constant 8192 : i32
    %dma_start3A_122 = tpu.memref_slice %arg9[%dma_start3A_121] : memref<16384xf32, #tpu.memory_space<vmem>> -> memref<4096xf32, #tpu.memory_space<vmem>>
    tpu.enqueue_dma source(%dma_start3A_122 : memref<4096xf32, #tpu.memory_space<vmem>>) target(%dma_start3A_120 : memref<4096xf32, #tpu.memory_space<hbm>>) target_semaphore(%arg15 : memref<!tpu.dma_semaphore, #tpu.memory_space<semaphore_mem>>)
    %dma_start3A_123 = arith.constant 3 : i32
    %dma_start3A_124 = arith.constant 12288 : i32
    %dma_start3A_125 = tpu.memref_slice %arg9[%dma_start3A_124] : memref<16384xf32, #tpu.memory_space<vmem>> -> memref<4096xf32, #tpu.memory_space<vmem>>
    %dma_start3A_126 = tpu.memref_slice %arg4[%select_n3A_78, %dma_start3A_123, %multiple_of3A_95] : memref<200x4x131072xf32, #tpu.memory_space<hbm>> -> memref<1x1x4096xf32, #tpu.memory_space<hbm>>
    %dma_start3A_127 = tpu.memref_squeeze %dma_start3A_126 : memref<1x1x4096xf32, #tpu.memory_space<hbm>> -> memref<4096xf32, #tpu.memory_space<hbm>>
    %dma_start3A_128 = tpu.memref_slice %arg4[%select_n3A_78, %dma_start3A_123, %multiple_of3A_95] : memref<200x4x131072xf32, #tpu.memory_space<hbm>> -> memref<1x1x4096xf32, #tpu.memory_space<hbm>>
    %dma_start3A_129 = tpu.memref_squeeze %dma_start3A_128 : memref<1x1x4096xf32, #tpu.memory_space<hbm>> -> memref<4096xf32, #tpu.memory_space<hbm>>
    %dma_start3A_130 = arith.constant 12288 : i32
    %dma_start3A_131 = tpu.memref_slice %arg9[%dma_start3A_130] : memref<16384xf32, #tpu.memory_space<vmem>> -> memref<4096xf32, #tpu.memory_space<vmem>>
    tpu.enqueue_dma source(%dma_start3A_131 : memref<4096xf32, #tpu.memory_space<vmem>>) target(%dma_start3A_129 : memref<4096xf32, #tpu.memory_space<hbm>>) target_semaphore(%arg15 : memref<!tpu.dma_semaphore, #tpu.memory_space<semaphore_mem>>)
    %dma_wait3A_132 = arith.constant 0 : i32
    %dma_wait3A_133 = arith.constant 0 : i32
    %dma_wait3A_134 = tpu.memref_slice %arg3[%dma_wait3A_132, %dma_wait3A_133] : memref<1000000x32xf32, #tpu.memory_space<hbm>> -> memref<1000000x32xf32, #tpu.memory_space<hbm>>
    tpu.wait_indirect_dma semaphore(%arg14 : memref<!tpu.dma_semaphore, #tpu.memory_space<semaphore_mem>>) src(%dma_wait3A_134 : memref<1000000x32xf32, #tpu.memory_space<hbm>>) dst(%arg8 : memref<512x32xf32, #tpu.memory_space<vmem>>)
    %dma_wait3A_135 = arith.constant 0 : i32
    %dma_wait3A_136 = tpu.memref_slice %arg2[%dma_wait3A_135] : memref<3276800xi32, #tpu.memory_space<hbm>> -> memref<512xi32, #tpu.memory_space<hbm>>
    %dma_wait3A_137 = arith.constant 0 : i32
    %dma_wait3A_138 = tpu.memref_slice %arg2[%dma_wait3A_137] : memref<3276800xi32, #tpu.memory_space<hbm>> -> memref<512xi32, #tpu.memory_space<hbm>>
    tpu.wait_dma2 semaphore(%arg11 : memref<!tpu.dma_semaphore, #tpu.memory_space<semaphore_mem>>) src(%dma_wait3A_138 : memref<512xi32, #tpu.memory_space<hbm>>) dst(%arg5 : memref<512xi32, #tpu.memory_space<vmem>>)
    %dma_start3A_139 = arith.constant 0 : i32
    %dma_start3A_140 = arith.constant 0 : i32
    %dma_start3A_141 = tpu.memref_slice %arg3[%dma_start3A_139, %dma_start3A_140] : memref<1000000x32xf32, #tpu.memory_space<hbm>> -> memref<1000000x32xf32, #tpu.memory_space<hbm>>
    tpu.enqueue_indirect_dma source(%dma_start3A_141 : memref<1000000x32xf32, #tpu.memory_space<hbm>>) target(%arg7 : memref<512x32xf32, #tpu.memory_space<vmem>>) offsets(%arg5 : memref<512xi32, #tpu.memory_space<vmem>>) semaphore(%arg13 : memref<!tpu.dma_semaphore, #tpu.memory_space<semaphore_mem>>)
    %add3A_142 = arith.constant 1536 : i32
    %add3A_143 = arith.addi %mul3A_2, %add3A_142 : i32
    %multiple_of3A_144 = tpu.assume_multiple %add3A_143, 32 : i32
    %dma_start3A_145 = tpu.memref_slice %arg2[%multiple_of3A_144] : memref<3276800xi32, #tpu.memory_space<hbm>> -> memref<512xi32, #tpu.memory_space<hbm>>
    %dma_start3A_146 = tpu.memref_slice %arg2[%multiple_of3A_144] : memref<3276800xi32, #tpu.memory_space<hbm>> -> memref<512xi32, #tpu.memory_space<hbm>>
    tpu.enqueue_dma source(%dma_start3A_146 : memref<512xi32, #tpu.memory_space<hbm>>) target(%arg6 : memref<512xi32, #tpu.memory_space<vmem>>) target_semaphore(%arg12 : memref<!tpu.dma_semaphore, #tpu.memory_space<semaphore_mem>>)
    %scan3A_147 = arith.constant 0 : i32
    %scan3A_148 = arith.constant 0 : i32
    %scan3A_149 = arith.constant 32 : i32
    %scan3A_150 = arith.addi %scan3A_148, %scan3A_149 : i32
    %scan3A_151 = arith.constant 1 : i32
    scf.for %scan3A_531 = %scan3A_148 to %scan3A_150 step %scan3A_151  : i32 {
      %add3A_532 = vector.broadcast %scan3A_531 : i32 to vector<16xi32>
      %add3A_533 = arith.addi %iota3A, %add3A_532 : vector<16xi32>
      %and3A_534 = arith.constant 31 : i32
      %and3A_535 = vector.broadcast %and3A_534 : i32 to vector<16xi32>
      %and3A_536 = arith.andi %add3A_533, %and3A_535 : vector<16xi32>
      %shift_right_arithmetic3A = arith.constant 3 : i32
      %shift_right_arithmetic3A_537 = vector.broadcast %shift_right_arithmetic3A : i32 to vector<16xi32>
      %shift_right_arithmetic3A_538 = arith.shrsi %and3A_536, %shift_right_arithmetic3A_537 : vector<16xi32>
      %shift_left3A = arith.constant 12 : i32
      %shift_left3A_539 = vector.broadcast %shift_left3A : i32 to vector<16xi32>
      %shift_left3A_540 = arith.shli %shift_right_arithmetic3A_538, %shift_left3A_539 : vector<16xi32>
      %and3A_541 = arith.constant 7 : i32
      %and3A_542 = vector.broadcast %and3A_541 : i32 to vector<16xi32>
      %and3A_543 = arith.andi %and3A_536, %and3A_542 : vector<16xi32>
      %shift_left3A_544 = arith.constant 7 : i32
      %shift_left3A_545 = vector.broadcast %shift_left3A_544 : i32 to vector<16xi32>
      %shift_left3A_546 = arith.shli %and3A_543, %shift_left3A_545 : vector<16xi32>
      %add3A_547 = arith.addi %shift_left3A_540, %shift_left3A_546 : vector<16xi32>
      %add3A_548 = arith.addi %iota3A, %add3A_547 : vector<16xi32>
      %add3A_549 = arith.constant 0 : i32
      %add3A_550 = vector.broadcast %add3A_549 : i32 to vector<16xi32>
      %add3A_551 = arith.addi %iota3A, %add3A_550 : vector<16xi32>
      %gather3A = tpu.vector_load_idx %arg8[%add3A_551, %and3A_536] : memref<512x32xf32, #tpu.memory_space<vmem>>[vector<16xi32>, vector<16xi32>], vector<16xf32>,
      %add3A_552 = arith.constant 0 : i32
      %add3A_553 = vector.broadcast %add3A_552 : i32 to vector<16xi32>
      %add3A_554 = arith.addi %add3A_548, %add3A_553 : vector<16xi32>
      tpu.vector_store_idx %arg10[%add3A_554], %gather3A : memref<16384xf32, #tpu.memory_space<vmem>>[vector<16xi32>], vector<16xf32>,
      %add3A_555 = arith.constant 16 : i32
      %add3A_556 = vector.broadcast %add3A_555 : i32 to vector<16xi32>
      %add3A_557 = arith.addi %iota3A, %add3A_556 : vector<16xi32>
      %gather3A_558 = tpu.vector_load_idx %arg8[%add3A_557, %and3A_536] : memref<512x32xf32, #tpu.memory_space<vmem>>[vector<16xi32>, vector<16xi32>], vector<16xf32>,
      %add3A_559 = arith.constant 16 : i32
      %add3A_560 = vector.broadcast %add3A_559 : i32 to vector<16xi32>
      %add3A_561 = arith.addi %add3A_548, %add3A_560 : vector<16xi32>
      tpu.vector_store_idx %arg10[%add3A_561], %gather3A_558 : memref<16384xf32, #tpu.memory_space<vmem>>[vector<16xi32>], vector<16xf32>,
      %add3A_562 = arith.constant 32 : i32
      %add3A_563 = vector.broadcast %add3A_562 : i32 to vector<16xi32>
      %add3A_564 = arith.addi %iota3A, %add3A_563 : vector<16xi32>
      %gather3A_565 = tpu.vector_load_idx %arg8[%add3A_564, %and3A_536] : memref<512x32xf32, #tpu.memory_space<vmem>>[vector<16xi32>, vector<16xi32>], vector<16xf32>,
      %add3A_566 = arith.constant 32 : i32
      %add3A_567 = vector.broadcast %add3A_566 : i32 to vector<16xi32>
      %add3A_568 = arith.addi %add3A_548, %add3A_567 : vector<16xi32>
      tpu.vector_store_idx %arg10[%add3A_568], %gather3A_565 : memref<16384xf32, #tpu.memory_space<vmem>>[vector<16xi32>], vector<16xf32>,
      %add3A_569 = arith.constant 48 : i32
      %add3A_570 = vector.broadcast %add3A_569 : i32 to vector<16xi32>
      %add3A_571 = arith.addi %iota3A, %add3A_570 : vector<16xi32>
      %gather3A_572 = tpu.vector_load_idx %arg8[%add3A_571, %and3A_536] : memref<512x32xf32, #tpu.memory_space<vmem>>[vector<16xi32>, vector<16xi32>], vector<16xf32>,
      %add3A_573 = arith.constant 48 : i32
      %add3A_574 = vector.broadcast %add3A_573 : i32 to vector<16xi32>
      %add3A_575 = arith.addi %add3A_548, %add3A_574 : vector<16xi32>
      tpu.vector_store_idx %arg10[%add3A_575], %gather3A_572 : memref<16384xf32, #tpu.memory_space<vmem>>[vector<16xi32>], vector<16xf32>,
      %add3A_576 = arith.constant 64 : i32
      %add3A_577 = vector.broadcast %add3A_576 : i32 to vector<16xi32>
      %add3A_578 = arith.addi %iota3A, %add3A_577 : vector<16xi32>
      %gather3A_579 = tpu.vector_load_idx %arg8[%add3A_578, %and3A_536] : memref<512x32xf32, #tpu.memory_space<vmem>>[vector<16xi32>, vector<16xi32>], vector<16xf32>,
      %add3A_580 = arith.constant 64 : i32
      %add3A_581 = vector.broadcast %add3A_580 : i32 to vector<16xi32>
      %add3A_582 = arith.addi %add3A_548, %add3A_581 : vector<16xi32>
      tpu.vector_store_idx %arg10[%add3A_582], %gather3A_579 : memref<16384xf32, #tpu.memory_space<vmem>>[vector<16xi32>], vector<16xf32>,
      %add3A_583 = arith.constant 80 : i32
      %add3A_584 = vector.broadcast %add3A_583 : i32 to vector<16xi32>
      %add3A_585 = arith.addi %iota3A, %add3A_584 : vector<16xi32>
      %gather3A_586 = tpu.vector_load_idx %arg8[%add3A_585, %and3A_536] : memref<512x32xf32, #tpu.memory_space<vmem>>[vector<16xi32>, vector<16xi32>], vector<16xf32>,
      %add3A_587 = arith.constant 80 : i32
      %add3A_588 = vector.broadcast %add3A_587 : i32 to vector<16xi32>
      %add3A_589 = arith.addi %add3A_548, %add3A_588 : vector<16xi32>
      tpu.vector_store_idx %arg10[%add3A_589], %gather3A_586 : memref<16384xf32, #tpu.memory_space<vmem>>[vector<16xi32>], vector<16xf32>,
      %add3A_590 = arith.constant 96 : i32
      %add3A_591 = vector.broadcast %add3A_590 : i32 to vector<16xi32>
      %add3A_592 = arith.addi %iota3A, %add3A_591 : vector<16xi32>
      %gather3A_593 = tpu.vector_load_idx %arg8[%add3A_592, %and3A_536] : memref<512x32xf32, #tpu.memory_space<vmem>>[vector<16xi32>, vector<16xi32>], vector<16xf32>,
      %add3A_594 = arith.constant 96 : i32
      %add3A_595 = vector.broadcast %add3A_594 : i32 to vector<16xi32>
      %add3A_596 = arith.addi %add3A_548, %add3A_595 : vector<16xi32>
      tpu.vector_store_idx %arg10[%add3A_596], %gather3A_593 : memref<16384xf32, #tpu.memory_space<vmem>>[vector<16xi32>], vector<16xf32>,
      %add3A_597 = arith.constant 112 : i32
      %add3A_598 = vector.broadcast %add3A_597 : i32 to vector<16xi32>
      %add3A_599 = arith.addi %iota3A, %add3A_598 : vector<16xi32>
      %gather3A_600 = tpu.vector_load_idx %arg8[%add3A_599, %and3A_536] : memref<512x32xf32, #tpu.memory_space<vmem>>[vector<16xi32>, vector<16xi32>], vector<16xf32>,
      %add3A_601 = arith.constant 112 : i32
      %add3A_602 = vector.broadcast %add3A_601 : i32 to vector<16xi32>
      %add3A_603 = arith.addi %add3A_548, %add3A_602 : vector<16xi32>
      tpu.vector_store_idx %arg10[%add3A_603], %gather3A_600 : memref<16384xf32, #tpu.memory_space<vmem>>[vector<16xi32>], vector<16xf32>,
      %add3A_604 = arith.constant 128 : i32
      %add3A_605 = vector.broadcast %add3A_604 : i32 to vector<16xi32>
      %add3A_606 = arith.addi %iota3A, %add3A_605 : vector<16xi32>
      %gather3A_607 = tpu.vector_load_idx %arg8[%add3A_606, %and3A_536] : memref<512x32xf32, #tpu.memory_space<vmem>>[vector<16xi32>, vector<16xi32>], vector<16xf32>,
      %add3A_608 = arith.constant 1024 : i32
      %add3A_609 = vector.broadcast %add3A_608 : i32 to vector<16xi32>
      %add3A_610 = arith.addi %add3A_548, %add3A_609 : vector<16xi32>
      tpu.vector_store_idx %arg10[%add3A_610], %gather3A_607 : memref<16384xf32, #tpu.memory_space<vmem>>[vector<16xi32>], vector<16xf32>,
      %add3A_611 = arith.constant 144 : i32
      %add3A_612 = vector.broadcast %add3A_611 : i32 to vector<16xi32>
      %add3A_613 = arith.addi %iota3A, %add3A_612 : vector<16xi32>
      %gather3A_614 = tpu.vector_load_idx %arg8[%add3A_613, %and3A_536] : memref<512x32xf32, #tpu.memory_space<vmem>>[vector<16xi32>, vector<16xi32>], vector<16xf32>,
      %add3A_615 = arith.constant 1040 : i32
      %add3A_616 = vector.broadcast %add3A_615 : i32 to vector<16xi32>
      %add3A_617 = arith.addi %add3A_548, %add3A_616 : vector<16xi32>
      tpu.vector_store_idx %arg10[%add3A_617], %gather3A_614 : memref<16384xf32, #tpu.memory_space<vmem>>[vector<16xi32>], vector<16xf32>,
      %add3A_618 = arith.constant 160 : i32
      %add3A_619 = vector.broadcast %add3A_618 : i32 to vector<16xi32>
      %add3A_620 = arith.addi %iota3A, %add3A_619 : vector<16xi32>
      %gather3A_621 = tpu.vector_load_idx %arg8[%add3A_620, %and3A_536] : memref<512x32xf32, #tpu.memory_space<vmem>>[vector<16xi32>, vector<16xi32>], vector<16xf32>,
      %add3A_622 = arith.constant 1056 : i32
      %add3A_623 = vector.broadcast %add3A_622 : i32 to vector<16xi32>
      %add3A_624 = arith.addi %add3A_548, %add3A_623 : vector<16xi32>
      tpu.vector_store_idx %arg10[%add3A_624], %gather3A_621 : memref<16384xf32, #tpu.memory_space<vmem>>[vector<16xi32>], vector<16xf32>,
      %add3A_625 = arith.constant 176 : i32
      %add3A_626 = vector.broadcast %add3A_625 : i32 to vector<16xi32>
      %add3A_627 = arith.addi %iota3A, %add3A_626 : vector<16xi32>
      %gather3A_628 = tpu.vector_load_idx %arg8[%add3A_627, %and3A_536] : memref<512x32xf32, #tpu.memory_space<vmem>>[vector<16xi32>, vector<16xi32>], vector<16xf32>,
      %add3A_629 = arith.constant 1072 : i32
      %add3A_630 = vector.broadcast %add3A_629 : i32 to vector<16xi32>
      %add3A_631 = arith.addi %add3A_548, %add3A_630 : vector<16xi32>
      tpu.vector_store_idx %arg10[%add3A_631], %gather3A_628 : memref<16384xf32, #tpu.memory_space<vmem>>[vector<16xi32>], vector<16xf32>,
      %add3A_632 = arith.constant 192 : i32
      %add3A_633 = vector.broadcast %add3A_632 : i32 to vector<16xi32>
      %add3A_634 = arith.addi %iota3A, %add3A_633 : vector<16xi32>
      %gather3A_635 = tpu.vector_load_idx %arg8[%add3A_634, %and3A_536] : memref<512x32xf32, #tpu.memory_space<vmem>>[vector<16xi32>, vector<16xi32>], vector<16xf32>,
      %add3A_636 = arith.constant 1088 : i32
      %add3A_637 = vector.broadcast %add3A_636 : i32 to vector<16xi32>
      %add3A_638 = arith.addi %add3A_548, %add3A_637 : vector<16xi32>
      tpu.vector_store_idx %arg10[%add3A_638], %gather3A_635 : memref<16384xf32, #tpu.memory_space<vmem>>[vector<16xi32>], vector<16xf32>,
      %add3A_639 = arith.constant 208 : i32
      %add3A_640 = vector.broadcast %add3A_639 : i32 to vector<16xi32>
      %add3A_641 = arith.addi %iota3A, %add3A_640 : vector<16xi32>
      %gather3A_642 = tpu.vector_load_idx %arg8[%add3A_641, %and3A_536] : memref<512x32xf32, #tpu.memory_space<vmem>>[vector<16xi32>, vector<16xi32>], vector<16xf32>,
      %add3A_643 = arith.constant 1104 : i32
      %add3A_644 = vector.broadcast %add3A_643 : i32 to vector<16xi32>
      %add3A_645 = arith.addi %add3A_548, %add3A_644 : vector<16xi32>
      tpu.vector_store_idx %arg10[%add3A_645], %gather3A_642 : memref<16384xf32, #tpu.memory_space<vmem>>[vector<16xi32>], vector<16xf32>,
      %add3A_646 = arith.constant 224 : i32
      %add3A_647 = vector.broadcast %add3A_646 : i32 to vector<16xi32>
      %add3A_648 = arith.addi %iota3A, %add3A_647 : vector<16xi32>
      %gather3A_649 = tpu.vector_load_idx %arg8[%add3A_648, %and3A_536] : memref<512x32xf32, #tpu.memory_space<vmem>>[vector<16xi32>, vector<16xi32>], vector<16xf32>,
      %add3A_650 = arith.constant 1120 : i32
      %add3A_651 = vector.broadcast %add3A_650 : i32 to vector<16xi32>
      %add3A_652 = arith.addi %add3A_548, %add3A_651 : vector<16xi32>
      tpu.vector_store_idx %arg10[%add3A_652], %gather3A_649 : memref<16384xf32, #tpu.memory_space<vmem>>[vector<16xi32>], vector<16xf32>,
      %add3A_653 = arith.constant 240 : i32
      %add3A_654 = vector.broadcast %add3A_653 : i32 to vector<16xi32>
      %add3A_655 = arith.addi %iota3A, %add3A_654 : vector<16xi32>
      %gather3A_656 = tpu.vector_load_idx %arg8[%add3A_655, %and3A_536] : memref<512x32xf32, #tpu.memory_space<vmem>>[vector<16xi32>, vector<16xi32>], vector<16xf32>,
      %add3A_657 = arith.constant 1136 : i32
      %add3A_658 = vector.broadcast %add3A_657 : i32 to vector<16xi32>
      %add3A_659 = arith.addi %add3A_548, %add3A_658 : vector<16xi32>
      tpu.vector_store_idx %arg10[%add3A_659], %gather3A_656 : memref<16384xf32, #tpu.memory_space<vmem>>[vector<16xi32>], vector<16xf32>,
      %add3A_660 = arith.constant 256 : i32
      %add3A_661 = vector.broadcast %add3A_660 : i32 to vector<16xi32>
      %add3A_662 = arith.addi %iota3A, %add3A_661 : vector<16xi32>
      %gather3A_663 = tpu.vector_load_idx %arg8[%add3A_662, %and3A_536] : memref<512x32xf32, #tpu.memory_space<vmem>>[vector<16xi32>, vector<16xi32>], vector<16xf32>,
      %add3A_664 = arith.constant 2048 : i32
      %add3A_665 = vector.broadcast %add3A_664 : i32 to vector<16xi32>
      %add3A_666 = arith.addi %add3A_548, %add3A_665 : vector<16xi32>
      tpu.vector_store_idx %arg10[%add3A_666], %gather3A_663 : memref<16384xf32, #tpu.memory_space<vmem>>[vector<16xi32>], vector<16xf32>,
      %add3A_667 = arith.constant 272 : i32
      %add3A_668 = vector.broadcast %add3A_667 : i32 to vector<16xi32>
      %add3A_669 = arith.addi %iota3A, %add3A_668 : vector<16xi32>
      %gather3A_670 = tpu.vector_load_idx %arg8[%add3A_669, %and3A_536] : memref<512x32xf32, #tpu.memory_space<vmem>>[vector<16xi32>, vector<16xi32>], vector<16xf32>,
      %add3A_671 = arith.constant 2064 : i32
      %add3A_672 = vector.broadcast %add3A_671 : i32 to vector<16xi32>
      %add3A_673 = arith.addi %add3A_548, %add3A_672 : vector<16xi32>
      tpu.vector_store_idx %arg10[%add3A_673], %gather3A_670 : memref<16384xf32, #tpu.memory_space<vmem>>[vector<16xi32>], vector<16xf32>,
      %add3A_674 = arith.constant 288 : i32
      %add3A_675 = vector.broadcast %add3A_674 : i32 to vector<16xi32>
      %add3A_676 = arith.addi %iota3A, %add3A_675 : vector<16xi32>
      %gather3A_677 = tpu.vector_load_idx %arg8[%add3A_676, %and3A_536] : memref<512x32xf32, #tpu.memory_space<vmem>>[vector<16xi32>, vector<16xi32>], vector<16xf32>,
      %add3A_678 = arith.constant 2080 : i32
      %add3A_679 = vector.broadcast %add3A_678 : i32 to vector<16xi32>
      %add3A_680 = arith.addi %add3A_548, %add3A_679 : vector<16xi32>
      tpu.vector_store_idx %arg10[%add3A_680], %gather3A_677 : memref<16384xf32, #tpu.memory_space<vmem>>[vector<16xi32>], vector<16xf32>,
      %add3A_681 = arith.constant 304 : i32
      %add3A_682 = vector.broadcast %add3A_681 : i32 to vector<16xi32>
      %add3A_683 = arith.addi %iota3A, %add3A_682 : vector<16xi32>
      %gather3A_684 = tpu.vector_load_idx %arg8[%add3A_683, %and3A_536] : memref<512x32xf32, #tpu.memory_space<vmem>>[vector<16xi32>, vector<16xi32>], vector<16xf32>,
      %add3A_685 = arith.constant 2096 : i32
      %add3A_686 = vector.broadcast %add3A_685 : i32 to vector<16xi32>
      %add3A_687 = arith.addi %add3A_548, %add3A_686 : vector<16xi32>
      tpu.vector_store_idx %arg10[%add3A_687], %gather3A_684 : memref<16384xf32, #tpu.memory_space<vmem>>[vector<16xi32>], vector<16xf32>,
      %add3A_688 = arith.constant 320 : i32
      %add3A_689 = vector.broadcast %add3A_688 : i32 to vector<16xi32>
      %add3A_690 = arith.addi %iota3A, %add3A_689 : vector<16xi32>
      %gather3A_691 = tpu.vector_load_idx %arg8[%add3A_690, %and3A_536] : memref<512x32xf32, #tpu.memory_space<vmem>>[vector<16xi32>, vector<16xi32>], vector<16xf32>,
      %add3A_692 = arith.constant 2112 : i32
      %add3A_693 = vector.broadcast %add3A_692 : i32 to vector<16xi32>
      %add3A_694 = arith.addi %add3A_548, %add3A_693 : vector<16xi32>
      tpu.vector_store_idx %arg10[%add3A_694], %gather3A_691 : memref<16384xf32, #tpu.memory_space<vmem>>[vector<16xi32>], vector<16xf32>,
      %add3A_695 = arith.constant 336 : i32
      %add3A_696 = vector.broadcast %add3A_695 : i32 to vector<16xi32>
      %add3A_697 = arith.addi %iota3A, %add3A_696 : vector<16xi32>
      %gather3A_698 = tpu.vector_load_idx %arg8[%add3A_697, %and3A_536] : memref<512x32xf32, #tpu.memory_space<vmem>>[vector<16xi32>, vector<16xi32>], vector<16xf32>,
      %add3A_699 = arith.constant 2128 : i32
      %add3A_700 = vector.broadcast %add3A_699 : i32 to vector<16xi32>
      %add3A_701 = arith.addi %add3A_548, %add3A_700 : vector<16xi32>
      tpu.vector_store_idx %arg10[%add3A_701], %gather3A_698 : memref<16384xf32, #tpu.memory_space<vmem>>[vector<16xi32>], vector<16xf32>,
      %add3A_702 = arith.constant 352 : i32
      %add3A_703 = vector.broadcast %add3A_702 : i32 to vector<16xi32>
      %add3A_704 = arith.addi %iota3A, %add3A_703 : vector<16xi32>
      %gather3A_705 = tpu.vector_load_idx %arg8[%add3A_704, %and3A_536] : memref<512x32xf32, #tpu.memory_space<vmem>>[vector<16xi32>, vector<16xi32>], vector<16xf32>,
      %add3A_706 = arith.constant 2144 : i32
      %add3A_707 = vector.broadcast %add3A_706 : i32 to vector<16xi32>
      %add3A_708 = arith.addi %add3A_548, %add3A_707 : vector<16xi32>
      tpu.vector_store_idx %arg10[%add3A_708], %gather3A_705 : memref<16384xf32, #tpu.memory_space<vmem>>[vector<16xi32>], vector<16xf32>,
      %add3A_709 = arith.constant 368 : i32
      %add3A_710 = vector.broadcast %add3A_709 : i32 to vector<16xi32>
      %add3A_711 = arith.addi %iota3A, %add3A_710 : vector<16xi32>
      %gather3A_712 = tpu.vector_load_idx %arg8[%add3A_711, %and3A_536] : memref<512x32xf32, #tpu.memory_space<vmem>>[vector<16xi32>, vector<16xi32>], vector<16xf32>,
      %add3A_713 = arith.constant 2160 : i32
      %add3A_714 = vector.broadcast %add3A_713 : i32 to vector<16xi32>
      %add3A_715 = arith.addi %add3A_548, %add3A_714 : vector<16xi32>
      tpu.vector_store_idx %arg10[%add3A_715], %gather3A_712 : memref<16384xf32, #tpu.memory_space<vmem>>[vector<16xi32>], vector<16xf32>,
      %add3A_716 = arith.constant 384 : i32
      %add3A_717 = vector.broadcast %add3A_716 : i32 to vector<16xi32>
      %add3A_718 = arith.addi %iota3A, %add3A_717 : vector<16xi32>
      %gather3A_719 = tpu.vector_load_idx %arg8[%add3A_718, %and3A_536] : memref<512x32xf32, #tpu.memory_space<vmem>>[vector<16xi32>, vector<16xi32>], vector<16xf32>,
      %add3A_720 = arith.constant 3072 : i32
      %add3A_721 = vector.broadcast %add3A_720 : i32 to vector<16xi32>
      %add3A_722 = arith.addi %add3A_548, %add3A_721 : vector<16xi32>
      tpu.vector_store_idx %arg10[%add3A_722], %gather3A_719 : memref<16384xf32, #tpu.memory_space<vmem>>[vector<16xi32>], vector<16xf32>,
      %add3A_723 = arith.constant 400 : i32
      %add3A_724 = vector.broadcast %add3A_723 : i32 to vector<16xi32>
      %add3A_725 = arith.addi %iota3A, %add3A_724 : vector<16xi32>
      %gather3A_726 = tpu.vector_load_idx %arg8[%add3A_725, %and3A_536] : memref<512x32xf32, #tpu.memory_space<vmem>>[vector<16xi32>, vector<16xi32>], vector<16xf32>,
      %add3A_727 = arith.constant 3088 : i32
      %add3A_728 = vector.broadcast %add3A_727 : i32 to vector<16xi32>
      %add3A_729 = arith.addi %add3A_548, %add3A_728 : vector<16xi32>
      tpu.vector_store_idx %arg10[%add3A_729], %gather3A_726 : memref<16384xf32, #tpu.memory_space<vmem>>[vector<16xi32>], vector<16xf32>,
      %add3A_730 = arith.constant 416 : i32
      %add3A_731 = vector.broadcast %add3A_730 : i32 to vector<16xi32>
      %add3A_732 = arith.addi %iota3A, %add3A_731 : vector<16xi32>
      %gather3A_733 = tpu.vector_load_idx %arg8[%add3A_732, %and3A_536] : memref<512x32xf32, #tpu.memory_space<vmem>>[vector<16xi32>, vector<16xi32>], vector<16xf32>,
      %add3A_734 = arith.constant 3104 : i32
      %add3A_735 = vector.broadcast %add3A_734 : i32 to vector<16xi32>
      %add3A_736 = arith.addi %add3A_548, %add3A_735 : vector<16xi32>
      tpu.vector_store_idx %arg10[%add3A_736], %gather3A_733 : memref<16384xf32, #tpu.memory_space<vmem>>[vector<16xi32>], vector<16xf32>,
      %add3A_737 = arith.constant 432 : i32
      %add3A_738 = vector.broadcast %add3A_737 : i32 to vector<16xi32>
      %add3A_739 = arith.addi %iota3A, %add3A_738 : vector<16xi32>
      %gather3A_740 = tpu.vector_load_idx %arg8[%add3A_739, %and3A_536] : memref<512x32xf32, #tpu.memory_space<vmem>>[vector<16xi32>, vector<16xi32>], vector<16xf32>,
      %add3A_741 = arith.constant 3120 : i32
      %add3A_742 = vector.broadcast %add3A_741 : i32 to vector<16xi32>
      %add3A_743 = arith.addi %add3A_548, %add3A_742 : vector<16xi32>
      tpu.vector_store_idx %arg10[%add3A_743], %gather3A_740 : memref<16384xf32, #tpu.memory_space<vmem>>[vector<16xi32>], vector<16xf32>,
      %add3A_744 = arith.constant 448 : i32
      %add3A_745 = vector.broadcast %add3A_744 : i32 to vector<16xi32>
      %add3A_746 = arith.addi %iota3A, %add3A_745 : vector<16xi32>
      %gather3A_747 = tpu.vector_load_idx %arg8[%add3A_746, %and3A_536] : memref<512x32xf32, #tpu.memory_space<vmem>>[vector<16xi32>, vector<16xi32>], vector<16xf32>,
      %add3A_748 = arith.constant 3136 : i32
      %add3A_749 = vector.broadcast %add3A_748 : i32 to vector<16xi32>
      %add3A_750 = arith.addi %add3A_548, %add3A_749 : vector<16xi32>
      tpu.vector_store_idx %arg10[%add3A_750], %gather3A_747 : memref<16384xf32, #tpu.memory_space<vmem>>[vector<16xi32>], vector<16xf32>,
      %add3A_751 = arith.constant 464 : i32
      %add3A_752 = vector.broadcast %add3A_751 : i32 to vector<16xi32>
      %add3A_753 = arith.addi %iota3A, %add3A_752 : vector<16xi32>
      %gather3A_754 = tpu.vector_load_idx %arg8[%add3A_753, %and3A_536] : memref<512x32xf32, #tpu.memory_space<vmem>>[vector<16xi32>, vector<16xi32>], vector<16xf32>,
      %add3A_755 = arith.constant 3152 : i32
      %add3A_756 = vector.broadcast %add3A_755 : i32 to vector<16xi32>
      %add3A_757 = arith.addi %add3A_548, %add3A_756 : vector<16xi32>
      tpu.vector_store_idx %arg10[%add3A_757], %gather3A_754 : memref<16384xf32, #tpu.memory_space<vmem>>[vector<16xi32>], vector<16xf32>,
      %add3A_758 = arith.constant 480 : i32
      %add3A_759 = vector.broadcast %add3A_758 : i32 to vector<16xi32>
      %add3A_760 = arith.addi %iota3A, %add3A_759 : vector<16xi32>
      %gather3A_761 = tpu.vector_load_idx %arg8[%add3A_760, %and3A_536] : memref<512x32xf32, #tpu.memory_space<vmem>>[vector<16xi32>, vector<16xi32>], vector<16xf32>,
      %add3A_762 = arith.constant 3168 : i32
      %add3A_763 = vector.broadcast %add3A_762 : i32 to vector<16xi32>
      %add3A_764 = arith.addi %add3A_548, %add3A_763 : vector<16xi32>
      tpu.vector_store_idx %arg10[%add3A_764], %gather3A_761 : memref<16384xf32, #tpu.memory_space<vmem>>[vector<16xi32>], vector<16xf32>,
      %add3A_765 = arith.constant 496 : i32
      %add3A_766 = vector.broadcast %add3A_765 : i32 to vector<16xi32>
      %add3A_767 = arith.addi %iota3A, %add3A_766 : vector<16xi32>
      %gather3A_768 = tpu.vector_load_idx %arg8[%add3A_767, %and3A_536] : memref<512x32xf32, #tpu.memory_space<vmem>>[vector<16xi32>, vector<16xi32>], vector<16xf32>,
      %add3A_769 = arith.constant 3184 : i32
      %add3A_770 = vector.broadcast %add3A_769 : i32 to vector<16xi32>
      %add3A_771 = arith.addi %add3A_548, %add3A_770 : vector<16xi32>
      tpu.vector_store_idx %arg10[%add3A_771], %gather3A_768 : memref<16384xf32, #tpu.memory_space<vmem>>[vector<16xi32>], vector<16xf32>,
    }
    %scan3A_152 = arith.constant 32 : i32
    %jit3A_153 = arith.constant 512 : i32
    %div3A_154 = arith.divsi %mul3A_2, %jit3A_153 : i32
    %sign3A_155 = arith.constant 0 : i32
    %sign3A_156 = arith.cmpi sgt, %mul3A_2, %sign3A_155 : i32
    %sign3A_157 = arith.extui %sign3A_156 : i1 to i32
    %sign3A_158 = arith.constant 0 : i32
    %sign3A_159 = arith.cmpi slt, %mul3A_2, %sign3A_158 : i32
    %sign3A_160 = arith.extui %sign3A_159 : i1 to i32
    %sign3A_161 = arith.subi %sign3A_157, %sign3A_160 : i32
    %sign3A_162 = arith.constant 0 : i32
    %sign3A_163 = arith.cmpi sgt, %jit3A_153, %sign3A_162 : i32
    %sign3A_164 = arith.extui %sign3A_163 : i1 to i32
    %sign3A_165 = arith.constant 0 : i32
    %sign3A_166 = arith.cmpi slt, %jit3A_153, %sign3A_165 : i32
    %sign3A_167 = arith.extui %sign3A_166 : i1 to i32
    %sign3A_168 = arith.subi %sign3A_164, %sign3A_167 : i32
    %ne3A_169 = arith.cmpi ne, %sign3A_161, %sign3A_168 : i32
    %rem3A_170 = arith.remsi %mul3A_2, %jit3A_153 : i32
    %ne3A_171 = arith.constant 0 : i32
    %ne3A_172 = arith.cmpi ne, %rem3A_170, %ne3A_171 : i32
    %and3A_173 = arith.andi %ne3A_169, %ne3A_172 : i1
    %sub3A_174 = arith.constant 1 : i32
    %sub3A_175 = arith.subi %div3A_154, %sub3A_174 : i32
    %select_n3A_176 = arith.select %and3A_173, %sub3A_175, %div3A_154 : i32
    %add3A_177 = arith.constant 1 : i32
    %add3A_178 = arith.addi %select_n3A_176, %add3A_177 : i32
    %jit3A_179 = arith.constant 32 : i32
    %div3A_180 = arith.divsi %add3A_178, %jit3A_179 : i32
    %sign3A_181 = arith.constant 0 : i32
    %sign3A_182 = arith.cmpi sgt, %add3A_178, %sign3A_181 : i32
    %sign3A_183 = arith.extui %sign3A_182 : i1 to i32
    %sign3A_184 = arith.constant 0 : i32
    %sign3A_185 = arith.cmpi slt, %add3A_178, %sign3A_184 : i32
    %sign3A_186 = arith.extui %sign3A_185 : i1 to i32
    %sign3A_187 = arith.subi %sign3A_183, %sign3A_186 : i32
    %sign3A_188 = arith.constant 0 : i32
    %sign3A_189 = arith.cmpi sgt, %jit3A_179, %sign3A_188 : i32
    %sign3A_190 = arith.extui %sign3A_189 : i1 to i32
    %sign3A_191 = arith.constant 0 : i32
    %sign3A_192 = arith.cmpi slt, %jit3A_179, %sign3A_191 : i32
    %sign3A_193 = arith.extui %sign3A_192 : i1 to i32
    %sign3A_194 = arith.subi %sign3A_190, %sign3A_193 : i32
    %ne3A_195 = arith.cmpi ne, %sign3A_187, %sign3A_194 : i32
    %rem3A_196 = arith.remsi %add3A_178, %jit3A_179 : i32
    %ne3A_197 = arith.constant 0 : i32
    %ne3A_198 = arith.cmpi ne, %rem3A_196, %ne3A_197 : i32
    %and3A_199 = arith.andi %ne3A_195, %ne3A_198 : i1
    %sub3A_200 = arith.constant 1 : i32
    %sub3A_201 = arith.subi %div3A_180, %sub3A_200 : i32
    %select_n3A_202 = arith.select %and3A_199, %sub3A_201, %div3A_180 : i32
    %jit3A_203 = arith.constant 32 : i32
    %eq3A_204 = arith.constant 0 : i32
    %eq3A_205 = arith.cmpi eq, %jit3A_203, %eq3A_204 : i32
    %jit3A_206 = arith.constant 1 : i32
    %select_n3A_207 = arith.select %eq3A_205, %jit3A_206, %jit3A_203 : i32
    %rem3A_208 = arith.remsi %add3A_178, %select_n3A_207 : i32
    %ne3A_209 = arith.constant 0 : i32
    %ne3A_210 = arith.cmpi ne, %rem3A_208, %ne3A_209 : i32
    %lt3A_211 = arith.constant 0 : i32
    %lt3A_212 = arith.cmpi slt, %rem3A_208, %lt3A_211 : i32
    %lt3A_213 = arith.constant 0 : i32
    %lt3A_214 = arith.cmpi slt, %select_n3A_207, %lt3A_213 : i32
    %ne3A_215 = arith.xori %lt3A_212, %lt3A_214 : i1
    %and3A_216 = arith.andi %ne3A_215, %ne3A_210 : i1
    %add3A_217 = arith.addi %rem3A_208, %select_n3A_207 : i32
    %select_n3A_218 = arith.select %and3A_216, %add3A_217, %rem3A_208 : i32
    %mul3A_219 = arith.constant 4096 : i32
    %mul3A_220 = arith.muli %select_n3A_218, %mul3A_219 : i32
    %multiple_of3A_221 = tpu.assume_multiple %mul3A_220, 1024 : i32
    %dma_start3A_222 = arith.constant 0 : i32
    %dma_start3A_223 = arith.constant 0 : i32
    %dma_start3A_224 = tpu.memref_slice %arg10[%dma_start3A_223] : memref<16384xf32, #tpu.memory_space<vmem>> -> memref<4096xf32, #tpu.memory_space<vmem>>
    %dma_start3A_225 = tpu.memref_slice %arg4[%select_n3A_202, %dma_start3A_222, %multiple_of3A_221] : memref<200x4x131072xf32, #tpu.memory_space<hbm>> -> memref<1x1x4096xf32, #tpu.memory_space<hbm>>
    %dma_start3A_226 = tpu.memref_squeeze %dma_start3A_225 : memref<1x1x4096xf32, #tpu.memory_space<hbm>> -> memref<4096xf32, #tpu.memory_space<hbm>>
    %dma_start3A_227 = tpu.memref_slice %arg4[%select_n3A_202, %dma_start3A_222, %multiple_of3A_221] : memref<200x4x131072xf32, #tpu.memory_space<hbm>> -> memref<1x1x4096xf32, #tpu.memory_space<hbm>>
    %dma_start3A_228 = tpu.memref_squeeze %dma_start3A_227 : memref<1x1x4096xf32, #tpu.memory_space<hbm>> -> memref<4096xf32, #tpu.memory_space<hbm>>
    %dma_start3A_229 = arith.constant 0 : i32
    %dma_start3A_230 = tpu.memref_slice %arg10[%dma_start3A_229] : memref<16384xf32, #tpu.memory_space<vmem>> -> memref<4096xf32, #tpu.memory_space<vmem>>
    tpu.enqueue_dma source(%dma_start3A_230 : memref<4096xf32, #tpu.memory_space<vmem>>) target(%dma_start3A_228 : memref<4096xf32, #tpu.memory_space<hbm>>) target_semaphore(%arg16 : memref<!tpu.dma_semaphore, #tpu.memory_space<semaphore_mem>>)
    %dma_start3A_231 = arith.constant 1 : i32
    %dma_start3A_232 = arith.constant 4096 : i32
    %dma_start3A_233 = tpu.memref_slice %arg10[%dma_start3A_232] : memref<16384xf32, #tpu.memory_space<vmem>> -> memref<4096xf32, #tpu.memory_space<vmem>>
    %dma_start3A_234 = tpu.memref_slice %arg4[%select_n3A_202, %dma_start3A_231, %multiple_of3A_221] : memref<200x4x131072xf32, #tpu.memory_space<hbm>> -> memref<1x1x4096xf32, #tpu.memory_space<hbm>>
    %dma_start3A_235 = tpu.memref_squeeze %dma_start3A_234 : memref<1x1x4096xf32, #tpu.memory_space<hbm>> -> memref<4096xf32, #tpu.memory_space<hbm>>
    %dma_start3A_236 = tpu.memref_slice %arg4[%select_n3A_202, %dma_start3A_231, %multiple_of3A_221] : memref<200x4x131072xf32, #tpu.memory_space<hbm>> -> memref<1x1x4096xf32, #tpu.memory_space<hbm>>
    %dma_start3A_237 = tpu.memref_squeeze %dma_start3A_236 : memref<1x1x4096xf32, #tpu.memory_space<hbm>> -> memref<4096xf32, #tpu.memory_space<hbm>>
    %dma_start3A_238 = arith.constant 4096 : i32
    %dma_start3A_239 = tpu.memref_slice %arg10[%dma_start3A_238] : memref<16384xf32, #tpu.memory_space<vmem>> -> memref<4096xf32, #tpu.memory_space<vmem>>
    tpu.enqueue_dma source(%dma_start3A_239 : memref<4096xf32, #tpu.memory_space<vmem>>) target(%dma_start3A_237 : memref<4096xf32, #tpu.memory_space<hbm>>) target_semaphore(%arg16 : memref<!tpu.dma_semaphore, #tpu.memory_space<semaphore_mem>>)
    %dma_start3A_240 = arith.constant 2 : i32
    %dma_start3A_241 = arith.constant 8192 : i32
    %dma_start3A_242 = tpu.memref_slice %arg10[%dma_start3A_241] : memref<16384xf32, #tpu.memory_space<vmem>> -> memref<4096xf32, #tpu.memory_space<vmem>>
    %dma_start3A_243 = tpu.memref_slice %arg4[%select_n3A_202, %dma_start3A_240, %multiple_of3A_221] : memref<200x4x131072xf32, #tpu.memory_space<hbm>> -> memref<1x1x4096xf32, #tpu.memory_space<hbm>>
    %dma_start3A_244 = tpu.memref_squeeze %dma_start3A_243 : memref<1x1x4096xf32, #tpu.memory_space<hbm>> -> memref<4096xf32, #tpu.memory_space<hbm>>
    %dma_start3A_245 = tpu.memref_slice %arg4[%select_n3A_202, %dma_start3A_240, %multiple_of3A_221] : memref<200x4x131072xf32, #tpu.memory_space<hbm>> -> memref<1x1x4096xf32, #tpu.memory_space<hbm>>
    %dma_start3A_246 = tpu.memref_squeeze %dma_start3A_245 : memref<1x1x4096xf32, #tpu.memory_space<hbm>> -> memref<4096xf32, #tpu.memory_space<hbm>>
    %dma_start3A_247 = arith.constant 8192 : i32
    %dma_start3A_248 = tpu.memref_slice %arg10[%dma_start3A_247] : memref<16384xf32, #tpu.memory_space<vmem>> -> memref<4096xf32, #tpu.memory_space<vmem>>
    tpu.enqueue_dma source(%dma_start3A_248 : memref<4096xf32, #tpu.memory_space<vmem>>) target(%dma_start3A_246 : memref<4096xf32, #tpu.memory_space<hbm>>) target_semaphore(%arg16 : memref<!tpu.dma_semaphore, #tpu.memory_space<semaphore_mem>>)
    %dma_start3A_249 = arith.constant 3 : i32
    %dma_start3A_250 = arith.constant 12288 : i32
    %dma_start3A_251 = tpu.memref_slice %arg10[%dma_start3A_250] : memref<16384xf32, #tpu.memory_space<vmem>> -> memref<4096xf32, #tpu.memory_space<vmem>>
    %dma_start3A_252 = tpu.memref_slice %arg4[%select_n3A_202, %dma_start3A_249, %multiple_of3A_221] : memref<200x4x131072xf32, #tpu.memory_space<hbm>> -> memref<1x1x4096xf32, #tpu.memory_space<hbm>>
    %dma_start3A_253 = tpu.memref_squeeze %dma_start3A_252 : memref<1x1x4096xf32, #tpu.memory_space<hbm>> -> memref<4096xf32, #tpu.memory_space<hbm>>
    %dma_start3A_254 = tpu.memref_slice %arg4[%select_n3A_202, %dma_start3A_249, %multiple_of3A_221] : memref<200x4x131072xf32, #tpu.memory_space<hbm>> -> memref<1x1x4096xf32, #tpu.memory_space<hbm>>
    %dma_start3A_255 = tpu.memref_squeeze %dma_start3A_254 : memref<1x1x4096xf32, #tpu.memory_space<hbm>> -> memref<4096xf32, #tpu.memory_space<hbm>>
    %dma_start3A_256 = arith.constant 12288 : i32
    %dma_start3A_257 = tpu.memref_slice %arg10[%dma_start3A_256] : memref<16384xf32, #tpu.memory_space<vmem>> -> memref<4096xf32, #tpu.memory_space<vmem>>
    tpu.enqueue_dma source(%dma_start3A_257 : memref<4096xf32, #tpu.memory_space<vmem>>) target(%dma_start3A_255 : memref<4096xf32, #tpu.memory_space<hbm>>) target_semaphore(%arg16 : memref<!tpu.dma_semaphore, #tpu.memory_space<semaphore_mem>>)
    %scan3A_258 = arith.constant 0 : i32
    %scan3A_259 = arith.constant 1 : i32
    %scan3A_260 = arith.constant 98 : i32
    %scan3A_261 = arith.addi %scan3A_259, %scan3A_260 : i32
    %scan3A_262 = arith.constant 1 : i32
    scf.for %scan3A_531 = %scan3A_259 to %scan3A_261 step %scan3A_262  : i32 {
      %mul3A_532 = arith.constant 2 : i32
      %mul3A_533 = arith.muli %scan3A_531, %mul3A_532 : i32
      %dma_wait3A_534 = arith.constant 0 : i32
      %dma_wait3A_535 = arith.constant 0 : i32
      %dma_wait3A_536 = tpu.memref_slice %arg3[%dma_wait3A_534, %dma_wait3A_535] : memref<1000000x32xf32, #tpu.memory_space<hbm>> -> memref<1000000x32xf32, #tpu.memory_space<hbm>>
      tpu.wait_indirect_dma semaphore(%arg13 : memref<!tpu.dma_semaphore, #tpu.memory_space<semaphore_mem>>) src(%dma_wait3A_536 : memref<1000000x32xf32, #tpu.memory_space<hbm>>) dst(%arg7 : memref<512x32xf32, #tpu.memory_space<vmem>>)
      %dma_wait3A_537 = arith.constant 0 : i32
      %dma_wait3A_538 = tpu.memref_slice %arg2[%dma_wait3A_537] : memref<3276800xi32, #tpu.memory_space<hbm>> -> memref<512xi32, #tpu.memory_space<hbm>>
      %dma_wait3A_539 = arith.constant 0 : i32
      %dma_wait3A_540 = tpu.memref_slice %arg2[%dma_wait3A_539] : memref<3276800xi32, #tpu.memory_space<hbm>> -> memref<512xi32, #tpu.memory_space<hbm>>
      tpu.wait_dma2 semaphore(%arg12 : memref<!tpu.dma_semaphore, #tpu.memory_space<semaphore_mem>>) src(%dma_wait3A_540 : memref<512xi32, #tpu.memory_space<hbm>>) dst(%arg6 : memref<512xi32, #tpu.memory_space<vmem>>)
      %dma_start3A_541 = arith.constant 0 : i32
      %dma_start3A_542 = arith.constant 0 : i32
      %dma_start3A_543 = tpu.memref_slice %arg3[%dma_start3A_541, %dma_start3A_542] : memref<1000000x32xf32, #tpu.memory_space<hbm>> -> memref<1000000x32xf32, #tpu.memory_space<hbm>>
      tpu.enqueue_indirect_dma source(%dma_start3A_543 : memref<1000000x32xf32, #tpu.memory_space<hbm>>) target(%arg8 : memref<512x32xf32, #tpu.memory_space<vmem>>) offsets(%arg6 : memref<512xi32, #tpu.memory_space<vmem>>) semaphore(%arg14 : memref<!tpu.dma_semaphore, #tpu.memory_space<semaphore_mem>>)
      %add3A_544 = arith.constant 2 : i32
      %add3A_545 = arith.addi %mul3A_533, %add3A_544 : i32
      %mul3A_546 = arith.constant 512 : i32
      %mul3A_547 = arith.muli %add3A_545, %mul3A_546 : i32
      %add3A_548 = arith.addi %mul3A_2, %mul3A_547 : i32
      %multiple_of3A_549 = tpu.assume_multiple %add3A_548, 32 : i32
      %dma_start3A_550 = tpu.memref_slice %arg2[%multiple_of3A_549] : memref<3276800xi32, #tpu.memory_space<hbm>> -> memref<512xi32, #tpu.memory_space<hbm>>
      %dma_start3A_551 = tpu.memref_slice %arg2[%multiple_of3A_549] : memref<3276800xi32, #tpu.memory_space<hbm>> -> memref<512xi32, #tpu.memory_space<hbm>>
      tpu.enqueue_dma source(%dma_start3A_551 : memref<512xi32, #tpu.memory_space<hbm>>) target(%arg5 : memref<512xi32, #tpu.memory_space<vmem>>) target_semaphore(%arg11 : memref<!tpu.dma_semaphore, #tpu.memory_space<semaphore_mem>>)
      %dma_wait3A_552 = arith.constant 0 : i32
      %dma_wait3A_553 = arith.constant 0 : i32
      %dma_wait3A_554 = arith.constant 0 : i32
      %dma_wait3A_555 = tpu.memref_slice %arg4[%dma_wait3A_552, %dma_wait3A_553, %dma_wait3A_554] : memref<200x4x131072xf32, #tpu.memory_space<hbm>> -> memref<1x1x16384xf32, #tpu.memory_space<hbm>>
      %dma_wait3A_556 = tpu.memref_squeeze %dma_wait3A_555 : memref<1x1x16384xf32, #tpu.memory_space<hbm>> -> memref<16384xf32, #tpu.memory_space<hbm>>
      %dma_wait3A_557 = arith.constant 0 : i32
      %dma_wait3A_558 = tpu.memref_slice %arg4[%dma_wait3A_552, %dma_wait3A_553, %dma_wait3A_557] : memref<200x4x131072xf32, #tpu.memory_space<hbm>> -> memref<1x1x16384xf32, #tpu.memory_space<hbm>>
      %dma_wait3A_559 = tpu.memref_squeeze %dma_wait3A_558 : memref<1x1x16384xf32, #tpu.memory_space<hbm>> -> memref<16384xf32, #tpu.memory_space<hbm>>
      tpu.wait_dma2 semaphore(%arg15 : memref<!tpu.dma_semaphore, #tpu.memory_space<semaphore_mem>>) src(%arg9 : memref<16384xf32, #tpu.memory_space<vmem>>) dst(%dma_wait3A_559 : memref<16384xf32, #tpu.memory_space<hbm>>)
      %scan3A_560 = arith.constant 0 : i32
      %scan3A_561 = arith.constant 0 : i32
      %scan3A_562 = arith.constant 32 : i32
      %scan3A_563 = arith.addi %scan3A_561, %scan3A_562 : i32
      %scan3A_564 = arith.constant 1 : i32
      scf.for %scan3A_808 = %scan3A_561 to %scan3A_563 step %scan3A_564  : i32 {
        %add3A_809 = vector.broadcast %scan3A_808 : i32 to vector<16xi32>
        %add3A_810 = arith.addi %iota3A, %add3A_809 : vector<16xi32>
        %and3A_811 = arith.constant 31 : i32
        %and3A_812 = vector.broadcast %and3A_811 : i32 to vector<16xi32>
        %and3A_813 = arith.andi %add3A_810, %and3A_812 : vector<16xi32>
        %shift_right_arithmetic3A = arith.constant 3 : i32
        %shift_right_arithmetic3A_814 = vector.broadcast %shift_right_arithmetic3A : i32 to vector<16xi32>
        %shift_right_arithmetic3A_815 = arith.shrsi %and3A_813, %shift_right_arithmetic3A_814 : vector<16xi32>
        %shift_left3A = arith.constant 12 : i32
        %shift_left3A_816 = vector.broadcast %shift_left3A : i32 to vector<16xi32>
        %shift_left3A_817 = arith.shli %shift_right_arithmetic3A_815, %shift_left3A_816 : vector<16xi32>
        %and3A_818 = arith.constant 7 : i32
        %and3A_819 = vector.broadcast %and3A_818 : i32 to vector<16xi32>
        %and3A_820 = arith.andi %and3A_813, %and3A_819 : vector<16xi32>
        %shift_left3A_821 = arith.constant 7 : i32
        %shift_left3A_822 = vector.broadcast %shift_left3A_821 : i32 to vector<16xi32>
        %shift_left3A_823 = arith.shli %and3A_820, %shift_left3A_822 : vector<16xi32>
        %add3A_824 = arith.addi %shift_left3A_817, %shift_left3A_823 : vector<16xi32>
        %add3A_825 = arith.addi %iota3A, %add3A_824 : vector<16xi32>
        %add3A_826 = arith.constant 0 : i32
        %add3A_827 = vector.broadcast %add3A_826 : i32 to vector<16xi32>
        %add3A_828 = arith.addi %iota3A, %add3A_827 : vector<16xi32>
        %gather3A = tpu.vector_load_idx %arg7[%add3A_828, %and3A_813] : memref<512x32xf32, #tpu.memory_space<vmem>>[vector<16xi32>, vector<16xi32>], vector<16xf32>,
        %add3A_829 = arith.constant 0 : i32
        %add3A_830 = vector.broadcast %add3A_829 : i32 to vector<16xi32>
        %add3A_831 = arith.addi %add3A_825, %add3A_830 : vector<16xi32>
        tpu.vector_store_idx %arg9[%add3A_831], %gather3A : memref<16384xf32, #tpu.memory_space<vmem>>[vector<16xi32>], vector<16xf32>,
        %add3A_832 = arith.constant 16 : i32
        %add3A_833 = vector.broadcast %add3A_832 : i32 to vector<16xi32>
        %add3A_834 = arith.addi %iota3A, %add3A_833 : vector<16xi32>
        %gather3A_835 = tpu.vector_load_idx %arg7[%add3A_834, %and3A_813] : memref<512x32xf32, #tpu.memory_space<vmem>>[vector<16xi32>, vector<16xi32>], vector<16xf32>,
        %add3A_836 = arith.constant 16 : i32
        %add3A_837 = vector.broadcast %add3A_836 : i32 to vector<16xi32>
        %add3A_838 = arith.addi %add3A_825, %add3A_837 : vector<16xi32>
        tpu.vector_store_idx %arg9[%add3A_838], %gather3A_835 : memref<16384xf32, #tpu.memory_space<vmem>>[vector<16xi32>], vector<16xf32>,
        %add3A_839 = arith.constant 32 : i32
        %add3A_840 = vector.broadcast %add3A_839 : i32 to vector<16xi32>
        %add3A_841 = arith.addi %iota3A, %add3A_840 : vector<16xi32>
        %gather3A_842 = tpu.vector_load_idx %arg7[%add3A_841, %and3A_813] : memref<512x32xf32, #tpu.memory_space<vmem>>[vector<16xi32>, vector<16xi32>], vector<16xf32>,
        %add3A_843 = arith.constant 32 : i32
        %add3A_844 = vector.broadcast %add3A_843 : i32 to vector<16xi32>
        %add3A_845 = arith.addi %add3A_825, %add3A_844 : vector<16xi32>
        tpu.vector_store_idx %arg9[%add3A_845], %gather3A_842 : memref<16384xf32, #tpu.memory_space<vmem>>[vector<16xi32>], vector<16xf32>,
        %add3A_846 = arith.constant 48 : i32
        %add3A_847 = vector.broadcast %add3A_846 : i32 to vector<16xi32>
        %add3A_848 = arith.addi %iota3A, %add3A_847 : vector<16xi32>
        %gather3A_849 = tpu.vector_load_idx %arg7[%add3A_848, %and3A_813] : memref<512x32xf32, #tpu.memory_space<vmem>>[vector<16xi32>, vector<16xi32>], vector<16xf32>,
        %add3A_850 = arith.constant 48 : i32
        %add3A_851 = vector.broadcast %add3A_850 : i32 to vector<16xi32>
        %add3A_852 = arith.addi %add3A_825, %add3A_851 : vector<16xi32>
        tpu.vector_store_idx %arg9[%add3A_852], %gather3A_849 : memref<16384xf32, #tpu.memory_space<vmem>>[vector<16xi32>], vector<16xf32>,
        %add3A_853 = arith.constant 64 : i32
        %add3A_854 = vector.broadcast %add3A_853 : i32 to vector<16xi32>
        %add3A_855 = arith.addi %iota3A, %add3A_854 : vector<16xi32>
        %gather3A_856 = tpu.vector_load_idx %arg7[%add3A_855, %and3A_813] : memref<512x32xf32, #tpu.memory_space<vmem>>[vector<16xi32>, vector<16xi32>], vector<16xf32>,
        %add3A_857 = arith.constant 64 : i32
        %add3A_858 = vector.broadcast %add3A_857 : i32 to vector<16xi32>
        %add3A_859 = arith.addi %add3A_825, %add3A_858 : vector<16xi32>
        tpu.vector_store_idx %arg9[%add3A_859], %gather3A_856 : memref<16384xf32, #tpu.memory_space<vmem>>[vector<16xi32>], vector<16xf32>,
        %add3A_860 = arith.constant 80 : i32
        %add3A_861 = vector.broadcast %add3A_860 : i32 to vector<16xi32>
        %add3A_862 = arith.addi %iota3A, %add3A_861 : vector<16xi32>
        %gather3A_863 = tpu.vector_load_idx %arg7[%add3A_862, %and3A_813] : memref<512x32xf32, #tpu.memory_space<vmem>>[vector<16xi32>, vector<16xi32>], vector<16xf32>,
        %add3A_864 = arith.constant 80 : i32
        %add3A_865 = vector.broadcast %add3A_864 : i32 to vector<16xi32>
        %add3A_866 = arith.addi %add3A_825, %add3A_865 : vector<16xi32>
        tpu.vector_store_idx %arg9[%add3A_866], %gather3A_863 : memref<16384xf32, #tpu.memory_space<vmem>>[vector<16xi32>], vector<16xf32>,
        %add3A_867 = arith.constant 96 : i32
        %add3A_868 = vector.broadcast %add3A_867 : i32 to vector<16xi32>
        %add3A_869 = arith.addi %iota3A, %add3A_868 : vector<16xi32>
        %gather3A_870 = tpu.vector_load_idx %arg7[%add3A_869, %and3A_813] : memref<512x32xf32, #tpu.memory_space<vmem>>[vector<16xi32>, vector<16xi32>], vector<16xf32>,
        %add3A_871 = arith.constant 96 : i32
        %add3A_872 = vector.broadcast %add3A_871 : i32 to vector<16xi32>
        %add3A_873 = arith.addi %add3A_825, %add3A_872 : vector<16xi32>
        tpu.vector_store_idx %arg9[%add3A_873], %gather3A_870 : memref<16384xf32, #tpu.memory_space<vmem>>[vector<16xi32>], vector<16xf32>,
        %add3A_874 = arith.constant 112 : i32
        %add3A_875 = vector.broadcast %add3A_874 : i32 to vector<16xi32>
        %add3A_876 = arith.addi %iota3A, %add3A_875 : vector<16xi32>
        %gather3A_877 = tpu.vector_load_idx %arg7[%add3A_876, %and3A_813] : memref<512x32xf32, #tpu.memory_space<vmem>>[vector<16xi32>, vector<16xi32>], vector<16xf32>,
        %add3A_878 = arith.constant 112 : i32
        %add3A_879 = vector.broadcast %add3A_878 : i32 to vector<16xi32>
        %add3A_880 = arith.addi %add3A_825, %add3A_879 : vector<16xi32>
        tpu.vector_store_idx %arg9[%add3A_880], %gather3A_877 : memref<16384xf32, #tpu.memory_space<vmem>>[vector<16xi32>], vector<16xf32>,
        %add3A_881 = arith.constant 128 : i32
        %add3A_882 = vector.broadcast %add3A_881 : i32 to vector<16xi32>
        %add3A_883 = arith.addi %iota3A, %add3A_882 : vector<16xi32>
        %gather3A_884 = tpu.vector_load_idx %arg7[%add3A_883, %and3A_813] : memref<512x32xf32, #tpu.memory_space<vmem>>[vector<16xi32>, vector<16xi32>], vector<16xf32>,
        %add3A_885 = arith.constant 1024 : i32
        %add3A_886 = vector.broadcast %add3A_885 : i32 to vector<16xi32>
        %add3A_887 = arith.addi %add3A_825, %add3A_886 : vector<16xi32>
        tpu.vector_store_idx %arg9[%add3A_887], %gather3A_884 : memref<16384xf32, #tpu.memory_space<vmem>>[vector<16xi32>], vector<16xf32>,
        %add3A_888 = arith.constant 144 : i32
        %add3A_889 = vector.broadcast %add3A_888 : i32 to vector<16xi32>
        %add3A_890 = arith.addi %iota3A, %add3A_889 : vector<16xi32>
        %gather3A_891 = tpu.vector_load_idx %arg7[%add3A_890, %and3A_813] : memref<512x32xf32, #tpu.memory_space<vmem>>[vector<16xi32>, vector<16xi32>], vector<16xf32>,
        %add3A_892 = arith.constant 1040 : i32
        %add3A_893 = vector.broadcast %add3A_892 : i32 to vector<16xi32>
        %add3A_894 = arith.addi %add3A_825, %add3A_893 : vector<16xi32>
        tpu.vector_store_idx %arg9[%add3A_894], %gather3A_891 : memref<16384xf32, #tpu.memory_space<vmem>>[vector<16xi32>], vector<16xf32>,
        %add3A_895 = arith.constant 160 : i32
        %add3A_896 = vector.broadcast %add3A_895 : i32 to vector<16xi32>
        %add3A_897 = arith.addi %iota3A, %add3A_896 : vector<16xi32>
        %gather3A_898 = tpu.vector_load_idx %arg7[%add3A_897, %and3A_813] : memref<512x32xf32, #tpu.memory_space<vmem>>[vector<16xi32>, vector<16xi32>], vector<16xf32>,
        %add3A_899 = arith.constant 1056 : i32
        %add3A_900 = vector.broadcast %add3A_899 : i32 to vector<16xi32>
        %add3A_901 = arith.addi %add3A_825, %add3A_900 : vector<16xi32>
        tpu.vector_store_idx %arg9[%add3A_901], %gather3A_898 : memref<16384xf32, #tpu.memory_space<vmem>>[vector<16xi32>], vector<16xf32>,
        %add3A_902 = arith.constant 176 : i32
        %add3A_903 = vector.broadcast %add3A_902 : i32 to vector<16xi32>
        %add3A_904 = arith.addi %iota3A, %add3A_903 : vector<16xi32>
        %gather3A_905 = tpu.vector_load_idx %arg7[%add3A_904, %and3A_813] : memref<512x32xf32, #tpu.memory_space<vmem>>[vector<16xi32>, vector<16xi32>], vector<16xf32>,
        %add3A_906 = arith.constant 1072 : i32
        %add3A_907 = vector.broadcast %add3A_906 : i32 to vector<16xi32>
        %add3A_908 = arith.addi %add3A_825, %add3A_907 : vector<16xi32>
        tpu.vector_store_idx %arg9[%add3A_908], %gather3A_905 : memref<16384xf32, #tpu.memory_space<vmem>>[vector<16xi32>], vector<16xf32>,
        %add3A_909 = arith.constant 192 : i32
        %add3A_910 = vector.broadcast %add3A_909 : i32 to vector<16xi32>
        %add3A_911 = arith.addi %iota3A, %add3A_910 : vector<16xi32>
        %gather3A_912 = tpu.vector_load_idx %arg7[%add3A_911, %and3A_813] : memref<512x32xf32, #tpu.memory_space<vmem>>[vector<16xi32>, vector<16xi32>], vector<16xf32>,
        %add3A_913 = arith.constant 1088 : i32
        %add3A_914 = vector.broadcast %add3A_913 : i32 to vector<16xi32>
        %add3A_915 = arith.addi %add3A_825, %add3A_914 : vector<16xi32>
        tpu.vector_store_idx %arg9[%add3A_915], %gather3A_912 : memref<16384xf32, #tpu.memory_space<vmem>>[vector<16xi32>], vector<16xf32>,
        %add3A_916 = arith.constant 208 : i32
        %add3A_917 = vector.broadcast %add3A_916 : i32 to vector<16xi32>
        %add3A_918 = arith.addi %iota3A, %add3A_917 : vector<16xi32>
        %gather3A_919 = tpu.vector_load_idx %arg7[%add3A_918, %and3A_813] : memref<512x32xf32, #tpu.memory_space<vmem>>[vector<16xi32>, vector<16xi32>], vector<16xf32>,
        %add3A_920 = arith.constant 1104 : i32
        %add3A_921 = vector.broadcast %add3A_920 : i32 to vector<16xi32>
        %add3A_922 = arith.addi %add3A_825, %add3A_921 : vector<16xi32>
        tpu.vector_store_idx %arg9[%add3A_922], %gather3A_919 : memref<16384xf32, #tpu.memory_space<vmem>>[vector<16xi32>], vector<16xf32>,
        %add3A_923 = arith.constant 224 : i32
        %add3A_924 = vector.broadcast %add3A_923 : i32 to vector<16xi32>
        %add3A_925 = arith.addi %iota3A, %add3A_924 : vector<16xi32>
        %gather3A_926 = tpu.vector_load_idx %arg7[%add3A_925, %and3A_813] : memref<512x32xf32, #tpu.memory_space<vmem>>[vector<16xi32>, vector<16xi32>], vector<16xf32>,
        %add3A_927 = arith.constant 1120 : i32
        %add3A_928 = vector.broadcast %add3A_927 : i32 to vector<16xi32>
        %add3A_929 = arith.addi %add3A_825, %add3A_928 : vector<16xi32>
        tpu.vector_store_idx %arg9[%add3A_929], %gather3A_926 : memref<16384xf32, #tpu.memory_space<vmem>>[vector<16xi32>], vector<16xf32>,
        %add3A_930 = arith.constant 240 : i32
        %add3A_931 = vector.broadcast %add3A_930 : i32 to vector<16xi32>
        %add3A_932 = arith.addi %iota3A, %add3A_931 : vector<16xi32>
        %gather3A_933 = tpu.vector_load_idx %arg7[%add3A_932, %and3A_813] : memref<512x32xf32, #tpu.memory_space<vmem>>[vector<16xi32>, vector<16xi32>], vector<16xf32>,
        %add3A_934 = arith.constant 1136 : i32
        %add3A_935 = vector.broadcast %add3A_934 : i32 to vector<16xi32>
        %add3A_936 = arith.addi %add3A_825, %add3A_935 : vector<16xi32>
        tpu.vector_store_idx %arg9[%add3A_936], %gather3A_933 : memref<16384xf32, #tpu.memory_space<vmem>>[vector<16xi32>], vector<16xf32>,
        %add3A_937 = arith.constant 256 : i32
        %add3A_938 = vector.broadcast %add3A_937 : i32 to vector<16xi32>
        %add3A_939 = arith.addi %iota3A, %add3A_938 : vector<16xi32>
        %gather3A_940 = tpu.vector_load_idx %arg7[%add3A_939, %and3A_813] : memref<512x32xf32, #tpu.memory_space<vmem>>[vector<16xi32>, vector<16xi32>], vector<16xf32>,
        %add3A_941 = arith.constant 2048 : i32
        %add3A_942 = vector.broadcast %add3A_941 : i32 to vector<16xi32>
        %add3A_943 = arith.addi %add3A_825, %add3A_942 : vector<16xi32>
        tpu.vector_store_idx %arg9[%add3A_943], %gather3A_940 : memref<16384xf32, #tpu.memory_space<vmem>>[vector<16xi32>], vector<16xf32>,
        %add3A_944 = arith.constant 272 : i32
        %add3A_945 = vector.broadcast %add3A_944 : i32 to vector<16xi32>
        %add3A_946 = arith.addi %iota3A, %add3A_945 : vector<16xi32>
        %gather3A_947 = tpu.vector_load_idx %arg7[%add3A_946, %and3A_813] : memref<512x32xf32, #tpu.memory_space<vmem>>[vector<16xi32>, vector<16xi32>], vector<16xf32>,
        %add3A_948 = arith.constant 2064 : i32
        %add3A_949 = vector.broadcast %add3A_948 : i32 to vector<16xi32>
        %add3A_950 = arith.addi %add3A_825, %add3A_949 : vector<16xi32>
        tpu.vector_store_idx %arg9[%add3A_950], %gather3A_947 : memref<16384xf32, #tpu.memory_space<vmem>>[vector<16xi32>], vector<16xf32>,
        %add3A_951 = arith.constant 288 : i32
        %add3A_952 = vector.broadcast %add3A_951 : i32 to vector<16xi32>
        %add3A_953 = arith.addi %iota3A, %add3A_952 : vector<16xi32>
        %gather3A_954 = tpu.vector_load_idx %arg7[%add3A_953, %and3A_813] : memref<512x32xf32, #tpu.memory_space<vmem>>[vector<16xi32>, vector<16xi32>], vector<16xf32>,
        %add3A_955 = arith.constant 2080 : i32
        %add3A_956 = vector.broadcast %add3A_955 : i32 to vector<16xi32>
        %add3A_957 = arith.addi %add3A_825, %add3A_956 : vector<16xi32>
        tpu.vector_store_idx %arg9[%add3A_957], %gather3A_954 : memref<16384xf32, #tpu.memory_space<vmem>>[vector<16xi32>], vector<16xf32>,
        %add3A_958 = arith.constant 304 : i32
        %add3A_959 = vector.broadcast %add3A_958 : i32 to vector<16xi32>
        %add3A_960 = arith.addi %iota3A, %add3A_959 : vector<16xi32>
        %gather3A_961 = tpu.vector_load_idx %arg7[%add3A_960, %and3A_813] : memref<512x32xf32, #tpu.memory_space<vmem>>[vector<16xi32>, vector<16xi32>], vector<16xf32>,
        %add3A_962 = arith.constant 2096 : i32
        %add3A_963 = vector.broadcast %add3A_962 : i32 to vector<16xi32>
        %add3A_964 = arith.addi %add3A_825, %add3A_963 : vector<16xi32>
        tpu.vector_store_idx %arg9[%add3A_964], %gather3A_961 : memref<16384xf32, #tpu.memory_space<vmem>>[vector<16xi32>], vector<16xf32>,
        %add3A_965 = arith.constant 320 : i32
        %add3A_966 = vector.broadcast %add3A_965 : i32 to vector<16xi32>
        %add3A_967 = arith.addi %iota3A, %add3A_966 : vector<16xi32>
        %gather3A_968 = tpu.vector_load_idx %arg7[%add3A_967, %and3A_813] : memref<512x32xf32, #tpu.memory_space<vmem>>[vector<16xi32>, vector<16xi32>], vector<16xf32>,
        %add3A_969 = arith.constant 2112 : i32
        %add3A_970 = vector.broadcast %add3A_969 : i32 to vector<16xi32>
        %add3A_971 = arith.addi %add3A_825, %add3A_970 : vector<16xi32>
        tpu.vector_store_idx %arg9[%add3A_971], %gather3A_968 : memref<16384xf32, #tpu.memory_space<vmem>>[vector<16xi32>], vector<16xf32>,
        %add3A_972 = arith.constant 336 : i32
        %add3A_973 = vector.broadcast %add3A_972 : i32 to vector<16xi32>
        %add3A_974 = arith.addi %iota3A, %add3A_973 : vector<16xi32>
        %gather3A_975 = tpu.vector_load_idx %arg7[%add3A_974, %and3A_813] : memref<512x32xf32, #tpu.memory_space<vmem>>[vector<16xi32>, vector<16xi32>], vector<16xf32>,
        %add3A_976 = arith.constant 2128 : i32
        %add3A_977 = vector.broadcast %add3A_976 : i32 to vector<16xi32>
        %add3A_978 = arith.addi %add3A_825, %add3A_977 : vector<16xi32>
        tpu.vector_store_idx %arg9[%add3A_978], %gather3A_975 : memref<16384xf32, #tpu.memory_space<vmem>>[vector<16xi32>], vector<16xf32>,
        %add3A_979 = arith.constant 352 : i32
        %add3A_980 = vector.broadcast %add3A_979 : i32 to vector<16xi32>
        %add3A_981 = arith.addi %iota3A, %add3A_980 : vector<16xi32>
        %gather3A_982 = tpu.vector_load_idx %arg7[%add3A_981, %and3A_813] : memref<512x32xf32, #tpu.memory_space<vmem>>[vector<16xi32>, vector<16xi32>], vector<16xf32>,
        %add3A_983 = arith.constant 2144 : i32
        %add3A_984 = vector.broadcast %add3A_983 : i32 to vector<16xi32>
        %add3A_985 = arith.addi %add3A_825, %add3A_984 : vector<16xi32>
        tpu.vector_store_idx %arg9[%add3A_985], %gather3A_982 : memref<16384xf32, #tpu.memory_space<vmem>>[vector<16xi32>], vector<16xf32>,
        %add3A_986 = arith.constant 368 : i32
        %add3A_987 = vector.broadcast %add3A_986 : i32 to vector<16xi32>
        %add3A_988 = arith.addi %iota3A, %add3A_987 : vector<16xi32>
        %gather3A_989 = tpu.vector_load_idx %arg7[%add3A_988, %and3A_813] : memref<512x32xf32, #tpu.memory_space<vmem>>[vector<16xi32>, vector<16xi32>], vector<16xf32>,
        %add3A_990 = arith.constant 2160 : i32
        %add3A_991 = vector.broadcast %add3A_990 : i32 to vector<16xi32>
        %add3A_992 = arith.addi %add3A_825, %add3A_991 : vector<16xi32>
        tpu.vector_store_idx %arg9[%add3A_992], %gather3A_989 : memref<16384xf32, #tpu.memory_space<vmem>>[vector<16xi32>], vector<16xf32>,
        %add3A_993 = arith.constant 384 : i32
        %add3A_994 = vector.broadcast %add3A_993 : i32 to vector<16xi32>
        %add3A_995 = arith.addi %iota3A, %add3A_994 : vector<16xi32>
        %gather3A_996 = tpu.vector_load_idx %arg7[%add3A_995, %and3A_813] : memref<512x32xf32, #tpu.memory_space<vmem>>[vector<16xi32>, vector<16xi32>], vector<16xf32>,
        %add3A_997 = arith.constant 3072 : i32
        %add3A_998 = vector.broadcast %add3A_997 : i32 to vector<16xi32>
        %add3A_999 = arith.addi %add3A_825, %add3A_998 : vector<16xi32>
        tpu.vector_store_idx %arg9[%add3A_999], %gather3A_996 : memref<16384xf32, #tpu.memory_space<vmem>>[vector<16xi32>], vector<16xf32>,
        %add3A_1000 = arith.constant 400 : i32
        %add3A_1001 = vector.broadcast %add3A_1000 : i32 to vector<16xi32>
        %add3A_1002 = arith.addi %iota3A, %add3A_1001 : vector<16xi32>
        %gather3A_1003 = tpu.vector_load_idx %arg7[%add3A_1002, %and3A_813] : memref<512x32xf32, #tpu.memory_space<vmem>>[vector<16xi32>, vector<16xi32>], vector<16xf32>,
        %add3A_1004 = arith.constant 3088 : i32
        %add3A_1005 = vector.broadcast %add3A_1004 : i32 to vector<16xi32>
        %add3A_1006 = arith.addi %add3A_825, %add3A_1005 : vector<16xi32>
        tpu.vector_store_idx %arg9[%add3A_1006], %gather3A_1003 : memref<16384xf32, #tpu.memory_space<vmem>>[vector<16xi32>], vector<16xf32>,
        %add3A_1007 = arith.constant 416 : i32
        %add3A_1008 = vector.broadcast %add3A_1007 : i32 to vector<16xi32>
        %add3A_1009 = arith.addi %iota3A, %add3A_1008 : vector<16xi32>
        %gather3A_1010 = tpu.vector_load_idx %arg7[%add3A_1009, %and3A_813] : memref<512x32xf32, #tpu.memory_space<vmem>>[vector<16xi32>, vector<16xi32>], vector<16xf32>,
        %add3A_1011 = arith.constant 3104 : i32
        %add3A_1012 = vector.broadcast %add3A_1011 : i32 to vector<16xi32>
        %add3A_1013 = arith.addi %add3A_825, %add3A_1012 : vector<16xi32>
        tpu.vector_store_idx %arg9[%add3A_1013], %gather3A_1010 : memref<16384xf32, #tpu.memory_space<vmem>>[vector<16xi32>], vector<16xf32>,
        %add3A_1014 = arith.constant 432 : i32
        %add3A_1015 = vector.broadcast %add3A_1014 : i32 to vector<16xi32>
        %add3A_1016 = arith.addi %iota3A, %add3A_1015 : vector<16xi32>
        %gather3A_1017 = tpu.vector_load_idx %arg7[%add3A_1016, %and3A_813] : memref<512x32xf32, #tpu.memory_space<vmem>>[vector<16xi32>, vector<16xi32>], vector<16xf32>,
        %add3A_1018 = arith.constant 3120 : i32
        %add3A_1019 = vector.broadcast %add3A_1018 : i32 to vector<16xi32>
        %add3A_1020 = arith.addi %add3A_825, %add3A_1019 : vector<16xi32>
        tpu.vector_store_idx %arg9[%add3A_1020], %gather3A_1017 : memref<16384xf32, #tpu.memory_space<vmem>>[vector<16xi32>], vector<16xf32>,
        %add3A_1021 = arith.constant 448 : i32
        %add3A_1022 = vector.broadcast %add3A_1021 : i32 to vector<16xi32>
        %add3A_1023 = arith.addi %iota3A, %add3A_1022 : vector<16xi32>
        %gather3A_1024 = tpu.vector_load_idx %arg7[%add3A_1023, %and3A_813] : memref<512x32xf32, #tpu.memory_space<vmem>>[vector<16xi32>, vector<16xi32>], vector<16xf32>,
        %add3A_1025 = arith.constant 3136 : i32
        %add3A_1026 = vector.broadcast %add3A_1025 : i32 to vector<16xi32>
        %add3A_1027 = arith.addi %add3A_825, %add3A_1026 : vector<16xi32>
        tpu.vector_store_idx %arg9[%add3A_1027], %gather3A_1024 : memref<16384xf32, #tpu.memory_space<vmem>>[vector<16xi32>], vector<16xf32>,
        %add3A_1028 = arith.constant 464 : i32
        %add3A_1029 = vector.broadcast %add3A_1028 : i32 to vector<16xi32>
        %add3A_1030 = arith.addi %iota3A, %add3A_1029 : vector<16xi32>
        %gather3A_1031 = tpu.vector_load_idx %arg7[%add3A_1030, %and3A_813] : memref<512x32xf32, #tpu.memory_space<vmem>>[vector<16xi32>, vector<16xi32>], vector<16xf32>,
        %add3A_1032 = arith.constant 3152 : i32
        %add3A_1033 = vector.broadcast %add3A_1032 : i32 to vector<16xi32>
        %add3A_1034 = arith.addi %add3A_825, %add3A_1033 : vector<16xi32>
        tpu.vector_store_idx %arg9[%add3A_1034], %gather3A_1031 : memref<16384xf32, #tpu.memory_space<vmem>>[vector<16xi32>], vector<16xf32>,
        %add3A_1035 = arith.constant 480 : i32
        %add3A_1036 = vector.broadcast %add3A_1035 : i32 to vector<16xi32>
        %add3A_1037 = arith.addi %iota3A, %add3A_1036 : vector<16xi32>
        %gather3A_1038 = tpu.vector_load_idx %arg7[%add3A_1037, %and3A_813] : memref<512x32xf32, #tpu.memory_space<vmem>>[vector<16xi32>, vector<16xi32>], vector<16xf32>,
        %add3A_1039 = arith.constant 3168 : i32
        %add3A_1040 = vector.broadcast %add3A_1039 : i32 to vector<16xi32>
        %add3A_1041 = arith.addi %add3A_825, %add3A_1040 : vector<16xi32>
        tpu.vector_store_idx %arg9[%add3A_1041], %gather3A_1038 : memref<16384xf32, #tpu.memory_space<vmem>>[vector<16xi32>], vector<16xf32>,
        %add3A_1042 = arith.constant 496 : i32
        %add3A_1043 = vector.broadcast %add3A_1042 : i32 to vector<16xi32>
        %add3A_1044 = arith.addi %iota3A, %add3A_1043 : vector<16xi32>
        %gather3A_1045 = tpu.vector_load_idx %arg7[%add3A_1044, %and3A_813] : memref<512x32xf32, #tpu.memory_space<vmem>>[vector<16xi32>, vector<16xi32>], vector<16xf32>,
        %add3A_1046 = arith.constant 3184 : i32
        %add3A_1047 = vector.broadcast %add3A_1046 : i32 to vector<16xi32>
        %add3A_1048 = arith.addi %add3A_825, %add3A_1047 : vector<16xi32>
        tpu.vector_store_idx %arg9[%add3A_1048], %gather3A_1045 : memref<16384xf32, #tpu.memory_space<vmem>>[vector<16xi32>], vector<16xf32>,
      }
      %scan3A_565 = arith.constant 32 : i32
      %jit3A_566 = arith.constant 512 : i32
      %div3A_567 = arith.divsi %mul3A_2, %jit3A_566 : i32
      %sign3A_568 = arith.constant 0 : i32
      %sign3A_569 = arith.cmpi sgt, %mul3A_2, %sign3A_568 : i32
      %sign3A_570 = arith.extui %sign3A_569 : i1 to i32
      %sign3A_571 = arith.constant 0 : i32
      %sign3A_572 = arith.cmpi slt, %mul3A_2, %sign3A_571 : i32
      %sign3A_573 = arith.extui %sign3A_572 : i1 to i32
      %sign3A_574 = arith.subi %sign3A_570, %sign3A_573 : i32
      %sign3A_575 = arith.constant 0 : i32
      %sign3A_576 = arith.cmpi sgt, %jit3A_566, %sign3A_575 : i32
      %sign3A_577 = arith.extui %sign3A_576 : i1 to i32
      %sign3A_578 = arith.constant 0 : i32
      %sign3A_579 = arith.cmpi slt, %jit3A_566, %sign3A_578 : i32
      %sign3A_580 = arith.extui %sign3A_579 : i1 to i32
      %sign3A_581 = arith.subi %sign3A_577, %sign3A_580 : i32
      %ne3A_582 = arith.cmpi ne, %sign3A_574, %sign3A_581 : i32
      %rem3A_583 = arith.remsi %mul3A_2, %jit3A_566 : i32
      %ne3A_584 = arith.constant 0 : i32
      %ne3A_585 = arith.cmpi ne, %rem3A_583, %ne3A_584 : i32
      %and3A_586 = arith.andi %ne3A_582, %ne3A_585 : i1
      %sub3A_587 = arith.constant 1 : i32
      %sub3A_588 = arith.subi %div3A_567, %sub3A_587 : i32
      %select_n3A_589 = arith.select %and3A_586, %sub3A_588, %div3A_567 : i32
      %add3A_590 = arith.addi %select_n3A_589, %mul3A_533 : i32
      %jit3A_591 = arith.constant 32 : i32
      %div3A_592 = arith.divsi %add3A_590, %jit3A_591 : i32
      %sign3A_593 = arith.constant 0 : i32
      %sign3A_594 = arith.cmpi sgt, %add3A_590, %sign3A_593 : i32
      %sign3A_595 = arith.extui %sign3A_594 : i1 to i32
      %sign3A_596 = arith.constant 0 : i32
      %sign3A_597 = arith.cmpi slt, %add3A_590, %sign3A_596 : i32
      %sign3A_598 = arith.extui %sign3A_597 : i1 to i32
      %sign3A_599 = arith.subi %sign3A_595, %sign3A_598 : i32
      %sign3A_600 = arith.constant 0 : i32
      %sign3A_601 = arith.cmpi sgt, %jit3A_591, %sign3A_600 : i32
      %sign3A_602 = arith.extui %sign3A_601 : i1 to i32
      %sign3A_603 = arith.constant 0 : i32
      %sign3A_604 = arith.cmpi slt, %jit3A_591, %sign3A_603 : i32
      %sign3A_605 = arith.extui %sign3A_604 : i1 to i32
      %sign3A_606 = arith.subi %sign3A_602, %sign3A_605 : i32
      %ne3A_607 = arith.cmpi ne, %sign3A_599, %sign3A_606 : i32
      %rem3A_608 = arith.remsi %add3A_590, %jit3A_591 : i32
      %ne3A_609 = arith.constant 0 : i32
      %ne3A_610 = arith.cmpi ne, %rem3A_608, %ne3A_609 : i32
      %and3A_611 = arith.andi %ne3A_607, %ne3A_610 : i1
      %sub3A_612 = arith.constant 1 : i32
      %sub3A_613 = arith.subi %div3A_592, %sub3A_612 : i32
      %select_n3A_614 = arith.select %and3A_611, %sub3A_613, %div3A_592 : i32
      %jit3A_615 = arith.constant 32 : i32
      %eq3A_616 = arith.constant 0 : i32
      %eq3A_617 = arith.cmpi eq, %jit3A_615, %eq3A_616 : i32
      %jit3A_618 = arith.constant 1 : i32
      %select_n3A_619 = arith.select %eq3A_617, %jit3A_618, %jit3A_615 : i32
      %rem3A_620 = arith.remsi %add3A_590, %select_n3A_619 : i32
      %ne3A_621 = arith.constant 0 : i32
      %ne3A_622 = arith.cmpi ne, %rem3A_620, %ne3A_621 : i32
      %lt3A_623 = arith.constant 0 : i32
      %lt3A_624 = arith.cmpi slt, %rem3A_620, %lt3A_623 : i32
      %lt3A_625 = arith.constant 0 : i32
      %lt3A_626 = arith.cmpi slt, %select_n3A_619, %lt3A_625 : i32
      %ne3A_627 = arith.xori %lt3A_624, %lt3A_626 : i1
      %and3A_628 = arith.andi %ne3A_627, %ne3A_622 : i1
      %add3A_629 = arith.addi %rem3A_620, %select_n3A_619 : i32
      %select_n3A_630 = arith.select %and3A_628, %add3A_629, %rem3A_620 : i32
      %mul3A_631 = arith.constant 4096 : i32
      %mul3A_632 = arith.muli %select_n3A_630, %mul3A_631 : i32
      %multiple_of3A_633 = tpu.assume_multiple %mul3A_632, 1024 : i32
      %dma_start3A_634 = arith.constant 0 : i32
      %dma_start3A_635 = arith.constant 0 : i32
      %dma_start3A_636 = tpu.memref_slice %arg9[%dma_start3A_635] : memref<16384xf32, #tpu.memory_space<vmem>> -> memref<4096xf32, #tpu.memory_space<vmem>>
      %dma_start3A_637 = tpu.memref_slice %arg4[%select_n3A_614, %dma_start3A_634, %multiple_of3A_633] : memref<200x4x131072xf32, #tpu.memory_space<hbm>> -> memref<1x1x4096xf32, #tpu.memory_space<hbm>>
      %dma_start3A_638 = tpu.memref_squeeze %dma_start3A_637 : memref<1x1x4096xf32, #tpu.memory_space<hbm>> -> memref<4096xf32, #tpu.memory_space<hbm>>
      %dma_start3A_639 = tpu.memref_slice %arg4[%select_n3A_614, %dma_start3A_634, %multiple_of3A_633] : memref<200x4x131072xf32, #tpu.memory_space<hbm>> -> memref<1x1x4096xf32, #tpu.memory_space<hbm>>
      %dma_start3A_640 = tpu.memref_squeeze %dma_start3A_639 : memref<1x1x4096xf32, #tpu.memory_space<hbm>> -> memref<4096xf32, #tpu.memory_space<hbm>>
      %dma_start3A_641 = arith.constant 0 : i32
      %dma_start3A_642 = tpu.memref_slice %arg9[%dma_start3A_641] : memref<16384xf32, #tpu.memory_space<vmem>> -> memref<4096xf32, #tpu.memory_space<vmem>>
      tpu.enqueue_dma source(%dma_start3A_642 : memref<4096xf32, #tpu.memory_space<vmem>>) target(%dma_start3A_640 : memref<4096xf32, #tpu.memory_space<hbm>>) target_semaphore(%arg15 : memref<!tpu.dma_semaphore, #tpu.memory_space<semaphore_mem>>)
      %dma_start3A_643 = arith.constant 1 : i32
      %dma_start3A_644 = arith.constant 4096 : i32
      %dma_start3A_645 = tpu.memref_slice %arg9[%dma_start3A_644] : memref<16384xf32, #tpu.memory_space<vmem>> -> memref<4096xf32, #tpu.memory_space<vmem>>
      %dma_start3A_646 = tpu.memref_slice %arg4[%select_n3A_614, %dma_start3A_643, %multiple_of3A_633] : memref<200x4x131072xf32, #tpu.memory_space<hbm>> -> memref<1x1x4096xf32, #tpu.memory_space<hbm>>
      %dma_start3A_647 = tpu.memref_squeeze %dma_start3A_646 : memref<1x1x4096xf32, #tpu.memory_space<hbm>> -> memref<4096xf32, #tpu.memory_space<hbm>>
      %dma_start3A_648 = tpu.memref_slice %arg4[%select_n3A_614, %dma_start3A_643, %multiple_of3A_633] : memref<200x4x131072xf32, #tpu.memory_space<hbm>> -> memref<1x1x4096xf32, #tpu.memory_space<hbm>>
      %dma_start3A_649 = tpu.memref_squeeze %dma_start3A_648 : memref<1x1x4096xf32, #tpu.memory_space<hbm>> -> memref<4096xf32, #tpu.memory_space<hbm>>
      %dma_start3A_650 = arith.constant 4096 : i32
      %dma_start3A_651 = tpu.memref_slice %arg9[%dma_start3A_650] : memref<16384xf32, #tpu.memory_space<vmem>> -> memref<4096xf32, #tpu.memory_space<vmem>>
      tpu.enqueue_dma source(%dma_start3A_651 : memref<4096xf32, #tpu.memory_space<vmem>>) target(%dma_start3A_649 : memref<4096xf32, #tpu.memory_space<hbm>>) target_semaphore(%arg15 : memref<!tpu.dma_semaphore, #tpu.memory_space<semaphore_mem>>)
      %dma_start3A_652 = arith.constant 2 : i32
      %dma_start3A_653 = arith.constant 8192 : i32
      %dma_start3A_654 = tpu.memref_slice %arg9[%dma_start3A_653] : memref<16384xf32, #tpu.memory_space<vmem>> -> memref<4096xf32, #tpu.memory_space<vmem>>
      %dma_start3A_655 = tpu.memref_slice %arg4[%select_n3A_614, %dma_start3A_652, %multiple_of3A_633] : memref<200x4x131072xf32, #tpu.memory_space<hbm>> -> memref<1x1x4096xf32, #tpu.memory_space<hbm>>
      %dma_start3A_656 = tpu.memref_squeeze %dma_start3A_655 : memref<1x1x4096xf32, #tpu.memory_space<hbm>> -> memref<4096xf32, #tpu.memory_space<hbm>>
      %dma_start3A_657 = tpu.memref_slice %arg4[%select_n3A_614, %dma_start3A_652, %multiple_of3A_633] : memref<200x4x131072xf32, #tpu.memory_space<hbm>> -> memref<1x1x4096xf32, #tpu.memory_space<hbm>>
      %dma_start3A_658 = tpu.memref_squeeze %dma_start3A_657 : memref<1x1x4096xf32, #tpu.memory_space<hbm>> -> memref<4096xf32, #tpu.memory_space<hbm>>
      %dma_start3A_659 = arith.constant 8192 : i32
      %dma_start3A_660 = tpu.memref_slice %arg9[%dma_start3A_659] : memref<16384xf32, #tpu.memory_space<vmem>> -> memref<4096xf32, #tpu.memory_space<vmem>>
      tpu.enqueue_dma source(%dma_start3A_660 : memref<4096xf32, #tpu.memory_space<vmem>>) target(%dma_start3A_658 : memref<4096xf32, #tpu.memory_space<hbm>>) target_semaphore(%arg15 : memref<!tpu.dma_semaphore, #tpu.memory_space<semaphore_mem>>)
      %dma_start3A_661 = arith.constant 3 : i32
      %dma_start3A_662 = arith.constant 12288 : i32
      %dma_start3A_663 = tpu.memref_slice %arg9[%dma_start3A_662] : memref<16384xf32, #tpu.memory_space<vmem>> -> memref<4096xf32, #tpu.memory_space<vmem>>
      %dma_start3A_664 = tpu.memref_slice %arg4[%select_n3A_614, %dma_start3A_661, %multiple_of3A_633] : memref<200x4x131072xf32, #tpu.memory_space<hbm>> -> memref<1x1x4096xf32, #tpu.memory_space<hbm>>
      %dma_start3A_665 = tpu.memref_squeeze %dma_start3A_664 : memref<1x1x4096xf32, #tpu.memory_space<hbm>> -> memref<4096xf32, #tpu.memory_space<hbm>>
      %dma_start3A_666 = tpu.memref_slice %arg4[%select_n3A_614, %dma_start3A_661, %multiple_of3A_633] : memref<200x4x131072xf32, #tpu.memory_space<hbm>> -> memref<1x1x4096xf32, #tpu.memory_space<hbm>>
      %dma_start3A_667 = tpu.memref_squeeze %dma_start3A_666 : memref<1x1x4096xf32, #tpu.memory_space<hbm>> -> memref<4096xf32, #tpu.memory_space<hbm>>
      %dma_start3A_668 = arith.constant 12288 : i32
      %dma_start3A_669 = tpu.memref_slice %arg9[%dma_start3A_668] : memref<16384xf32, #tpu.memory_space<vmem>> -> memref<4096xf32, #tpu.memory_space<vmem>>
      tpu.enqueue_dma source(%dma_start3A_669 : memref<4096xf32, #tpu.memory_space<vmem>>) target(%dma_start3A_667 : memref<4096xf32, #tpu.memory_space<hbm>>) target_semaphore(%arg15 : memref<!tpu.dma_semaphore, #tpu.memory_space<semaphore_mem>>)
      %add3A_670 = arith.constant 1 : i32
      %add3A_671 = arith.addi %mul3A_533, %add3A_670 : i32
      %dma_wait3A_672 = arith.constant 0 : i32
      %dma_wait3A_673 = arith.constant 0 : i32
      %dma_wait3A_674 = tpu.memref_slice %arg3[%dma_wait3A_672, %dma_wait3A_673] : memref<1000000x32xf32, #tpu.memory_space<hbm>> -> memref<1000000x32xf32, #tpu.memory_space<hbm>>
      tpu.wait_indirect_dma semaphore(%arg14 : memref<!tpu.dma_semaphore, #tpu.memory_space<semaphore_mem>>) src(%dma_wait3A_674 : memref<1000000x32xf32, #tpu.memory_space<hbm>>) dst(%arg8 : memref<512x32xf32, #tpu.memory_space<vmem>>)
      %dma_wait3A_675 = arith.constant 0 : i32
      %dma_wait3A_676 = tpu.memref_slice %arg2[%dma_wait3A_675] : memref<3276800xi32, #tpu.memory_space<hbm>> -> memref<512xi32, #tpu.memory_space<hbm>>
      %dma_wait3A_677 = arith.constant 0 : i32
      %dma_wait3A_678 = tpu.memref_slice %arg2[%dma_wait3A_677] : memref<3276800xi32, #tpu.memory_space<hbm>> -> memref<512xi32, #tpu.memory_space<hbm>>
      tpu.wait_dma2 semaphore(%arg11 : memref<!tpu.dma_semaphore, #tpu.memory_space<semaphore_mem>>) src(%dma_wait3A_678 : memref<512xi32, #tpu.memory_space<hbm>>) dst(%arg5 : memref<512xi32, #tpu.memory_space<vmem>>)
      %dma_start3A_679 = arith.constant 0 : i32
      %dma_start3A_680 = arith.constant 0 : i32
      %dma_start3A_681 = tpu.memref_slice %arg3[%dma_start3A_679, %dma_start3A_680] : memref<1000000x32xf32, #tpu.memory_space<hbm>> -> memref<1000000x32xf32, #tpu.memory_space<hbm>>
      tpu.enqueue_indirect_dma source(%dma_start3A_681 : memref<1000000x32xf32, #tpu.memory_space<hbm>>) target(%arg7 : memref<512x32xf32, #tpu.memory_space<vmem>>) offsets(%arg5 : memref<512xi32, #tpu.memory_space<vmem>>) semaphore(%arg13 : memref<!tpu.dma_semaphore, #tpu.memory_space<semaphore_mem>>)
      %add3A_682 = arith.constant 2 : i32
      %add3A_683 = arith.addi %add3A_671, %add3A_682 : i32
      %mul3A_684 = arith.constant 512 : i32
      %mul3A_685 = arith.muli %add3A_683, %mul3A_684 : i32
      %add3A_686 = arith.addi %mul3A_2, %mul3A_685 : i32
      %multiple_of3A_687 = tpu.assume_multiple %add3A_686, 32 : i32
      %dma_start3A_688 = tpu.memref_slice %arg2[%multiple_of3A_687] : memref<3276800xi32, #tpu.memory_space<hbm>> -> memref<512xi32, #tpu.memory_space<hbm>>
      %dma_start3A_689 = tpu.memref_slice %arg2[%multiple_of3A_687] : memref<3276800xi32, #tpu.memory_space<hbm>> -> memref<512xi32, #tpu.memory_space<hbm>>
      tpu.enqueue_dma source(%dma_start3A_689 : memref<512xi32, #tpu.memory_space<hbm>>) target(%arg6 : memref<512xi32, #tpu.memory_space<vmem>>) target_semaphore(%arg12 : memref<!tpu.dma_semaphore, #tpu.memory_space<semaphore_mem>>)
      %dma_wait3A_690 = arith.constant 0 : i32
      %dma_wait3A_691 = arith.constant 0 : i32
      %dma_wait3A_692 = arith.constant 0 : i32
      %dma_wait3A_693 = tpu.memref_slice %arg4[%dma_wait3A_690, %dma_wait3A_691, %dma_wait3A_692] : memref<200x4x131072xf32, #tpu.memory_space<hbm>> -> memref<1x1x16384xf32, #tpu.memory_space<hbm>>
      %dma_wait3A_694 = tpu.memref_squeeze %dma_wait3A_693 : memref<1x1x16384xf32, #tpu.memory_space<hbm>> -> memref<16384xf32, #tpu.memory_space<hbm>>
      %dma_wait3A_695 = arith.constant 0 : i32
      %dma_wait3A_696 = tpu.memref_slice %arg4[%dma_wait3A_690, %dma_wait3A_691, %dma_wait3A_695] : memref<200x4x131072xf32, #tpu.memory_space<hbm>> -> memref<1x1x16384xf32, #tpu.memory_space<hbm>>
      %dma_wait3A_697 = tpu.memref_squeeze %dma_wait3A_696 : memref<1x1x16384xf32, #tpu.memory_space<hbm>> -> memref<16384xf32, #tpu.memory_space<hbm>>
      tpu.wait_dma2 semaphore(%arg16 : memref<!tpu.dma_semaphore, #tpu.memory_space<semaphore_mem>>) src(%arg10 : memref<16384xf32, #tpu.memory_space<vmem>>) dst(%dma_wait3A_697 : memref<16384xf32, #tpu.memory_space<hbm>>)
      %scan3A_698 = arith.constant 0 : i32
      %scan3A_699 = arith.constant 0 : i32
      %scan3A_700 = arith.constant 32 : i32
      %scan3A_701 = arith.addi %scan3A_699, %scan3A_700 : i32
      %scan3A_702 = arith.constant 1 : i32
      scf.for %scan3A_808 = %scan3A_699 to %scan3A_701 step %scan3A_702  : i32 {
        %add3A_809 = vector.broadcast %scan3A_808 : i32 to vector<16xi32>
        %add3A_810 = arith.addi %iota3A, %add3A_809 : vector<16xi32>
        %and3A_811 = arith.constant 31 : i32
        %and3A_812 = vector.broadcast %and3A_811 : i32 to vector<16xi32>
        %and3A_813 = arith.andi %add3A_810, %and3A_812 : vector<16xi32>
        %shift_right_arithmetic3A = arith.constant 3 : i32
        %shift_right_arithmetic3A_814 = vector.broadcast %shift_right_arithmetic3A : i32 to vector<16xi32>
        %shift_right_arithmetic3A_815 = arith.shrsi %and3A_813, %shift_right_arithmetic3A_814 : vector<16xi32>
        %shift_left3A = arith.constant 12 : i32
        %shift_left3A_816 = vector.broadcast %shift_left3A : i32 to vector<16xi32>
        %shift_left3A_817 = arith.shli %shift_right_arithmetic3A_815, %shift_left3A_816 : vector<16xi32>
        %and3A_818 = arith.constant 7 : i32
        %and3A_819 = vector.broadcast %and3A_818 : i32 to vector<16xi32>
        %and3A_820 = arith.andi %and3A_813, %and3A_819 : vector<16xi32>
        %shift_left3A_821 = arith.constant 7 : i32
        %shift_left3A_822 = vector.broadcast %shift_left3A_821 : i32 to vector<16xi32>
        %shift_left3A_823 = arith.shli %and3A_820, %shift_left3A_822 : vector<16xi32>
        %add3A_824 = arith.addi %shift_left3A_817, %shift_left3A_823 : vector<16xi32>
        %add3A_825 = arith.addi %iota3A, %add3A_824 : vector<16xi32>
        %add3A_826 = arith.constant 0 : i32
        %add3A_827 = vector.broadcast %add3A_826 : i32 to vector<16xi32>
        %add3A_828 = arith.addi %iota3A, %add3A_827 : vector<16xi32>
        %gather3A = tpu.vector_load_idx %arg8[%add3A_828, %and3A_813] : memref<512x32xf32, #tpu.memory_space<vmem>>[vector<16xi32>, vector<16xi32>], vector<16xf32>,
        %add3A_829 = arith.constant 0 : i32
        %add3A_830 = vector.broadcast %add3A_829 : i32 to vector<16xi32>
        %add3A_831 = arith.addi %add3A_825, %add3A_830 : vector<16xi32>
        tpu.vector_store_idx %arg10[%add3A_831], %gather3A : memref<16384xf32, #tpu.memory_space<vmem>>[vector<16xi32>], vector<16xf32>,
        %add3A_832 = arith.constant 16 : i32
        %add3A_833 = vector.broadcast %add3A_832 : i32 to vector<16xi32>
        %add3A_834 = arith.addi %iota3A, %add3A_833 : vector<16xi32>
        %gather3A_835 = tpu.vector_load_idx %arg8[%add3A_834, %and3A_813] : memref<512x32xf32, #tpu.memory_space<vmem>>[vector<16xi32>, vector<16xi32>], vector<16xf32>,
        %add3A_836 = arith.constant 16 : i32
        %add3A_837 = vector.broadcast %add3A_836 : i32 to vector<16xi32>
        %add3A_838 = arith.addi %add3A_825, %add3A_837 : vector<16xi32>
        tpu.vector_store_idx %arg10[%add3A_838], %gather3A_835 : memref<16384xf32, #tpu.memory_space<vmem>>[vector<16xi32>], vector<16xf32>,
        %add3A_839 = arith.constant 32 : i32
        %add3A_840 = vector.broadcast %add3A_839 : i32 to vector<16xi32>
        %add3A_841 = arith.addi %iota3A, %add3A_840 : vector<16xi32>
        %gather3A_842 = tpu.vector_load_idx %arg8[%add3A_841, %and3A_813] : memref<512x32xf32, #tpu.memory_space<vmem>>[vector<16xi32>, vector<16xi32>], vector<16xf32>,
        %add3A_843 = arith.constant 32 : i32
        %add3A_844 = vector.broadcast %add3A_843 : i32 to vector<16xi32>
        %add3A_845 = arith.addi %add3A_825, %add3A_844 : vector<16xi32>
        tpu.vector_store_idx %arg10[%add3A_845], %gather3A_842 : memref<16384xf32, #tpu.memory_space<vmem>>[vector<16xi32>], vector<16xf32>,
        %add3A_846 = arith.constant 48 : i32
        %add3A_847 = vector.broadcast %add3A_846 : i32 to vector<16xi32>
        %add3A_848 = arith.addi %iota3A, %add3A_847 : vector<16xi32>
        %gather3A_849 = tpu.vector_load_idx %arg8[%add3A_848, %and3A_813] : memref<512x32xf32, #tpu.memory_space<vmem>>[vector<16xi32>, vector<16xi32>], vector<16xf32>,
        %add3A_850 = arith.constant 48 : i32
        %add3A_851 = vector.broadcast %add3A_850 : i32 to vector<16xi32>
        %add3A_852 = arith.addi %add3A_825, %add3A_851 : vector<16xi32>
        tpu.vector_store_idx %arg10[%add3A_852], %gather3A_849 : memref<16384xf32, #tpu.memory_space<vmem>>[vector<16xi32>], vector<16xf32>,
        %add3A_853 = arith.constant 64 : i32
        %add3A_854 = vector.broadcast %add3A_853 : i32 to vector<16xi32>
        %add3A_855 = arith.addi %iota3A, %add3A_854 : vector<16xi32>
        %gather3A_856 = tpu.vector_load_idx %arg8[%add3A_855, %and3A_813] : memref<512x32xf32, #tpu.memory_space<vmem>>[vector<16xi32>, vector<16xi32>], vector<16xf32>,
        %add3A_857 = arith.constant 64 : i32
        %add3A_858 = vector.broadcast %add3A_857 : i32 to vector<16xi32>
        %add3A_859 = arith.addi %add3A_825, %add3A_858 : vector<16xi32>
        tpu.vector_store_idx %arg10[%add3A_859], %gather3A_856 : memref<16384xf32, #tpu.memory_space<vmem>>[vector<16xi32>], vector<16xf32>,
        %add3A_860 = arith.constant 80 : i32
        %add3A_861 = vector.broadcast %add3A_860 : i32 to vector<16xi32>
        %add3A_862 = arith.addi %iota3A, %add3A_861 : vector<16xi32>
        %gather3A_863 = tpu.vector_load_idx %arg8[%add3A_862, %and3A_813] : memref<512x32xf32, #tpu.memory_space<vmem>>[vector<16xi32>, vector<16xi32>], vector<16xf32>,
        %add3A_864 = arith.constant 80 : i32
        %add3A_865 = vector.broadcast %add3A_864 : i32 to vector<16xi32>
        %add3A_866 = arith.addi %add3A_825, %add3A_865 : vector<16xi32>
        tpu.vector_store_idx %arg10[%add3A_866], %gather3A_863 : memref<16384xf32, #tpu.memory_space<vmem>>[vector<16xi32>], vector<16xf32>,
        %add3A_867 = arith.constant 96 : i32
        %add3A_868 = vector.broadcast %add3A_867 : i32 to vector<16xi32>
        %add3A_869 = arith.addi %iota3A, %add3A_868 : vector<16xi32>
        %gather3A_870 = tpu.vector_load_idx %arg8[%add3A_869, %and3A_813] : memref<512x32xf32, #tpu.memory_space<vmem>>[vector<16xi32>, vector<16xi32>], vector<16xf32>,
        %add3A_871 = arith.constant 96 : i32
        %add3A_872 = vector.broadcast %add3A_871 : i32 to vector<16xi32>
        %add3A_873 = arith.addi %add3A_825, %add3A_872 : vector<16xi32>
        tpu.vector_store_idx %arg10[%add3A_873], %gather3A_870 : memref<16384xf32, #tpu.memory_space<vmem>>[vector<16xi32>], vector<16xf32>,
        %add3A_874 = arith.constant 112 : i32
        %add3A_875 = vector.broadcast %add3A_874 : i32 to vector<16xi32>
        %add3A_876 = arith.addi %iota3A, %add3A_875 : vector<16xi32>
        %gather3A_877 = tpu.vector_load_idx %arg8[%add3A_876, %and3A_813] : memref<512x32xf32, #tpu.memory_space<vmem>>[vector<16xi32>, vector<16xi32>], vector<16xf32>,
        %add3A_878 = arith.constant 112 : i32
        %add3A_879 = vector.broadcast %add3A_878 : i32 to vector<16xi32>
        %add3A_880 = arith.addi %add3A_825, %add3A_879 : vector<16xi32>
        tpu.vector_store_idx %arg10[%add3A_880], %gather3A_877 : memref<16384xf32, #tpu.memory_space<vmem>>[vector<16xi32>], vector<16xf32>,
        %add3A_881 = arith.constant 128 : i32
        %add3A_882 = vector.broadcast %add3A_881 : i32 to vector<16xi32>
        %add3A_883 = arith.addi %iota3A, %add3A_882 : vector<16xi32>
        %gather3A_884 = tpu.vector_load_idx %arg8[%add3A_883, %and3A_813] : memref<512x32xf32, #tpu.memory_space<vmem>>[vector<16xi32>, vector<16xi32>], vector<16xf32>,
        %add3A_885 = arith.constant 1024 : i32
        %add3A_886 = vector.broadcast %add3A_885 : i32 to vector<16xi32>
        %add3A_887 = arith.addi %add3A_825, %add3A_886 : vector<16xi32>
        tpu.vector_store_idx %arg10[%add3A_887], %gather3A_884 : memref<16384xf32, #tpu.memory_space<vmem>>[vector<16xi32>], vector<16xf32>,
        %add3A_888 = arith.constant 144 : i32
        %add3A_889 = vector.broadcast %add3A_888 : i32 to vector<16xi32>
        %add3A_890 = arith.addi %iota3A, %add3A_889 : vector<16xi32>
        %gather3A_891 = tpu.vector_load_idx %arg8[%add3A_890, %and3A_813] : memref<512x32xf32, #tpu.memory_space<vmem>>[vector<16xi32>, vector<16xi32>], vector<16xf32>,
        %add3A_892 = arith.constant 1040 : i32
        %add3A_893 = vector.broadcast %add3A_892 : i32 to vector<16xi32>
        %add3A_894 = arith.addi %add3A_825, %add3A_893 : vector<16xi32>
        tpu.vector_store_idx %arg10[%add3A_894], %gather3A_891 : memref<16384xf32, #tpu.memory_space<vmem>>[vector<16xi32>], vector<16xf32>,
        %add3A_895 = arith.constant 160 : i32
        %add3A_896 = vector.broadcast %add3A_895 : i32 to vector<16xi32>
        %add3A_897 = arith.addi %iota3A, %add3A_896 : vector<16xi32>
        %gather3A_898 = tpu.vector_load_idx %arg8[%add3A_897, %and3A_813] : memref<512x32xf32, #tpu.memory_space<vmem>>[vector<16xi32>, vector<16xi32>], vector<16xf32>,
        %add3A_899 = arith.constant 1056 : i32
        %add3A_900 = vector.broadcast %add3A_899 : i32 to vector<16xi32>
        %add3A_901 = arith.addi %add3A_825, %add3A_900 : vector<16xi32>
        tpu.vector_store_idx %arg10[%add3A_901], %gather3A_898 : memref<16384xf32, #tpu.memory_space<vmem>>[vector<16xi32>], vector<16xf32>,
        %add3A_902 = arith.constant 176 : i32
        %add3A_903 = vector.broadcast %add3A_902 : i32 to vector<16xi32>
        %add3A_904 = arith.addi %iota3A, %add3A_903 : vector<16xi32>
        %gather3A_905 = tpu.vector_load_idx %arg8[%add3A_904, %and3A_813] : memref<512x32xf32, #tpu.memory_space<vmem>>[vector<16xi32>, vector<16xi32>], vector<16xf32>,
        %add3A_906 = arith.constant 1072 : i32
        %add3A_907 = vector.broadcast %add3A_906 : i32 to vector<16xi32>
        %add3A_908 = arith.addi %add3A_825, %add3A_907 : vector<16xi32>
        tpu.vector_store_idx %arg10[%add3A_908], %gather3A_905 : memref<16384xf32, #tpu.memory_space<vmem>>[vector<16xi32>], vector<16xf32>,
        %add3A_909 = arith.constant 192 : i32
        %add3A_910 = vector.broadcast %add3A_909 : i32 to vector<16xi32>
        %add3A_911 = arith.addi %iota3A, %add3A_910 : vector<16xi32>
        %gather3A_912 = tpu.vector_load_idx %arg8[%add3A_911, %and3A_813] : memref<512x32xf32, #tpu.memory_space<vmem>>[vector<16xi32>, vector<16xi32>], vector<16xf32>,
        %add3A_913 = arith.constant 1088 : i32
        %add3A_914 = vector.broadcast %add3A_913 : i32 to vector<16xi32>
        %add3A_915 = arith.addi %add3A_825, %add3A_914 : vector<16xi32>
        tpu.vector_store_idx %arg10[%add3A_915], %gather3A_912 : memref<16384xf32, #tpu.memory_space<vmem>>[vector<16xi32>], vector<16xf32>,
        %add3A_916 = arith.constant 208 : i32
        %add3A_917 = vector.broadcast %add3A_916 : i32 to vector<16xi32>
        %add3A_918 = arith.addi %iota3A, %add3A_917 : vector<16xi32>
        %gather3A_919 = tpu.vector_load_idx %arg8[%add3A_918, %and3A_813] : memref<512x32xf32, #tpu.memory_space<vmem>>[vector<16xi32>, vector<16xi32>], vector<16xf32>,
        %add3A_920 = arith.constant 1104 : i32
        %add3A_921 = vector.broadcast %add3A_920 : i32 to vector<16xi32>
        %add3A_922 = arith.addi %add3A_825, %add3A_921 : vector<16xi32>
        tpu.vector_store_idx %arg10[%add3A_922], %gather3A_919 : memref<16384xf32, #tpu.memory_space<vmem>>[vector<16xi32>], vector<16xf32>,
        %add3A_923 = arith.constant 224 : i32
        %add3A_924 = vector.broadcast %add3A_923 : i32 to vector<16xi32>
        %add3A_925 = arith.addi %iota3A, %add3A_924 : vector<16xi32>
        %gather3A_926 = tpu.vector_load_idx %arg8[%add3A_925, %and3A_813] : memref<512x32xf32, #tpu.memory_space<vmem>>[vector<16xi32>, vector<16xi32>], vector<16xf32>,
        %add3A_927 = arith.constant 1120 : i32
        %add3A_928 = vector.broadcast %add3A_927 : i32 to vector<16xi32>
        %add3A_929 = arith.addi %add3A_825, %add3A_928 : vector<16xi32>
        tpu.vector_store_idx %arg10[%add3A_929], %gather3A_926 : memref<16384xf32, #tpu.memory_space<vmem>>[vector<16xi32>], vector<16xf32>,
        %add3A_930 = arith.constant 240 : i32
        %add3A_931 = vector.broadcast %add3A_930 : i32 to vector<16xi32>
        %add3A_932 = arith.addi %iota3A, %add3A_931 : vector<16xi32>
        %gather3A_933 = tpu.vector_load_idx %arg8[%add3A_932, %and3A_813] : memref<512x32xf32, #tpu.memory_space<vmem>>[vector<16xi32>, vector<16xi32>], vector<16xf32>,
        %add3A_934 = arith.constant 1136 : i32
        %add3A_935 = vector.broadcast %add3A_934 : i32 to vector<16xi32>
        %add3A_936 = arith.addi %add3A_825, %add3A_935 : vector<16xi32>
        tpu.vector_store_idx %arg10[%add3A_936], %gather3A_933 : memref<16384xf32, #tpu.memory_space<vmem>>[vector<16xi32>], vector<16xf32>,
        %add3A_937 = arith.constant 256 : i32
        %add3A_938 = vector.broadcast %add3A_937 : i32 to vector<16xi32>
        %add3A_939 = arith.addi %iota3A, %add3A_938 : vector<16xi32>
        %gather3A_940 = tpu.vector_load_idx %arg8[%add3A_939, %and3A_813] : memref<512x32xf32, #tpu.memory_space<vmem>>[vector<16xi32>, vector<16xi32>], vector<16xf32>,
        %add3A_941 = arith.constant 2048 : i32
        %add3A_942 = vector.broadcast %add3A_941 : i32 to vector<16xi32>
        %add3A_943 = arith.addi %add3A_825, %add3A_942 : vector<16xi32>
        tpu.vector_store_idx %arg10[%add3A_943], %gather3A_940 : memref<16384xf32, #tpu.memory_space<vmem>>[vector<16xi32>], vector<16xf32>,
        %add3A_944 = arith.constant 272 : i32
        %add3A_945 = vector.broadcast %add3A_944 : i32 to vector<16xi32>
        %add3A_946 = arith.addi %iota3A, %add3A_945 : vector<16xi32>
        %gather3A_947 = tpu.vector_load_idx %arg8[%add3A_946, %and3A_813] : memref<512x32xf32, #tpu.memory_space<vmem>>[vector<16xi32>, vector<16xi32>], vector<16xf32>,
        %add3A_948 = arith.constant 2064 : i32
        %add3A_949 = vector.broadcast %add3A_948 : i32 to vector<16xi32>
        %add3A_950 = arith.addi %add3A_825, %add3A_949 : vector<16xi32>
        tpu.vector_store_idx %arg10[%add3A_950], %gather3A_947 : memref<16384xf32, #tpu.memory_space<vmem>>[vector<16xi32>], vector<16xf32>,
        %add3A_951 = arith.constant 288 : i32
        %add3A_952 = vector.broadcast %add3A_951 : i32 to vector<16xi32>
        %add3A_953 = arith.addi %iota3A, %add3A_952 : vector<16xi32>
        %gather3A_954 = tpu.vector_load_idx %arg8[%add3A_953, %and3A_813] : memref<512x32xf32, #tpu.memory_space<vmem>>[vector<16xi32>, vector<16xi32>], vector<16xf32>,
        %add3A_955 = arith.constant 2080 : i32
        %add3A_956 = vector.broadcast %add3A_955 : i32 to vector<16xi32>
        %add3A_957 = arith.addi %add3A_825, %add3A_956 : vector<16xi32>
        tpu.vector_store_idx %arg10[%add3A_957], %gather3A_954 : memref<16384xf32, #tpu.memory_space<vmem>>[vector<16xi32>], vector<16xf32>,
        %add3A_958 = arith.constant 304 : i32
        %add3A_959 = vector.broadcast %add3A_958 : i32 to vector<16xi32>
        %add3A_960 = arith.addi %iota3A, %add3A_959 : vector<16xi32>
        %gather3A_961 = tpu.vector_load_idx %arg8[%add3A_960, %and3A_813] : memref<512x32xf32, #tpu.memory_space<vmem>>[vector<16xi32>, vector<16xi32>], vector<16xf32>,
        %add3A_962 = arith.constant 2096 : i32
        %add3A_963 = vector.broadcast %add3A_962 : i32 to vector<16xi32>
        %add3A_964 = arith.addi %add3A_825, %add3A_963 : vector<16xi32>
        tpu.vector_store_idx %arg10[%add3A_964], %gather3A_961 : memref<16384xf32, #tpu.memory_space<vmem>>[vector<16xi32>], vector<16xf32>,
        %add3A_965 = arith.constant 320 : i32
        %add3A_966 = vector.broadcast %add3A_965 : i32 to vector<16xi32>
        %add3A_967 = arith.addi %iota3A, %add3A_966 : vector<16xi32>
        %gather3A_968 = tpu.vector_load_idx %arg8[%add3A_967, %and3A_813] : memref<512x32xf32, #tpu.memory_space<vmem>>[vector<16xi32>, vector<16xi32>], vector<16xf32>,
        %add3A_969 = arith.constant 2112 : i32
        %add3A_970 = vector.broadcast %add3A_969 : i32 to vector<16xi32>
        %add3A_971 = arith.addi %add3A_825, %add3A_970 : vector<16xi32>
        tpu.vector_store_idx %arg10[%add3A_971], %gather3A_968 : memref<16384xf32, #tpu.memory_space<vmem>>[vector<16xi32>], vector<16xf32>,
        %add3A_972 = arith.constant 336 : i32
        %add3A_973 = vector.broadcast %add3A_972 : i32 to vector<16xi32>
        %add3A_974 = arith.addi %iota3A, %add3A_973 : vector<16xi32>
        %gather3A_975 = tpu.vector_load_idx %arg8[%add3A_974, %and3A_813] : memref<512x32xf32, #tpu.memory_space<vmem>>[vector<16xi32>, vector<16xi32>], vector<16xf32>,
        %add3A_976 = arith.constant 2128 : i32
        %add3A_977 = vector.broadcast %add3A_976 : i32 to vector<16xi32>
        %add3A_978 = arith.addi %add3A_825, %add3A_977 : vector<16xi32>
        tpu.vector_store_idx %arg10[%add3A_978], %gather3A_975 : memref<16384xf32, #tpu.memory_space<vmem>>[vector<16xi32>], vector<16xf32>,
        %add3A_979 = arith.constant 352 : i32
        %add3A_980 = vector.broadcast %add3A_979 : i32 to vector<16xi32>
        %add3A_981 = arith.addi %iota3A, %add3A_980 : vector<16xi32>
        %gather3A_982 = tpu.vector_load_idx %arg8[%add3A_981, %and3A_813] : memref<512x32xf32, #tpu.memory_space<vmem>>[vector<16xi32>, vector<16xi32>], vector<16xf32>,
        %add3A_983 = arith.constant 2144 : i32
        %add3A_984 = vector.broadcast %add3A_983 : i32 to vector<16xi32>
        %add3A_985 = arith.addi %add3A_825, %add3A_984 : vector<16xi32>
        tpu.vector_store_idx %arg10[%add3A_985], %gather3A_982 : memref<16384xf32, #tpu.memory_space<vmem>>[vector<16xi32>], vector<16xf32>,
        %add3A_986 = arith.constant 368 : i32
        %add3A_987 = vector.broadcast %add3A_986 : i32 to vector<16xi32>
        %add3A_988 = arith.addi %iota3A, %add3A_987 : vector<16xi32>
        %gather3A_989 = tpu.vector_load_idx %arg8[%add3A_988, %and3A_813] : memref<512x32xf32, #tpu.memory_space<vmem>>[vector<16xi32>, vector<16xi32>], vector<16xf32>,
        %add3A_990 = arith.constant 2160 : i32
        %add3A_991 = vector.broadcast %add3A_990 : i32 to vector<16xi32>
        %add3A_992 = arith.addi %add3A_825, %add3A_991 : vector<16xi32>
        tpu.vector_store_idx %arg10[%add3A_992], %gather3A_989 : memref<16384xf32, #tpu.memory_space<vmem>>[vector<16xi32>], vector<16xf32>,
        %add3A_993 = arith.constant 384 : i32
        %add3A_994 = vector.broadcast %add3A_993 : i32 to vector<16xi32>
        %add3A_995 = arith.addi %iota3A, %add3A_994 : vector<16xi32>
        %gather3A_996 = tpu.vector_load_idx %arg8[%add3A_995, %and3A_813] : memref<512x32xf32, #tpu.memory_space<vmem>>[vector<16xi32>, vector<16xi32>], vector<16xf32>,
        %add3A_997 = arith.constant 3072 : i32
        %add3A_998 = vector.broadcast %add3A_997 : i32 to vector<16xi32>
        %add3A_999 = arith.addi %add3A_825, %add3A_998 : vector<16xi32>
        tpu.vector_store_idx %arg10[%add3A_999], %gather3A_996 : memref<16384xf32, #tpu.memory_space<vmem>>[vector<16xi32>], vector<16xf32>,
        %add3A_1000 = arith.constant 400 : i32
        %add3A_1001 = vector.broadcast %add3A_1000 : i32 to vector<16xi32>
        %add3A_1002 = arith.addi %iota3A, %add3A_1001 : vector<16xi32>
        %gather3A_1003 = tpu.vector_load_idx %arg8[%add3A_1002, %and3A_813] : memref<512x32xf32, #tpu.memory_space<vmem>>[vector<16xi32>, vector<16xi32>], vector<16xf32>,
        %add3A_1004 = arith.constant 3088 : i32
        %add3A_1005 = vector.broadcast %add3A_1004 : i32 to vector<16xi32>
        %add3A_1006 = arith.addi %add3A_825, %add3A_1005 : vector<16xi32>
        tpu.vector_store_idx %arg10[%add3A_1006], %gather3A_1003 : memref<16384xf32, #tpu.memory_space<vmem>>[vector<16xi32>], vector<16xf32>,
        %add3A_1007 = arith.constant 416 : i32
        %add3A_1008 = vector.broadcast %add3A_1007 : i32 to vector<16xi32>
        %add3A_1009 = arith.addi %iota3A, %add3A_1008 : vector<16xi32>
        %gather3A_1010 = tpu.vector_load_idx %arg8[%add3A_1009, %and3A_813] : memref<512x32xf32, #tpu.memory_space<vmem>>[vector<16xi32>, vector<16xi32>], vector<16xf32>,
        %add3A_1011 = arith.constant 3104 : i32
        %add3A_1012 = vector.broadcast %add3A_1011 : i32 to vector<16xi32>
        %add3A_1013 = arith.addi %add3A_825, %add3A_1012 : vector<16xi32>
        tpu.vector_store_idx %arg10[%add3A_1013], %gather3A_1010 : memref<16384xf32, #tpu.memory_space<vmem>>[vector<16xi32>], vector<16xf32>,
        %add3A_1014 = arith.constant 432 : i32
        %add3A_1015 = vector.broadcast %add3A_1014 : i32 to vector<16xi32>
        %add3A_1016 = arith.addi %iota3A, %add3A_1015 : vector<16xi32>
        %gather3A_1017 = tpu.vector_load_idx %arg8[%add3A_1016, %and3A_813] : memref<512x32xf32, #tpu.memory_space<vmem>>[vector<16xi32>, vector<16xi32>], vector<16xf32>,
        %add3A_1018 = arith.constant 3120 : i32
        %add3A_1019 = vector.broadcast %add3A_1018 : i32 to vector<16xi32>
        %add3A_1020 = arith.addi %add3A_825, %add3A_1019 : vector<16xi32>
        tpu.vector_store_idx %arg10[%add3A_1020], %gather3A_1017 : memref<16384xf32, #tpu.memory_space<vmem>>[vector<16xi32>], vector<16xf32>,
        %add3A_1021 = arith.constant 448 : i32
        %add3A_1022 = vector.broadcast %add3A_1021 : i32 to vector<16xi32>
        %add3A_1023 = arith.addi %iota3A, %add3A_1022 : vector<16xi32>
        %gather3A_1024 = tpu.vector_load_idx %arg8[%add3A_1023, %and3A_813] : memref<512x32xf32, #tpu.memory_space<vmem>>[vector<16xi32>, vector<16xi32>], vector<16xf32>,
        %add3A_1025 = arith.constant 3136 : i32
        %add3A_1026 = vector.broadcast %add3A_1025 : i32 to vector<16xi32>
        %add3A_1027 = arith.addi %add3A_825, %add3A_1026 : vector<16xi32>
        tpu.vector_store_idx %arg10[%add3A_1027], %gather3A_1024 : memref<16384xf32, #tpu.memory_space<vmem>>[vector<16xi32>], vector<16xf32>,
        %add3A_1028 = arith.constant 464 : i32
        %add3A_1029 = vector.broadcast %add3A_1028 : i32 to vector<16xi32>
        %add3A_1030 = arith.addi %iota3A, %add3A_1029 : vector<16xi32>
        %gather3A_1031 = tpu.vector_load_idx %arg8[%add3A_1030, %and3A_813] : memref<512x32xf32, #tpu.memory_space<vmem>>[vector<16xi32>, vector<16xi32>], vector<16xf32>,
        %add3A_1032 = arith.constant 3152 : i32
        %add3A_1033 = vector.broadcast %add3A_1032 : i32 to vector<16xi32>
        %add3A_1034 = arith.addi %add3A_825, %add3A_1033 : vector<16xi32>
        tpu.vector_store_idx %arg10[%add3A_1034], %gather3A_1031 : memref<16384xf32, #tpu.memory_space<vmem>>[vector<16xi32>], vector<16xf32>,
        %add3A_1035 = arith.constant 480 : i32
        %add3A_1036 = vector.broadcast %add3A_1035 : i32 to vector<16xi32>
        %add3A_1037 = arith.addi %iota3A, %add3A_1036 : vector<16xi32>
        %gather3A_1038 = tpu.vector_load_idx %arg8[%add3A_1037, %and3A_813] : memref<512x32xf32, #tpu.memory_space<vmem>>[vector<16xi32>, vector<16xi32>], vector<16xf32>,
        %add3A_1039 = arith.constant 3168 : i32
        %add3A_1040 = vector.broadcast %add3A_1039 : i32 to vector<16xi32>
        %add3A_1041 = arith.addi %add3A_825, %add3A_1040 : vector<16xi32>
        tpu.vector_store_idx %arg10[%add3A_1041], %gather3A_1038 : memref<16384xf32, #tpu.memory_space<vmem>>[vector<16xi32>], vector<16xf32>,
        %add3A_1042 = arith.constant 496 : i32
        %add3A_1043 = vector.broadcast %add3A_1042 : i32 to vector<16xi32>
        %add3A_1044 = arith.addi %iota3A, %add3A_1043 : vector<16xi32>
        %gather3A_1045 = tpu.vector_load_idx %arg8[%add3A_1044, %and3A_813] : memref<512x32xf32, #tpu.memory_space<vmem>>[vector<16xi32>, vector<16xi32>], vector<16xf32>,
        %add3A_1046 = arith.constant 3184 : i32
        %add3A_1047 = vector.broadcast %add3A_1046 : i32 to vector<16xi32>
        %add3A_1048 = arith.addi %add3A_825, %add3A_1047 : vector<16xi32>
        tpu.vector_store_idx %arg10[%add3A_1048], %gather3A_1045 : memref<16384xf32, #tpu.memory_space<vmem>>[vector<16xi32>], vector<16xf32>,
      }
      %scan3A_703 = arith.constant 32 : i32
      %jit3A_704 = arith.constant 512 : i32
      %div3A_705 = arith.divsi %mul3A_2, %jit3A_704 : i32
      %sign3A_706 = arith.constant 0 : i32
      %sign3A_707 = arith.cmpi sgt, %mul3A_2, %sign3A_706 : i32
      %sign3A_708 = arith.extui %sign3A_707 : i1 to i32
      %sign3A_709 = arith.constant 0 : i32
      %sign3A_710 = arith.cmpi slt, %mul3A_2, %sign3A_709 : i32
      %sign3A_711 = arith.extui %sign3A_710 : i1 to i32
      %sign3A_712 = arith.subi %sign3A_708, %sign3A_711 : i32
      %sign3A_713 = arith.constant 0 : i32
      %sign3A_714 = arith.cmpi sgt, %jit3A_704, %sign3A_713 : i32
      %sign3A_715 = arith.extui %sign3A_714 : i1 to i32
      %sign3A_716 = arith.constant 0 : i32
      %sign3A_717 = arith.cmpi slt, %jit3A_704, %sign3A_716 : i32
      %sign3A_718 = arith.extui %sign3A_717 : i1 to i32
      %sign3A_719 = arith.subi %sign3A_715, %sign3A_718 : i32
      %ne3A_720 = arith.cmpi ne, %sign3A_712, %sign3A_719 : i32
      %rem3A_721 = arith.remsi %mul3A_2, %jit3A_704 : i32
      %ne3A_722 = arith.constant 0 : i32
      %ne3A_723 = arith.cmpi ne, %rem3A_721, %ne3A_722 : i32
      %and3A_724 = arith.andi %ne3A_720, %ne3A_723 : i1
      %sub3A_725 = arith.constant 1 : i32
      %sub3A_726 = arith.subi %div3A_705, %sub3A_725 : i32
      %select_n3A_727 = arith.select %and3A_724, %sub3A_726, %div3A_705 : i32
      %add3A_728 = arith.addi %select_n3A_727, %add3A_671 : i32
      %jit3A_729 = arith.constant 32 : i32
      %div3A_730 = arith.divsi %add3A_728, %jit3A_729 : i32
      %sign3A_731 = arith.constant 0 : i32
      %sign3A_732 = arith.cmpi sgt, %add3A_728, %sign3A_731 : i32
      %sign3A_733 = arith.extui %sign3A_732 : i1 to i32
      %sign3A_734 = arith.constant 0 : i32
      %sign3A_735 = arith.cmpi slt, %add3A_728, %sign3A_734 : i32
      %sign3A_736 = arith.extui %sign3A_735 : i1 to i32
      %sign3A_737 = arith.subi %sign3A_733, %sign3A_736 : i32
      %sign3A_738 = arith.constant 0 : i32
      %sign3A_739 = arith.cmpi sgt, %jit3A_729, %sign3A_738 : i32
      %sign3A_740 = arith.extui %sign3A_739 : i1 to i32
      %sign3A_741 = arith.constant 0 : i32
      %sign3A_742 = arith.cmpi slt, %jit3A_729, %sign3A_741 : i32
      %sign3A_743 = arith.extui %sign3A_742 : i1 to i32
      %sign3A_744 = arith.subi %sign3A_740, %sign3A_743 : i32
      %ne3A_745 = arith.cmpi ne, %sign3A_737, %sign3A_744 : i32
      %rem3A_746 = arith.remsi %add3A_728, %jit3A_729 : i32
      %ne3A_747 = arith.constant 0 : i32
      %ne3A_748 = arith.cmpi ne, %rem3A_746, %ne3A_747 : i32
      %and3A_749 = arith.andi %ne3A_745, %ne3A_748 : i1
      %sub3A_750 = arith.constant 1 : i32
      %sub3A_751 = arith.subi %div3A_730, %sub3A_750 : i32
      %select_n3A_752 = arith.select %and3A_749, %sub3A_751, %div3A_730 : i32
      %jit3A_753 = arith.constant 32 : i32
      %eq3A_754 = arith.constant 0 : i32
      %eq3A_755 = arith.cmpi eq, %jit3A_753, %eq3A_754 : i32
      %jit3A_756 = arith.constant 1 : i32
      %select_n3A_757 = arith.select %eq3A_755, %jit3A_756, %jit3A_753 : i32
      %rem3A_758 = arith.remsi %add3A_728, %select_n3A_757 : i32
      %ne3A_759 = arith.constant 0 : i32
      %ne3A_760 = arith.cmpi ne, %rem3A_758, %ne3A_759 : i32
      %lt3A_761 = arith.constant 0 : i32
      %lt3A_762 = arith.cmpi slt, %rem3A_758, %lt3A_761 : i32
      %lt3A_763 = arith.constant 0 : i32
      %lt3A_764 = arith.cmpi slt, %select_n3A_757, %lt3A_763 : i32
      %ne3A_765 = arith.xori %lt3A_762, %lt3A_764 : i1
      %and3A_766 = arith.andi %ne3A_765, %ne3A_760 : i1
      %add3A_767 = arith.addi %rem3A_758, %select_n3A_757 : i32
      %select_n3A_768 = arith.select %and3A_766, %add3A_767, %rem3A_758 : i32
      %mul3A_769 = arith.constant 4096 : i32
      %mul3A_770 = arith.muli %select_n3A_768, %mul3A_769 : i32
      %multiple_of3A_771 = tpu.assume_multiple %mul3A_770, 1024 : i32
      %dma_start3A_772 = arith.constant 0 : i32
      %dma_start3A_773 = arith.constant 0 : i32
      %dma_start3A_774 = tpu.memref_slice %arg10[%dma_start3A_773] : memref<16384xf32, #tpu.memory_space<vmem>> -> memref<4096xf32, #tpu.memory_space<vmem>>
      %dma_start3A_775 = tpu.memref_slice %arg4[%select_n3A_752, %dma_start3A_772, %multiple_of3A_771] : memref<200x4x131072xf32, #tpu.memory_space<hbm>> -> memref<1x1x4096xf32, #tpu.memory_space<hbm>>
      %dma_start3A_776 = tpu.memref_squeeze %dma_start3A_775 : memref<1x1x4096xf32, #tpu.memory_space<hbm>> -> memref<4096xf32, #tpu.memory_space<hbm>>
      %dma_start3A_777 = tpu.memref_slice %arg4[%select_n3A_752, %dma_start3A_772, %multiple_of3A_771] : memref<200x4x131072xf32, #tpu.memory_space<hbm>> -> memref<1x1x4096xf32, #tpu.memory_space<hbm>>
      %dma_start3A_778 = tpu.memref_squeeze %dma_start3A_777 : memref<1x1x4096xf32, #tpu.memory_space<hbm>> -> memref<4096xf32, #tpu.memory_space<hbm>>
      %dma_start3A_779 = arith.constant 0 : i32
      %dma_start3A_780 = tpu.memref_slice %arg10[%dma_start3A_779] : memref<16384xf32, #tpu.memory_space<vmem>> -> memref<4096xf32, #tpu.memory_space<vmem>>
      tpu.enqueue_dma source(%dma_start3A_780 : memref<4096xf32, #tpu.memory_space<vmem>>) target(%dma_start3A_778 : memref<4096xf32, #tpu.memory_space<hbm>>) target_semaphore(%arg16 : memref<!tpu.dma_semaphore, #tpu.memory_space<semaphore_mem>>)
      %dma_start3A_781 = arith.constant 1 : i32
      %dma_start3A_782 = arith.constant 4096 : i32
      %dma_start3A_783 = tpu.memref_slice %arg10[%dma_start3A_782] : memref<16384xf32, #tpu.memory_space<vmem>> -> memref<4096xf32, #tpu.memory_space<vmem>>
      %dma_start3A_784 = tpu.memref_slice %arg4[%select_n3A_752, %dma_start3A_781, %multiple_of3A_771] : memref<200x4x131072xf32, #tpu.memory_space<hbm>> -> memref<1x1x4096xf32, #tpu.memory_space<hbm>>
      %dma_start3A_785 = tpu.memref_squeeze %dma_start3A_784 : memref<1x1x4096xf32, #tpu.memory_space<hbm>> -> memref<4096xf32, #tpu.memory_space<hbm>>
      %dma_start3A_786 = tpu.memref_slice %arg4[%select_n3A_752, %dma_start3A_781, %multiple_of3A_771] : memref<200x4x131072xf32, #tpu.memory_space<hbm>> -> memref<1x1x4096xf32, #tpu.memory_space<hbm>>
      %dma_start3A_787 = tpu.memref_squeeze %dma_start3A_786 : memref<1x1x4096xf32, #tpu.memory_space<hbm>> -> memref<4096xf32, #tpu.memory_space<hbm>>
      %dma_start3A_788 = arith.constant 4096 : i32
      %dma_start3A_789 = tpu.memref_slice %arg10[%dma_start3A_788] : memref<16384xf32, #tpu.memory_space<vmem>> -> memref<4096xf32, #tpu.memory_space<vmem>>
      tpu.enqueue_dma source(%dma_start3A_789 : memref<4096xf32, #tpu.memory_space<vmem>>) target(%dma_start3A_787 : memref<4096xf32, #tpu.memory_space<hbm>>) target_semaphore(%arg16 : memref<!tpu.dma_semaphore, #tpu.memory_space<semaphore_mem>>)
      %dma_start3A_790 = arith.constant 2 : i32
      %dma_start3A_791 = arith.constant 8192 : i32
      %dma_start3A_792 = tpu.memref_slice %arg10[%dma_start3A_791] : memref<16384xf32, #tpu.memory_space<vmem>> -> memref<4096xf32, #tpu.memory_space<vmem>>
      %dma_start3A_793 = tpu.memref_slice %arg4[%select_n3A_752, %dma_start3A_790, %multiple_of3A_771] : memref<200x4x131072xf32, #tpu.memory_space<hbm>> -> memref<1x1x4096xf32, #tpu.memory_space<hbm>>
      %dma_start3A_794 = tpu.memref_squeeze %dma_start3A_793 : memref<1x1x4096xf32, #tpu.memory_space<hbm>> -> memref<4096xf32, #tpu.memory_space<hbm>>
      %dma_start3A_795 = tpu.memref_slice %arg4[%select_n3A_752, %dma_start3A_790, %multiple_of3A_771] : memref<200x4x131072xf32, #tpu.memory_space<hbm>> -> memref<1x1x4096xf32, #tpu.memory_space<hbm>>
      %dma_start3A_796 = tpu.memref_squeeze %dma_start3A_795 : memref<1x1x4096xf32, #tpu.memory_space<hbm>> -> memref<4096xf32, #tpu.memory_space<hbm>>
      %dma_start3A_797 = arith.constant 8192 : i32
      %dma_start3A_798 = tpu.memref_slice %arg10[%dma_start3A_797] : memref<16384xf32, #tpu.memory_space<vmem>> -> memref<4096xf32, #tpu.memory_space<vmem>>
      tpu.enqueue_dma source(%dma_start3A_798 : memref<4096xf32, #tpu.memory_space<vmem>>) target(%dma_start3A_796 : memref<4096xf32, #tpu.memory_space<hbm>>) target_semaphore(%arg16 : memref<!tpu.dma_semaphore, #tpu.memory_space<semaphore_mem>>)
      %dma_start3A_799 = arith.constant 3 : i32
      %dma_start3A_800 = arith.constant 12288 : i32
      %dma_start3A_801 = tpu.memref_slice %arg10[%dma_start3A_800] : memref<16384xf32, #tpu.memory_space<vmem>> -> memref<4096xf32, #tpu.memory_space<vmem>>
      %dma_start3A_802 = tpu.memref_slice %arg4[%select_n3A_752, %dma_start3A_799, %multiple_of3A_771] : memref<200x4x131072xf32, #tpu.memory_space<hbm>> -> memref<1x1x4096xf32, #tpu.memory_space<hbm>>
      %dma_start3A_803 = tpu.memref_squeeze %dma_start3A_802 : memref<1x1x4096xf32, #tpu.memory_space<hbm>> -> memref<4096xf32, #tpu.memory_space<hbm>>
      %dma_start3A_804 = tpu.memref_slice %arg4[%select_n3A_752, %dma_start3A_799, %multiple_of3A_771] : memref<200x4x131072xf32, #tpu.memory_space<hbm>> -> memref<1x1x4096xf32, #tpu.memory_space<hbm>>
      %dma_start3A_805 = tpu.memref_squeeze %dma_start3A_804 : memref<1x1x4096xf32, #tpu.memory_space<hbm>> -> memref<4096xf32, #tpu.memory_space<hbm>>
      %dma_start3A_806 = arith.constant 12288 : i32
      %dma_start3A_807 = tpu.memref_slice %arg10[%dma_start3A_806] : memref<16384xf32, #tpu.memory_space<vmem>> -> memref<4096xf32, #tpu.memory_space<vmem>>
      tpu.enqueue_dma source(%dma_start3A_807 : memref<4096xf32, #tpu.memory_space<vmem>>) target(%dma_start3A_805 : memref<4096xf32, #tpu.memory_space<hbm>>) target_semaphore(%arg16 : memref<!tpu.dma_semaphore, #tpu.memory_space<semaphore_mem>>)
    }
    %scan3A_263 = arith.constant 98 : i32
    %dma_wait3A_264 = arith.constant 0 : i32
    %dma_wait3A_265 = arith.constant 0 : i32
    %dma_wait3A_266 = tpu.memref_slice %arg3[%dma_wait3A_264, %dma_wait3A_265] : memref<1000000x32xf32, #tpu.memory_space<hbm>> -> memref<1000000x32xf32, #tpu.memory_space<hbm>>
    tpu.wait_indirect_dma semaphore(%arg13 : memref<!tpu.dma_semaphore, #tpu.memory_space<semaphore_mem>>) src(%dma_wait3A_266 : memref<1000000x32xf32, #tpu.memory_space<hbm>>) dst(%arg7 : memref<512x32xf32, #tpu.memory_space<vmem>>)
    %dma_wait3A_267 = arith.constant 0 : i32
    %dma_wait3A_268 = tpu.memref_slice %arg2[%dma_wait3A_267] : memref<3276800xi32, #tpu.memory_space<hbm>> -> memref<512xi32, #tpu.memory_space<hbm>>
    %dma_wait3A_269 = arith.constant 0 : i32
    %dma_wait3A_270 = tpu.memref_slice %arg2[%dma_wait3A_269] : memref<3276800xi32, #tpu.memory_space<hbm>> -> memref<512xi32, #tpu.memory_space<hbm>>
    tpu.wait_dma2 semaphore(%arg12 : memref<!tpu.dma_semaphore, #tpu.memory_space<semaphore_mem>>) src(%dma_wait3A_270 : memref<512xi32, #tpu.memory_space<hbm>>) dst(%arg6 : memref<512xi32, #tpu.memory_space<vmem>>)
    %dma_start3A_271 = arith.constant 0 : i32
    %dma_start3A_272 = arith.constant 0 : i32
    %dma_start3A_273 = tpu.memref_slice %arg3[%dma_start3A_271, %dma_start3A_272] : memref<1000000x32xf32, #tpu.memory_space<hbm>> -> memref<1000000x32xf32, #tpu.memory_space<hbm>>
    tpu.enqueue_indirect_dma source(%dma_start3A_273 : memref<1000000x32xf32, #tpu.memory_space<hbm>>) target(%arg8 : memref<512x32xf32, #tpu.memory_space<vmem>>) offsets(%arg6 : memref<512xi32, #tpu.memory_space<vmem>>) semaphore(%arg14 : memref<!tpu.dma_semaphore, #tpu.memory_space<semaphore_mem>>)
    %dma_wait3A_274 = arith.constant 0 : i32
    %dma_wait3A_275 = arith.constant 0 : i32
    %dma_wait3A_276 = arith.constant 0 : i32
    %dma_wait3A_277 = tpu.memref_slice %arg4[%dma_wait3A_274, %dma_wait3A_275, %dma_wait3A_276] : memref<200x4x131072xf32, #tpu.memory_space<hbm>> -> memref<1x1x16384xf32, #tpu.memory_space<hbm>>
    %dma_wait3A_278 = tpu.memref_squeeze %dma_wait3A_277 : memref<1x1x16384xf32, #tpu.memory_space<hbm>> -> memref<16384xf32, #tpu.memory_space<hbm>>
    %dma_wait3A_279 = arith.constant 0 : i32
    %dma_wait3A_280 = tpu.memref_slice %arg4[%dma_wait3A_274, %dma_wait3A_275, %dma_wait3A_279] : memref<200x4x131072xf32, #tpu.memory_space<hbm>> -> memref<1x1x16384xf32, #tpu.memory_space<hbm>>
    %dma_wait3A_281 = tpu.memref_squeeze %dma_wait3A_280 : memref<1x1x16384xf32, #tpu.memory_space<hbm>> -> memref<16384xf32, #tpu.memory_space<hbm>>
    tpu.wait_dma2 semaphore(%arg15 : memref<!tpu.dma_semaphore, #tpu.memory_space<semaphore_mem>>) src(%arg9 : memref<16384xf32, #tpu.memory_space<vmem>>) dst(%dma_wait3A_281 : memref<16384xf32, #tpu.memory_space<hbm>>)
    %scan3A_282 = arith.constant 0 : i32
    %scan3A_283 = arith.constant 0 : i32
    %scan3A_284 = arith.constant 32 : i32
    %scan3A_285 = arith.addi %scan3A_283, %scan3A_284 : i32
    %scan3A_286 = arith.constant 1 : i32
    scf.for %scan3A_531 = %scan3A_283 to %scan3A_285 step %scan3A_286  : i32 {
      %add3A_532 = vector.broadcast %scan3A_531 : i32 to vector<16xi32>
      %add3A_533 = arith.addi %iota3A, %add3A_532 : vector<16xi32>
      %and3A_534 = arith.constant 31 : i32
      %and3A_535 = vector.broadcast %and3A_534 : i32 to vector<16xi32>
      %and3A_536 = arith.andi %add3A_533, %and3A_535 : vector<16xi32>
      %shift_right_arithmetic3A = arith.constant 3 : i32
      %shift_right_arithmetic3A_537 = vector.broadcast %shift_right_arithmetic3A : i32 to vector<16xi32>
      %shift_right_arithmetic3A_538 = arith.shrsi %and3A_536, %shift_right_arithmetic3A_537 : vector<16xi32>
      %shift_left3A = arith.constant 12 : i32
      %shift_left3A_539 = vector.broadcast %shift_left3A : i32 to vector<16xi32>
      %shift_left3A_540 = arith.shli %shift_right_arithmetic3A_538, %shift_left3A_539 : vector<16xi32>
      %and3A_541 = arith.constant 7 : i32
      %and3A_542 = vector.broadcast %and3A_541 : i32 to vector<16xi32>
      %and3A_543 = arith.andi %and3A_536, %and3A_542 : vector<16xi32>
      %shift_left3A_544 = arith.constant 7 : i32
      %shift_left3A_545 = vector.broadcast %shift_left3A_544 : i32 to vector<16xi32>
      %shift_left3A_546 = arith.shli %and3A_543, %shift_left3A_545 : vector<16xi32>
      %add3A_547 = arith.addi %shift_left3A_540, %shift_left3A_546 : vector<16xi32>
      %add3A_548 = arith.addi %iota3A, %add3A_547 : vector<16xi32>
      %add3A_549 = arith.constant 0 : i32
      %add3A_550 = vector.broadcast %add3A_549 : i32 to vector<16xi32>
      %add3A_551 = arith.addi %iota3A, %add3A_550 : vector<16xi32>
      %gather3A = tpu.vector_load_idx %arg7[%add3A_551, %and3A_536] : memref<512x32xf32, #tpu.memory_space<vmem>>[vector<16xi32>, vector<16xi32>], vector<16xf32>,
      %add3A_552 = arith.constant 0 : i32
      %add3A_553 = vector.broadcast %add3A_552 : i32 to vector<16xi32>
      %add3A_554 = arith.addi %add3A_548, %add3A_553 : vector<16xi32>
      tpu.vector_store_idx %arg9[%add3A_554], %gather3A : memref<16384xf32, #tpu.memory_space<vmem>>[vector<16xi32>], vector<16xf32>,
      %add3A_555 = arith.constant 16 : i32
      %add3A_556 = vector.broadcast %add3A_555 : i32 to vector<16xi32>
      %add3A_557 = arith.addi %iota3A, %add3A_556 : vector<16xi32>
      %gather3A_558 = tpu.vector_load_idx %arg7[%add3A_557, %and3A_536] : memref<512x32xf32, #tpu.memory_space<vmem>>[vector<16xi32>, vector<16xi32>], vector<16xf32>,
      %add3A_559 = arith.constant 16 : i32
      %add3A_560 = vector.broadcast %add3A_559 : i32 to vector<16xi32>
      %add3A_561 = arith.addi %add3A_548, %add3A_560 : vector<16xi32>
      tpu.vector_store_idx %arg9[%add3A_561], %gather3A_558 : memref<16384xf32, #tpu.memory_space<vmem>>[vector<16xi32>], vector<16xf32>,
      %add3A_562 = arith.constant 32 : i32
      %add3A_563 = vector.broadcast %add3A_562 : i32 to vector<16xi32>
      %add3A_564 = arith.addi %iota3A, %add3A_563 : vector<16xi32>
      %gather3A_565 = tpu.vector_load_idx %arg7[%add3A_564, %and3A_536] : memref<512x32xf32, #tpu.memory_space<vmem>>[vector<16xi32>, vector<16xi32>], vector<16xf32>,
      %add3A_566 = arith.constant 32 : i32
      %add3A_567 = vector.broadcast %add3A_566 : i32 to vector<16xi32>
      %add3A_568 = arith.addi %add3A_548, %add3A_567 : vector<16xi32>
      tpu.vector_store_idx %arg9[%add3A_568], %gather3A_565 : memref<16384xf32, #tpu.memory_space<vmem>>[vector<16xi32>], vector<16xf32>,
      %add3A_569 = arith.constant 48 : i32
      %add3A_570 = vector.broadcast %add3A_569 : i32 to vector<16xi32>
      %add3A_571 = arith.addi %iota3A, %add3A_570 : vector<16xi32>
      %gather3A_572 = tpu.vector_load_idx %arg7[%add3A_571, %and3A_536] : memref<512x32xf32, #tpu.memory_space<vmem>>[vector<16xi32>, vector<16xi32>], vector<16xf32>,
      %add3A_573 = arith.constant 48 : i32
      %add3A_574 = vector.broadcast %add3A_573 : i32 to vector<16xi32>
      %add3A_575 = arith.addi %add3A_548, %add3A_574 : vector<16xi32>
      tpu.vector_store_idx %arg9[%add3A_575], %gather3A_572 : memref<16384xf32, #tpu.memory_space<vmem>>[vector<16xi32>], vector<16xf32>,
      %add3A_576 = arith.constant 64 : i32
      %add3A_577 = vector.broadcast %add3A_576 : i32 to vector<16xi32>
      %add3A_578 = arith.addi %iota3A, %add3A_577 : vector<16xi32>
      %gather3A_579 = tpu.vector_load_idx %arg7[%add3A_578, %and3A_536] : memref<512x32xf32, #tpu.memory_space<vmem>>[vector<16xi32>, vector<16xi32>], vector<16xf32>,
      %add3A_580 = arith.constant 64 : i32
      %add3A_581 = vector.broadcast %add3A_580 : i32 to vector<16xi32>
      %add3A_582 = arith.addi %add3A_548, %add3A_581 : vector<16xi32>
      tpu.vector_store_idx %arg9[%add3A_582], %gather3A_579 : memref<16384xf32, #tpu.memory_space<vmem>>[vector<16xi32>], vector<16xf32>,
      %add3A_583 = arith.constant 80 : i32
      %add3A_584 = vector.broadcast %add3A_583 : i32 to vector<16xi32>
      %add3A_585 = arith.addi %iota3A, %add3A_584 : vector<16xi32>
      %gather3A_586 = tpu.vector_load_idx %arg7[%add3A_585, %and3A_536] : memref<512x32xf32, #tpu.memory_space<vmem>>[vector<16xi32>, vector<16xi32>], vector<16xf32>,
      %add3A_587 = arith.constant 80 : i32
      %add3A_588 = vector.broadcast %add3A_587 : i32 to vector<16xi32>
      %add3A_589 = arith.addi %add3A_548, %add3A_588 : vector<16xi32>
      tpu.vector_store_idx %arg9[%add3A_589], %gather3A_586 : memref<16384xf32, #tpu.memory_space<vmem>>[vector<16xi32>], vector<16xf32>,
      %add3A_590 = arith.constant 96 : i32
      %add3A_591 = vector.broadcast %add3A_590 : i32 to vector<16xi32>
      %add3A_592 = arith.addi %iota3A, %add3A_591 : vector<16xi32>
      %gather3A_593 = tpu.vector_load_idx %arg7[%add3A_592, %and3A_536] : memref<512x32xf32, #tpu.memory_space<vmem>>[vector<16xi32>, vector<16xi32>], vector<16xf32>,
      %add3A_594 = arith.constant 96 : i32
      %add3A_595 = vector.broadcast %add3A_594 : i32 to vector<16xi32>
      %add3A_596 = arith.addi %add3A_548, %add3A_595 : vector<16xi32>
      tpu.vector_store_idx %arg9[%add3A_596], %gather3A_593 : memref<16384xf32, #tpu.memory_space<vmem>>[vector<16xi32>], vector<16xf32>,
      %add3A_597 = arith.constant 112 : i32
      %add3A_598 = vector.broadcast %add3A_597 : i32 to vector<16xi32>
      %add3A_599 = arith.addi %iota3A, %add3A_598 : vector<16xi32>
      %gather3A_600 = tpu.vector_load_idx %arg7[%add3A_599, %and3A_536] : memref<512x32xf32, #tpu.memory_space<vmem>>[vector<16xi32>, vector<16xi32>], vector<16xf32>,
      %add3A_601 = arith.constant 112 : i32
      %add3A_602 = vector.broadcast %add3A_601 : i32 to vector<16xi32>
      %add3A_603 = arith.addi %add3A_548, %add3A_602 : vector<16xi32>
      tpu.vector_store_idx %arg9[%add3A_603], %gather3A_600 : memref<16384xf32, #tpu.memory_space<vmem>>[vector<16xi32>], vector<16xf32>,
      %add3A_604 = arith.constant 128 : i32
      %add3A_605 = vector.broadcast %add3A_604 : i32 to vector<16xi32>
      %add3A_606 = arith.addi %iota3A, %add3A_605 : vector<16xi32>
      %gather3A_607 = tpu.vector_load_idx %arg7[%add3A_606, %and3A_536] : memref<512x32xf32, #tpu.memory_space<vmem>>[vector<16xi32>, vector<16xi32>], vector<16xf32>,
      %add3A_608 = arith.constant 1024 : i32
      %add3A_609 = vector.broadcast %add3A_608 : i32 to vector<16xi32>
      %add3A_610 = arith.addi %add3A_548, %add3A_609 : vector<16xi32>
      tpu.vector_store_idx %arg9[%add3A_610], %gather3A_607 : memref<16384xf32, #tpu.memory_space<vmem>>[vector<16xi32>], vector<16xf32>,
      %add3A_611 = arith.constant 144 : i32
      %add3A_612 = vector.broadcast %add3A_611 : i32 to vector<16xi32>
      %add3A_613 = arith.addi %iota3A, %add3A_612 : vector<16xi32>
      %gather3A_614 = tpu.vector_load_idx %arg7[%add3A_613, %and3A_536] : memref<512x32xf32, #tpu.memory_space<vmem>>[vector<16xi32>, vector<16xi32>], vector<16xf32>,
      %add3A_615 = arith.constant 1040 : i32
      %add3A_616 = vector.broadcast %add3A_615 : i32 to vector<16xi32>
      %add3A_617 = arith.addi %add3A_548, %add3A_616 : vector<16xi32>
      tpu.vector_store_idx %arg9[%add3A_617], %gather3A_614 : memref<16384xf32, #tpu.memory_space<vmem>>[vector<16xi32>], vector<16xf32>,
      %add3A_618 = arith.constant 160 : i32
      %add3A_619 = vector.broadcast %add3A_618 : i32 to vector<16xi32>
      %add3A_620 = arith.addi %iota3A, %add3A_619 : vector<16xi32>
      %gather3A_621 = tpu.vector_load_idx %arg7[%add3A_620, %and3A_536] : memref<512x32xf32, #tpu.memory_space<vmem>>[vector<16xi32>, vector<16xi32>], vector<16xf32>,
      %add3A_622 = arith.constant 1056 : i32
      %add3A_623 = vector.broadcast %add3A_622 : i32 to vector<16xi32>
      %add3A_624 = arith.addi %add3A_548, %add3A_623 : vector<16xi32>
      tpu.vector_store_idx %arg9[%add3A_624], %gather3A_621 : memref<16384xf32, #tpu.memory_space<vmem>>[vector<16xi32>], vector<16xf32>,
      %add3A_625 = arith.constant 176 : i32
      %add3A_626 = vector.broadcast %add3A_625 : i32 to vector<16xi32>
      %add3A_627 = arith.addi %iota3A, %add3A_626 : vector<16xi32>
      %gather3A_628 = tpu.vector_load_idx %arg7[%add3A_627, %and3A_536] : memref<512x32xf32, #tpu.memory_space<vmem>>[vector<16xi32>, vector<16xi32>], vector<16xf32>,
      %add3A_629 = arith.constant 1072 : i32
      %add3A_630 = vector.broadcast %add3A_629 : i32 to vector<16xi32>
      %add3A_631 = arith.addi %add3A_548, %add3A_630 : vector<16xi32>
      tpu.vector_store_idx %arg9[%add3A_631], %gather3A_628 : memref<16384xf32, #tpu.memory_space<vmem>>[vector<16xi32>], vector<16xf32>,
      %add3A_632 = arith.constant 192 : i32
      %add3A_633 = vector.broadcast %add3A_632 : i32 to vector<16xi32>
      %add3A_634 = arith.addi %iota3A, %add3A_633 : vector<16xi32>
      %gather3A_635 = tpu.vector_load_idx %arg7[%add3A_634, %and3A_536] : memref<512x32xf32, #tpu.memory_space<vmem>>[vector<16xi32>, vector<16xi32>], vector<16xf32>,
      %add3A_636 = arith.constant 1088 : i32
      %add3A_637 = vector.broadcast %add3A_636 : i32 to vector<16xi32>
      %add3A_638 = arith.addi %add3A_548, %add3A_637 : vector<16xi32>
      tpu.vector_store_idx %arg9[%add3A_638], %gather3A_635 : memref<16384xf32, #tpu.memory_space<vmem>>[vector<16xi32>], vector<16xf32>,
      %add3A_639 = arith.constant 208 : i32
      %add3A_640 = vector.broadcast %add3A_639 : i32 to vector<16xi32>
      %add3A_641 = arith.addi %iota3A, %add3A_640 : vector<16xi32>
      %gather3A_642 = tpu.vector_load_idx %arg7[%add3A_641, %and3A_536] : memref<512x32xf32, #tpu.memory_space<vmem>>[vector<16xi32>, vector<16xi32>], vector<16xf32>,
      %add3A_643 = arith.constant 1104 : i32
      %add3A_644 = vector.broadcast %add3A_643 : i32 to vector<16xi32>
      %add3A_645 = arith.addi %add3A_548, %add3A_644 : vector<16xi32>
      tpu.vector_store_idx %arg9[%add3A_645], %gather3A_642 : memref<16384xf32, #tpu.memory_space<vmem>>[vector<16xi32>], vector<16xf32>,
      %add3A_646 = arith.constant 224 : i32
      %add3A_647 = vector.broadcast %add3A_646 : i32 to vector<16xi32>
      %add3A_648 = arith.addi %iota3A, %add3A_647 : vector<16xi32>
      %gather3A_649 = tpu.vector_load_idx %arg7[%add3A_648, %and3A_536] : memref<512x32xf32, #tpu.memory_space<vmem>>[vector<16xi32>, vector<16xi32>], vector<16xf32>,
      %add3A_650 = arith.constant 1120 : i32
      %add3A_651 = vector.broadcast %add3A_650 : i32 to vector<16xi32>
      %add3A_652 = arith.addi %add3A_548, %add3A_651 : vector<16xi32>
      tpu.vector_store_idx %arg9[%add3A_652], %gather3A_649 : memref<16384xf32, #tpu.memory_space<vmem>>[vector<16xi32>], vector<16xf32>,
      %add3A_653 = arith.constant 240 : i32
      %add3A_654 = vector.broadcast %add3A_653 : i32 to vector<16xi32>
      %add3A_655 = arith.addi %iota3A, %add3A_654 : vector<16xi32>
      %gather3A_656 = tpu.vector_load_idx %arg7[%add3A_655, %and3A_536] : memref<512x32xf32, #tpu.memory_space<vmem>>[vector<16xi32>, vector<16xi32>], vector<16xf32>,
      %add3A_657 = arith.constant 1136 : i32
      %add3A_658 = vector.broadcast %add3A_657 : i32 to vector<16xi32>
      %add3A_659 = arith.addi %add3A_548, %add3A_658 : vector<16xi32>
      tpu.vector_store_idx %arg9[%add3A_659], %gather3A_656 : memref<16384xf32, #tpu.memory_space<vmem>>[vector<16xi32>], vector<16xf32>,
      %add3A_660 = arith.constant 256 : i32
      %add3A_661 = vector.broadcast %add3A_660 : i32 to vector<16xi32>
      %add3A_662 = arith.addi %iota3A, %add3A_661 : vector<16xi32>
      %gather3A_663 = tpu.vector_load_idx %arg7[%add3A_662, %and3A_536] : memref<512x32xf32, #tpu.memory_space<vmem>>[vector<16xi32>, vector<16xi32>], vector<16xf32>,
      %add3A_664 = arith.constant 2048 : i32
      %add3A_665 = vector.broadcast %add3A_664 : i32 to vector<16xi32>
      %add3A_666 = arith.addi %add3A_548, %add3A_665 : vector<16xi32>
      tpu.vector_store_idx %arg9[%add3A_666], %gather3A_663 : memref<16384xf32, #tpu.memory_space<vmem>>[vector<16xi32>], vector<16xf32>,
      %add3A_667 = arith.constant 272 : i32
      %add3A_668 = vector.broadcast %add3A_667 : i32 to vector<16xi32>
      %add3A_669 = arith.addi %iota3A, %add3A_668 : vector<16xi32>
      %gather3A_670 = tpu.vector_load_idx %arg7[%add3A_669, %and3A_536] : memref<512x32xf32, #tpu.memory_space<vmem>>[vector<16xi32>, vector<16xi32>], vector<16xf32>,
      %add3A_671 = arith.constant 2064 : i32
      %add3A_672 = vector.broadcast %add3A_671 : i32 to vector<16xi32>
      %add3A_673 = arith.addi %add3A_548, %add3A_672 : vector<16xi32>
      tpu.vector_store_idx %arg9[%add3A_673], %gather3A_670 : memref<16384xf32, #tpu.memory_space<vmem>>[vector<16xi32>], vector<16xf32>,
      %add3A_674 = arith.constant 288 : i32
      %add3A_675 = vector.broadcast %add3A_674 : i32 to vector<16xi32>
      %add3A_676 = arith.addi %iota3A, %add3A_675 : vector<16xi32>
      %gather3A_677 = tpu.vector_load_idx %arg7[%add3A_676, %and3A_536] : memref<512x32xf32, #tpu.memory_space<vmem>>[vector<16xi32>, vector<16xi32>], vector<16xf32>,
      %add3A_678 = arith.constant 2080 : i32
      %add3A_679 = vector.broadcast %add3A_678 : i32 to vector<16xi32>
      %add3A_680 = arith.addi %add3A_548, %add3A_679 : vector<16xi32>
      tpu.vector_store_idx %arg9[%add3A_680], %gather3A_677 : memref<16384xf32, #tpu.memory_space<vmem>>[vector<16xi32>], vector<16xf32>,
      %add3A_681 = arith.constant 304 : i32
      %add3A_682 = vector.broadcast %add3A_681 : i32 to vector<16xi32>
      %add3A_683 = arith.addi %iota3A, %add3A_682 : vector<16xi32>
      %gather3A_684 = tpu.vector_load_idx %arg7[%add3A_683, %and3A_536] : memref<512x32xf32, #tpu.memory_space<vmem>>[vector<16xi32>, vector<16xi32>], vector<16xf32>,
      %add3A_685 = arith.constant 2096 : i32
      %add3A_686 = vector.broadcast %add3A_685 : i32 to vector<16xi32>
      %add3A_687 = arith.addi %add3A_548, %add3A_686 : vector<16xi32>
      tpu.vector_store_idx %arg9[%add3A_687], %gather3A_684 : memref<16384xf32, #tpu.memory_space<vmem>>[vector<16xi32>], vector<16xf32>,
      %add3A_688 = arith.constant 320 : i32
      %add3A_689 = vector.broadcast %add3A_688 : i32 to vector<16xi32>
      %add3A_690 = arith.addi %iota3A, %add3A_689 : vector<16xi32>
      %gather3A_691 = tpu.vector_load_idx %arg7[%add3A_690, %and3A_536] : memref<512x32xf32, #tpu.memory_space<vmem>>[vector<16xi32>, vector<16xi32>], vector<16xf32>,
      %add3A_692 = arith.constant 2112 : i32
      %add3A_693 = vector.broadcast %add3A_692 : i32 to vector<16xi32>
      %add3A_694 = arith.addi %add3A_548, %add3A_693 : vector<16xi32>
      tpu.vector_store_idx %arg9[%add3A_694], %gather3A_691 : memref<16384xf32, #tpu.memory_space<vmem>>[vector<16xi32>], vector<16xf32>,
      %add3A_695 = arith.constant 336 : i32
      %add3A_696 = vector.broadcast %add3A_695 : i32 to vector<16xi32>
      %add3A_697 = arith.addi %iota3A, %add3A_696 : vector<16xi32>
      %gather3A_698 = tpu.vector_load_idx %arg7[%add3A_697, %and3A_536] : memref<512x32xf32, #tpu.memory_space<vmem>>[vector<16xi32>, vector<16xi32>], vector<16xf32>,
      %add3A_699 = arith.constant 2128 : i32
      %add3A_700 = vector.broadcast %add3A_699 : i32 to vector<16xi32>
      %add3A_701 = arith.addi %add3A_548, %add3A_700 : vector<16xi32>
      tpu.vector_store_idx %arg9[%add3A_701], %gather3A_698 : memref<16384xf32, #tpu.memory_space<vmem>>[vector<16xi32>], vector<16xf32>,
      %add3A_702 = arith.constant 352 : i32
      %add3A_703 = vector.broadcast %add3A_702 : i32 to vector<16xi32>
      %add3A_704 = arith.addi %iota3A, %add3A_703 : vector<16xi32>
      %gather3A_705 = tpu.vector_load_idx %arg7[%add3A_704, %and3A_536] : memref<512x32xf32, #tpu.memory_space<vmem>>[vector<16xi32>, vector<16xi32>], vector<16xf32>,
      %add3A_706 = arith.constant 2144 : i32
      %add3A_707 = vector.broadcast %add3A_706 : i32 to vector<16xi32>
      %add3A_708 = arith.addi %add3A_548, %add3A_707 : vector<16xi32>
      tpu.vector_store_idx %arg9[%add3A_708], %gather3A_705 : memref<16384xf32, #tpu.memory_space<vmem>>[vector<16xi32>], vector<16xf32>,
      %add3A_709 = arith.constant 368 : i32
      %add3A_710 = vector.broadcast %add3A_709 : i32 to vector<16xi32>
      %add3A_711 = arith.addi %iota3A, %add3A_710 : vector<16xi32>
      %gather3A_712 = tpu.vector_load_idx %arg7[%add3A_711, %and3A_536] : memref<512x32xf32, #tpu.memory_space<vmem>>[vector<16xi32>, vector<16xi32>], vector<16xf32>,
      %add3A_713 = arith.constant 2160 : i32
      %add3A_714 = vector.broadcast %add3A_713 : i32 to vector<16xi32>
      %add3A_715 = arith.addi %add3A_548, %add3A_714 : vector<16xi32>
      tpu.vector_store_idx %arg9[%add3A_715], %gather3A_712 : memref<16384xf32, #tpu.memory_space<vmem>>[vector<16xi32>], vector<16xf32>,
      %add3A_716 = arith.constant 384 : i32
      %add3A_717 = vector.broadcast %add3A_716 : i32 to vector<16xi32>
      %add3A_718 = arith.addi %iota3A, %add3A_717 : vector<16xi32>
      %gather3A_719 = tpu.vector_load_idx %arg7[%add3A_718, %and3A_536] : memref<512x32xf32, #tpu.memory_space<vmem>>[vector<16xi32>, vector<16xi32>], vector<16xf32>,
      %add3A_720 = arith.constant 3072 : i32
      %add3A_721 = vector.broadcast %add3A_720 : i32 to vector<16xi32>
      %add3A_722 = arith.addi %add3A_548, %add3A_721 : vector<16xi32>
      tpu.vector_store_idx %arg9[%add3A_722], %gather3A_719 : memref<16384xf32, #tpu.memory_space<vmem>>[vector<16xi32>], vector<16xf32>,
      %add3A_723 = arith.constant 400 : i32
      %add3A_724 = vector.broadcast %add3A_723 : i32 to vector<16xi32>
      %add3A_725 = arith.addi %iota3A, %add3A_724 : vector<16xi32>
      %gather3A_726 = tpu.vector_load_idx %arg7[%add3A_725, %and3A_536] : memref<512x32xf32, #tpu.memory_space<vmem>>[vector<16xi32>, vector<16xi32>], vector<16xf32>,
      %add3A_727 = arith.constant 3088 : i32
      %add3A_728 = vector.broadcast %add3A_727 : i32 to vector<16xi32>
      %add3A_729 = arith.addi %add3A_548, %add3A_728 : vector<16xi32>
      tpu.vector_store_idx %arg9[%add3A_729], %gather3A_726 : memref<16384xf32, #tpu.memory_space<vmem>>[vector<16xi32>], vector<16xf32>,
      %add3A_730 = arith.constant 416 : i32
      %add3A_731 = vector.broadcast %add3A_730 : i32 to vector<16xi32>
      %add3A_732 = arith.addi %iota3A, %add3A_731 : vector<16xi32>
      %gather3A_733 = tpu.vector_load_idx %arg7[%add3A_732, %and3A_536] : memref<512x32xf32, #tpu.memory_space<vmem>>[vector<16xi32>, vector<16xi32>], vector<16xf32>,
      %add3A_734 = arith.constant 3104 : i32
      %add3A_735 = vector.broadcast %add3A_734 : i32 to vector<16xi32>
      %add3A_736 = arith.addi %add3A_548, %add3A_735 : vector<16xi32>
      tpu.vector_store_idx %arg9[%add3A_736], %gather3A_733 : memref<16384xf32, #tpu.memory_space<vmem>>[vector<16xi32>], vector<16xf32>,
      %add3A_737 = arith.constant 432 : i32
      %add3A_738 = vector.broadcast %add3A_737 : i32 to vector<16xi32>
      %add3A_739 = arith.addi %iota3A, %add3A_738 : vector<16xi32>
      %gather3A_740 = tpu.vector_load_idx %arg7[%add3A_739, %and3A_536] : memref<512x32xf32, #tpu.memory_space<vmem>>[vector<16xi32>, vector<16xi32>], vector<16xf32>,
      %add3A_741 = arith.constant 3120 : i32
      %add3A_742 = vector.broadcast %add3A_741 : i32 to vector<16xi32>
      %add3A_743 = arith.addi %add3A_548, %add3A_742 : vector<16xi32>
      tpu.vector_store_idx %arg9[%add3A_743], %gather3A_740 : memref<16384xf32, #tpu.memory_space<vmem>>[vector<16xi32>], vector<16xf32>,
      %add3A_744 = arith.constant 448 : i32
      %add3A_745 = vector.broadcast %add3A_744 : i32 to vector<16xi32>
      %add3A_746 = arith.addi %iota3A, %add3A_745 : vector<16xi32>
      %gather3A_747 = tpu.vector_load_idx %arg7[%add3A_746, %and3A_536] : memref<512x32xf32, #tpu.memory_space<vmem>>[vector<16xi32>, vector<16xi32>], vector<16xf32>,
      %add3A_748 = arith.constant 3136 : i32
      %add3A_749 = vector.broadcast %add3A_748 : i32 to vector<16xi32>
      %add3A_750 = arith.addi %add3A_548, %add3A_749 : vector<16xi32>
      tpu.vector_store_idx %arg9[%add3A_750], %gather3A_747 : memref<16384xf32, #tpu.memory_space<vmem>>[vector<16xi32>], vector<16xf32>,
      %add3A_751 = arith.constant 464 : i32
      %add3A_752 = vector.broadcast %add3A_751 : i32 to vector<16xi32>
      %add3A_753 = arith.addi %iota3A, %add3A_752 : vector<16xi32>
      %gather3A_754 = tpu.vector_load_idx %arg7[%add3A_753, %and3A_536] : memref<512x32xf32, #tpu.memory_space<vmem>>[vector<16xi32>, vector<16xi32>], vector<16xf32>,
      %add3A_755 = arith.constant 3152 : i32
      %add3A_756 = vector.broadcast %add3A_755 : i32 to vector<16xi32>
      %add3A_757 = arith.addi %add3A_548, %add3A_756 : vector<16xi32>
      tpu.vector_store_idx %arg9[%add3A_757], %gather3A_754 : memref<16384xf32, #tpu.memory_space<vmem>>[vector<16xi32>], vector<16xf32>,
      %add3A_758 = arith.constant 480 : i32
      %add3A_759 = vector.broadcast %add3A_758 : i32 to vector<16xi32>
      %add3A_760 = arith.addi %iota3A, %add3A_759 : vector<16xi32>
      %gather3A_761 = tpu.vector_load_idx %arg7[%add3A_760, %and3A_536] : memref<512x32xf32, #tpu.memory_space<vmem>>[vector<16xi32>, vector<16xi32>], vector<16xf32>,
      %add3A_762 = arith.constant 3168 : i32
      %add3A_763 = vector.broadcast %add3A_762 : i32 to vector<16xi32>
      %add3A_764 = arith.addi %add3A_548, %add3A_763 : vector<16xi32>
      tpu.vector_store_idx %arg9[%add3A_764], %gather3A_761 : memref<16384xf32, #tpu.memory_space<vmem>>[vector<16xi32>], vector<16xf32>,
      %add3A_765 = arith.constant 496 : i32
      %add3A_766 = vector.broadcast %add3A_765 : i32 to vector<16xi32>
      %add3A_767 = arith.addi %iota3A, %add3A_766 : vector<16xi32>
      %gather3A_768 = tpu.vector_load_idx %arg7[%add3A_767, %and3A_536] : memref<512x32xf32, #tpu.memory_space<vmem>>[vector<16xi32>, vector<16xi32>], vector<16xf32>,
      %add3A_769 = arith.constant 3184 : i32
      %add3A_770 = vector.broadcast %add3A_769 : i32 to vector<16xi32>
      %add3A_771 = arith.addi %add3A_548, %add3A_770 : vector<16xi32>
      tpu.vector_store_idx %arg9[%add3A_771], %gather3A_768 : memref<16384xf32, #tpu.memory_space<vmem>>[vector<16xi32>], vector<16xf32>,
    }
    %scan3A_287 = arith.constant 32 : i32
    %jit3A_288 = arith.constant 512 : i32
    %div3A_289 = arith.divsi %mul3A_2, %jit3A_288 : i32
    %sign3A_290 = arith.constant 0 : i32
    %sign3A_291 = arith.cmpi sgt, %mul3A_2, %sign3A_290 : i32
    %sign3A_292 = arith.extui %sign3A_291 : i1 to i32
    %sign3A_293 = arith.constant 0 : i32
    %sign3A_294 = arith.cmpi slt, %mul3A_2, %sign3A_293 : i32
    %sign3A_295 = arith.extui %sign3A_294 : i1 to i32
    %sign3A_296 = arith.subi %sign3A_292, %sign3A_295 : i32
    %sign3A_297 = arith.constant 0 : i32
    %sign3A_298 = arith.cmpi sgt, %jit3A_288, %sign3A_297 : i32
    %sign3A_299 = arith.extui %sign3A_298 : i1 to i32
    %sign3A_300 = arith.constant 0 : i32
    %sign3A_301 = arith.cmpi slt, %jit3A_288, %sign3A_300 : i32
    %sign3A_302 = arith.extui %sign3A_301 : i1 to i32
    %sign3A_303 = arith.subi %sign3A_299, %sign3A_302 : i32
    %ne3A_304 = arith.cmpi ne, %sign3A_296, %sign3A_303 : i32
    %rem3A_305 = arith.remsi %mul3A_2, %jit3A_288 : i32
    %ne3A_306 = arith.constant 0 : i32
    %ne3A_307 = arith.cmpi ne, %rem3A_305, %ne3A_306 : i32
    %and3A_308 = arith.andi %ne3A_304, %ne3A_307 : i1
    %sub3A_309 = arith.constant 1 : i32
    %sub3A_310 = arith.subi %div3A_289, %sub3A_309 : i32
    %select_n3A_311 = arith.select %and3A_308, %sub3A_310, %div3A_289 : i32
    %add3A_312 = arith.constant 198 : i32
    %add3A_313 = arith.addi %select_n3A_311, %add3A_312 : i32
    %jit3A_314 = arith.constant 32 : i32
    %div3A_315 = arith.divsi %add3A_313, %jit3A_314 : i32
    %sign3A_316 = arith.constant 0 : i32
    %sign3A_317 = arith.cmpi sgt, %add3A_313, %sign3A_316 : i32
    %sign3A_318 = arith.extui %sign3A_317 : i1 to i32
    %sign3A_319 = arith.constant 0 : i32
    %sign3A_320 = arith.cmpi slt, %add3A_313, %sign3A_319 : i32
    %sign3A_321 = arith.extui %sign3A_320 : i1 to i32
    %sign3A_322 = arith.subi %sign3A_318, %sign3A_321 : i32
    %sign3A_323 = arith.constant 0 : i32
    %sign3A_324 = arith.cmpi sgt, %jit3A_314, %sign3A_323 : i32
    %sign3A_325 = arith.extui %sign3A_324 : i1 to i32
    %sign3A_326 = arith.constant 0 : i32
    %sign3A_327 = arith.cmpi slt, %jit3A_314, %sign3A_326 : i32
    %sign3A_328 = arith.extui %sign3A_327 : i1 to i32
    %sign3A_329 = arith.subi %sign3A_325, %sign3A_328 : i32
    %ne3A_330 = arith.cmpi ne, %sign3A_322, %sign3A_329 : i32
    %rem3A_331 = arith.remsi %add3A_313, %jit3A_314 : i32
    %ne3A_332 = arith.constant 0 : i32
    %ne3A_333 = arith.cmpi ne, %rem3A_331, %ne3A_332 : i32
    %and3A_334 = arith.andi %ne3A_330, %ne3A_333 : i1
    %sub3A_335 = arith.constant 1 : i32
    %sub3A_336 = arith.subi %div3A_315, %sub3A_335 : i32
    %select_n3A_337 = arith.select %and3A_334, %sub3A_336, %div3A_315 : i32
    %jit3A_338 = arith.constant 32 : i32
    %eq3A_339 = arith.constant 0 : i32
    %eq3A_340 = arith.cmpi eq, %jit3A_338, %eq3A_339 : i32
    %jit3A_341 = arith.constant 1 : i32
    %select_n3A_342 = arith.select %eq3A_340, %jit3A_341, %jit3A_338 : i32
    %rem3A_343 = arith.remsi %add3A_313, %select_n3A_342 : i32
    %ne3A_344 = arith.constant 0 : i32
    %ne3A_345 = arith.cmpi ne, %rem3A_343, %ne3A_344 : i32
    %lt3A_346 = arith.constant 0 : i32
    %lt3A_347 = arith.cmpi slt, %rem3A_343, %lt3A_346 : i32
    %lt3A_348 = arith.constant 0 : i32
    %lt3A_349 = arith.cmpi slt, %select_n3A_342, %lt3A_348 : i32
    %ne3A_350 = arith.xori %lt3A_347, %lt3A_349 : i1
    %and3A_351 = arith.andi %ne3A_350, %ne3A_345 : i1
    %add3A_352 = arith.addi %rem3A_343, %select_n3A_342 : i32
    %select_n3A_353 = arith.select %and3A_351, %add3A_352, %rem3A_343 : i32
    %mul3A_354 = arith.constant 4096 : i32
    %mul3A_355 = arith.muli %select_n3A_353, %mul3A_354 : i32
    %multiple_of3A_356 = tpu.assume_multiple %mul3A_355, 1024 : i32
    %dma_start3A_357 = arith.constant 0 : i32
    %dma_start3A_358 = arith.constant 0 : i32
    %dma_start3A_359 = tpu.memref_slice %arg9[%dma_start3A_358] : memref<16384xf32, #tpu.memory_space<vmem>> -> memref<4096xf32, #tpu.memory_space<vmem>>
    %dma_start3A_360 = tpu.memref_slice %arg4[%select_n3A_337, %dma_start3A_357, %multiple_of3A_356] : memref<200x4x131072xf32, #tpu.memory_space<hbm>> -> memref<1x1x4096xf32, #tpu.memory_space<hbm>>
    %dma_start3A_361 = tpu.memref_squeeze %dma_start3A_360 : memref<1x1x4096xf32, #tpu.memory_space<hbm>> -> memref<4096xf32, #tpu.memory_space<hbm>>
    %dma_start3A_362 = tpu.memref_slice %arg4[%select_n3A_337, %dma_start3A_357, %multiple_of3A_356] : memref<200x4x131072xf32, #tpu.memory_space<hbm>> -> memref<1x1x4096xf32, #tpu.memory_space<hbm>>
    %dma_start3A_363 = tpu.memref_squeeze %dma_start3A_362 : memref<1x1x4096xf32, #tpu.memory_space<hbm>> -> memref<4096xf32, #tpu.memory_space<hbm>>
    %dma_start3A_364 = arith.constant 0 : i32
    %dma_start3A_365 = tpu.memref_slice %arg9[%dma_start3A_364] : memref<16384xf32, #tpu.memory_space<vmem>> -> memref<4096xf32, #tpu.memory_space<vmem>>
    tpu.enqueue_dma source(%dma_start3A_365 : memref<4096xf32, #tpu.memory_space<vmem>>) target(%dma_start3A_363 : memref<4096xf32, #tpu.memory_space<hbm>>) target_semaphore(%arg15 : memref<!tpu.dma_semaphore, #tpu.memory_space<semaphore_mem>>)
    %dma_start3A_366 = arith.constant 1 : i32
    %dma_start3A_367 = arith.constant 4096 : i32
    %dma_start3A_368 = tpu.memref_slice %arg9[%dma_start3A_367] : memref<16384xf32, #tpu.memory_space<vmem>> -> memref<4096xf32, #tpu.memory_space<vmem>>
    %dma_start3A_369 = tpu.memref_slice %arg4[%select_n3A_337, %dma_start3A_366, %multiple_of3A_356] : memref<200x4x131072xf32, #tpu.memory_space<hbm>> -> memref<1x1x4096xf32, #tpu.memory_space<hbm>>
    %dma_start3A_370 = tpu.memref_squeeze %dma_start3A_369 : memref<1x1x4096xf32, #tpu.memory_space<hbm>> -> memref<4096xf32, #tpu.memory_space<hbm>>
    %dma_start3A_371 = tpu.memref_slice %arg4[%select_n3A_337, %dma_start3A_366, %multiple_of3A_356] : memref<200x4x131072xf32, #tpu.memory_space<hbm>> -> memref<1x1x4096xf32, #tpu.memory_space<hbm>>
    %dma_start3A_372 = tpu.memref_squeeze %dma_start3A_371 : memref<1x1x4096xf32, #tpu.memory_space<hbm>> -> memref<4096xf32, #tpu.memory_space<hbm>>
    %dma_start3A_373 = arith.constant 4096 : i32
    %dma_start3A_374 = tpu.memref_slice %arg9[%dma_start3A_373] : memref<16384xf32, #tpu.memory_space<vmem>> -> memref<4096xf32, #tpu.memory_space<vmem>>
    tpu.enqueue_dma source(%dma_start3A_374 : memref<4096xf32, #tpu.memory_space<vmem>>) target(%dma_start3A_372 : memref<4096xf32, #tpu.memory_space<hbm>>) target_semaphore(%arg15 : memref<!tpu.dma_semaphore, #tpu.memory_space<semaphore_mem>>)
    %dma_start3A_375 = arith.constant 2 : i32
    %dma_start3A_376 = arith.constant 8192 : i32
    %dma_start3A_377 = tpu.memref_slice %arg9[%dma_start3A_376] : memref<16384xf32, #tpu.memory_space<vmem>> -> memref<4096xf32, #tpu.memory_space<vmem>>
    %dma_start3A_378 = tpu.memref_slice %arg4[%select_n3A_337, %dma_start3A_375, %multiple_of3A_356] : memref<200x4x131072xf32, #tpu.memory_space<hbm>> -> memref<1x1x4096xf32, #tpu.memory_space<hbm>>
    %dma_start3A_379 = tpu.memref_squeeze %dma_start3A_378 : memref<1x1x4096xf32, #tpu.memory_space<hbm>> -> memref<4096xf32, #tpu.memory_space<hbm>>
    %dma_start3A_380 = tpu.memref_slice %arg4[%select_n3A_337, %dma_start3A_375, %multiple_of3A_356] : memref<200x4x131072xf32, #tpu.memory_space<hbm>> -> memref<1x1x4096xf32, #tpu.memory_space<hbm>>
    %dma_start3A_381 = tpu.memref_squeeze %dma_start3A_380 : memref<1x1x4096xf32, #tpu.memory_space<hbm>> -> memref<4096xf32, #tpu.memory_space<hbm>>
    %dma_start3A_382 = arith.constant 8192 : i32
    %dma_start3A_383 = tpu.memref_slice %arg9[%dma_start3A_382] : memref<16384xf32, #tpu.memory_space<vmem>> -> memref<4096xf32, #tpu.memory_space<vmem>>
    tpu.enqueue_dma source(%dma_start3A_383 : memref<4096xf32, #tpu.memory_space<vmem>>) target(%dma_start3A_381 : memref<4096xf32, #tpu.memory_space<hbm>>) target_semaphore(%arg15 : memref<!tpu.dma_semaphore, #tpu.memory_space<semaphore_mem>>)
    %dma_start3A_384 = arith.constant 3 : i32
    %dma_start3A_385 = arith.constant 12288 : i32
    %dma_start3A_386 = tpu.memref_slice %arg9[%dma_start3A_385] : memref<16384xf32, #tpu.memory_space<vmem>> -> memref<4096xf32, #tpu.memory_space<vmem>>
    %dma_start3A_387 = tpu.memref_slice %arg4[%select_n3A_337, %dma_start3A_384, %multiple_of3A_356] : memref<200x4x131072xf32, #tpu.memory_space<hbm>> -> memref<1x1x4096xf32, #tpu.memory_space<hbm>>
    %dma_start3A_388 = tpu.memref_squeeze %dma_start3A_387 : memref<1x1x4096xf32, #tpu.memory_space<hbm>> -> memref<4096xf32, #tpu.memory_space<hbm>>
    %dma_start3A_389 = tpu.memref_slice %arg4[%select_n3A_337, %dma_start3A_384, %multiple_of3A_356] : memref<200x4x131072xf32, #tpu.memory_space<hbm>> -> memref<1x1x4096xf32, #tpu.memory_space<hbm>>
    %dma_start3A_390 = tpu.memref_squeeze %dma_start3A_389 : memref<1x1x4096xf32, #tpu.memory_space<hbm>> -> memref<4096xf32, #tpu.memory_space<hbm>>
    %dma_start3A_391 = arith.constant 12288 : i32
    %dma_start3A_392 = tpu.memref_slice %arg9[%dma_start3A_391] : memref<16384xf32, #tpu.memory_space<vmem>> -> memref<4096xf32, #tpu.memory_space<vmem>>
    tpu.enqueue_dma source(%dma_start3A_392 : memref<4096xf32, #tpu.memory_space<vmem>>) target(%dma_start3A_390 : memref<4096xf32, #tpu.memory_space<hbm>>) target_semaphore(%arg15 : memref<!tpu.dma_semaphore, #tpu.memory_space<semaphore_mem>>)
    %dma_wait3A_393 = arith.constant 0 : i32
    %dma_wait3A_394 = arith.constant 0 : i32
    %dma_wait3A_395 = tpu.memref_slice %arg3[%dma_wait3A_393, %dma_wait3A_394] : memref<1000000x32xf32, #tpu.memory_space<hbm>> -> memref<1000000x32xf32, #tpu.memory_space<hbm>>
    tpu.wait_indirect_dma semaphore(%arg14 : memref<!tpu.dma_semaphore, #tpu.memory_space<semaphore_mem>>) src(%dma_wait3A_395 : memref<1000000x32xf32, #tpu.memory_space<hbm>>) dst(%arg8 : memref<512x32xf32, #tpu.memory_space<vmem>>)
    %dma_wait3A_396 = arith.constant 0 : i32
    %dma_wait3A_397 = arith.constant 0 : i32
    %dma_wait3A_398 = arith.constant 0 : i32
    %dma_wait3A_399 = tpu.memref_slice %arg4[%dma_wait3A_396, %dma_wait3A_397, %dma_wait3A_398] : memref<200x4x131072xf32, #tpu.memory_space<hbm>> -> memref<1x1x16384xf32, #tpu.memory_space<hbm>>
    %dma_wait3A_400 = tpu.memref_squeeze %dma_wait3A_399 : memref<1x1x16384xf32, #tpu.memory_space<hbm>> -> memref<16384xf32, #tpu.memory_space<hbm>>
    %dma_wait3A_401 = arith.constant 0 : i32
    %dma_wait3A_402 = tpu.memref_slice %arg4[%dma_wait3A_396, %dma_wait3A_397, %dma_wait3A_401] : memref<200x4x131072xf32, #tpu.memory_space<hbm>> -> memref<1x1x16384xf32, #tpu.memory_space<hbm>>
    %dma_wait3A_403 = tpu.memref_squeeze %dma_wait3A_402 : memref<1x1x16384xf32, #tpu.memory_space<hbm>> -> memref<16384xf32, #tpu.memory_space<hbm>>
    tpu.wait_dma2 semaphore(%arg16 : memref<!tpu.dma_semaphore, #tpu.memory_space<semaphore_mem>>) src(%arg10 : memref<16384xf32, #tpu.memory_space<vmem>>) dst(%dma_wait3A_403 : memref<16384xf32, #tpu.memory_space<hbm>>)
    %scan3A_404 = arith.constant 0 : i32
    %scan3A_405 = arith.constant 0 : i32
    %scan3A_406 = arith.constant 32 : i32
    %scan3A_407 = arith.addi %scan3A_405, %scan3A_406 : i32
    %scan3A_408 = arith.constant 1 : i32
    scf.for %scan3A_531 = %scan3A_405 to %scan3A_407 step %scan3A_408  : i32 {
      %add3A_532 = vector.broadcast %scan3A_531 : i32 to vector<16xi32>
      %add3A_533 = arith.addi %iota3A, %add3A_532 : vector<16xi32>
      %and3A_534 = arith.constant 31 : i32
      %and3A_535 = vector.broadcast %and3A_534 : i32 to vector<16xi32>
      %and3A_536 = arith.andi %add3A_533, %and3A_535 : vector<16xi32>
      %shift_right_arithmetic3A = arith.constant 3 : i32
      %shift_right_arithmetic3A_537 = vector.broadcast %shift_right_arithmetic3A : i32 to vector<16xi32>
      %shift_right_arithmetic3A_538 = arith.shrsi %and3A_536, %shift_right_arithmetic3A_537 : vector<16xi32>
      %shift_left3A = arith.constant 12 : i32
      %shift_left3A_539 = vector.broadcast %shift_left3A : i32 to vector<16xi32>
      %shift_left3A_540 = arith.shli %shift_right_arithmetic3A_538, %shift_left3A_539 : vector<16xi32>
      %and3A_541 = arith.constant 7 : i32
      %and3A_542 = vector.broadcast %and3A_541 : i32 to vector<16xi32>
      %and3A_543 = arith.andi %and3A_536, %and3A_542 : vector<16xi32>
      %shift_left3A_544 = arith.constant 7 : i32
      %shift_left3A_545 = vector.broadcast %shift_left3A_544 : i32 to vector<16xi32>
      %shift_left3A_546 = arith.shli %and3A_543, %shift_left3A_545 : vector<16xi32>
      %add3A_547 = arith.addi %shift_left3A_540, %shift_left3A_546 : vector<16xi32>
      %add3A_548 = arith.addi %iota3A, %add3A_547 : vector<16xi32>
      %add3A_549 = arith.constant 0 : i32
      %add3A_550 = vector.broadcast %add3A_549 : i32 to vector<16xi32>
      %add3A_551 = arith.addi %iota3A, %add3A_550 : vector<16xi32>
      %gather3A = tpu.vector_load_idx %arg8[%add3A_551, %and3A_536] : memref<512x32xf32, #tpu.memory_space<vmem>>[vector<16xi32>, vector<16xi32>], vector<16xf32>,
      %add3A_552 = arith.constant 0 : i32
      %add3A_553 = vector.broadcast %add3A_552 : i32 to vector<16xi32>
      %add3A_554 = arith.addi %add3A_548, %add3A_553 : vector<16xi32>
      tpu.vector_store_idx %arg10[%add3A_554], %gather3A : memref<16384xf32, #tpu.memory_space<vmem>>[vector<16xi32>], vector<16xf32>,
      %add3A_555 = arith.constant 16 : i32
      %add3A_556 = vector.broadcast %add3A_555 : i32 to vector<16xi32>
      %add3A_557 = arith.addi %iota3A, %add3A_556 : vector<16xi32>
      %gather3A_558 = tpu.vector_load_idx %arg8[%add3A_557, %and3A_536] : memref<512x32xf32, #tpu.memory_space<vmem>>[vector<16xi32>, vector<16xi32>], vector<16xf32>,
      %add3A_559 = arith.constant 16 : i32
      %add3A_560 = vector.broadcast %add3A_559 : i32 to vector<16xi32>
      %add3A_561 = arith.addi %add3A_548, %add3A_560 : vector<16xi32>
      tpu.vector_store_idx %arg10[%add3A_561], %gather3A_558 : memref<16384xf32, #tpu.memory_space<vmem>>[vector<16xi32>], vector<16xf32>,
      %add3A_562 = arith.constant 32 : i32
      %add3A_563 = vector.broadcast %add3A_562 : i32 to vector<16xi32>
      %add3A_564 = arith.addi %iota3A, %add3A_563 : vector<16xi32>
      %gather3A_565 = tpu.vector_load_idx %arg8[%add3A_564, %and3A_536] : memref<512x32xf32, #tpu.memory_space<vmem>>[vector<16xi32>, vector<16xi32>], vector<16xf32>,
      %add3A_566 = arith.constant 32 : i32
      %add3A_567 = vector.broadcast %add3A_566 : i32 to vector<16xi32>
      %add3A_568 = arith.addi %add3A_548, %add3A_567 : vector<16xi32>
      tpu.vector_store_idx %arg10[%add3A_568], %gather3A_565 : memref<16384xf32, #tpu.memory_space<vmem>>[vector<16xi32>], vector<16xf32>,
      %add3A_569 = arith.constant 48 : i32
      %add3A_570 = vector.broadcast %add3A_569 : i32 to vector<16xi32>
      %add3A_571 = arith.addi %iota3A, %add3A_570 : vector<16xi32>
      %gather3A_572 = tpu.vector_load_idx %arg8[%add3A_571, %and3A_536] : memref<512x32xf32, #tpu.memory_space<vmem>>[vector<16xi32>, vector<16xi32>], vector<16xf32>,
      %add3A_573 = arith.constant 48 : i32
      %add3A_574 = vector.broadcast %add3A_573 : i32 to vector<16xi32>
      %add3A_575 = arith.addi %add3A_548, %add3A_574 : vector<16xi32>
      tpu.vector_store_idx %arg10[%add3A_575], %gather3A_572 : memref<16384xf32, #tpu.memory_space<vmem>>[vector<16xi32>], vector<16xf32>,
      %add3A_576 = arith.constant 64 : i32
      %add3A_577 = vector.broadcast %add3A_576 : i32 to vector<16xi32>
      %add3A_578 = arith.addi %iota3A, %add3A_577 : vector<16xi32>
      %gather3A_579 = tpu.vector_load_idx %arg8[%add3A_578, %and3A_536] : memref<512x32xf32, #tpu.memory_space<vmem>>[vector<16xi32>, vector<16xi32>], vector<16xf32>,
      %add3A_580 = arith.constant 64 : i32
      %add3A_581 = vector.broadcast %add3A_580 : i32 to vector<16xi32>
      %add3A_582 = arith.addi %add3A_548, %add3A_581 : vector<16xi32>
      tpu.vector_store_idx %arg10[%add3A_582], %gather3A_579 : memref<16384xf32, #tpu.memory_space<vmem>>[vector<16xi32>], vector<16xf32>,
      %add3A_583 = arith.constant 80 : i32
      %add3A_584 = vector.broadcast %add3A_583 : i32 to vector<16xi32>
      %add3A_585 = arith.addi %iota3A, %add3A_584 : vector<16xi32>
      %gather3A_586 = tpu.vector_load_idx %arg8[%add3A_585, %and3A_536] : memref<512x32xf32, #tpu.memory_space<vmem>>[vector<16xi32>, vector<16xi32>], vector<16xf32>,
      %add3A_587 = arith.constant 80 : i32
      %add3A_588 = vector.broadcast %add3A_587 : i32 to vector<16xi32>
      %add3A_589 = arith.addi %add3A_548, %add3A_588 : vector<16xi32>
      tpu.vector_store_idx %arg10[%add3A_589], %gather3A_586 : memref<16384xf32, #tpu.memory_space<vmem>>[vector<16xi32>], vector<16xf32>,
      %add3A_590 = arith.constant 96 : i32
      %add3A_591 = vector.broadcast %add3A_590 : i32 to vector<16xi32>
      %add3A_592 = arith.addi %iota3A, %add3A_591 : vector<16xi32>
      %gather3A_593 = tpu.vector_load_idx %arg8[%add3A_592, %and3A_536] : memref<512x32xf32, #tpu.memory_space<vmem>>[vector<16xi32>, vector<16xi32>], vector<16xf32>,
      %add3A_594 = arith.constant 96 : i32
      %add3A_595 = vector.broadcast %add3A_594 : i32 to vector<16xi32>
      %add3A_596 = arith.addi %add3A_548, %add3A_595 : vector<16xi32>
      tpu.vector_store_idx %arg10[%add3A_596], %gather3A_593 : memref<16384xf32, #tpu.memory_space<vmem>>[vector<16xi32>], vector<16xf32>,
      %add3A_597 = arith.constant 112 : i32
      %add3A_598 = vector.broadcast %add3A_597 : i32 to vector<16xi32>
      %add3A_599 = arith.addi %iota3A, %add3A_598 : vector<16xi32>
      %gather3A_600 = tpu.vector_load_idx %arg8[%add3A_599, %and3A_536] : memref<512x32xf32, #tpu.memory_space<vmem>>[vector<16xi32>, vector<16xi32>], vector<16xf32>,
      %add3A_601 = arith.constant 112 : i32
      %add3A_602 = vector.broadcast %add3A_601 : i32 to vector<16xi32>
      %add3A_603 = arith.addi %add3A_548, %add3A_602 : vector<16xi32>
      tpu.vector_store_idx %arg10[%add3A_603], %gather3A_600 : memref<16384xf32, #tpu.memory_space<vmem>>[vector<16xi32>], vector<16xf32>,
      %add3A_604 = arith.constant 128 : i32
      %add3A_605 = vector.broadcast %add3A_604 : i32 to vector<16xi32>
      %add3A_606 = arith.addi %iota3A, %add3A_605 : vector<16xi32>
      %gather3A_607 = tpu.vector_load_idx %arg8[%add3A_606, %and3A_536] : memref<512x32xf32, #tpu.memory_space<vmem>>[vector<16xi32>, vector<16xi32>], vector<16xf32>,
      %add3A_608 = arith.constant 1024 : i32
      %add3A_609 = vector.broadcast %add3A_608 : i32 to vector<16xi32>
      %add3A_610 = arith.addi %add3A_548, %add3A_609 : vector<16xi32>
      tpu.vector_store_idx %arg10[%add3A_610], %gather3A_607 : memref<16384xf32, #tpu.memory_space<vmem>>[vector<16xi32>], vector<16xf32>,
      %add3A_611 = arith.constant 144 : i32
      %add3A_612 = vector.broadcast %add3A_611 : i32 to vector<16xi32>
      %add3A_613 = arith.addi %iota3A, %add3A_612 : vector<16xi32>
      %gather3A_614 = tpu.vector_load_idx %arg8[%add3A_613, %and3A_536] : memref<512x32xf32, #tpu.memory_space<vmem>>[vector<16xi32>, vector<16xi32>], vector<16xf32>,
      %add3A_615 = arith.constant 1040 : i32
      %add3A_616 = vector.broadcast %add3A_615 : i32 to vector<16xi32>
      %add3A_617 = arith.addi %add3A_548, %add3A_616 : vector<16xi32>
      tpu.vector_store_idx %arg10[%add3A_617], %gather3A_614 : memref<16384xf32, #tpu.memory_space<vmem>>[vector<16xi32>], vector<16xf32>,
      %add3A_618 = arith.constant 160 : i32
      %add3A_619 = vector.broadcast %add3A_618 : i32 to vector<16xi32>
      %add3A_620 = arith.addi %iota3A, %add3A_619 : vector<16xi32>
      %gather3A_621 = tpu.vector_load_idx %arg8[%add3A_620, %and3A_536] : memref<512x32xf32, #tpu.memory_space<vmem>>[vector<16xi32>, vector<16xi32>], vector<16xf32>,
      %add3A_622 = arith.constant 1056 : i32
      %add3A_623 = vector.broadcast %add3A_622 : i32 to vector<16xi32>
      %add3A_624 = arith.addi %add3A_548, %add3A_623 : vector<16xi32>
      tpu.vector_store_idx %arg10[%add3A_624], %gather3A_621 : memref<16384xf32, #tpu.memory_space<vmem>>[vector<16xi32>], vector<16xf32>,
      %add3A_625 = arith.constant 176 : i32
      %add3A_626 = vector.broadcast %add3A_625 : i32 to vector<16xi32>
      %add3A_627 = arith.addi %iota3A, %add3A_626 : vector<16xi32>
      %gather3A_628 = tpu.vector_load_idx %arg8[%add3A_627, %and3A_536] : memref<512x32xf32, #tpu.memory_space<vmem>>[vector<16xi32>, vector<16xi32>], vector<16xf32>,
      %add3A_629 = arith.constant 1072 : i32
      %add3A_630 = vector.broadcast %add3A_629 : i32 to vector<16xi32>
      %add3A_631 = arith.addi %add3A_548, %add3A_630 : vector<16xi32>
      tpu.vector_store_idx %arg10[%add3A_631], %gather3A_628 : memref<16384xf32, #tpu.memory_space<vmem>>[vector<16xi32>], vector<16xf32>,
      %add3A_632 = arith.constant 192 : i32
      %add3A_633 = vector.broadcast %add3A_632 : i32 to vector<16xi32>
      %add3A_634 = arith.addi %iota3A, %add3A_633 : vector<16xi32>
      %gather3A_635 = tpu.vector_load_idx %arg8[%add3A_634, %and3A_536] : memref<512x32xf32, #tpu.memory_space<vmem>>[vector<16xi32>, vector<16xi32>], vector<16xf32>,
      %add3A_636 = arith.constant 1088 : i32
      %add3A_637 = vector.broadcast %add3A_636 : i32 to vector<16xi32>
      %add3A_638 = arith.addi %add3A_548, %add3A_637 : vector<16xi32>
      tpu.vector_store_idx %arg10[%add3A_638], %gather3A_635 : memref<16384xf32, #tpu.memory_space<vmem>>[vector<16xi32>], vector<16xf32>,
      %add3A_639 = arith.constant 208 : i32
      %add3A_640 = vector.broadcast %add3A_639 : i32 to vector<16xi32>
      %add3A_641 = arith.addi %iota3A, %add3A_640 : vector<16xi32>
      %gather3A_642 = tpu.vector_load_idx %arg8[%add3A_641, %and3A_536] : memref<512x32xf32, #tpu.memory_space<vmem>>[vector<16xi32>, vector<16xi32>], vector<16xf32>,
      %add3A_643 = arith.constant 1104 : i32
      %add3A_644 = vector.broadcast %add3A_643 : i32 to vector<16xi32>
      %add3A_645 = arith.addi %add3A_548, %add3A_644 : vector<16xi32>
      tpu.vector_store_idx %arg10[%add3A_645], %gather3A_642 : memref<16384xf32, #tpu.memory_space<vmem>>[vector<16xi32>], vector<16xf32>,
      %add3A_646 = arith.constant 224 : i32
      %add3A_647 = vector.broadcast %add3A_646 : i32 to vector<16xi32>
      %add3A_648 = arith.addi %iota3A, %add3A_647 : vector<16xi32>
      %gather3A_649 = tpu.vector_load_idx %arg8[%add3A_648, %and3A_536] : memref<512x32xf32, #tpu.memory_space<vmem>>[vector<16xi32>, vector<16xi32>], vector<16xf32>,
      %add3A_650 = arith.constant 1120 : i32
      %add3A_651 = vector.broadcast %add3A_650 : i32 to vector<16xi32>
      %add3A_652 = arith.addi %add3A_548, %add3A_651 : vector<16xi32>
      tpu.vector_store_idx %arg10[%add3A_652], %gather3A_649 : memref<16384xf32, #tpu.memory_space<vmem>>[vector<16xi32>], vector<16xf32>,
      %add3A_653 = arith.constant 240 : i32
      %add3A_654 = vector.broadcast %add3A_653 : i32 to vector<16xi32>
      %add3A_655 = arith.addi %iota3A, %add3A_654 : vector<16xi32>
      %gather3A_656 = tpu.vector_load_idx %arg8[%add3A_655, %and3A_536] : memref<512x32xf32, #tpu.memory_space<vmem>>[vector<16xi32>, vector<16xi32>], vector<16xf32>,
      %add3A_657 = arith.constant 1136 : i32
      %add3A_658 = vector.broadcast %add3A_657 : i32 to vector<16xi32>
      %add3A_659 = arith.addi %add3A_548, %add3A_658 : vector<16xi32>
      tpu.vector_store_idx %arg10[%add3A_659], %gather3A_656 : memref<16384xf32, #tpu.memory_space<vmem>>[vector<16xi32>], vector<16xf32>,
      %add3A_660 = arith.constant 256 : i32
      %add3A_661 = vector.broadcast %add3A_660 : i32 to vector<16xi32>
      %add3A_662 = arith.addi %iota3A, %add3A_661 : vector<16xi32>
      %gather3A_663 = tpu.vector_load_idx %arg8[%add3A_662, %and3A_536] : memref<512x32xf32, #tpu.memory_space<vmem>>[vector<16xi32>, vector<16xi32>], vector<16xf32>,
      %add3A_664 = arith.constant 2048 : i32
      %add3A_665 = vector.broadcast %add3A_664 : i32 to vector<16xi32>
      %add3A_666 = arith.addi %add3A_548, %add3A_665 : vector<16xi32>
      tpu.vector_store_idx %arg10[%add3A_666], %gather3A_663 : memref<16384xf32, #tpu.memory_space<vmem>>[vector<16xi32>], vector<16xf32>,
      %add3A_667 = arith.constant 272 : i32
      %add3A_668 = vector.broadcast %add3A_667 : i32 to vector<16xi32>
      %add3A_669 = arith.addi %iota3A, %add3A_668 : vector<16xi32>
      %gather3A_670 = tpu.vector_load_idx %arg8[%add3A_669, %and3A_536] : memref<512x32xf32, #tpu.memory_space<vmem>>[vector<16xi32>, vector<16xi32>], vector<16xf32>,
      %add3A_671 = arith.constant 2064 : i32
      %add3A_672 = vector.broadcast %add3A_671 : i32 to vector<16xi32>
      %add3A_673 = arith.addi %add3A_548, %add3A_672 : vector<16xi32>
      tpu.vector_store_idx %arg10[%add3A_673], %gather3A_670 : memref<16384xf32, #tpu.memory_space<vmem>>[vector<16xi32>], vector<16xf32>,
      %add3A_674 = arith.constant 288 : i32
      %add3A_675 = vector.broadcast %add3A_674 : i32 to vector<16xi32>
      %add3A_676 = arith.addi %iota3A, %add3A_675 : vector<16xi32>
      %gather3A_677 = tpu.vector_load_idx %arg8[%add3A_676, %and3A_536] : memref<512x32xf32, #tpu.memory_space<vmem>>[vector<16xi32>, vector<16xi32>], vector<16xf32>,
      %add3A_678 = arith.constant 2080 : i32
      %add3A_679 = vector.broadcast %add3A_678 : i32 to vector<16xi32>
      %add3A_680 = arith.addi %add3A_548, %add3A_679 : vector<16xi32>
      tpu.vector_store_idx %arg10[%add3A_680], %gather3A_677 : memref<16384xf32, #tpu.memory_space<vmem>>[vector<16xi32>], vector<16xf32>,
      %add3A_681 = arith.constant 304 : i32
      %add3A_682 = vector.broadcast %add3A_681 : i32 to vector<16xi32>
      %add3A_683 = arith.addi %iota3A, %add3A_682 : vector<16xi32>
      %gather3A_684 = tpu.vector_load_idx %arg8[%add3A_683, %and3A_536] : memref<512x32xf32, #tpu.memory_space<vmem>>[vector<16xi32>, vector<16xi32>], vector<16xf32>,
      %add3A_685 = arith.constant 2096 : i32
      %add3A_686 = vector.broadcast %add3A_685 : i32 to vector<16xi32>
      %add3A_687 = arith.addi %add3A_548, %add3A_686 : vector<16xi32>
      tpu.vector_store_idx %arg10[%add3A_687], %gather3A_684 : memref<16384xf32, #tpu.memory_space<vmem>>[vector<16xi32>], vector<16xf32>,
      %add3A_688 = arith.constant 320 : i32
      %add3A_689 = vector.broadcast %add3A_688 : i32 to vector<16xi32>
      %add3A_690 = arith.addi %iota3A, %add3A_689 : vector<16xi32>
      %gather3A_691 = tpu.vector_load_idx %arg8[%add3A_690, %and3A_536] : memref<512x32xf32, #tpu.memory_space<vmem>>[vector<16xi32>, vector<16xi32>], vector<16xf32>,
      %add3A_692 = arith.constant 2112 : i32
      %add3A_693 = vector.broadcast %add3A_692 : i32 to vector<16xi32>
      %add3A_694 = arith.addi %add3A_548, %add3A_693 : vector<16xi32>
      tpu.vector_store_idx %arg10[%add3A_694], %gather3A_691 : memref<16384xf32, #tpu.memory_space<vmem>>[vector<16xi32>], vector<16xf32>,
      %add3A_695 = arith.constant 336 : i32
      %add3A_696 = vector.broadcast %add3A_695 : i32 to vector<16xi32>
      %add3A_697 = arith.addi %iota3A, %add3A_696 : vector<16xi32>
      %gather3A_698 = tpu.vector_load_idx %arg8[%add3A_697, %and3A_536] : memref<512x32xf32, #tpu.memory_space<vmem>>[vector<16xi32>, vector<16xi32>], vector<16xf32>,
      %add3A_699 = arith.constant 2128 : i32
      %add3A_700 = vector.broadcast %add3A_699 : i32 to vector<16xi32>
      %add3A_701 = arith.addi %add3A_548, %add3A_700 : vector<16xi32>
      tpu.vector_store_idx %arg10[%add3A_701], %gather3A_698 : memref<16384xf32, #tpu.memory_space<vmem>>[vector<16xi32>], vector<16xf32>,
      %add3A_702 = arith.constant 352 : i32
      %add3A_703 = vector.broadcast %add3A_702 : i32 to vector<16xi32>
      %add3A_704 = arith.addi %iota3A, %add3A_703 : vector<16xi32>
      %gather3A_705 = tpu.vector_load_idx %arg8[%add3A_704, %and3A_536] : memref<512x32xf32, #tpu.memory_space<vmem>>[vector<16xi32>, vector<16xi32>], vector<16xf32>,
      %add3A_706 = arith.constant 2144 : i32
      %add3A_707 = vector.broadcast %add3A_706 : i32 to vector<16xi32>
      %add3A_708 = arith.addi %add3A_548, %add3A_707 : vector<16xi32>
      tpu.vector_store_idx %arg10[%add3A_708], %gather3A_705 : memref<16384xf32, #tpu.memory_space<vmem>>[vector<16xi32>], vector<16xf32>,
      %add3A_709 = arith.constant 368 : i32
      %add3A_710 = vector.broadcast %add3A_709 : i32 to vector<16xi32>
      %add3A_711 = arith.addi %iota3A, %add3A_710 : vector<16xi32>
      %gather3A_712 = tpu.vector_load_idx %arg8[%add3A_711, %and3A_536] : memref<512x32xf32, #tpu.memory_space<vmem>>[vector<16xi32>, vector<16xi32>], vector<16xf32>,
      %add3A_713 = arith.constant 2160 : i32
      %add3A_714 = vector.broadcast %add3A_713 : i32 to vector<16xi32>
      %add3A_715 = arith.addi %add3A_548, %add3A_714 : vector<16xi32>
      tpu.vector_store_idx %arg10[%add3A_715], %gather3A_712 : memref<16384xf32, #tpu.memory_space<vmem>>[vector<16xi32>], vector<16xf32>,
      %add3A_716 = arith.constant 384 : i32
      %add3A_717 = vector.broadcast %add3A_716 : i32 to vector<16xi32>
      %add3A_718 = arith.addi %iota3A, %add3A_717 : vector<16xi32>
      %gather3A_719 = tpu.vector_load_idx %arg8[%add3A_718, %and3A_536] : memref<512x32xf32, #tpu.memory_space<vmem>>[vector<16xi32>, vector<16xi32>], vector<16xf32>,
      %add3A_720 = arith.constant 3072 : i32
      %add3A_721 = vector.broadcast %add3A_720 : i32 to vector<16xi32>
      %add3A_722 = arith.addi %add3A_548, %add3A_721 : vector<16xi32>
      tpu.vector_store_idx %arg10[%add3A_722], %gather3A_719 : memref<16384xf32, #tpu.memory_space<vmem>>[vector<16xi32>], vector<16xf32>,
      %add3A_723 = arith.constant 400 : i32
      %add3A_724 = vector.broadcast %add3A_723 : i32 to vector<16xi32>
      %add3A_725 = arith.addi %iota3A, %add3A_724 : vector<16xi32>
      %gather3A_726 = tpu.vector_load_idx %arg8[%add3A_725, %and3A_536] : memref<512x32xf32, #tpu.memory_space<vmem>>[vector<16xi32>, vector<16xi32>], vector<16xf32>,
      %add3A_727 = arith.constant 3088 : i32
      %add3A_728 = vector.broadcast %add3A_727 : i32 to vector<16xi32>
      %add3A_729 = arith.addi %add3A_548, %add3A_728 : vector<16xi32>
      tpu.vector_store_idx %arg10[%add3A_729], %gather3A_726 : memref<16384xf32, #tpu.memory_space<vmem>>[vector<16xi32>], vector<16xf32>,
      %add3A_730 = arith.constant 416 : i32
      %add3A_731 = vector.broadcast %add3A_730 : i32 to vector<16xi32>
      %add3A_732 = arith.addi %iota3A, %add3A_731 : vector<16xi32>
      %gather3A_733 = tpu.vector_load_idx %arg8[%add3A_732, %and3A_536] : memref<512x32xf32, #tpu.memory_space<vmem>>[vector<16xi32>, vector<16xi32>], vector<16xf32>,
      %add3A_734 = arith.constant 3104 : i32
      %add3A_735 = vector.broadcast %add3A_734 : i32 to vector<16xi32>
      %add3A_736 = arith.addi %add3A_548, %add3A_735 : vector<16xi32>
      tpu.vector_store_idx %arg10[%add3A_736], %gather3A_733 : memref<16384xf32, #tpu.memory_space<vmem>>[vector<16xi32>], vector<16xf32>,
      %add3A_737 = arith.constant 432 : i32
      %add3A_738 = vector.broadcast %add3A_737 : i32 to vector<16xi32>
      %add3A_739 = arith.addi %iota3A, %add3A_738 : vector<16xi32>
      %gather3A_740 = tpu.vector_load_idx %arg8[%add3A_739, %and3A_536] : memref<512x32xf32, #tpu.memory_space<vmem>>[vector<16xi32>, vector<16xi32>], vector<16xf32>,
      %add3A_741 = arith.constant 3120 : i32
      %add3A_742 = vector.broadcast %add3A_741 : i32 to vector<16xi32>
      %add3A_743 = arith.addi %add3A_548, %add3A_742 : vector<16xi32>
      tpu.vector_store_idx %arg10[%add3A_743], %gather3A_740 : memref<16384xf32, #tpu.memory_space<vmem>>[vector<16xi32>], vector<16xf32>,
      %add3A_744 = arith.constant 448 : i32
      %add3A_745 = vector.broadcast %add3A_744 : i32 to vector<16xi32>
      %add3A_746 = arith.addi %iota3A, %add3A_745 : vector<16xi32>
      %gather3A_747 = tpu.vector_load_idx %arg8[%add3A_746, %and3A_536] : memref<512x32xf32, #tpu.memory_space<vmem>>[vector<16xi32>, vector<16xi32>], vector<16xf32>,
      %add3A_748 = arith.constant 3136 : i32
      %add3A_749 = vector.broadcast %add3A_748 : i32 to vector<16xi32>
      %add3A_750 = arith.addi %add3A_548, %add3A_749 : vector<16xi32>
      tpu.vector_store_idx %arg10[%add3A_750], %gather3A_747 : memref<16384xf32, #tpu.memory_space<vmem>>[vector<16xi32>], vector<16xf32>,
      %add3A_751 = arith.constant 464 : i32
      %add3A_752 = vector.broadcast %add3A_751 : i32 to vector<16xi32>
      %add3A_753 = arith.addi %iota3A, %add3A_752 : vector<16xi32>
      %gather3A_754 = tpu.vector_load_idx %arg8[%add3A_753, %and3A_536] : memref<512x32xf32, #tpu.memory_space<vmem>>[vector<16xi32>, vector<16xi32>], vector<16xf32>,
      %add3A_755 = arith.constant 3152 : i32
      %add3A_756 = vector.broadcast %add3A_755 : i32 to vector<16xi32>
      %add3A_757 = arith.addi %add3A_548, %add3A_756 : vector<16xi32>
      tpu.vector_store_idx %arg10[%add3A_757], %gather3A_754 : memref<16384xf32, #tpu.memory_space<vmem>>[vector<16xi32>], vector<16xf32>,
      %add3A_758 = arith.constant 480 : i32
      %add3A_759 = vector.broadcast %add3A_758 : i32 to vector<16xi32>
      %add3A_760 = arith.addi %iota3A, %add3A_759 : vector<16xi32>
      %gather3A_761 = tpu.vector_load_idx %arg8[%add3A_760, %and3A_536] : memref<512x32xf32, #tpu.memory_space<vmem>>[vector<16xi32>, vector<16xi32>], vector<16xf32>,
      %add3A_762 = arith.constant 3168 : i32
      %add3A_763 = vector.broadcast %add3A_762 : i32 to vector<16xi32>
      %add3A_764 = arith.addi %add3A_548, %add3A_763 : vector<16xi32>
      tpu.vector_store_idx %arg10[%add3A_764], %gather3A_761 : memref<16384xf32, #tpu.memory_space<vmem>>[vector<16xi32>], vector<16xf32>,
      %add3A_765 = arith.constant 496 : i32
      %add3A_766 = vector.broadcast %add3A_765 : i32 to vector<16xi32>
      %add3A_767 = arith.addi %iota3A, %add3A_766 : vector<16xi32>
      %gather3A_768 = tpu.vector_load_idx %arg8[%add3A_767, %and3A_536] : memref<512x32xf32, #tpu.memory_space<vmem>>[vector<16xi32>, vector<16xi32>], vector<16xf32>,
      %add3A_769 = arith.constant 3184 : i32
      %add3A_770 = vector.broadcast %add3A_769 : i32 to vector<16xi32>
      %add3A_771 = arith.addi %add3A_548, %add3A_770 : vector<16xi32>
      tpu.vector_store_idx %arg10[%add3A_771], %gather3A_768 : memref<16384xf32, #tpu.memory_space<vmem>>[vector<16xi32>], vector<16xf32>,
    }
    %scan3A_409 = arith.constant 32 : i32
    %jit3A_410 = arith.constant 512 : i32
    %div3A_411 = arith.divsi %mul3A_2, %jit3A_410 : i32
    %sign3A_412 = arith.constant 0 : i32
    %sign3A_413 = arith.cmpi sgt, %mul3A_2, %sign3A_412 : i32
    %sign3A_414 = arith.extui %sign3A_413 : i1 to i32
    %sign3A_415 = arith.constant 0 : i32
    %sign3A_416 = arith.cmpi slt, %mul3A_2, %sign3A_415 : i32
    %sign3A_417 = arith.extui %sign3A_416 : i1 to i32
    %sign3A_418 = arith.subi %sign3A_414, %sign3A_417 : i32
    %sign3A_419 = arith.constant 0 : i32
    %sign3A_420 = arith.cmpi sgt, %jit3A_410, %sign3A_419 : i32
    %sign3A_421 = arith.extui %sign3A_420 : i1 to i32
    %sign3A_422 = arith.constant 0 : i32
    %sign3A_423 = arith.cmpi slt, %jit3A_410, %sign3A_422 : i32
    %sign3A_424 = arith.extui %sign3A_423 : i1 to i32
    %sign3A_425 = arith.subi %sign3A_421, %sign3A_424 : i32
    %ne3A_426 = arith.cmpi ne, %sign3A_418, %sign3A_425 : i32
    %rem3A_427 = arith.remsi %mul3A_2, %jit3A_410 : i32
    %ne3A_428 = arith.constant 0 : i32
    %ne3A_429 = arith.cmpi ne, %rem3A_427, %ne3A_428 : i32
    %and3A_430 = arith.andi %ne3A_426, %ne3A_429 : i1
    %sub3A_431 = arith.constant 1 : i32
    %sub3A_432 = arith.subi %div3A_411, %sub3A_431 : i32
    %select_n3A_433 = arith.select %and3A_430, %sub3A_432, %div3A_411 : i32
    %add3A_434 = arith.constant 199 : i32
    %add3A_435 = arith.addi %select_n3A_433, %add3A_434 : i32
    %jit3A_436 = arith.constant 32 : i32
    %div3A_437 = arith.divsi %add3A_435, %jit3A_436 : i32
    %sign3A_438 = arith.constant 0 : i32
    %sign3A_439 = arith.cmpi sgt, %add3A_435, %sign3A_438 : i32
    %sign3A_440 = arith.extui %sign3A_439 : i1 to i32
    %sign3A_441 = arith.constant 0 : i32
    %sign3A_442 = arith.cmpi slt, %add3A_435, %sign3A_441 : i32
    %sign3A_443 = arith.extui %sign3A_442 : i1 to i32
    %sign3A_444 = arith.subi %sign3A_440, %sign3A_443 : i32
    %sign3A_445 = arith.constant 0 : i32
    %sign3A_446 = arith.cmpi sgt, %jit3A_436, %sign3A_445 : i32
    %sign3A_447 = arith.extui %sign3A_446 : i1 to i32
    %sign3A_448 = arith.constant 0 : i32
    %sign3A_449 = arith.cmpi slt, %jit3A_436, %sign3A_448 : i32
    %sign3A_450 = arith.extui %sign3A_449 : i1 to i32
    %sign3A_451 = arith.subi %sign3A_447, %sign3A_450 : i32
    %ne3A_452 = arith.cmpi ne, %sign3A_444, %sign3A_451 : i32
    %rem3A_453 = arith.remsi %add3A_435, %jit3A_436 : i32
    %ne3A_454 = arith.constant 0 : i32
    %ne3A_455 = arith.cmpi ne, %rem3A_453, %ne3A_454 : i32
    %and3A_456 = arith.andi %ne3A_452, %ne3A_455 : i1
    %sub3A_457 = arith.constant 1 : i32
    %sub3A_458 = arith.subi %div3A_437, %sub3A_457 : i32
    %select_n3A_459 = arith.select %and3A_456, %sub3A_458, %div3A_437 : i32
    %jit3A_460 = arith.constant 32 : i32
    %eq3A_461 = arith.constant 0 : i32
    %eq3A_462 = arith.cmpi eq, %jit3A_460, %eq3A_461 : i32
    %jit3A_463 = arith.constant 1 : i32
    %select_n3A_464 = arith.select %eq3A_462, %jit3A_463, %jit3A_460 : i32
    %rem3A_465 = arith.remsi %add3A_435, %select_n3A_464 : i32
    %ne3A_466 = arith.constant 0 : i32
    %ne3A_467 = arith.cmpi ne, %rem3A_465, %ne3A_466 : i32
    %lt3A_468 = arith.constant 0 : i32
    %lt3A_469 = arith.cmpi slt, %rem3A_465, %lt3A_468 : i32
    %lt3A_470 = arith.constant 0 : i32
    %lt3A_471 = arith.cmpi slt, %select_n3A_464, %lt3A_470 : i32
    %ne3A_472 = arith.xori %lt3A_469, %lt3A_471 : i1
    %and3A_473 = arith.andi %ne3A_472, %ne3A_467 : i1
    %add3A_474 = arith.addi %rem3A_465, %select_n3A_464 : i32
    %select_n3A_475 = arith.select %and3A_473, %add3A_474, %rem3A_465 : i32
    %mul3A_476 = arith.constant 4096 : i32
    %mul3A_477 = arith.muli %select_n3A_475, %mul3A_476 : i32
    %multiple_of3A_478 = tpu.assume_multiple %mul3A_477, 1024 : i32
    %dma_start3A_479 = arith.constant 0 : i32
    %dma_start3A_480 = arith.constant 0 : i32
    %dma_start3A_481 = tpu.memref_slice %arg10[%dma_start3A_480] : memref<16384xf32, #tpu.memory_space<vmem>> -> memref<4096xf32, #tpu.memory_space<vmem>>
    %dma_start3A_482 = tpu.memref_slice %arg4[%select_n3A_459, %dma_start3A_479, %multiple_of3A_478] : memref<200x4x131072xf32, #tpu.memory_space<hbm>> -> memref<1x1x4096xf32, #tpu.memory_space<hbm>>
    %dma_start3A_483 = tpu.memref_squeeze %dma_start3A_482 : memref<1x1x4096xf32, #tpu.memory_space<hbm>> -> memref<4096xf32, #tpu.memory_space<hbm>>
    %dma_start3A_484 = tpu.memref_slice %arg4[%select_n3A_459, %dma_start3A_479, %multiple_of3A_478] : memref<200x4x131072xf32, #tpu.memory_space<hbm>> -> memref<1x1x4096xf32, #tpu.memory_space<hbm>>
    %dma_start3A_485 = tpu.memref_squeeze %dma_start3A_484 : memref<1x1x4096xf32, #tpu.memory_space<hbm>> -> memref<4096xf32, #tpu.memory_space<hbm>>
    %dma_start3A_486 = arith.constant 0 : i32
    %dma_start3A_487 = tpu.memref_slice %arg10[%dma_start3A_486] : memref<16384xf32, #tpu.memory_space<vmem>> -> memref<4096xf32, #tpu.memory_space<vmem>>
    tpu.enqueue_dma source(%dma_start3A_487 : memref<4096xf32, #tpu.memory_space<vmem>>) target(%dma_start3A_485 : memref<4096xf32, #tpu.memory_space<hbm>>) target_semaphore(%arg16 : memref<!tpu.dma_semaphore, #tpu.memory_space<semaphore_mem>>)
    %dma_start3A_488 = arith.constant 1 : i32
    %dma_start3A_489 = arith.constant 4096 : i32
    %dma_start3A_490 = tpu.memref_slice %arg10[%dma_start3A_489] : memref<16384xf32, #tpu.memory_space<vmem>> -> memref<4096xf32, #tpu.memory_space<vmem>>
    %dma_start3A_491 = tpu.memref_slice %arg4[%select_n3A_459, %dma_start3A_488, %multiple_of3A_478] : memref<200x4x131072xf32, #tpu.memory_space<hbm>> -> memref<1x1x4096xf32, #tpu.memory_space<hbm>>
    %dma_start3A_492 = tpu.memref_squeeze %dma_start3A_491 : memref<1x1x4096xf32, #tpu.memory_space<hbm>> -> memref<4096xf32, #tpu.memory_space<hbm>>
    %dma_start3A_493 = tpu.memref_slice %arg4[%select_n3A_459, %dma_start3A_488, %multiple_of3A_478] : memref<200x4x131072xf32, #tpu.memory_space<hbm>> -> memref<1x1x4096xf32, #tpu.memory_space<hbm>>
    %dma_start3A_494 = tpu.memref_squeeze %dma_start3A_493 : memref<1x1x4096xf32, #tpu.memory_space<hbm>> -> memref<4096xf32, #tpu.memory_space<hbm>>
    %dma_start3A_495 = arith.constant 4096 : i32
    %dma_start3A_496 = tpu.memref_slice %arg10[%dma_start3A_495] : memref<16384xf32, #tpu.memory_space<vmem>> -> memref<4096xf32, #tpu.memory_space<vmem>>
    tpu.enqueue_dma source(%dma_start3A_496 : memref<4096xf32, #tpu.memory_space<vmem>>) target(%dma_start3A_494 : memref<4096xf32, #tpu.memory_space<hbm>>) target_semaphore(%arg16 : memref<!tpu.dma_semaphore, #tpu.memory_space<semaphore_mem>>)
    %dma_start3A_497 = arith.constant 2 : i32
    %dma_start3A_498 = arith.constant 8192 : i32
    %dma_start3A_499 = tpu.memref_slice %arg10[%dma_start3A_498] : memref<16384xf32, #tpu.memory_space<vmem>> -> memref<4096xf32, #tpu.memory_space<vmem>>
    %dma_start3A_500 = tpu.memref_slice %arg4[%select_n3A_459, %dma_start3A_497, %multiple_of3A_478] : memref<200x4x131072xf32, #tpu.memory_space<hbm>> -> memref<1x1x4096xf32, #tpu.memory_space<hbm>>
    %dma_start3A_501 = tpu.memref_squeeze %dma_start3A_500 : memref<1x1x4096xf32, #tpu.memory_space<hbm>> -> memref<4096xf32, #tpu.memory_space<hbm>>
    %dma_start3A_502 = tpu.memref_slice %arg4[%select_n3A_459, %dma_start3A_497, %multiple_of3A_478] : memref<200x4x131072xf32, #tpu.memory_space<hbm>> -> memref<1x1x4096xf32, #tpu.memory_space<hbm>>
    %dma_start3A_503 = tpu.memref_squeeze %dma_start3A_502 : memref<1x1x4096xf32, #tpu.memory_space<hbm>> -> memref<4096xf32, #tpu.memory_space<hbm>>
    %dma_start3A_504 = arith.constant 8192 : i32
    %dma_start3A_505 = tpu.memref_slice %arg10[%dma_start3A_504] : memref<16384xf32, #tpu.memory_space<vmem>> -> memref<4096xf32, #tpu.memory_space<vmem>>
    tpu.enqueue_dma source(%dma_start3A_505 : memref<4096xf32, #tpu.memory_space<vmem>>) target(%dma_start3A_503 : memref<4096xf32, #tpu.memory_space<hbm>>) target_semaphore(%arg16 : memref<!tpu.dma_semaphore, #tpu.memory_space<semaphore_mem>>)
    %dma_start3A_506 = arith.constant 3 : i32
    %dma_start3A_507 = arith.constant 12288 : i32
    %dma_start3A_508 = tpu.memref_slice %arg10[%dma_start3A_507] : memref<16384xf32, #tpu.memory_space<vmem>> -> memref<4096xf32, #tpu.memory_space<vmem>>
    %dma_start3A_509 = tpu.memref_slice %arg4[%select_n3A_459, %dma_start3A_506, %multiple_of3A_478] : memref<200x4x131072xf32, #tpu.memory_space<hbm>> -> memref<1x1x4096xf32, #tpu.memory_space<hbm>>
    %dma_start3A_510 = tpu.memref_squeeze %dma_start3A_509 : memref<1x1x4096xf32, #tpu.memory_space<hbm>> -> memref<4096xf32, #tpu.memory_space<hbm>>
    %dma_start3A_511 = tpu.memref_slice %arg4[%select_n3A_459, %dma_start3A_506, %multiple_of3A_478] : memref<200x4x131072xf32, #tpu.memory_space<hbm>> -> memref<1x1x4096xf32, #tpu.memory_space<hbm>>
    %dma_start3A_512 = tpu.memref_squeeze %dma_start3A_511 : memref<1x1x4096xf32, #tpu.memory_space<hbm>> -> memref<4096xf32, #tpu.memory_space<hbm>>
    %dma_start3A_513 = arith.constant 12288 : i32
    %dma_start3A_514 = tpu.memref_slice %arg10[%dma_start3A_513] : memref<16384xf32, #tpu.memory_space<vmem>> -> memref<4096xf32, #tpu.memory_space<vmem>>
    tpu.enqueue_dma source(%dma_start3A_514 : memref<4096xf32, #tpu.memory_space<vmem>>) target(%dma_start3A_512 : memref<4096xf32, #tpu.memory_space<hbm>>) target_semaphore(%arg16 : memref<!tpu.dma_semaphore, #tpu.memory_space<semaphore_mem>>)
    %dma_wait3A_515 = arith.constant 0 : i32
    %dma_wait3A_516 = arith.constant 0 : i32
    %dma_wait3A_517 = arith.constant 0 : i32
    %dma_wait3A_518 = tpu.memref_slice %arg4[%dma_wait3A_515, %dma_wait3A_516, %dma_wait3A_517] : memref<200x4x131072xf32, #tpu.memory_space<hbm>> -> memref<1x1x16384xf32, #tpu.memory_space<hbm>>
    %dma_wait3A_519 = tpu.memref_squeeze %dma_wait3A_518 : memref<1x1x16384xf32, #tpu.memory_space<hbm>> -> memref<16384xf32, #tpu.memory_space<hbm>>
    %dma_wait3A_520 = arith.constant 0 : i32
    %dma_wait3A_521 = tpu.memref_slice %arg4[%dma_wait3A_515, %dma_wait3A_516, %dma_wait3A_520] : memref<200x4x131072xf32, #tpu.memory_space<hbm>> -> memref<1x1x16384xf32, #tpu.memory_space<hbm>>
    %dma_wait3A_522 = tpu.memref_squeeze %dma_wait3A_521 : memref<1x1x16384xf32, #tpu.memory_space<hbm>> -> memref<16384xf32, #tpu.memory_space<hbm>>
    tpu.wait_dma2 semaphore(%arg15 : memref<!tpu.dma_semaphore, #tpu.memory_space<semaphore_mem>>) src(%arg9 : memref<16384xf32, #tpu.memory_space<vmem>>) dst(%dma_wait3A_522 : memref<16384xf32, #tpu.memory_space<hbm>>)
    %dma_wait3A_523 = arith.constant 0 : i32
    %dma_wait3A_524 = arith.constant 0 : i32
    %dma_wait3A_525 = arith.constant 0 : i32
    %dma_wait3A_526 = tpu.memref_slice %arg4[%dma_wait3A_523, %dma_wait3A_524, %dma_wait3A_525] : memref<200x4x131072xf32, #tpu.memory_space<hbm>> -> memref<1x1x16384xf32, #tpu.memory_space<hbm>>
    %dma_wait3A_527 = tpu.memref_squeeze %dma_wait3A_526 : memref<1x1x16384xf32, #tpu.memory_space<hbm>> -> memref<16384xf32, #tpu.memory_space<hbm>>
    %dma_wait3A_528 = arith.constant 0 : i32
    %dma_wait3A_529 = tpu.memref_slice %arg4[%dma_wait3A_523, %dma_wait3A_524, %dma_wait3A_528] : memref<200x4x131072xf32, #tpu.memory_space<hbm>> -> memref<1x1x16384xf32, #tpu.memory_space<hbm>>
    %dma_wait3A_530 = tpu.memref_squeeze %dma_wait3A_529 : memref<1x1x16384xf32, #tpu.memory_space<hbm>> -> memref<16384xf32, #tpu.memory_space<hbm>>
    tpu.wait_dma2 semaphore(%arg16 : memref<!tpu.dma_semaphore, #tpu.memory_space<semaphore_mem>>) src(%arg10 : memref<16384xf32, #tpu.memory_space<vmem>>) dst(%dma_wait3A_530 : memref<16384xf32, #tpu.memory_space<hbm>>)
    return
  }
}

</mosaic_0001>

<sc_bundles>
// kernel: kernel.3.cloned.1.call-start
scs
__scs_entry_jumppad:
0x0: {  	(pc) =	sbr.rel $0x88, $3  }
0x1: {  	(tag) =	ssettag $0x0;
	lr =	simm.s32 $0x1  }
0x2: {  	[smem:$0x3F9F] =	sst lr;
	_ =	strace $0xD0000000  }
0x3: {  	_ = 	snop  }
0x4: {  	_ = 	snop  }
0x5: {  	_ = 	snop  }
0x6: {  	_ = 	snop  }
0x7: {  	_ = 	snop  }
__scs_overlays_trampoline_lowered:
0x8: {  	[smem:$0x3FAE] =	sst s0  }
0x9: {  	[smem:$0x3FAF] =	sst s1  }
0xa: {  	[smem:$0x3FB0] =	sst s2  }
0xb: {  	[smem:$0x3FB1] =	sst s3  }
0xc: {  	[smem:$0x3FB2] =	sst s4  }
0xd: {  	[smem:$0x3FB3] =	sst s5  }
0xe: {  	[smem:$0x3FB4] =	sst s6  }
0xf: {  	[smem:$0x3FB5] =	sst s7  }
0x10: {  	[smem:$0x3FB6] =	sst s8  }
0x11: {  	[smem:$0x3FB7] =	sst s9;
	s0 =	simm.s32 @!p0 $0x0  }
0x12: {  	s1 =	sld [smem:$0x3F9D];
	s0 =	simm.s32 @p0 $0x1  }
0x13: {  	[smem:$0x3FB8] =	sst s0;
	s0 =	simm.s32 @!p1 $0x0  }
0x14: {  	s2 =	sld [smem:$0x3F9C];
	s0 =	simm.s32 @p1 $0x1  }
0x15: {  	[smem:$0x3FB9] =	sst s0;
	s0 =	simm.s32 @!p2 $0x0  }
0x16: {  	s3 =	sld [smem:$0x3FDB];
	s0 =	simm.s32 @p2 $0x1  }
0x17: {  	s4 =	simm.s32 $0x1BF5;
	[smem:$0x3FBB] =	sst s0  }
0x18: {  	s0 =	sld [smem:$0x3F9E];
	_ =	swait.ge [sflag:s4], $0x0  }
0x19: {  	s7 =	sld [smem:$0x3F9F]  }
0x1a: {  	s8 =	sadd.s32 $0xFFFFE003, lr  }
0x1b: {  	s9 =	sadd.s32 $0xFFFFFEF7, lr;
	s5 =	simm.s32 $0xFFFFFFFF;
	p2 =	slt.u32 s8, $0xFFFFF086  }
0x1c: {  	p1 =	slt.u32 s9, $0xF7A;
	s5 =	simm.s32 @!p2 $0x0  }
0x1d: {  	s5 =	simm.s32 @p1 $0x1;
	p0 =	seq.s32 s7, s2  }
0x1e: {  	s7 =	smul.u32 @!p0 $0xF7A, s2;
	p2 =	seq.s32 @!p0 s5, $0x0  }
0x1f: {  	s9 =	smul.u32 $0xF7A, s1;
	s8 =	simm.s32 @!p0 $0x1BF5;
	p2 =	por !p2, p0  }
0x20: {  	[sflag:s8] =	ssyncset.s32 @!p0 $0xFFFFF086;
	s6 =	sadd.s32 @!p0 s3, s7;
	s7 =	simm.s32 @!p0 $0x108  }
0x21: {  	s3 =	sadd.s32 s3, s9;
	s6 =	sadd.s32 @!p0 $0x88, s6;
	s7 =	simm.s32 @p2 $0x1082  }
0x22: {  	[simem:s7], [sflag:s8] =	dma.local @!p0 [hbm:s6], $0xF7A  }
0x23: {  	s9 =	sor.u32 $0xD0000000, s2;
	s6 =	simm.s32 $0x108;
	_ =	swait.ge @!p0 [sflag:s8], $0x0  }
0x24: {  	s3 =	sadd.s32 $0x88, s3;
	s6 =	simm.s32 @!p1 $0x1082;
	[sflag:s4] =	ssyncset.s32 $0xFFFFF086  }
0x25: {  	[simem:s6], [sflag:s4] =	dma.local [hbm:s3], $0xF7A  }
0x26: {  	[smem:$0x3F9F] =	sst s1;
	(tag) =	ssettag s2;
	_ =	strace s9  }
0x27: {  	s1 =	sld [smem:$0x3FAF]  }
0x28: {  	s2 =	sld [smem:$0x3FB0]  }
0x29: {  	s4 =	sld [smem:$0x3FB2]  }
0x2a: {  	p0 =	seq.s32 s5, $0x0;
	s5 =	sld [smem:$0x3FB3]  }
0x2b: {  	s6 =	sld [smem:$0x3FB4]  }
0x2c: {  	s7 =	sld [smem:$0x3FB5]  }
0x2d: {  	s3 =	simm.s32 $0x108;
	s8 =	sld [smem:$0x3FB6]  }
0x2e: {  	s3 =	simm.s32 @!p0 $0x1082;
	s9 =	sld [smem:$0x3FB7]  }
0x2f: {  	lr =	sadd.s32 s0, s3;
	s0 =	sld [smem:$0x3FAE]  }
0x30: {  	s3 =	sld [smem:$0x3FB1]  }
0x31: {  	[smem:$0x3FBA] =	sst s10  }
0x32: {  	s10 =	sld [smem:$0x3FB8];
	_ =	sdelay $0x3  }
0x33: {  	p0 =	seq.s32 s10, $0x1;
	s10 =	sld [smem:$0x3FBA];
	_ =	sdelay $0x3  }
0x34: {  	[smem:$0x3FBA] =	sst s10  }
0x35: {  	s10 =	sld [smem:$0x3FB9];
	_ =	sdelay $0x3  }
0x36: {  	p1 =	seq.s32 s10, $0x1;
	s10 =	sld [smem:$0x3FBA];
	_ =	sdelay $0x3  }
0x37: {  	[smem:$0x3FBA] =	sst s10  }
0x38: {  	s10 =	sld [smem:$0x3FBB]  }
0x39: {  	_ = 	snop;
	(pc) =	sbr.ind lr, $3  }
0x3a: {  	_ = 	snop  }
0x3b: {  	_ = 	snop  }
0x3c: {  	p2 =	seq.s32 s10, $0x1;
	s10 =	sld [smem:$0x3FBA]  }
0x3d: {  	_ =	shalt  }
0x3e: {  	_ =	shalt  }
0x3f: {  	_ =	shalt  }
0x40: {  	_ =	shalt  }
0x41: {  	_ =	shalt  }
0x42: {  	_ =	shalt  }
0x43: {  	_ =	shalt  }
0x44: {  	_ =	shalt  }
0x45: {  	_ =	shalt  }
0x46: {  	_ =	shalt  }
0x47: {  	_ =	shalt  }
0x48: {  	_ =	shalt  }
0x49: {  	_ =	shalt  }
0x4a: {  	_ =	shalt  }
0x4b: {  	_ =	shalt  }
0x4c: {  	_ =	shalt  }
0x4d: {  	_ =	shalt  }
0x4e: {  	_ =	shalt  }
0x4f: {  	_ =	shalt  }
0x50: {  	_ =	shalt  }
0x51: {  	_ =	shalt  }
0x52: {  	_ =	shalt  }
0x53: {  	_ =	shalt  }
0x54: {  	_ =	shalt  }
0x55: {  	_ =	shalt  }
0x56: {  	_ =	shalt  }
0x57: {  	_ =	shalt  }
0x58: {  	_ =	shalt  }
0x59: {  	_ =	shalt  }
0x5a: {  	_ =	shalt  }
0x5b: {  	_ =	shalt  }
0x5c: {  	_ =	shalt  }
0x5d: {  	_ =	shalt  }
0x5e: {  	_ =	shalt  }
0x5f: {  	_ =	shalt  }
0x60: {  	_ =	shalt  }
0x61: {  	_ =	shalt  }
0x62: {  	_ =	shalt  }
0x63: {  	_ =	shalt  }
0x64: {  	_ =	shalt  }
0x65: {  	_ =	shalt  }
0x66: {  	_ =	shalt  }
0x67: {  	_ =	shalt  }
0x68: {  	_ =	shalt  }
0x69: {  	_ =	shalt  }
0x6a: {  	_ =	shalt  }
0x6b: {  	_ =	shalt  }
0x6c: {  	_ =	shalt  }
0x6d: {  	_ =	shalt  }
0x6e: {  	_ =	shalt  }
0x6f: {  	_ =	shalt  }
0x70: {  	_ =	shalt  }
0x71: {  	_ =	shalt  }
0x72: {  	_ =	shalt  }
0x73: {  	_ =	shalt  }
0x74: {  	_ =	shalt  }
0x75: {  	_ =	shalt  }
0x76: {  	_ =	shalt  }
0x77: {  	_ =	shalt  }
0x78: {  	_ =	shalt  }
0x79: {  	_ =	shalt  }
0x7a: {  	_ =	shalt  }
0x7b: {  	_ =	shalt  }
0x7c: {  	_ =	shalt  }
0x7d: {  	_ =	shalt  }
0x7e: {  	_ =	shalt  }
0x7f: {  	_ =	shalt  }
0x80: {  	_ =	shalt  }
0x81: {  	_ =	shalt  }
0x82: {  	_ =	shalt  }
0x83: {  	_ =	shalt  }
0x84: {  	_ =	shalt  }
0x85: {  	_ =	shalt  }
0x86: {  	_ =	shalt  }
0x87: {  	_ =	shalt  }
.Lfunc_end0:
.L_simem_size_0:
called_computation_lowered:
.L_overlay_start_0:
0x88: {  	s2 =	sld [smem:$0x3FD9]  }
0x89: {  	s3 =	sld [smem:$0x3FFE];
	_ =	sdelay $0x1  }
0x8a: {  	s1 =	srdreg.scid  }
0x8b: {  	s0 =	sand.u32 $0x1, s1  }
0x8c: {  	s17 =	sshll.u32 s0, $0xA;
	s2 =	sadd.s32 s3, s2  }
0x8d: {  	s2 =	sadd.s32 s2, s17  }
0x8e: {  	[smem:$0x3FC6] =	sst s2  }
0x8f: {  	_ = 	snop  }
0x90: {  	s2 =	sld [smem:$0x3FD0];
	(tm) =	ssettm $0x1  }
0x91: {  	s18 =	sld [smem:$0x3FFB];
	_ =	sdelay $0x3  }
0x92: {  	_ =	strace s18  }
0x93: {  	s3 =	sld [smem:$0x3FFC];
	_ =	sdelay $0x3  }
0x94: {  	_ =	strace s3  }
0x95: {  	s3 =	sld [smem:$0x3FFD];
	_ =	sdelay $0x3  }
0x96: {  	_ =	strace s3  }
0x97: {  	_ =	strace $0x8FFFFFFF  }
0x98: {  	s19 =	sld [smem:$0x3FDB];
	_ =	sdelay $0x1  }
0x99: {  	s4 =	simm.s32 $_scs_section_size  }
0x9a: {  	s5 =	simm.s32 $_size__tile_overlayer_lowered;
	s6 =	simm.s32 $_tile_overlayer_lowered  }
0x9b: {  	s22 =	simm.s32 $0x1BFF;
	s21 =	sshll.u32 s6, $0x1;
	s3 =	sadd.s32 s4, s19  }
0x9c: {  	s7 =	simm.s32 $0x0;
	s20 =	sshll.u32 s5, $0x1;
	s5 =	sadd.s32 s21, s3  }
0x9d: {  	[timem:s7], [sflag:s22] =	dma.local [hbm:s5], s20  }
0x9e: {  	_ =	swait.ge [sflag:s22], s20  }
0x9f: {  	s4 =	ssub.s32 $0x0, s20;
	[sflag:s22] =	ssyncset.done $0x0  }
0xa0: {  	[sflag:s22] =	ssyncadd.s32 s4;
	_ =	sdelay $0x1  }
0xa1: {  	s23 =	simm.s32 $0x1B8B  }
0xa2: {  	_ =	swait.ge [sflag:s23], $0x1  }
0xa3: {  	[sflag:s23] =	ssyncset.done $0x0  }
0xa4: {  	s25 =	simm.s32 $0x1B8E;
	s24 =	sld [smem:$0x3FFE];
	[sflag:s23] =	ssyncadd.s32 $0xFFFFFFFF  }
0xa5: {  	s26 =	simm.s32 $execute0_lowered;
	[smem:$0x3FD2] =	sst s25  }
0xa6: {  	s5 =	sshll.u32 s26, $0x1;
	_ =	strace $0x80000046;
	[dreg:$0x1] =	wrdreg $0xFFFFFFFF  }
0xa7: {  	s28 =	simm.s32 $_size_execute0_lowered;
	s3 =	sadd.s32 s3, s5;
	[dreg:$0x0] =	wrdreg $0x0  }
0xa8: {  	s5 =	sshll.u32 s28, $0x1;
	[dreg:$0x2] =	wrdreg s3  }
0xa9: {  	[dreg:$0x3] =	wrdreg s5  }
0xaa: {  	[dreg:$0x4] =	wrdreg $0xC0  }
0xab: {  	_ =	task [dreg:s7], $0x5FFFF  }
0xac: {  	[dreg:$0x1] =	wrdreg $0xFFFFFFFF  }
0xad: {  	[dreg:$0x0] =	wrdreg $0x60  }
0xae: {  	[dreg:$0x2] =	wrdreg s24  }
0xaf: {  	[dreg:$0x3] =	wrdreg s2  }
0xb0: {  	[dreg:$0x4] =	wrdreg $0x9  }
0xb1: {  	_ =	task.clear_ibuf [dreg:s7], $0x5FFFF;
	_ =	strace $0x90000046  }
0xb2: {  	s29 =	simm.s32 $0x9;
	_ =	strace $0x80000048  }
0xb3: {  	_ =	swait.ge [sflag:s29], $0x1  }
0xb4: {  	[sflag:s29] =	ssyncadd.s32 $0xFFFFFFFF  }
0xb5: {  	_ =	strace $0x90000048  }
0xb6: {  	_ =	sfence  }
0xb7: {  	s30 =	sld [smem:$0x0];
	_ =	sdelay $0x2  }
0xb8: {  	s31 =	sshll.u32 s1, $0xD;
	s1 =	sshrl.u32 s1, $0x2  }
0xb9: {  	s3 =	sand.u32 $0x4000, s31;
	s1 =	sadd.s32 s1, s30  }
0xba: {  	s0 =	sor.u32 s3, s0;
	s1 =	sshll.u32 s1, $0x11  }
0xbb: {  	s0 =	sor.u32 s1, s0  }
0xbc: {  	s0 =	sadd.s32 $0x8F2B, s0  }
0xbd: {  	[sflag:s0] =	ssyncadd.remote.s32 $0x1  }
0xbe: {  	_ =	sfence.sel $0xFFFF  }
0xbf: {  	[dreg:$0x0] =	wrdreg $0xFFFFFFFF;
	(pc) =	sbr.abs _section_cstart, $3  }
0xc0: {  	[dreg:$0x1] =	wrdreg $0xFFFFFFFF  }
0xc1: {  	_ =	task.clear_ibuf [dreg:s7], $0x2FFFF;
	_ =	strace $0x9FFFFFFF  }
0xc2: {  	(tm) =	ssettm $0x7FFFFFFF  }
0xc3: {  	_ =	shalt  }
tec
execute0_lowered:
.L_overlay_start_1:
0x0: {  	(tag) =	ssettag $0x1  }
0x1: {  	s0 =	srdreg.scid;
	s6 =	rddreg [dreg:$0x0]  }
0x2: {  	s1 =	stileid.u32;
	s2 =	rddreg [dreg:$0x1];
	s4 =	simm.s32 $0x0  }
0x3: {  	s9 =	simm.s32 $0x1;
	s0 =	sand.u32 $0x1, s0;
	s1 =	sshll.u32 s1, $0x1  }
0x4: {  	s28 =	simm.s32 $0xF400;
	s29 =	simm.s32 $0x5;
	s7 =	sor.u32 s0, s1  }
0x5: {  	s30 =	simm.s32 $0x6;
	[smem:$0x7FF] =	sst s4;
	s1 =	smul.u32 $0x19000, s7  }
0x6: {  	s5 =	sadd.s32 $0x600, s6;
	s6 =	sadd.s32 $0xF42A00, s6;
	s12 =	sadd.s32 $0xC000, s2  }
0x7: {  	_ =	strace $0x80000047;
	s0 =	ssub.s32 $0x2, s0;
	s3 =	sshrl.u32 s1, $0x9  }
0x8: {  	p0 =	seq.s32 s7, $0x0;
	s11 =	sshrl.u32 s0, $0x1;
	s8 =	sand.u32 $0x18, s3  }
0x9: {  	s19 =	smul.u32 $0x320000, s7;
	s7 =	sshll.u32 s7, $0xF;
	p1 =	sne.s32 s8, $0x0  }
0xa: {  	s0 =	ssub.s32 s0, s11;
	s7 =	sand.u32 $0x18000, s7;
	p0 =	por !p0, !p1  }
0xb: {  	s11 =	sadd.s32 $0x8000, s2;
	s10 =	sshrl.u32 s1, $0xE;
	p0 =	por !p0, !p0  }
0xc: {  	s18 =	sshrl.u32 s1, $0x3;
	s0 =	smax.u32 s0, $0x1;
	s9 =	simm.s32 @!p0 $0x0  }
0xd: {  	v0 =	vlaneseq.u32;
	s13 =	sadd.s32 s5, s18;
	s14 =	sadd.s32 $0xC7, s3;
	s9 =	ssub.s32 s10, s9  }
0xe: {  	v60 =	vor.u32 $0x10, v0;
	[dreg:$0x14] =	wrdreg s0;
	s8 =	sshll.u32 s8, $0xC;
	s9 =	sshll.u32 s9, $0x13  }
0xf: {  	v62 =	vor.u32 $0x20, v0;
	[tilespmem:$0x1FE90] =	vst v60;
	s0 =	simm.s32 $0x1;
	s15 =	sshll.u32 s14, $0x9;
	s8 =	sor.u32 s8, s9  }
0x10: {  	v12 =	vor.u32 $0x30, v0;
	[tilespmem:$0x1FEB0] =	vst v62;
	[dreg:$0x3] =	wrdreg s13;
	s9 =	sand.u32 $0x7F80000, s19;
	s20 =	sshrl.u32 s8, $0x3  }
0x11: {  	v14 =	vor.u32 $0x40, v0;
	[tilespmem:$0x1FED0] =	vst v12;
	s19 =	sor.u32 $0x400, s1;
	s8 =	sadd.s32 $0x4000, s2;
	s21 =	sadd.s32 s2, s20  }
0x12: {  	v16 =	vor.u32 $0x50, v0;
	[tilespmem:$0x1FEE0] =	vst v14;
	s7 =	sor.u32 s9, s7;
	s22 =	sadd.s32 s20, s8;
	[dreg:$0x4] =	wrdreg s21  }
0x13: {  	v18 =	vor.u32 $0x60, v0;
	[tilespmem:$0x1FEF0] =	vst v16;
	s7 =	sshrl.u32 s7, $0x3;
	s23 =	sadd.s32 s20, s11;
	[dreg:$0x5] =	wrdreg s22  }
0x14: {  	v1 =	vmul.u32 $0x20, v0;
	v20 =	vor.u32 $0x70, v0;
	v7 =	vor.u32 $0x400, v0;
	[tilespmem:$0x1FF00] =	vst v18;
	s24 =	sadd.s32 s20, s12;
	[dreg:$0x6] =	wrdreg s23;
	s7 =	sor.u32 $0x200, s7  }
0x15: {  	v22 =	vor.u32 $0x410, v0;
	v24 =	vor.u32 $0x420, v0;
	v10 =	vor.u32 $0x430, v0;
	[tilespmem:$0x1FF10] =	vst v20;
	s9 =	sadd.s32 $0xC6, s3;
	[dreg:$0x7] =	wrdreg s24;
	s25 =	sadd.s32 s2, s7  }
0x16: {  	v25 =	vor.u32 $0x440, v0;
	v27 =	vor.u32 $0x450, v0;
	v29 =	vor.u32 $0x460, v0;
	[tilespmem:$0x1FF20] =	vst v7;
	s20 =	sor.u32 $0x600, s1;
	s26 =	sadd.s32 s7, s8;
	[dreg:$0x8] =	wrdreg s25  }
0x17: {  	v31 =	vor.u32 $0x470, v0;
	v33 =	vor.u32 $0x800, v0;
	v35 =	vor.u32 $0x810, v0;
	[tilespmem:$0x1FF30] =	vst v22;
	s10 =	sshll.u32 s9, $0x9;
	s31 =	sadd.s32 s7, s11;
	[dreg:$0x9] =	wrdreg s26  }
0x18: {  	v37 =	vor.u32 $0x820, v0;
	v39 =	vor.u32 $0x830, v0;
	v41 =	vor.u32 $0x840, v0;
	[tilespmem:$0x1FF40] =	vst v24;
	s1 =	sand.u32 $0x3C00, s10;
	s7 =	sadd.s32 s7, s12;
	[dreg:$0xa] =	wrdreg s31  }
0x19: {  	v43 =	vor.u32 $0x850, v0;
	v45 =	vor.u32 $0x860, v0;
	v47 =	vor.u32 $0x870, v0;
	[tilespmem:$0x1FF50] =	vst v10;
	s10 =	simm.s32 $0x200;
	[dreg:$0xb] =	wrdreg s7;
	s7 =	sshll.u32 s9, $0xB  }
0x1a: {  	v49 =	vor.u32 $0xC00, v0;
	v51 =	vor.u32 $0xC10, v0;
	v2 =	vor.u32 $0x200, v1;
	[tilespmem:$0x1FFF0] =	vst v1;
	s9 =	sshll.u32 s14, $0xB;
	s25 =	sadd.s32 $0x40, s13;
	s26 =	sadd.s32 $0x80, s13  }
0x1b: {  	v53 =	vor.u32 $0xC20, v0;
	v55 =	vor.u32 $0xC30, v0;
	v61 =	vor.u32 $0x400, v1;
	[tilespmem:$0x1FE80] =	vst v2;
	s31 =	sadd.s32 $0xC0, s13;
	s7 =	sand.u32 $0xFFF0000, s7;
	[dreg:$0x15] =	wrdreg s25  }
0x1c: {  	v57 =	vor.u32 $0xC40, v0;
	v59 =	vor.u32 $0xC50, v0;
	v63 =	vor.u32 $0x600, v1;
	[tilespmem:$0x1FEA0] =	vst v61;
	s13 =	simm.s32 $0x400;
	[dreg:$0x16] =	wrdreg s26;
	s1 =	sor.u32 s1, s7  }
0x1d: {  	v13 =	vor.u32 $0x800, v1;
	v15 =	vor.u32 $0xA00, v1;
	v17 =	vor.u32 $0xC00, v1;
	[tilespmem:$0x1FEC0] =	vst v63;
	s14 =	simm.s32 $0x3;
	[dreg:$0x17] =	wrdreg s31;
	s16 =	sadd.s32 s2, s1  }
0x1e: {  	v19 =	vor.u32 $0xE00, v1;
	v21 =	vor.u32 $0x1000, v1;
	v8 =	vor.u32 $0x1200, v1;
	[tilespmem:$0x1FF60] =	vst v13;
	s9 =	sand.u32 $0xFFF0000, s9;
	s17 =	sadd.s32 s1, s8;
	[dreg:$0xc] =	wrdreg s16  }
0x1f: {  	v23 =	vor.u32 $0x1400, v1;
	v9 =	vor.u32 $0x1600, v1;
	v11 =	vor.u32 $0x1800, v1;
	[tilespmem:$0x1FF70] =	vst v15;
	s7 =	sand.u32 $0x3E00, s15;
	s18 =	sadd.s32 s1, s11;
	[dreg:$0xd] =	wrdreg s17  }
0x20: {  	v26 =	vor.u32 $0x1A00, v1;
	v28 =	vor.u32 $0x1C00, v1;
	v30 =	vor.u32 $0x1E00, v1;
	[tilespmem:$0x1FF80] =	vst v17;
	s7 =	sor.u32 s7, s9;
	s1 =	sadd.s32 s1, s12;
	[dreg:$0xe] =	wrdreg s18  }
0x21: {  	v32 =	vor.u32 $0x2000, v1;
	v34 =	vor.u32 $0x2200, v1;
	v36 =	vor.u32 $0x2400, v1;
	[tilespmem:$0x1FF90] =	vst v19;
	s25 =	simm.s32 $0xD400;
	[dreg:$0xf] =	wrdreg s1;
	s21 =	sadd.s32 s2, s7  }
0x22: {  	v38 =	vor.u32 $0x2600, v1;
	v40 =	vor.u32 $0x2800, v1;
	v42 =	vor.u32 $0x2A00, v1;
	[tilespmem:$0x1FFA0] =	vst v21;
	s26 =	simm.s32 $0xE400;
	s22 =	sadd.s32 s7, s8;
	[dreg:$0x10] =	wrdreg s21  }
0x23: {  	v44 =	vor.u32 $0x2C00, v1;
	v46 =	vor.u32 $0x2E00, v1;
	v48 =	vor.u32 $0x3000, v1;
	[tilespmem:$0x1FFB0] =	vst v8;
	s15 =	simm.s32 $0x2;
	s23 =	sadd.s32 s7, s11;
	[dreg:$0x11] =	wrdreg s22  }
0x24: {  	v50 =	vor.u32 $0x3200, v1;
	v52 =	vor.u32 $0x3400, v1;
	v54 =	vor.u32 $0x3600, v1;
	[tilespmem:$0x1FFC0] =	vst v23;
	s24 =	sadd.s32 s7, s12;
	s16 =	simm.s32 $0x4400;
	[dreg:$0x12] =	wrdreg s23  }
0x25: {  	v56 =	vor.u32 $0x3800, v1;
	v58 =	vor.u32 $0x3A00, v1;
	v60 =	vor.u32 $0x3C00, v1;
	[tilespmem:$0x1FFD0] =	vst v9;
	s17 =	simm.s32 $0x8400;
	s7 =	simm.s32 $0x0;
	[dreg:$0x13] =	wrdreg s24  }
0x26: {  	v6 =	vmovc v1;
	v62 =	vor.u32 $0x3E00, v1;
	v61 =	vor.u32 $0xC60, v0;
	v63 =	vor.u32 $0xC70, v0;
	[tilespmem:$0x1FFE0] =	vst v11;
	s23 =	simm.s32 $0x4;
	s24 =	simm.s32 $0xC400;
	s21 =	simm.s32 $0x0  }
.LBB2_1:
0x27: {  	[dreg:$0x18] =	wrdreg s7  }
0x28: {  	s1 =	rddreg [dreg:$0x3]  }
0x29: {  	[tilespmem:s4], [sflag:$0x1] =	stream.linear.gather [hbm4b:s1+s4], $0x200, $0x38;
	[tilespmem:$0x10400] =	vst v63  }
0x2a: {  	s18 =	rddreg [dreg:$0x15]  }
0x2b: {  	[tilespmem:s10], [sflag:$0x2] =	stream.linear.gather [hbm4b:s18+s4], $0x200, $0x38;
	[tilespmem:$0x10400] =	vst v63  }
0x2c: {  	_ =	swait.ge [sflag:s0], $0x200  }
0x2d: {  	[sflag:s0] =	ssyncset.done $0x0  }
0x2e: {  	[sflag:s0] =	ssyncadd.s32 $0xFFFFFE00  }
0x2f: {  	[tilespmem:s13], [sflag:$0x3] =	stream.indirect.gather [hbm4b:s6+s10], $0x20, s4, s10, $0xb8;
	[tilespmem:$0x10400] =	vst v63  }
0x30: {  	_ =	swait.ge [sflag:s14], $0x4000  }
0x31: {  	v4 =	vlaneseq.u32;
	[sflag:s14] =	ssyncset.done $0x0  }
0x32: {  	v0 =	vadd.s32 s4, v4;
	[sflag:s14] =	ssyncadd.s32 $0xFFFFC000  }
0x33: {  	v1 =	vand.u32 $0x1F, v0;
	_ =	swait.ge [sflag:s15], $0x200  }
0x34: {  	v2 =	vor.u32 v6, v1;
	[sflag:s15] =	ssyncset.done $0x0  }
0x35: {  	[sflag:s15] =	ssyncadd.s32 $0xFFFFFE00  }
0x36: {  	[tilespmem:s16], [sflag:$0x4] =	stream.indirect.gather [hbm4b:s6+s10], $0x20, s10, s10, $0xb8;
	[tilespmem:$0x10400] =	vst v63  }
0x37: {  	s22 =	rddreg [dreg:$0x16]  }
0x38: {  	[tilespmem:s4], [sflag:$0x1] =	stream.linear.gather [hbm4b:s22+s4], $0x200, $0x38;
	[tilespmem:$0x10400] =	vst v63  }
0x39: {  	v5 =	vld.idx.msk [tilespmem:v2+s13+$0x0], $0xffff  }
0x3a: {  	v2 =	vld [tilespmem:$0x1FE80]  }
0x3b: {  	v3 =	vshll.u32 v0, $0x9;
	v0 =	vshll.u32 v0, $0x7  }
0x3c: {  	v3 =	vand.u32 $0x3000, v3;
	v0 =	vand.u32 $0x380, v0  }
0x3d: {  	v0 =	vor.u32 v0, v3  }
0x3e: {  	v3 =	vor.u32 v4, v0  }
0x3f: {  	v2 =	vor.u32 v2, v1;
	_ =	sdelay $0x3  }
0x40: {  	[tilespmem:v3+s17+$0x0] =	vst.idx.msk $0xffff, v5  }
0x41: {  	v5 =	vld.idx.msk [tilespmem:v2+s13+$0x0], $0xffff  }
0x42: {  	v2 =	vld [tilespmem:$0x1FE90];
	_ =	sdelay $0x4  }
0x43: {  	v3 =	vor.u32 v2, v0;
	v2 =	vld [tilespmem:$0x1FEA0];
	_ =	sdelay $0x4  }
0x44: {  	v2 =	vor.u32 v2, v1;
	_ =	sdelay $0x3  }
0x45: {  	[tilespmem:v3+s17+$0x0] =	vst.idx.msk $0xffff, v5  }
0x46: {  	v5 =	vld.idx.msk [tilespmem:v2+s13+$0x0], $0xffff  }
0x47: {  	v2 =	vld [tilespmem:$0x1FEB0];
	_ =	sdelay $0x4  }
0x48: {  	v3 =	vor.u32 v2, v0;
	v2 =	vld [tilespmem:$0x1FEC0];
	_ =	sdelay $0x4  }
0x49: {  	v2 =	vor.u32 v2, v1;
	_ =	sdelay $0x3  }
0x4a: {  	[tilespmem:v3+s17+$0x0] =	vst.idx.msk $0xffff, v5  }
0x4b: {  	v3 =	vor.u32 v12, v0;
	v5 =	vld.idx.msk [tilespmem:v2+s13+$0x0], $0xffff  }
0x4c: {  	v2 =	vor.u32 v13, v1;
	_ =	sdelay $0x3  }
0x4d: {  	[tilespmem:v3+s17+$0x0] =	vst.idx.msk $0xffff, v5  }
0x4e: {  	v3 =	vor.u32 v14, v0;
	v5 =	vld.idx.msk [tilespmem:v2+s13+$0x0], $0xffff  }
0x4f: {  	v2 =	vor.u32 v15, v1;
	_ =	sdelay $0x3  }
0x50: {  	[tilespmem:v3+s17+$0x0] =	vst.idx.msk $0xffff, v5  }
0x51: {  	v3 =	vor.u32 v16, v0;
	v5 =	vld.idx.msk [tilespmem:v2+s13+$0x0], $0xffff  }
0x52: {  	v2 =	vor.u32 v17, v1;
	_ =	sdelay $0x3  }
0x53: {  	[tilespmem:v3+s17+$0x0] =	vst.idx.msk $0xffff, v5  }
0x54: {  	v3 =	vor.u32 v18, v0;
	v5 =	vld.idx.msk [tilespmem:v2+s13+$0x0], $0xffff  }
0x55: {  	v2 =	vor.u32 v19, v1;
	_ =	sdelay $0x3  }
0x56: {  	[tilespmem:v3+s17+$0x0] =	vst.idx.msk $0xffff, v5  }
0x57: {  	v3 =	vor.u32 v20, v0;
	v5 =	vld.idx.msk [tilespmem:v2+s13+$0x0], $0xffff  }
0x58: {  	v2 =	vor.u32 v21, v1;
	_ =	sdelay $0x3  }
0x59: {  	[tilespmem:v3+s17+$0x0] =	vst.idx.msk $0xffff, v5  }
0x5a: {  	v3 =	vor.u32 v7, v0;
	v5 =	vld.idx.msk [tilespmem:v2+s13+$0x0], $0xffff  }
0x5b: {  	v2 =	vor.u32 v8, v1;
	_ =	sdelay $0x3  }
0x5c: {  	[tilespmem:v3+s17+$0x0] =	vst.idx.msk $0xffff, v5  }
0x5d: {  	v3 =	vor.u32 v22, v0;
	v5 =	vld.idx.msk [tilespmem:v2+s13+$0x0], $0xffff  }
0x5e: {  	v2 =	vor.u32 v23, v1;
	_ =	sdelay $0x3  }
0x5f: {  	[tilespmem:v3+s17+$0x0] =	vst.idx.msk $0xffff, v5  }
0x60: {  	v3 =	vor.u32 v24, v0;
	v5 =	vld.idx.msk [tilespmem:v2+s13+$0x0], $0xffff  }
0x61: {  	v2 =	vor.u32 v9, v1;
	_ =	sdelay $0x3  }
0x62: {  	[tilespmem:v3+s17+$0x0] =	vst.idx.msk $0xffff, v5  }
0x63: {  	v3 =	vor.u32 v10, v0;
	v5 =	vld.idx.msk [tilespmem:v2+s13+$0x0], $0xffff  }
0x64: {  	v2 =	vor.u32 v11, v1;
	_ =	sdelay $0x3  }
0x65: {  	[tilespmem:v3+s17+$0x0] =	vst.idx.msk $0xffff, v5  }
0x66: {  	v3 =	vor.u32 v25, v0;
	v5 =	vld.idx.msk [tilespmem:v2+s13+$0x0], $0xffff  }
0x67: {  	v2 =	vor.u32 v26, v1;
	_ =	sdelay $0x3  }
0x68: {  	[tilespmem:v3+s17+$0x0] =	vst.idx.msk $0xffff, v5  }
0x69: {  	v3 =	vor.u32 v27, v0;
	v5 =	vld.idx.msk [tilespmem:v2+s13+$0x0], $0xffff  }
0x6a: {  	v2 =	vor.u32 v28, v1;
	_ =	sdelay $0x3  }
0x6b: {  	[tilespmem:v3+s17+$0x0] =	vst.idx.msk $0xffff, v5  }
0x6c: {  	v3 =	vor.u32 v29, v0;
	v5 =	vld.idx.msk [tilespmem:v2+s13+$0x0], $0xffff  }
0x6d: {  	v2 =	vor.u32 v30, v1;
	_ =	sdelay $0x3  }
0x6e: {  	[tilespmem:v3+s17+$0x0] =	vst.idx.msk $0xffff, v5  }
0x6f: {  	v3 =	vor.u32 v31, v0;
	v5 =	vld.idx.msk [tilespmem:v2+s13+$0x0], $0xffff  }
0x70: {  	v2 =	vor.u32 v32, v1;
	_ =	sdelay $0x3  }
0x71: {  	[tilespmem:v3+s17+$0x0] =	vst.idx.msk $0xffff, v5  }
0x72: {  	v3 =	vor.u32 v33, v0;
	v5 =	vld.idx.msk [tilespmem:v2+s13+$0x0], $0xffff  }
0x73: {  	v2 =	vor.u32 v34, v1;
	_ =	sdelay $0x3  }
0x74: {  	[tilespmem:v3+s17+$0x0] =	vst.idx.msk $0xffff, v5  }
0x75: {  	v3 =	vor.u32 v35, v0;
	v5 =	vld.idx.msk [tilespmem:v2+s13+$0x0], $0xffff  }
0x76: {  	v2 =	vor.u32 v36, v1;
	_ =	sdelay $0x3  }
0x77: {  	[tilespmem:v3+s17+$0x0] =	vst.idx.msk $0xffff, v5  }
0x78: {  	v3 =	vor.u32 v37, v0;
	v5 =	vld.idx.msk [tilespmem:v2+s13+$0x0], $0xffff  }
0x79: {  	v2 =	vor.u32 v38, v1;
	_ =	sdelay $0x3  }
0x7a: {  	[tilespmem:v3+s17+$0x0] =	vst.idx.msk $0xffff, v5  }
0x7b: {  	v3 =	vor.u32 v39, v0;
	v5 =	vld.idx.msk [tilespmem:v2+s13+$0x0], $0xffff  }
0x7c: {  	v2 =	vor.u32 v40, v1;
	_ =	sdelay $0x3  }
0x7d: {  	[tilespmem:v3+s17+$0x0] =	vst.idx.msk $0xffff, v5  }
0x7e: {  	v3 =	vor.u32 v41, v0;
	v5 =	vld.idx.msk [tilespmem:v2+s13+$0x0], $0xffff  }
0x7f: {  	v2 =	vor.u32 v42, v1;
	_ =	sdelay $0x3  }
0x80: {  	[tilespmem:v3+s17+$0x0] =	vst.idx.msk $0xffff, v5  }
0x81: {  	v3 =	vor.u32 v43, v0;
	v5 =	vld.idx.msk [tilespmem:v2+s13+$0x0], $0xffff  }
0x82: {  	v2 =	vor.u32 v44, v1;
	_ =	sdelay $0x3  }
0x83: {  	[tilespmem:v3+s17+$0x0] =	vst.idx.msk $0xffff, v5  }
0x84: {  	v3 =	vor.u32 v45, v0;
	v5 =	vld.idx.msk [tilespmem:v2+s13+$0x0], $0xffff  }
0x85: {  	v2 =	vor.u32 v46, v1;
	_ =	sdelay $0x3  }
0x86: {  	[tilespmem:v3+s17+$0x0] =	vst.idx.msk $0xffff, v5  }
0x87: {  	v3 =	vor.u32 v47, v0;
	v5 =	vld.idx.msk [tilespmem:v2+s13+$0x0], $0xffff  }
0x88: {  	v2 =	vor.u32 v48, v1;
	_ =	sdelay $0x3  }
0x89: {  	[tilespmem:v3+s17+$0x0] =	vst.idx.msk $0xffff, v5  }
0x8a: {  	v3 =	vor.u32 v49, v0;
	v5 =	vld.idx.msk [tilespmem:v2+s13+$0x0], $0xffff  }
0x8b: {  	v2 =	vor.u32 v50, v1;
	_ =	sdelay $0x3  }
0x8c: {  	[tilespmem:v3+s17+$0x0] =	vst.idx.msk $0xffff, v5  }
0x8d: {  	v3 =	vor.u32 v51, v0;
	v5 =	vld.idx.msk [tilespmem:v2+s13+$0x0], $0xffff  }
0x8e: {  	v2 =	vor.u32 v52, v1;
	_ =	sdelay $0x3  }
0x8f: {  	[tilespmem:v3+s17+$0x0] =	vst.idx.msk $0xffff, v5  }
0x90: {  	v3 =	vor.u32 v53, v0;
	v5 =	vld.idx.msk [tilespmem:v2+s13+$0x0], $0xffff  }
0x91: {  	v2 =	vor.u32 v54, v1;
	_ =	sdelay $0x3  }
0x92: {  	[tilespmem:v3+s17+$0x0] =	vst.idx.msk $0xffff, v5  }
0x93: {  	v3 =	vor.u32 v55, v0;
	v5 =	vld.idx.msk [tilespmem:v2+s13+$0x0], $0xffff  }
0x94: {  	v2 =	vor.u32 v56, v1;
	_ =	sdelay $0x3  }
0x95: {  	[tilespmem:v3+s17+$0x0] =	vst.idx.msk $0xffff, v5  }
0x96: {  	v3 =	vor.u32 v57, v0;
	v5 =	vld.idx.msk [tilespmem:v2+s13+$0x0], $0xffff  }
0x97: {  	v2 =	vor.u32 v58, v1;
	_ =	sdelay $0x3  }
0x98: {  	[tilespmem:v3+s17+$0x0] =	vst.idx.msk $0xffff, v5  }
0x99: {  	v3 =	vor.u32 v59, v0;
	v5 =	vld.idx.msk [tilespmem:v2+s13+$0x0], $0xffff  }
0x9a: {  	v2 =	vor.u32 v60, v1;
	_ =	sdelay $0x3  }
0x9b: {  	[tilespmem:v3+s17+$0x0] =	vst.idx.msk $0xffff, v5  }
0x9c: {  	v3 =	vor.u32 v61, v0;
	v2 =	vld.idx.msk [tilespmem:v2+s13+$0x0], $0xffff  }
0x9d: {  	v1 =	vor.u32 v62, v1;
	_ =	sdelay $0x3  }
0x9e: {  	s31 =	simm.s32 $0x1;
	[tilespmem:v3+s17+$0x0] =	vst.idx.msk $0xffff, v2  }
0x9f: {  	s1 =	simm.s32 $0x2;
	v3 =	vadd.s32 s31, v4;
	v2 =	vld.idx.msk [tilespmem:v1+s13+$0x0], $0xffff  }
.LBB2_2:
0xa0: {  	v1 =	vand.u32 $0x1F, v3;
	v0 =	vor.u32 v63, v0  }
0xa1: {  	v4 =	vor.u32 v6, v1;
	_ =	sdelay $0x3  }
0xa2: {  	[tilespmem:v0+s17+$0x0] =	vst.idx.msk $0xffff, v2  }
0xa3: {  	v2 =	vld.idx.msk [tilespmem:v4+s13+$0x0], $0xffff  }
0xa4: {  	v4 =	vld [tilespmem:$0x1FE80]  }
0xa5: {  	v5 =	vshll.u32 v3, $0x9;
	v3 =	vshll.u32 v3, $0x7  }
0xa6: {  	v5 =	vand.u32 $0x3000, v5;
	v3 =	vand.u32 $0x380, v3  }
0xa7: {  	v0 =	vor.u32 v3, v5;
	v5 =	vlaneseq.u32  }
0xa8: {  	v3 =	vor.u32 v5, v0  }
0xa9: {  	v4 =	vor.u32 v4, v1;
	_ =	sdelay $0x3  }
0xaa: {  	[tilespmem:v3+s17+$0x0] =	vst.idx.msk $0xffff, v2;
	v3 =	vld [tilespmem:$0x1FE90]  }
0xab: {  	v2 =	vld.idx.msk [tilespmem:v4+s13+$0x0], $0xffff  }
0xac: {  	v4 =	vld [tilespmem:$0x1FEA0];
	_ =	sdelay $0x3  }
0xad: {  	v3 =	vor.u32 v3, v0  }
0xae: {  	v4 =	vor.u32 v4, v1;
	_ =	sdelay $0x3  }
0xaf: {  	[tilespmem:v3+s17+$0x0] =	vst.idx.msk $0xffff, v2;
	v3 =	vld [tilespmem:$0x1FEB0]  }
0xb0: {  	v2 =	vld.idx.msk [tilespmem:v4+s13+$0x0], $0xffff  }
0xb1: {  	v4 =	vld [tilespmem:$0x1FEC0];
	_ =	sdelay $0x3  }
0xb2: {  	v3 =	vor.u32 v3, v0  }
0xb3: {  	v4 =	vor.u32 v4, v1;
	_ =	sdelay $0x3  }
0xb4: {  	[tilespmem:v3+s17+$0x0] =	vst.idx.msk $0xffff, v2  }
0xb5: {  	v3 =	vor.u32 v12, v0;
	v2 =	vld.idx.msk [tilespmem:v4+s13+$0x0], $0xffff  }
0xb6: {  	v4 =	vor.u32 v13, v1;
	_ =	sdelay $0x3  }
0xb7: {  	[tilespmem:v3+s17+$0x0] =	vst.idx.msk $0xffff, v2  }
0xb8: {  	v3 =	vor.u32 v14, v0;
	v2 =	vld.idx.msk [tilespmem:v4+s13+$0x0], $0xffff  }
0xb9: {  	v4 =	vor.u32 v15, v1;
	_ =	sdelay $0x3  }
0xba: {  	[tilespmem:v3+s17+$0x0] =	vst.idx.msk $0xffff, v2  }
0xbb: {  	v3 =	vor.u32 v16, v0;
	v2 =	vld.idx.msk [tilespmem:v4+s13+$0x0], $0xffff  }
0xbc: {  	v4 =	vor.u32 v17, v1;
	_ =	sdelay $0x3  }
0xbd: {  	[tilespmem:v3+s17+$0x0] =	vst.idx.msk $0xffff, v2  }
0xbe: {  	v3 =	vor.u32 v18, v0;
	v2 =	vld.idx.msk [tilespmem:v4+s13+$0x0], $0xffff  }
0xbf: {  	v4 =	vor.u32 v19, v1;
	_ =	sdelay $0x3  }
0xc0: {  	[tilespmem:v3+s17+$0x0] =	vst.idx.msk $0xffff, v2  }
0xc1: {  	v3 =	vor.u32 v20, v0;
	v2 =	vld.idx.msk [tilespmem:v4+s13+$0x0], $0xffff  }
0xc2: {  	v4 =	vor.u32 v21, v1;
	_ =	sdelay $0x3  }
0xc3: {  	[tilespmem:v3+s17+$0x0] =	vst.idx.msk $0xffff, v2  }
0xc4: {  	v3 =	vor.u32 v7, v0;
	v2 =	vld.idx.msk [tilespmem:v4+s13+$0x0], $0xffff  }
0xc5: {  	v4 =	vor.u32 v8, v1;
	_ =	sdelay $0x3  }
0xc6: {  	[tilespmem:v3+s17+$0x0] =	vst.idx.msk $0xffff, v2  }
0xc7: {  	v3 =	vor.u32 v22, v0;
	v2 =	vld.idx.msk [tilespmem:v4+s13+$0x0], $0xffff  }
0xc8: {  	v4 =	vor.u32 v23, v1;
	_ =	sdelay $0x3  }
0xc9: {  	[tilespmem:v3+s17+$0x0] =	vst.idx.msk $0xffff, v2  }
0xca: {  	v3 =	vor.u32 v24, v0;
	v2 =	vld.idx.msk [tilespmem:v4+s13+$0x0], $0xffff  }
0xcb: {  	v4 =	vor.u32 v9, v1;
	_ =	sdelay $0x3  }
0xcc: {  	[tilespmem:v3+s17+$0x0] =	vst.idx.msk $0xffff, v2  }
0xcd: {  	v3 =	vor.u32 v10, v0;
	v2 =	vld.idx.msk [tilespmem:v4+s13+$0x0], $0xffff  }
0xce: {  	v4 =	vor.u32 v11, v1;
	_ =	sdelay $0x3  }
0xcf: {  	[tilespmem:v3+s17+$0x0] =	vst.idx.msk $0xffff, v2  }
0xd0: {  	v3 =	vor.u32 v25, v0;
	v2 =	vld.idx.msk [tilespmem:v4+s13+$0x0], $0xffff  }
0xd1: {  	v4 =	vor.u32 v26, v1;
	_ =	sdelay $0x3  }
0xd2: {  	[tilespmem:v3+s17+$0x0] =	vst.idx.msk $0xffff, v2  }
0xd3: {  	v3 =	vor.u32 v27, v0;
	v2 =	vld.idx.msk [tilespmem:v4+s13+$0x0], $0xffff  }
0xd4: {  	v4 =	vor.u32 v28, v1;
	_ =	sdelay $0x3  }
0xd5: {  	[tilespmem:v3+s17+$0x0] =	vst.idx.msk $0xffff, v2  }
0xd6: {  	v3 =	vor.u32 v29, v0;
	v2 =	vld.idx.msk [tilespmem:v4+s13+$0x0], $0xffff  }
0xd7: {  	v4 =	vor.u32 v30, v1;
	_ =	sdelay $0x3  }
0xd8: {  	[tilespmem:v3+s17+$0x0] =	vst.idx.msk $0xffff, v2  }
0xd9: {  	v3 =	vor.u32 v31, v0;
	v2 =	vld.idx.msk [tilespmem:v4+s13+$0x0], $0xffff  }
0xda: {  	v4 =	vor.u32 v32, v1;
	_ =	sdelay $0x3  }
0xdb: {  	[tilespmem:v3+s17+$0x0] =	vst.idx.msk $0xffff, v2  }
0xdc: {  	v3 =	vor.u32 v33, v0;
	v2 =	vld.idx.msk [tilespmem:v4+s13+$0x0], $0xffff  }
0xdd: {  	v4 =	vor.u32 v34, v1;
	_ =	sdelay $0x3  }
0xde: {  	[tilespmem:v3+s17+$0x0] =	vst.idx.msk $0xffff, v2  }
0xdf: {  	v3 =	vor.u32 v35, v0;
	v2 =	vld.idx.msk [tilespmem:v4+s13+$0x0], $0xffff  }
0xe0: {  	v4 =	vor.u32 v36, v1;
	_ =	sdelay $0x3  }
0xe1: {  	[tilespmem:v3+s17+$0x0] =	vst.idx.msk $0xffff, v2  }
0xe2: {  	v3 =	vor.u32 v37, v0;
	v2 =	vld.idx.msk [tilespmem:v4+s13+$0x0], $0xffff  }
0xe3: {  	v4 =	vor.u32 v38, v1;
	_ =	sdelay $0x3  }
0xe4: {  	[tilespmem:v3+s17+$0x0] =	vst.idx.msk $0xffff, v2  }
0xe5: {  	v3 =	vor.u32 v39, v0;
	v2 =	vld.idx.msk [tilespmem:v4+s13+$0x0], $0xffff  }
0xe6: {  	v4 =	vor.u32 v40, v1;
	_ =	sdelay $0x3  }
0xe7: {  	[tilespmem:v3+s17+$0x0] =	vst.idx.msk $0xffff, v2  }
0xe8: {  	v3 =	vor.u32 v41, v0;
	v2 =	vld.idx.msk [tilespmem:v4+s13+$0x0], $0xffff  }
0xe9: {  	v4 =	vor.u32 v42, v1;
	_ =	sdelay $0x3  }
0xea: {  	[tilespmem:v3+s17+$0x0] =	vst.idx.msk $0xffff, v2  }
0xeb: {  	v3 =	vor.u32 v43, v0;
	v2 =	vld.idx.msk [tilespmem:v4+s13+$0x0], $0xffff  }
0xec: {  	v4 =	vor.u32 v44, v1;
	_ =	sdelay $0x3  }
0xed: {  	[tilespmem:v3+s17+$0x0] =	vst.idx.msk $0xffff, v2  }
0xee: {  	v3 =	vor.u32 v45, v0;
	v2 =	vld.idx.msk [tilespmem:v4+s13+$0x0], $0xffff  }
0xef: {  	v4 =	vor.u32 v46, v1;
	_ =	sdelay $0x3  }
0xf0: {  	[tilespmem:v3+s17+$0x0] =	vst.idx.msk $0xffff, v2  }
0xf1: {  	v3 =	vor.u32 v47, v0;
	v2 =	vld.idx.msk [tilespmem:v4+s13+$0x0], $0xffff  }
0xf2: {  	v4 =	vor.u32 v48, v1;
	_ =	sdelay $0x3  }
0xf3: {  	[tilespmem:v3+s17+$0x0] =	vst.idx.msk $0xffff, v2  }
0xf4: {  	v3 =	vor.u32 v49, v0;
	v2 =	vld.idx.msk [tilespmem:v4+s13+$0x0], $0xffff  }
0xf5: {  	v4 =	vor.u32 v50, v1;
	_ =	sdelay $0x3  }
0xf6: {  	[tilespmem:v3+s17+$0x0] =	vst.idx.msk $0xffff, v2  }
0xf7: {  	v3 =	vor.u32 v51, v0;
	v2 =	vld.idx.msk [tilespmem:v4+s13+$0x0], $0xffff  }
0xf8: {  	v4 =	vor.u32 v52, v1;
	_ =	sdelay $0x3  }
0xf9: {  	[tilespmem:v3+s17+$0x0] =	vst.idx.msk $0xffff, v2  }
0xfa: {  	v3 =	vor.u32 v53, v0;
	v2 =	vld.idx.msk [tilespmem:v4+s13+$0x0], $0xffff  }
0xfb: {  	v4 =	vor.u32 v54, v1;
	_ =	sdelay $0x3  }
0xfc: {  	[tilespmem:v3+s17+$0x0] =	vst.idx.msk $0xffff, v2  }
0xfd: {  	v3 =	vor.u32 v55, v0;
	v2 =	vld.idx.msk [tilespmem:v4+s13+$0x0], $0xffff  }
0xfe: {  	v4 =	vor.u32 v56, v1;
	_ =	sdelay $0x3  }
0xff: {  	[tilespmem:v3+s17+$0x0] =	vst.idx.msk $0xffff, v2  }
0x100: {  	v3 =	vor.u32 v57, v0;
	v2 =	vld.idx.msk [tilespmem:v4+s13+$0x0], $0xffff  }
0x101: {  	v4 =	vor.u32 v58, v1;
	_ =	sdelay $0x3  }
0x102: {  	[tilespmem:v3+s17+$0x0] =	vst.idx.msk $0xffff, v2  }
0x103: {  	v3 =	vor.u32 v59, v0;
	v2 =	vld.idx.msk [tilespmem:v4+s13+$0x0], $0xffff  }
0x104: {  	v4 =	vor.u32 v60, v1;
	_ =	sdelay $0x3  }
0x105: {  	[tilespmem:v3+s17+$0x0] =	vst.idx.msk $0xffff, v2  }
0x106: {  	v3 =	vor.u32 v61, v0;
	v2 =	vld.idx.msk [tilespmem:v4+s13+$0x0], $0xffff  }
0x107: {  	p0 =	sne.s32 s1, $0x1F;
	v1 =	vor.u32 v62, v1  }
.Ltmp0:
0x108: {  	_ = 	snop;
	(pc) =	sbr.rel @p0 .LBB2_2-.Ltmp0, $3  }
0x109: {  	_ =	sdelay $0x1  }
0x10a: {  	[tilespmem:v3+s17+$0x0] =	vst.idx.msk $0xffff, v2  }
0x10b: {  	v3 =	vadd.s32 s1, v5;
	s1 =	sadd.s32 $0x1, s1;
	v2 =	vld.idx.msk [tilespmem:v1+s13+$0x0], $0xffff  }
0x10c: {  	v1 =	vand.u32 $0x1F, v3;
	v0 =	vor.u32 v63, v0  }
0x10d: {  	v4 =	vor.u32 v6, v1;
	_ =	sdelay $0x1  }
0x10e: {  	v5 =	vshll.u32 v3, $0x9;
	v3 =	vshll.u32 v3, $0x7  }
0x10f: {  	v5 =	vand.u32 $0x3000, v5;
	v3 =	vand.u32 $0x380, v3  }
0x110: {  	[tilespmem:v0+s17+$0x0] =	vst.idx.msk $0xffff, v2;
	v0 =	vor.u32 v3, v5;
	v3 =	vlaneseq.u32  }
0x111: {  	v2 =	vld.idx.msk [tilespmem:v4+s13+$0x0], $0xffff;
	v3 =	vor.u32 v3, v0;
	_ =	sdelay $0x3  }
0x112: {  	v4 =	vld [tilespmem:$0x1FE80]  }
0x113: {  	[tilespmem:v3+s17+$0x0] =	vst.idx.msk $0xffff, v2;
	v2 =	vld [tilespmem:$0x1FE90];
	_ =	sdelay $0x3  }
0x114: {  	v4 =	vor.u32 v4, v1  }
0x115: {  	v3 =	vor.u32 v2, v0;
	v2 =	vld [tilespmem:$0x1FEA0];
	_ =	sdelay $0x3  }
0x116: {  	v5 =	vld.idx.msk [tilespmem:v4+s13+$0x0], $0xffff  }
0x117: {  	v4 =	vor.u32 v2, v1;
	v2 =	vld [tilespmem:$0x1FEB0];
	_ =	sdelay $0x4  }
0x118: {  	[tilespmem:v3+s17+$0x0] =	vst.idx.msk $0xffff, v5;
	v3 =	vor.u32 v2, v0;
	v2 =	vld [tilespmem:$0x1FEC0];
	_ =	sdelay $0x3  }
0x119: {  	v5 =	vld.idx.msk [tilespmem:v4+s13+$0x0], $0xffff  }
0x11a: {  	v4 =	vor.u32 v2, v1;
	_ =	sdelay $0x3  }
0x11b: {  	[tilespmem:v3+s17+$0x0] =	vst.idx.msk $0xffff, v5  }
0x11c: {  	v3 =	vor.u32 v12, v0;
	v5 =	vld.idx.msk [tilespmem:v4+s13+$0x0], $0xffff  }
0x11d: {  	v4 =	vor.u32 v13, v1;
	_ =	sdelay $0x3  }
0x11e: {  	[tilespmem:v3+s17+$0x0] =	vst.idx.msk $0xffff, v5  }
0x11f: {  	v3 =	vor.u32 v14, v0;
	v5 =	vld.idx.msk [tilespmem:v4+s13+$0x0], $0xffff  }
0x120: {  	v4 =	vor.u32 v15, v1;
	_ =	sdelay $0x3  }
0x121: {  	[tilespmem:v3+s17+$0x0] =	vst.idx.msk $0xffff, v5  }
0x122: {  	v3 =	vor.u32 v16, v0;
	v5 =	vld.idx.msk [tilespmem:v4+s13+$0x0], $0xffff  }
0x123: {  	v4 =	vor.u32 v17, v1;
	_ =	sdelay $0x3  }
0x124: {  	[tilespmem:v3+s17+$0x0] =	vst.idx.msk $0xffff, v5  }
0x125: {  	v3 =	vor.u32 v18, v0;
	v5 =	vld.idx.msk [tilespmem:v4+s13+$0x0], $0xffff  }
0x126: {  	v4 =	vor.u32 v19, v1;
	_ =	sdelay $0x3  }
0x127: {  	[tilespmem:v3+s17+$0x0] =	vst.idx.msk $0xffff, v5  }
0x128: {  	v3 =	vor.u32 v20, v0;
	v5 =	vld.idx.msk [tilespmem:v4+s13+$0x0], $0xffff  }
0x129: {  	v4 =	vor.u32 v21, v1;
	_ =	sdelay $0x3  }
0x12a: {  	[tilespmem:v3+s17+$0x0] =	vst.idx.msk $0xffff, v5  }
0x12b: {  	v3 =	vor.u32 v7, v0;
	v5 =	vld.idx.msk [tilespmem:v4+s13+$0x0], $0xffff  }
0x12c: {  	v4 =	vor.u32 v8, v1;
	_ =	sdelay $0x3  }
0x12d: {  	[tilespmem:v3+s17+$0x0] =	vst.idx.msk $0xffff, v5  }
0x12e: {  	v3 =	vor.u32 v22, v0;
	v5 =	vld.idx.msk [tilespmem:v4+s13+$0x0], $0xffff  }
0x12f: {  	v4 =	vor.u32 v23, v1;
	_ =	sdelay $0x3  }
0x130: {  	[tilespmem:v3+s17+$0x0] =	vst.idx.msk $0xffff, v5  }
0x131: {  	v3 =	vor.u32 v24, v0;
	v5 =	vld.idx.msk [tilespmem:v4+s13+$0x0], $0xffff  }
0x132: {  	v4 =	vor.u32 v9, v1;
	_ =	sdelay $0x3  }
0x133: {  	[tilespmem:v3+s17+$0x0] =	vst.idx.msk $0xffff, v5  }
0x134: {  	v3 =	vor.u32 v10, v0;
	v5 =	vld.idx.msk [tilespmem:v4+s13+$0x0], $0xffff  }
0x135: {  	v4 =	vor.u32 v11, v1;
	_ =	sdelay $0x3  }
0x136: {  	[tilespmem:v3+s17+$0x0] =	vst.idx.msk $0xffff, v5  }
0x137: {  	v3 =	vor.u32 v25, v0;
	v2 =	vld.idx.msk [tilespmem:v4+s13+$0x0], $0xffff  }
0x138: {  	v4 =	vor.u32 v26, v1;
	_ =	sdelay $0x3  }
0x139: {  	[tilespmem:v3+s17+$0x0] =	vst.idx.msk $0xffff, v2  }
0x13a: {  	v3 =	vor.u32 v27, v0;
	v2 =	vld.idx.msk [tilespmem:v4+s13+$0x0], $0xffff  }
0x13b: {  	v4 =	vor.u32 v28, v1;
	_ =	sdelay $0x3  }
0x13c: {  	[tilespmem:v3+s17+$0x0] =	vst.idx.msk $0xffff, v2  }
0x13d: {  	v3 =	vor.u32 v29, v0;
	v2 =	vld.idx.msk [tilespmem:v4+s13+$0x0], $0xffff  }
0x13e: {  	v4 =	vor.u32 v30, v1;
	_ =	sdelay $0x3  }
0x13f: {  	[tilespmem:v3+s17+$0x0] =	vst.idx.msk $0xffff, v2  }
0x140: {  	v3 =	vor.u32 v31, v0;
	v2 =	vld.idx.msk [tilespmem:v4+s13+$0x0], $0xffff  }
0x141: {  	v4 =	vor.u32 v32, v1;
	_ =	sdelay $0x3  }
0x142: {  	[tilespmem:v3+s17+$0x0] =	vst.idx.msk $0xffff, v2  }
0x143: {  	v3 =	vor.u32 v33, v0;
	v2 =	vld.idx.msk [tilespmem:v4+s13+$0x0], $0xffff  }
0x144: {  	v4 =	vor.u32 v34, v1;
	_ =	sdelay $0x3  }
0x145: {  	[tilespmem:v3+s17+$0x0] =	vst.idx.msk $0xffff, v2  }
0x146: {  	v3 =	vor.u32 v35, v0;
	v2 =	vld.idx.msk [tilespmem:v4+s13+$0x0], $0xffff  }
0x147: {  	v4 =	vor.u32 v36, v1;
	_ =	sdelay $0x3  }
0x148: {  	[tilespmem:v3+s17+$0x0] =	vst.idx.msk $0xffff, v2  }
0x149: {  	v3 =	vor.u32 v37, v0;
	v2 =	vld.idx.msk [tilespmem:v4+s13+$0x0], $0xffff  }
0x14a: {  	v4 =	vor.u32 v38, v1;
	_ =	sdelay $0x3  }
0x14b: {  	[tilespmem:v3+s17+$0x0] =	vst.idx.msk $0xffff, v2  }
0x14c: {  	v3 =	vor.u32 v39, v0;
	v2 =	vld.idx.msk [tilespmem:v4+s13+$0x0], $0xffff  }
0x14d: {  	v4 =	vor.u32 v40, v1;
	_ =	sdelay $0x3  }
0x14e: {  	[tilespmem:v3+s17+$0x0] =	vst.idx.msk $0xffff, v2  }
0x14f: {  	v3 =	vor.u32 v41, v0;
	v2 =	vld.idx.msk [tilespmem:v4+s13+$0x0], $0xffff  }
0x150: {  	v4 =	vor.u32 v42, v1;
	_ =	sdelay $0x3  }
0x151: {  	[tilespmem:v3+s17+$0x0] =	vst.idx.msk $0xffff, v2  }
0x152: {  	v3 =	vor.u32 v43, v0;
	v2 =	vld.idx.msk [tilespmem:v4+s13+$0x0], $0xffff  }
0x153: {  	v4 =	vor.u32 v44, v1;
	_ =	sdelay $0x3  }
0x154: {  	[tilespmem:v3+s17+$0x0] =	vst.idx.msk $0xffff, v2  }
0x155: {  	v3 =	vor.u32 v45, v0;
	v2 =	vld.idx.msk [tilespmem:v4+s13+$0x0], $0xffff  }
0x156: {  	v4 =	vor.u32 v46, v1;
	_ =	sdelay $0x3  }
0x157: {  	[tilespmem:v3+s17+$0x0] =	vst.idx.msk $0xffff, v2  }
0x158: {  	v3 =	vor.u32 v47, v0;
	v2 =	vld.idx.msk [tilespmem:v4+s13+$0x0], $0xffff  }
0x159: {  	v4 =	vor.u32 v48, v1;
	_ =	sdelay $0x3  }
0x15a: {  	[tilespmem:v3+s17+$0x0] =	vst.idx.msk $0xffff, v2  }
0x15b: {  	v3 =	vor.u32 v49, v0;
	v2 =	vld.idx.msk [tilespmem:v4+s13+$0x0], $0xffff  }
0x15c: {  	v4 =	vor.u32 v50, v1;
	_ =	sdelay $0x3  }
0x15d: {  	[tilespmem:v3+s17+$0x0] =	vst.idx.msk $0xffff, v2  }
0x15e: {  	v3 =	vor.u32 v51, v0;
	v2 =	vld.idx.msk [tilespmem:v4+s13+$0x0], $0xffff  }
0x15f: {  	v4 =	vor.u32 v52, v1;
	_ =	sdelay $0x3  }
0x160: {  	[tilespmem:v3+s17+$0x0] =	vst.idx.msk $0xffff, v2  }
0x161: {  	v3 =	vor.u32 v53, v0;
	v2 =	vld.idx.msk [tilespmem:v4+s13+$0x0], $0xffff  }
0x162: {  	v4 =	vor.u32 v54, v1;
	_ =	sdelay $0x3  }
0x163: {  	[tilespmem:v3+s17+$0x0] =	vst.idx.msk $0xffff, v2  }
0x164: {  	v3 =	vor.u32 v55, v0;
	v2 =	vld.idx.msk [tilespmem:v4+s13+$0x0], $0xffff  }
0x165: {  	v4 =	vor.u32 v56, v1;
	_ =	sdelay $0x3  }
0x166: {  	[tilespmem:v3+s17+$0x0] =	vst.idx.msk $0xffff, v2  }
0x167: {  	v3 =	vor.u32 v57, v0;
	v2 =	vld.idx.msk [tilespmem:v4+s13+$0x0], $0xffff  }
0x168: {  	v4 =	vor.u32 v58, v1;
	_ =	sdelay $0x3  }
0x169: {  	[tilespmem:v3+s17+$0x0] =	vst.idx.msk $0xffff, v2  }
0x16a: {  	v3 =	vor.u32 v59, v0;
	v2 =	vld.idx.msk [tilespmem:v4+s13+$0x0], $0xffff  }
0x16b: {  	v4 =	vor.u32 v60, v1;
	_ =	sdelay $0x3  }
0x16c: {  	[tilespmem:v3+s17+$0x0] =	vst.idx.msk $0xffff, v2  }
0x16d: {  	v3 =	vor.u32 v61, v0;
	v2 =	vld.idx.msk [tilespmem:v4+s13+$0x0], $0xffff  }
0x16e: {  	v1 =	vor.u32 v62, v1;
	_ =	sdelay $0x3  }
0x16f: {  	[tilespmem:v3+s17+$0x0] =	vst.idx.msk $0xffff, v2  }
0x170: {  	v0 =	vor.u32 v63, v0;
	v1 =	vld.idx.msk [tilespmem:v1+s13+$0x0], $0xffff;
	_ =	sdelay $0x4  }
0x171: {  	s1 =	simm.s32 $0x0;
	s7 =	rddreg [dreg:$0x4];
	[tilespmem:v0+s17+$0x0] =	vst.idx.msk $0xffff, v1  }
0x172: {  	[hbm4b:s7+s1] =	stream.linear.scatter [tilespmem:s17], [sflag:$0x5], $0x1000, $0x38;
	[tilespmem:$0x10400] =	vst v63  }
0x173: {  	s18 =	rddreg [dreg:$0x5];
	s9 =	simm.s32 $0x9400  }
0x174: {  	[hbm4b:s18+s1] =	stream.linear.scatter [tilespmem:s9], [sflag:$0x5], $0x1000, $0x38;
	[tilespmem:$0x10400] =	vst v63  }
0x175: {  	s22 =	rddreg [dreg:$0x6];
	s31 =	simm.s32 $0xA400  }
0x176: {  	[hbm4b:s22+s1] =	stream.linear.scatter [tilespmem:s31], [sflag:$0x5], $0x1000, $0x38;
	[tilespmem:$0x10400] =	vst v63  }
0x177: {  	s9 =	rddreg [dreg:$0x7];
	s18 =	simm.s32 $0xB400  }
0x178: {  	[hbm4b:s9+s1] =	stream.linear.scatter [tilespmem:s18], [sflag:$0x5], $0x1000, $0x38;
	[tilespmem:$0x10400] =	vst v63  }
0x179: {  	_ =	swait.ge [sflag:s23], $0x4000  }
0x17a: {  	[sflag:s23] =	ssyncset.done $0x0  }
0x17b: {  	[sflag:s23] =	ssyncadd.s32 $0xFFFFC000  }
0x17c: {  	_ =	swait.ge [sflag:s0], $0x200  }
0x17d: {  	v2 =	vld [tilespmem:$0x1FFF0]  }
0x17e: {  	v4 =	vlaneseq.u32  }
0x17f: {  	v0 =	vadd.s32 s1, v4  }
0x180: {  	v1 =	vand.u32 $0x1F, v0;
	v3 =	vshll.u32 v0, $0x9;
	v0 =	vshll.u32 v0, $0x7  }
0x181: {  	v3 =	vand.u32 $0x3000, v3;
	v0 =	vand.u32 $0x380, v0  }
0x182: {  	v0 =	vor.u32 v0, v3;
	[sflag:s0] =	ssyncset.done $0x0;
	v2 =	vor.u32 v2, v1  }
0x183: {  	v3 =	vor.u32 v4, v0;
	v4 =	vld [tilespmem:$0x1FE80];
	[sflag:s0] =	ssyncadd.s32 $0xFFFFFE00  }
0x184: {  	[tilespmem:s13], [sflag:$0x3] =	stream.indirect.gather [hbm4b:s6+s10], $0x20, s1, s10, $0xb8;
	[tilespmem:$0x10400] =	vst v63  }
0x185: {  	s22 =	rddreg [dreg:$0x17]  }
0x186: {  	[tilespmem:s10], [sflag:$0x2] =	stream.linear.gather [hbm4b:s22+s1], $0x200, $0x38;
	[tilespmem:$0x10400] =	vst v63  }
0x187: {  	v2 =	vld.idx.msk [tilespmem:v2+s16+$0x0], $0xffff  }
0x188: {  	v4 =	vor.u32 v4, v1;
	_ =	sdelay $0x3  }
0x189: {  	[tilespmem:v3+s24+$0x0] =	vst.idx.msk $0xffff, v2;
	v3 =	vld [tilespmem:$0x1FE90]  }
0x18a: {  	v2 =	vld.idx.msk [tilespmem:v4+s16+$0x0], $0xffff  }
0x18b: {  	v4 =	vld [tilespmem:$0x1FEA0];
	_ =	sdelay $0x3  }
0x18c: {  	v3 =	vor.u32 v3, v0  }
0x18d: {  	v4 =	vor.u32 v4, v1;
	_ =	sdelay $0x3  }
0x18e: {  	[tilespmem:v3+s24+$0x0] =	vst.idx.msk $0xffff, v2;
	v3 =	vld [tilespmem:$0x1FEB0]  }
0x18f: {  	v2 =	vld.idx.msk [tilespmem:v4+s16+$0x0], $0xffff  }
0x190: {  	v4 =	vld [tilespmem:$0x1FEC0];
	_ =	sdelay $0x3  }
0x191: {  	v3 =	vor.u32 v3, v0  }
0x192: {  	v4 =	vor.u32 v4, v1;
	_ =	sdelay $0x3  }
0x193: {  	[tilespmem:v3+s24+$0x0] =	vst.idx.msk $0xffff, v2;
	v3 =	vld [tilespmem:$0x1FED0]  }
0x194: {  	v2 =	vld.idx.msk [tilespmem:v4+s16+$0x0], $0xffff  }
0x195: {  	v4 =	vld [tilespmem:$0x1FF60];
	_ =	sdelay $0x3  }
0x196: {  	v3 =	vor.u32 v3, v0  }
0x197: {  	v4 =	vor.u32 v4, v1;
	_ =	sdelay $0x3  }
0x198: {  	[tilespmem:v3+s24+$0x0] =	vst.idx.msk $0xffff, v2;
	v3 =	vld [tilespmem:$0x1FEE0]  }
0x199: {  	v2 =	vld.idx.msk [tilespmem:v4+s16+$0x0], $0xffff  }
0x19a: {  	v4 =	vld [tilespmem:$0x1FF70];
	_ =	sdelay $0x3  }
0x19b: {  	v3 =	vor.u32 v3, v0  }
0x19c: {  	v4 =	vor.u32 v4, v1;
	_ =	sdelay $0x3  }
0x19d: {  	[tilespmem:v3+s24+$0x0] =	vst.idx.msk $0xffff, v2;
	v3 =	vld [tilespmem:$0x1FEF0]  }
0x19e: {  	v2 =	vld.idx.msk [tilespmem:v4+s16+$0x0], $0xffff  }
0x19f: {  	v4 =	vld [tilespmem:$0x1FF80];
	_ =	sdelay $0x3  }
0x1a0: {  	v3 =	vor.u32 v3, v0  }
0x1a1: {  	v4 =	vor.u32 v4, v1;
	_ =	sdelay $0x3  }
0x1a2: {  	[tilespmem:v3+s24+$0x0] =	vst.idx.msk $0xffff, v2;
	v3 =	vld [tilespmem:$0x1FF00]  }
0x1a3: {  	v2 =	vld.idx.msk [tilespmem:v4+s16+$0x0], $0xffff  }
0x1a4: {  	v4 =	vld [tilespmem:$0x1FF90];
	_ =	sdelay $0x3  }
0x1a5: {  	v3 =	vor.u32 v3, v0  }
0x1a6: {  	v4 =	vor.u32 v4, v1;
	_ =	sdelay $0x3  }
0x1a7: {  	[tilespmem:v3+s24+$0x0] =	vst.idx.msk $0xffff, v2;
	v3 =	vld [tilespmem:$0x1FF10]  }
0x1a8: {  	v2 =	vld.idx.msk [tilespmem:v4+s16+$0x0], $0xffff  }
0x1a9: {  	v4 =	vld [tilespmem:$0x1FFA0];
	_ =	sdelay $0x3  }
0x1aa: {  	v3 =	vor.u32 v3, v0  }
0x1ab: {  	v4 =	vor.u32 v4, v1;
	_ =	sdelay $0x3  }
0x1ac: {  	[tilespmem:v3+s24+$0x0] =	vst.idx.msk $0xffff, v2;
	v3 =	vld [tilespmem:$0x1FF20]  }
0x1ad: {  	v2 =	vld.idx.msk [tilespmem:v4+s16+$0x0], $0xffff  }
0x1ae: {  	v4 =	vld [tilespmem:$0x1FFB0];
	_ =	sdelay $0x3  }
0x1af: {  	v3 =	vor.u32 v3, v0  }
0x1b0: {  	v4 =	vor.u32 v4, v1;
	_ =	sdelay $0x3  }
0x1b1: {  	[tilespmem:v3+s24+$0x0] =	vst.idx.msk $0xffff, v2;
	v3 =	vld [tilespmem:$0x1FF30]  }
0x1b2: {  	v2 =	vld.idx.msk [tilespmem:v4+s16+$0x0], $0xffff  }
0x1b3: {  	v4 =	vld [tilespmem:$0x1FFC0];
	_ =	sdelay $0x3  }
0x1b4: {  	v3 =	vor.u32 v3, v0  }
0x1b5: {  	v4 =	vor.u32 v4, v1;
	_ =	sdelay $0x3  }
0x1b6: {  	[tilespmem:v3+s24+$0x0] =	vst.idx.msk $0xffff, v2;
	v3 =	vld [tilespmem:$0x1FF40]  }
0x1b7: {  	v2 =	vld.idx.msk [tilespmem:v4+s16+$0x0], $0xffff  }
0x1b8: {  	v4 =	vld [tilespmem:$0x1FFD0];
	_ =	sdelay $0x3  }
0x1b9: {  	v3 =	vor.u32 v3, v0  }
0x1ba: {  	v4 =	vor.u32 v4, v1;
	_ =	sdelay $0x3  }
0x1bb: {  	[tilespmem:v3+s24+$0x0] =	vst.idx.msk $0xffff, v2;
	v3 =	vld [tilespmem:$0x1FF50]  }
0x1bc: {  	v2 =	vld.idx.msk [tilespmem:v4+s16+$0x0], $0xffff  }
0x1bd: {  	v4 =	vld [tilespmem:$0x1FFE0];
	_ =	sdelay $0x3  }
0x1be: {  	v3 =	vor.u32 v3, v0  }
0x1bf: {  	v4 =	vor.u32 v4, v1;
	_ =	sdelay $0x3  }
0x1c0: {  	[tilespmem:v3+s24+$0x0] =	vst.idx.msk $0xffff, v2  }
0x1c1: {  	v3 =	vor.u32 v25, v0;
	v2 =	vld.idx.msk [tilespmem:v4+s16+$0x0], $0xffff  }
0x1c2: {  	v4 =	vor.u32 v26, v1;
	_ =	sdelay $0x3  }
0x1c3: {  	[tilespmem:v3+s24+$0x0] =	vst.idx.msk $0xffff, v2  }
0x1c4: {  	v3 =	vor.u32 v27, v0;
	v2 =	vld.idx.msk [tilespmem:v4+s16+$0x0], $0xffff  }
0x1c5: {  	v4 =	vor.u32 v28, v1;
	_ =	sdelay $0x3  }
0x1c6: {  	[tilespmem:v3+s24+$0x0] =	vst.idx.msk $0xffff, v2  }
0x1c7: {  	v3 =	vor.u32 v29, v0;
	v2 =	vld.idx.msk [tilespmem:v4+s16+$0x0], $0xffff  }
0x1c8: {  	v4 =	vor.u32 v30, v1;
	_ =	sdelay $0x3  }
0x1c9: {  	[tilespmem:v3+s24+$0x0] =	vst.idx.msk $0xffff, v2  }
0x1ca: {  	v3 =	vor.u32 v31, v0;
	v2 =	vld.idx.msk [tilespmem:v4+s16+$0x0], $0xffff  }
0x1cb: {  	v4 =	vor.u32 v32, v1;
	_ =	sdelay $0x3  }
0x1cc: {  	[tilespmem:v3+s24+$0x0] =	vst.idx.msk $0xffff, v2  }
0x1cd: {  	v3 =	vor.u32 v33, v0;
	v2 =	vld.idx.msk [tilespmem:v4+s16+$0x0], $0xffff  }
0x1ce: {  	v4 =	vor.u32 v34, v1;
	_ =	sdelay $0x3  }
0x1cf: {  	[tilespmem:v3+s24+$0x0] =	vst.idx.msk $0xffff, v2  }
0x1d0: {  	v3 =	vor.u32 v35, v0;
	v2 =	vld.idx.msk [tilespmem:v4+s16+$0x0], $0xffff  }
0x1d1: {  	v4 =	vor.u32 v36, v1;
	_ =	sdelay $0x3  }
0x1d2: {  	[tilespmem:v3+s24+$0x0] =	vst.idx.msk $0xffff, v2  }
0x1d3: {  	v3 =	vor.u32 v37, v0;
	v2 =	vld.idx.msk [tilespmem:v4+s16+$0x0], $0xffff  }
0x1d4: {  	v4 =	vor.u32 v38, v1;
	_ =	sdelay $0x3  }
0x1d5: {  	[tilespmem:v3+s24+$0x0] =	vst.idx.msk $0xffff, v2  }
0x1d6: {  	v3 =	vor.u32 v39, v0;
	v2 =	vld.idx.msk [tilespmem:v4+s16+$0x0], $0xffff  }
0x1d7: {  	v4 =	vor.u32 v40, v1;
	_ =	sdelay $0x3  }
0x1d8: {  	[tilespmem:v3+s24+$0x0] =	vst.idx.msk $0xffff, v2  }
0x1d9: {  	v3 =	vor.u32 v41, v0;
	v2 =	vld.idx.msk [tilespmem:v4+s16+$0x0], $0xffff  }
0x1da: {  	v4 =	vor.u32 v42, v1;
	_ =	sdelay $0x3  }
0x1db: {  	[tilespmem:v3+s24+$0x0] =	vst.idx.msk $0xffff, v2  }
0x1dc: {  	v3 =	vor.u32 v43, v0;
	v2 =	vld.idx.msk [tilespmem:v4+s16+$0x0], $0xffff  }
0x1dd: {  	v4 =	vor.u32 v44, v1;
	_ =	sdelay $0x3  }
0x1de: {  	[tilespmem:v3+s24+$0x0] =	vst.idx.msk $0xffff, v2  }
0x1df: {  	v3 =	vor.u32 v45, v0;
	v2 =	vld.idx.msk [tilespmem:v4+s16+$0x0], $0xffff  }
0x1e0: {  	v4 =	vor.u32 v46, v1;
	_ =	sdelay $0x3  }
0x1e1: {  	[tilespmem:v3+s24+$0x0] =	vst.idx.msk $0xffff, v2  }
0x1e2: {  	v3 =	vor.u32 v47, v0;
	v2 =	vld.idx.msk [tilespmem:v4+s16+$0x0], $0xffff  }
0x1e3: {  	v4 =	vor.u32 v48, v1;
	_ =	sdelay $0x3  }
0x1e4: {  	[tilespmem:v3+s24+$0x0] =	vst.idx.msk $0xffff, v2  }
0x1e5: {  	v3 =	vor.u32 v49, v0;
	v2 =	vld.idx.msk [tilespmem:v4+s16+$0x0], $0xffff  }
0x1e6: {  	v4 =	vor.u32 v50, v1;
	_ =	sdelay $0x3  }
0x1e7: {  	[tilespmem:v3+s24+$0x0] =	vst.idx.msk $0xffff, v2  }
0x1e8: {  	v3 =	vor.u32 v51, v0;
	v2 =	vld.idx.msk [tilespmem:v4+s16+$0x0], $0xffff  }
0x1e9: {  	v4 =	vor.u32 v52, v1;
	_ =	sdelay $0x3  }
0x1ea: {  	[tilespmem:v3+s24+$0x0] =	vst.idx.msk $0xffff, v2  }
0x1eb: {  	v3 =	vor.u32 v53, v0;
	v2 =	vld.idx.msk [tilespmem:v4+s16+$0x0], $0xffff  }
0x1ec: {  	v4 =	vor.u32 v54, v1;
	_ =	sdelay $0x3  }
0x1ed: {  	[tilespmem:v3+s24+$0x0] =	vst.idx.msk $0xffff, v2  }
0x1ee: {  	v3 =	vor.u32 v55, v0;
	v2 =	vld.idx.msk [tilespmem:v4+s16+$0x0], $0xffff  }
0x1ef: {  	v4 =	vor.u32 v56, v1;
	_ =	sdelay $0x3  }
0x1f0: {  	[tilespmem:v3+s24+$0x0] =	vst.idx.msk $0xffff, v2  }
0x1f1: {  	v3 =	vor.u32 v57, v0;
	v2 =	vld.idx.msk [tilespmem:v4+s16+$0x0], $0xffff  }
0x1f2: {  	v4 =	vor.u32 v58, v1;
	_ =	sdelay $0x3  }
0x1f3: {  	[tilespmem:v3+s24+$0x0] =	vst.idx.msk $0xffff, v2  }
0x1f4: {  	v3 =	vor.u32 v59, v0;
	v2 =	vld.idx.msk [tilespmem:v4+s16+$0x0], $0xffff  }
0x1f5: {  	v4 =	vor.u32 v60, v1;
	_ =	sdelay $0x3  }
0x1f6: {  	[tilespmem:v3+s24+$0x0] =	vst.idx.msk $0xffff, v2  }
0x1f7: {  	v3 =	vor.u32 v61, v0;
	v2 =	vld.idx.msk [tilespmem:v4+s16+$0x0], $0xffff  }
0x1f8: {  	v1 =	vor.u32 v62, v1;
	_ =	sdelay $0x3  }
0x1f9: {  	v5 =	vlaneseq.u32;
	s31 =	simm.s32 $0x1;
	[tilespmem:v3+s24+$0x0] =	vst.idx.msk $0xffff, v2  }
0x1fa: {  	s1 =	simm.s32 $0x2;
	v3 =	vadd.s32 s31, v5;
	v2 =	vld.idx.msk [tilespmem:v1+s16+$0x0], $0xffff  }
.LBB2_4:
0x1fb: {  	v1 =	vand.u32 $0x1F, v3;
	v0 =	vor.u32 v63, v0  }
0x1fc: {  	v4 =	vor.u32 v6, v1;
	_ =	sdelay $0x3  }
0x1fd: {  	[tilespmem:v0+s24+$0x0] =	vst.idx.msk $0xffff, v2  }
0x1fe: {  	v2 =	vld.idx.msk [tilespmem:v4+s16+$0x0], $0xffff  }
0x1ff: {  	v4 =	vld [tilespmem:$0x1FE80]  }
0x200: {  	v5 =	vshll.u32 v3, $0x9;
	v3 =	vshll.u32 v3, $0x7  }
0x201: {  	v5 =	vand.u32 $0x3000, v5;
	v3 =	vand.u32 $0x380, v3  }
0x202: {  	v0 =	vor.u32 v3, v5;
	v5 =	vlaneseq.u32  }
0x203: {  	v3 =	vor.u32 v5, v0  }
0x204: {  	v4 =	vor.u32 v4, v1;
	_ =	sdelay $0x3  }
0x205: {  	[tilespmem:v3+s24+$0x0] =	vst.idx.msk $0xffff, v2;
	v3 =	vld [tilespmem:$0x1FE90]  }
0x206: {  	v2 =	vld.idx.msk [tilespmem:v4+s16+$0x0], $0xffff  }
0x207: {  	v4 =	vld [tilespmem:$0x1FEA0];
	_ =	sdelay $0x3  }
0x208: {  	v3 =	vor.u32 v3, v0  }
0x209: {  	v4 =	vor.u32 v4, v1;
	_ =	sdelay $0x3  }
0x20a: {  	[tilespmem:v3+s24+$0x0] =	vst.idx.msk $0xffff, v2;
	v3 =	vld [tilespmem:$0x1FEB0]  }
0x20b: {  	v2 =	vld.idx.msk [tilespmem:v4+s16+$0x0], $0xffff  }
0x20c: {  	v4 =	vld [tilespmem:$0x1FEC0];
	_ =	sdelay $0x3  }
0x20d: {  	v3 =	vor.u32 v3, v0  }
0x20e: {  	v4 =	vor.u32 v4, v1;
	_ =	sdelay $0x3  }
0x20f: {  	[tilespmem:v3+s24+$0x0] =	vst.idx.msk $0xffff, v2  }
0x210: {  	v3 =	vor.u32 v12, v0;
	v2 =	vld.idx.msk [tilespmem:v4+s16+$0x0], $0xffff  }
0x211: {  	v4 =	vor.u32 v13, v1;
	_ =	sdelay $0x3  }
0x212: {  	[tilespmem:v3+s24+$0x0] =	vst.idx.msk $0xffff, v2  }
0x213: {  	v3 =	vor.u32 v14, v0;
	v2 =	vld.idx.msk [tilespmem:v4+s16+$0x0], $0xffff  }
0x214: {  	v4 =	vor.u32 v15, v1;
	_ =	sdelay $0x3  }
0x215: {  	[tilespmem:v3+s24+$0x0] =	vst.idx.msk $0xffff, v2  }
0x216: {  	v3 =	vor.u32 v16, v0;
	v2 =	vld.idx.msk [tilespmem:v4+s16+$0x0], $0xffff  }
0x217: {  	v4 =	vor.u32 v17, v1;
	_ =	sdelay $0x3  }
0x218: {  	[tilespmem:v3+s24+$0x0] =	vst.idx.msk $0xffff, v2  }
0x219: {  	v3 =	vor.u32 v18, v0;
	v2 =	vld.idx.msk [tilespmem:v4+s16+$0x0], $0xffff  }
0x21a: {  	v4 =	vor.u32 v19, v1;
	_ =	sdelay $0x3  }
0x21b: {  	[tilespmem:v3+s24+$0x0] =	vst.idx.msk $0xffff, v2  }
0x21c: {  	v3 =	vor.u32 v20, v0;
	v2 =	vld.idx.msk [tilespmem:v4+s16+$0x0], $0xffff  }
0x21d: {  	v4 =	vor.u32 v21, v1;
	_ =	sdelay $0x3  }
0x21e: {  	[tilespmem:v3+s24+$0x0] =	vst.idx.msk $0xffff, v2  }
0x21f: {  	v3 =	vor.u32 v7, v0;
	v2 =	vld.idx.msk [tilespmem:v4+s16+$0x0], $0xffff  }
0x220: {  	v4 =	vor.u32 v8, v1;
	_ =	sdelay $0x3  }
0x221: {  	[tilespmem:v3+s24+$0x0] =	vst.idx.msk $0xffff, v2  }
0x222: {  	v3 =	vor.u32 v22, v0;
	v2 =	vld.idx.msk [tilespmem:v4+s16+$0x0], $0xffff  }
0x223: {  	v4 =	vor.u32 v23, v1;
	_ =	sdelay $0x3  }
0x224: {  	[tilespmem:v3+s24+$0x0] =	vst.idx.msk $0xffff, v2  }
0x225: {  	v3 =	vor.u32 v24, v0;
	v2 =	vld.idx.msk [tilespmem:v4+s16+$0x0], $0xffff  }
0x226: {  	v4 =	vor.u32 v9, v1;
	_ =	sdelay $0x3  }
0x227: {  	[tilespmem:v3+s24+$0x0] =	vst.idx.msk $0xffff, v2  }
0x228: {  	v3 =	vor.u32 v10, v0;
	v2 =	vld.idx.msk [tilespmem:v4+s16+$0x0], $0xffff  }
0x229: {  	v4 =	vor.u32 v11, v1;
	_ =	sdelay $0x3  }
0x22a: {  	[tilespmem:v3+s24+$0x0] =	vst.idx.msk $0xffff, v2  }
0x22b: {  	v3 =	vor.u32 v25, v0;
	v2 =	vld.idx.msk [tilespmem:v4+s16+$0x0], $0xffff  }
0x22c: {  	v4 =	vor.u32 v26, v1;
	_ =	sdelay $0x3  }
0x22d: {  	[tilespmem:v3+s24+$0x0] =	vst.idx.msk $0xffff, v2  }
0x22e: {  	v3 =	vor.u32 v27, v0;
	v2 =	vld.idx.msk [tilespmem:v4+s16+$0x0], $0xffff  }
0x22f: {  	v4 =	vor.u32 v28, v1;
	_ =	sdelay $0x3  }
0x230: {  	[tilespmem:v3+s24+$0x0] =	vst.idx.msk $0xffff, v2  }
0x231: {  	v3 =	vor.u32 v29, v0;
	v2 =	vld.idx.msk [tilespmem:v4+s16+$0x0], $0xffff  }
0x232: {  	v4 =	vor.u32 v30, v1;
	_ =	sdelay $0x3  }
0x233: {  	[tilespmem:v3+s24+$0x0] =	vst.idx.msk $0xffff, v2  }
0x234: {  	v3 =	vor.u32 v31, v0;
	v2 =	vld.idx.msk [tilespmem:v4+s16+$0x0], $0xffff  }
0x235: {  	v4 =	vor.u32 v32, v1;
	_ =	sdelay $0x3  }
0x236: {  	[tilespmem:v3+s24+$0x0] =	vst.idx.msk $0xffff, v2  }
0x237: {  	v3 =	vor.u32 v33, v0;
	v2 =	vld.idx.msk [tilespmem:v4+s16+$0x0], $0xffff  }
0x238: {  	v4 =	vor.u32 v34, v1;
	_ =	sdelay $0x3  }
0x239: {  	[tilespmem:v3+s24+$0x0] =	vst.idx.msk $0xffff, v2  }
0x23a: {  	v3 =	vor.u32 v35, v0;
	v2 =	vld.idx.msk [tilespmem:v4+s16+$0x0], $0xffff  }
0x23b: {  	v4 =	vor.u32 v36, v1;
	_ =	sdelay $0x3  }
0x23c: {  	[tilespmem:v3+s24+$0x0] =	vst.idx.msk $0xffff, v2  }
0x23d: {  	v3 =	vor.u32 v37, v0;
	v2 =	vld.idx.msk [tilespmem:v4+s16+$0x0], $0xffff  }
0x23e: {  	v4 =	vor.u32 v38, v1;
	_ =	sdelay $0x3  }
0x23f: {  	[tilespmem:v3+s24+$0x0] =	vst.idx.msk $0xffff, v2  }
0x240: {  	v3 =	vor.u32 v39, v0;
	v2 =	vld.idx.msk [tilespmem:v4+s16+$0x0], $0xffff  }
0x241: {  	v4 =	vor.u32 v40, v1;
	_ =	sdelay $0x3  }
0x242: {  	[tilespmem:v3+s24+$0x0] =	vst.idx.msk $0xffff, v2  }
0x243: {  	v3 =	vor.u32 v41, v0;
	v2 =	vld.idx.msk [tilespmem:v4+s16+$0x0], $0xffff  }
0x244: {  	v4 =	vor.u32 v42, v1;
	_ =	sdelay $0x3  }
0x245: {  	[tilespmem:v3+s24+$0x0] =	vst.idx.msk $0xffff, v2  }
0x246: {  	v3 =	vor.u32 v43, v0;
	v2 =	vld.idx.msk [tilespmem:v4+s16+$0x0], $0xffff  }
0x247: {  	v4 =	vor.u32 v44, v1;
	_ =	sdelay $0x3  }
0x248: {  	[tilespmem:v3+s24+$0x0] =	vst.idx.msk $0xffff, v2  }
0x249: {  	v3 =	vor.u32 v45, v0;
	v2 =	vld.idx.msk [tilespmem:v4+s16+$0x0], $0xffff  }
0x24a: {  	v4 =	vor.u32 v46, v1;
	_ =	sdelay $0x3  }
0x24b: {  	[tilespmem:v3+s24+$0x0] =	vst.idx.msk $0xffff, v2  }
0x24c: {  	v3 =	vor.u32 v47, v0;
	v2 =	vld.idx.msk [tilespmem:v4+s16+$0x0], $0xffff  }
0x24d: {  	v4 =	vor.u32 v48, v1;
	_ =	sdelay $0x3  }
0x24e: {  	[tilespmem:v3+s24+$0x0] =	vst.idx.msk $0xffff, v2  }
0x24f: {  	v3 =	vor.u32 v49, v0;
	v2 =	vld.idx.msk [tilespmem:v4+s16+$0x0], $0xffff  }
0x250: {  	v4 =	vor.u32 v50, v1;
	_ =	sdelay $0x3  }
0x251: {  	[tilespmem:v3+s24+$0x0] =	vst.idx.msk $0xffff, v2  }
0x252: {  	v3 =	vor.u32 v51, v0;
	v2 =	vld.idx.msk [tilespmem:v4+s16+$0x0], $0xffff  }
0x253: {  	v4 =	vor.u32 v52, v1;
	_ =	sdelay $0x3  }
0x254: {  	[tilespmem:v3+s24+$0x0] =	vst.idx.msk $0xffff, v2  }
0x255: {  	v3 =	vor.u32 v53, v0;
	v2 =	vld.idx.msk [tilespmem:v4+s16+$0x0], $0xffff  }
0x256: {  	v4 =	vor.u32 v54, v1;
	_ =	sdelay $0x3  }
0x257: {  	[tilespmem:v3+s24+$0x0] =	vst.idx.msk $0xffff, v2  }
0x258: {  	v3 =	vor.u32 v55, v0;
	v2 =	vld.idx.msk [tilespmem:v4+s16+$0x0], $0xffff  }
0x259: {  	v4 =	vor.u32 v56, v1;
	_ =	sdelay $0x3  }
0x25a: {  	[tilespmem:v3+s24+$0x0] =	vst.idx.msk $0xffff, v2  }
0x25b: {  	v3 =	vor.u32 v57, v0;
	v2 =	vld.idx.msk [tilespmem:v4+s16+$0x0], $0xffff  }
0x25c: {  	v4 =	vor.u32 v58, v1;
	_ =	sdelay $0x3  }
0x25d: {  	[tilespmem:v3+s24+$0x0] =	vst.idx.msk $0xffff, v2  }
0x25e: {  	v3 =	vor.u32 v59, v0;
	v2 =	vld.idx.msk [tilespmem:v4+s16+$0x0], $0xffff  }
0x25f: {  	v4 =	vor.u32 v60, v1;
	_ =	sdelay $0x3  }
0x260: {  	[tilespmem:v3+s24+$0x0] =	vst.idx.msk $0xffff, v2  }
0x261: {  	v3 =	vor.u32 v61, v0;
	v2 =	vld.idx.msk [tilespmem:v4+s16+$0x0], $0xffff  }
0x262: {  	p0 =	sne.s32 s1, $0x1F;
	v1 =	vor.u32 v62, v1  }
.Ltmp1:
0x263: {  	_ = 	snop;
	(pc) =	sbr.rel @p0 .LBB2_4-.Ltmp1, $3  }
0x264: {  	_ =	sdelay $0x1  }
0x265: {  	[tilespmem:v3+s24+$0x0] =	vst.idx.msk $0xffff, v2  }
0x266: {  	v4 =	vlaneseq.u32;
	v3 =	vadd.s32 s1, v5;
	s1 =	sadd.s32 $0x1, s1;
	v2 =	vld.idx.msk [tilespmem:v1+s16+$0x0], $0xffff  }
0x267: {  	v0 =	vor.u32 v63, v0;
	_ =	sdelay $0x1  }
0x268: {  	v1 =	vand.u32 $0x1F, v3  }
0x269: {  	v5 =	vor.u32 v6, v1  }
0x26a: {  	[tilespmem:$0x1FE70] =	vst v5  }
0x26b: {  	[tilespmem:v0+s24+$0x0] =	vst.idx.msk $0xffff, v2;
	v2 =	vld [tilespmem:$0x1FE70]  }
0x26c: {  	v5 =	vshll.u32 v3, $0x9;
	v3 =	vshll.u32 v3, $0x7  }
0x26d: {  	v5 =	vand.u32 $0x3000, v5;
	v3 =	vand.u32 $0x380, v3  }
0x26e: {  	v0 =	vor.u32 v3, v5  }
0x26f: {  	v3 =	vor.u32 v4, v0;
	v4 =	vld [tilespmem:$0x1FE80];
	_ =	sdelay $0x3  }
0x270: {  	v2 =	vld.idx.msk [tilespmem:v2+s16+$0x0], $0xffff  }
0x271: {  	v4 =	vor.u32 v4, v1;
	_ =	sdelay $0x3  }
0x272: {  	[tilespmem:v3+s24+$0x0] =	vst.idx.msk $0xffff, v2;
	v3 =	vld [tilespmem:$0x1FE90]  }
0x273: {  	v2 =	vld.idx.msk [tilespmem:v4+s16+$0x0], $0xffff  }
0x274: {  	v4 =	vld [tilespmem:$0x1FEA0];
	_ =	sdelay $0x3  }
0x275: {  	v3 =	vor.u32 v3, v0  }
0x276: {  	v4 =	vor.u32 v4, v1;
	_ =	sdelay $0x3  }
0x277: {  	[tilespmem:v3+s24+$0x0] =	vst.idx.msk $0xffff, v2;
	v3 =	vld [tilespmem:$0x1FEB0]  }
0x278: {  	v2 =	vld.idx.msk [tilespmem:v4+s16+$0x0], $0xffff  }
0x279: {  	v4 =	vld [tilespmem:$0x1FEC0];
	_ =	sdelay $0x3  }
0x27a: {  	v3 =	vor.u32 v3, v0  }
0x27b: {  	v4 =	vor.u32 v4, v1;
	_ =	sdelay $0x3  }
0x27c: {  	[tilespmem:v3+s24+$0x0] =	vst.idx.msk $0xffff, v2  }
0x27d: {  	v3 =	vor.u32 v12, v0;
	v2 =	vld.idx.msk [tilespmem:v4+s16+$0x0], $0xffff  }
0x27e: {  	v4 =	vor.u32 v13, v1;
	_ =	sdelay $0x3  }
0x27f: {  	[tilespmem:v3+s24+$0x0] =	vst.idx.msk $0xffff, v2  }
0x280: {  	v3 =	vor.u32 v14, v0;
	v2 =	vld.idx.msk [tilespmem:v4+s16+$0x0], $0xffff  }
0x281: {  	v4 =	vor.u32 v15, v1;
	_ =	sdelay $0x3  }
0x282: {  	[tilespmem:v3+s24+$0x0] =	vst.idx.msk $0xffff, v2  }
0x283: {  	v3 =	vor.u32 v16, v0;
	v2 =	vld.idx.msk [tilespmem:v4+s16+$0x0], $0xffff  }
0x284: {  	v4 =	vor.u32 v17, v1;
	_ =	sdelay $0x3  }
0x285: {  	[tilespmem:v3+s24+$0x0] =	vst.idx.msk $0xffff, v2  }
0x286: {  	v3 =	vor.u32 v18, v0;
	v2 =	vld.idx.msk [tilespmem:v4+s16+$0x0], $0xffff  }
0x287: {  	v4 =	vor.u32 v19, v1;
	_ =	sdelay $0x3  }
0x288: {  	[tilespmem:v3+s24+$0x0] =	vst.idx.msk $0xffff, v2  }
0x289: {  	v3 =	vor.u32 v20, v0;
	v2 =	vld.idx.msk [tilespmem:v4+s16+$0x0], $0xffff  }
0x28a: {  	v4 =	vor.u32 v21, v1;
	_ =	sdelay $0x3  }
0x28b: {  	[tilespmem:v3+s24+$0x0] =	vst.idx.msk $0xffff, v2  }
0x28c: {  	v3 =	vor.u32 v7, v0;
	v2 =	vld.idx.msk [tilespmem:v4+s16+$0x0], $0xffff  }
0x28d: {  	v4 =	vor.u32 v8, v1;
	_ =	sdelay $0x3  }
0x28e: {  	[tilespmem:v3+s24+$0x0] =	vst.idx.msk $0xffff, v2  }
0x28f: {  	v3 =	vor.u32 v22, v0;
	v2 =	vld.idx.msk [tilespmem:v4+s16+$0x0], $0xffff  }
0x290: {  	v4 =	vor.u32 v23, v1;
	_ =	sdelay $0x3  }
0x291: {  	[tilespmem:v3+s24+$0x0] =	vst.idx.msk $0xffff, v2  }
0x292: {  	v3 =	vor.u32 v24, v0;
	v2 =	vld.idx.msk [tilespmem:v4+s16+$0x0], $0xffff  }
0x293: {  	v4 =	vor.u32 v9, v1;
	_ =	sdelay $0x3  }
0x294: {  	[tilespmem:v3+s24+$0x0] =	vst.idx.msk $0xffff, v2  }
0x295: {  	v3 =	vor.u32 v10, v0;
	v2 =	vld.idx.msk [tilespmem:v4+s16+$0x0], $0xffff  }
0x296: {  	v4 =	vor.u32 v11, v1;
	_ =	sdelay $0x3  }
0x297: {  	[tilespmem:v3+s24+$0x0] =	vst.idx.msk $0xffff, v2  }
0x298: {  	v3 =	vor.u32 v25, v0;
	v2 =	vld.idx.msk [tilespmem:v4+s16+$0x0], $0xffff  }
0x299: {  	v4 =	vor.u32 v26, v1;
	_ =	sdelay $0x3  }
0x29a: {  	[tilespmem:v3+s24+$0x0] =	vst.idx.msk $0xffff, v2  }
0x29b: {  	v3 =	vor.u32 v27, v0;
	v2 =	vld.idx.msk [tilespmem:v4+s16+$0x0], $0xffff  }
0x29c: {  	v4 =	vor.u32 v28, v1;
	_ =	sdelay $0x3  }
0x29d: {  	[tilespmem:v3+s24+$0x0] =	vst.idx.msk $0xffff, v2  }
0x29e: {  	v3 =	vor.u32 v29, v0;
	v2 =	vld.idx.msk [tilespmem:v4+s16+$0x0], $0xffff  }
0x29f: {  	v4 =	vor.u32 v30, v1;
	_ =	sdelay $0x3  }
0x2a0: {  	[tilespmem:v3+s24+$0x0] =	vst.idx.msk $0xffff, v2  }
0x2a1: {  	v3 =	vor.u32 v31, v0;
	v2 =	vld.idx.msk [tilespmem:v4+s16+$0x0], $0xffff  }
0x2a2: {  	v4 =	vor.u32 v32, v1;
	_ =	sdelay $0x3  }
0x2a3: {  	[tilespmem:v3+s24+$0x0] =	vst.idx.msk $0xffff, v2  }
0x2a4: {  	v3 =	vor.u32 v33, v0;
	v2 =	vld.idx.msk [tilespmem:v4+s16+$0x0], $0xffff  }
0x2a5: {  	v4 =	vor.u32 v34, v1;
	_ =	sdelay $0x3  }
0x2a6: {  	[tilespmem:v3+s24+$0x0] =	vst.idx.msk $0xffff, v2  }
0x2a7: {  	v3 =	vor.u32 v35, v0;
	v2 =	vld.idx.msk [tilespmem:v4+s16+$0x0], $0xffff  }
0x2a8: {  	v4 =	vor.u32 v36, v1;
	_ =	sdelay $0x3  }
0x2a9: {  	[tilespmem:v3+s24+$0x0] =	vst.idx.msk $0xffff, v2  }
0x2aa: {  	v3 =	vor.u32 v37, v0;
	v2 =	vld.idx.msk [tilespmem:v4+s16+$0x0], $0xffff  }
0x2ab: {  	v4 =	vor.u32 v38, v1;
	_ =	sdelay $0x3  }
0x2ac: {  	[tilespmem:v3+s24+$0x0] =	vst.idx.msk $0xffff, v2  }
0x2ad: {  	v3 =	vor.u32 v39, v0;
	v2 =	vld.idx.msk [tilespmem:v4+s16+$0x0], $0xffff  }
0x2ae: {  	v4 =	vor.u32 v40, v1;
	_ =	sdelay $0x3  }
0x2af: {  	[tilespmem:v3+s24+$0x0] =	vst.idx.msk $0xffff, v2  }
0x2b0: {  	v3 =	vor.u32 v41, v0;
	v2 =	vld.idx.msk [tilespmem:v4+s16+$0x0], $0xffff  }
0x2b1: {  	v4 =	vor.u32 v42, v1;
	_ =	sdelay $0x3  }
0x2b2: {  	[tilespmem:v3+s24+$0x0] =	vst.idx.msk $0xffff, v2  }
0x2b3: {  	v3 =	vor.u32 v43, v0;
	v2 =	vld.idx.msk [tilespmem:v4+s16+$0x0], $0xffff  }
0x2b4: {  	v4 =	vor.u32 v44, v1;
	_ =	sdelay $0x3  }
0x2b5: {  	[tilespmem:v3+s24+$0x0] =	vst.idx.msk $0xffff, v2  }
0x2b6: {  	v3 =	vor.u32 v45, v0;
	v2 =	vld.idx.msk [tilespmem:v4+s16+$0x0], $0xffff  }
0x2b7: {  	v4 =	vor.u32 v46, v1;
	_ =	sdelay $0x3  }
0x2b8: {  	[tilespmem:v3+s24+$0x0] =	vst.idx.msk $0xffff, v2  }
0x2b9: {  	v3 =	vor.u32 v47, v0;
	v2 =	vld.idx.msk [tilespmem:v4+s16+$0x0], $0xffff  }
0x2ba: {  	v4 =	vor.u32 v48, v1;
	_ =	sdelay $0x3  }
0x2bb: {  	[tilespmem:v3+s24+$0x0] =	vst.idx.msk $0xffff, v2  }
0x2bc: {  	v3 =	vor.u32 v49, v0;
	v2 =	vld.idx.msk [tilespmem:v4+s16+$0x0], $0xffff  }
0x2bd: {  	v4 =	vor.u32 v50, v1;
	_ =	sdelay $0x3  }
0x2be: {  	[tilespmem:v3+s24+$0x0] =	vst.idx.msk $0xffff, v2  }
0x2bf: {  	v3 =	vor.u32 v51, v0;
	v2 =	vld.idx.msk [tilespmem:v4+s16+$0x0], $0xffff  }
0x2c0: {  	v4 =	vor.u32 v52, v1;
	_ =	sdelay $0x3  }
0x2c1: {  	[tilespmem:v3+s24+$0x0] =	vst.idx.msk $0xffff, v2  }
0x2c2: {  	v3 =	vor.u32 v53, v0;
	v2 =	vld.idx.msk [tilespmem:v4+s16+$0x0], $0xffff  }
0x2c3: {  	v4 =	vor.u32 v54, v1;
	_ =	sdelay $0x3  }
0x2c4: {  	[tilespmem:v3+s24+$0x0] =	vst.idx.msk $0xffff, v2  }
0x2c5: {  	v3 =	vor.u32 v55, v0;
	v2 =	vld.idx.msk [tilespmem:v4+s16+$0x0], $0xffff  }
0x2c6: {  	v4 =	vor.u32 v56, v1;
	_ =	sdelay $0x3  }
0x2c7: {  	[tilespmem:v3+s24+$0x0] =	vst.idx.msk $0xffff, v2  }
0x2c8: {  	v3 =	vor.u32 v57, v0;
	v2 =	vld.idx.msk [tilespmem:v4+s16+$0x0], $0xffff  }
0x2c9: {  	v4 =	vor.u32 v58, v1;
	_ =	sdelay $0x3  }
0x2ca: {  	[tilespmem:v3+s24+$0x0] =	vst.idx.msk $0xffff, v2  }
0x2cb: {  	v3 =	vor.u32 v59, v0;
	v2 =	vld.idx.msk [tilespmem:v4+s16+$0x0], $0xffff  }
0x2cc: {  	v4 =	vor.u32 v60, v1;
	_ =	sdelay $0x3  }
0x2cd: {  	[tilespmem:v3+s24+$0x0] =	vst.idx.msk $0xffff, v2  }
0x2ce: {  	v3 =	vor.u32 v61, v0;
	v2 =	vld.idx.msk [tilespmem:v4+s16+$0x0], $0xffff  }
0x2cf: {  	v1 =	vor.u32 v62, v1;
	_ =	sdelay $0x3  }
0x2d0: {  	[tilespmem:v3+s24+$0x0] =	vst.idx.msk $0xffff, v2  }
0x2d1: {  	v0 =	vor.u32 v63, v0;
	v1 =	vld.idx.msk [tilespmem:v1+s16+$0x0], $0xffff;
	_ =	sdelay $0x4  }
0x2d2: {  	s1 =	rddreg [dreg:$0x8];
	[tilespmem:v0+s24+$0x0] =	vst.idx.msk $0xffff, v1  }
0x2d3: {  	[hbm4b:s1+s4] =	stream.linear.scatter [tilespmem:s24], [sflag:$0x6], $0x1000, $0x38;
	[tilespmem:$0x10400] =	vst v63  }
0x2d4: {  	s18 =	rddreg [dreg:$0x9]  }
0x2d5: {  	[hbm4b:s18+s4] =	stream.linear.scatter [tilespmem:s25], [sflag:$0x6], $0x1000, $0x38;
	[tilespmem:$0x10400] =	vst v63  }
0x2d6: {  	s22 =	rddreg [dreg:$0xa]  }
0x2d7: {  	[hbm4b:s22+s4] =	stream.linear.scatter [tilespmem:s26], [sflag:$0x6], $0x1000, $0x38;
	[tilespmem:$0x10400] =	vst v63  }
0x2d8: {  	s31 =	rddreg [dreg:$0xb];
	s1 =	simm.s32 $0x1  }
0x2d9: {  	[hbm4b:s31+s4] =	stream.linear.scatter [tilespmem:s28], [sflag:$0x6], $0x1000, $0x38;
	[tilespmem:$0x10400] =	vst v63  }
.LBB2_6:
0x2da: {  	_ =	swait.ge [sflag:s14], $0x4000  }
0x2db: {  	[sflag:s14] =	ssyncset.done $0x0  }
0x2dc: {  	[sflag:s14] =	ssyncadd.s32 $0xFFFFC000  }
0x2dd: {  	s9 =	sshll.u32 s1, $0xA;
	_ =	swait.ge [sflag:s15], $0x200  }
0x2de: {  	s31 =	sadd.s32 s9, s19;
	[sflag:s15] =	ssyncset.done $0x0  }
0x2df: {  	s7 =	simm.s32 $0x0;
	s31 =	sshrl.u32 s31, $0x3;
	[sflag:s15] =	ssyncadd.s32 $0xFFFFFE00  }
0x2e0: {  	v5 =	vlaneseq.u32;
	[tilespmem:s16], [sflag:$0x4] =	stream.indirect.gather [hbm4b:s6+s10], $0x20, s10, s10, $0xb8;
	[tilespmem:$0x10400] =	vst v63  }
0x2e1: {  	v0 =	vadd.s32 s7, v5;
	s31 =	sadd.s32 s5, s31  }
0x2e2: {  	v1 =	vand.u32 $0x1F, v0;
	[tilespmem:s7], [sflag:$0x1] =	stream.linear.gather [hbm4b:s31+s7], $0x200, $0x38;
	[tilespmem:$0x10400] =	vst v63  }
0x2e3: {  	v2 =	vor.u32 v6, v1;
	_ =	swait.ge [sflag:s29], $0x4000  }
0x2e4: {  	v4 =	vld [tilespmem:$0x1FE80]  }
0x2e5: {  	v3 =	vshll.u32 v0, $0x9;
	v0 =	vshll.u32 v0, $0x7  }
0x2e6: {  	v3 =	vand.u32 $0x3000, v3;
	v0 =	vand.u32 $0x380, v0;
	[sflag:s29] =	ssyncset.done $0x0  }
0x2e7: {  	v0 =	vor.u32 v0, v3;
	[sflag:s29] =	ssyncadd.s32 $0xFFFFC000  }
0x2e8: {  	v3 =	vor.u32 v5, v0;
	v2 =	vld.idx.msk [tilespmem:v2+s13+$0x0], $0xffff  }
0x2e9: {  	v4 =	vor.u32 v4, v1;
	_ =	sdelay $0x3  }
0x2ea: {  	[tilespmem:v3+s17+$0x0] =	vst.idx.msk $0xffff, v2;
	v3 =	vld [tilespmem:$0x1FE90]  }
0x2eb: {  	v2 =	vld.idx.msk [tilespmem:v4+s13+$0x0], $0xffff  }
0x2ec: {  	v4 =	vld [tilespmem:$0x1FEA0];
	_ =	sdelay $0x3  }
0x2ed: {  	v3 =	vor.u32 v3, v0  }
0x2ee: {  	v4 =	vor.u32 v4, v1;
	_ =	sdelay $0x3  }
0x2ef: {  	[tilespmem:v3+s17+$0x0] =	vst.idx.msk $0xffff, v2;
	v3 =	vld [tilespmem:$0x1FEB0]  }
0x2f0: {  	v2 =	vld.idx.msk [tilespmem:v4+s13+$0x0], $0xffff  }
0x2f1: {  	v4 =	vld [tilespmem:$0x1FEC0];
	_ =	sdelay $0x3  }
0x2f2: {  	v3 =	vor.u32 v3, v0  }
0x2f3: {  	v4 =	vor.u32 v4, v1;
	_ =	sdelay $0x3  }
0x2f4: {  	[tilespmem:v3+s17+$0x0] =	vst.idx.msk $0xffff, v2  }
0x2f5: {  	v3 =	vor.u32 v12, v0;
	v2 =	vld.idx.msk [tilespmem:v4+s13+$0x0], $0xffff  }
0x2f6: {  	v4 =	vor.u32 v13, v1;
	_ =	sdelay $0x3  }
0x2f7: {  	[tilespmem:v3+s17+$0x0] =	vst.idx.msk $0xffff, v2  }
0x2f8: {  	v3 =	vor.u32 v14, v0;
	v2 =	vld.idx.msk [tilespmem:v4+s13+$0x0], $0xffff  }
0x2f9: {  	v4 =	vor.u32 v15, v1;
	_ =	sdelay $0x3  }
0x2fa: {  	[tilespmem:v3+s17+$0x0] =	vst.idx.msk $0xffff, v2  }
0x2fb: {  	v3 =	vor.u32 v16, v0;
	v2 =	vld.idx.msk [tilespmem:v4+s13+$0x0], $0xffff  }
0x2fc: {  	v4 =	vor.u32 v17, v1;
	_ =	sdelay $0x3  }
0x2fd: {  	[tilespmem:v3+s17+$0x0] =	vst.idx.msk $0xffff, v2  }
0x2fe: {  	v3 =	vor.u32 v18, v0;
	v2 =	vld.idx.msk [tilespmem:v4+s13+$0x0], $0xffff  }
0x2ff: {  	v4 =	vor.u32 v19, v1;
	_ =	sdelay $0x3  }
0x300: {  	[tilespmem:v3+s17+$0x0] =	vst.idx.msk $0xffff, v2  }
0x301: {  	v3 =	vor.u32 v20, v0;
	v2 =	vld.idx.msk [tilespmem:v4+s13+$0x0], $0xffff  }
0x302: {  	v4 =	vor.u32 v21, v1;
	_ =	sdelay $0x3  }
0x303: {  	[tilespmem:v3+s17+$0x0] =	vst.idx.msk $0xffff, v2  }
0x304: {  	v3 =	vor.u32 v7, v0;
	v2 =	vld.idx.msk [tilespmem:v4+s13+$0x0], $0xffff  }
0x305: {  	v4 =	vor.u32 v8, v1;
	_ =	sdelay $0x3  }
0x306: {  	[tilespmem:v3+s17+$0x0] =	vst.idx.msk $0xffff, v2  }
0x307: {  	v3 =	vor.u32 v22, v0;
	v2 =	vld.idx.msk [tilespmem:v4+s13+$0x0], $0xffff  }
0x308: {  	v4 =	vor.u32 v23, v1;
	_ =	sdelay $0x3  }
0x309: {  	[tilespmem:v3+s17+$0x0] =	vst.idx.msk $0xffff, v2  }
0x30a: {  	v3 =	vor.u32 v24, v0;
	v2 =	vld.idx.msk [tilespmem:v4+s13+$0x0], $0xffff  }
0x30b: {  	v4 =	vor.u32 v9, v1;
	_ =	sdelay $0x3  }
0x30c: {  	[tilespmem:v3+s17+$0x0] =	vst.idx.msk $0xffff, v2  }
0x30d: {  	v3 =	vor.u32 v10, v0;
	v2 =	vld.idx.msk [tilespmem:v4+s13+$0x0], $0xffff  }
0x30e: {  	v4 =	vor.u32 v11, v1;
	_ =	sdelay $0x3  }
0x30f: {  	[tilespmem:v3+s17+$0x0] =	vst.idx.msk $0xffff, v2  }
0x310: {  	v3 =	vor.u32 v25, v0;
	v2 =	vld.idx.msk [tilespmem:v4+s13+$0x0], $0xffff  }
0x311: {  	v4 =	vor.u32 v26, v1;
	_ =	sdelay $0x3  }
0x312: {  	[tilespmem:v3+s17+$0x0] =	vst.idx.msk $0xffff, v2  }
0x313: {  	v3 =	vor.u32 v27, v0;
	v2 =	vld.idx.msk [tilespmem:v4+s13+$0x0], $0xffff  }
0x314: {  	v4 =	vor.u32 v28, v1;
	_ =	sdelay $0x3  }
0x315: {  	[tilespmem:v3+s17+$0x0] =	vst.idx.msk $0xffff, v2  }
0x316: {  	v3 =	vor.u32 v29, v0;
	v2 =	vld.idx.msk [tilespmem:v4+s13+$0x0], $0xffff  }
0x317: {  	v4 =	vor.u32 v30, v1;
	_ =	sdelay $0x3  }
0x318: {  	[tilespmem:v3+s17+$0x0] =	vst.idx.msk $0xffff, v2  }
0x319: {  	v3 =	vor.u32 v31, v0;
	v2 =	vld.idx.msk [tilespmem:v4+s13+$0x0], $0xffff  }
0x31a: {  	v4 =	vor.u32 v32, v1;
	_ =	sdelay $0x3  }
0x31b: {  	[tilespmem:v3+s17+$0x0] =	vst.idx.msk $0xffff, v2  }
0x31c: {  	v3 =	vor.u32 v33, v0;
	v2 =	vld.idx.msk [tilespmem:v4+s13+$0x0], $0xffff  }
0x31d: {  	v4 =	vor.u32 v34, v1;
	_ =	sdelay $0x3  }
0x31e: {  	[tilespmem:v3+s17+$0x0] =	vst.idx.msk $0xffff, v2  }
0x31f: {  	v3 =	vor.u32 v35, v0;
	v2 =	vld.idx.msk [tilespmem:v4+s13+$0x0], $0xffff  }
0x320: {  	v4 =	vor.u32 v36, v1;
	_ =	sdelay $0x3  }
0x321: {  	[tilespmem:v3+s17+$0x0] =	vst.idx.msk $0xffff, v2  }
0x322: {  	v3 =	vor.u32 v37, v0;
	v2 =	vld.idx.msk [tilespmem:v4+s13+$0x0], $0xffff  }
0x323: {  	v4 =	vor.u32 v38, v1;
	_ =	sdelay $0x3  }
0x324: {  	[tilespmem:v3+s17+$0x0] =	vst.idx.msk $0xffff, v2  }
0x325: {  	v3 =	vor.u32 v39, v0;
	v2 =	vld.idx.msk [tilespmem:v4+s13+$0x0], $0xffff  }
0x326: {  	v4 =	vor.u32 v40, v1;
	_ =	sdelay $0x3  }
0x327: {  	[tilespmem:v3+s17+$0x0] =	vst.idx.msk $0xffff, v2  }
0x328: {  	v3 =	vor.u32 v41, v0;
	v2 =	vld.idx.msk [tilespmem:v4+s13+$0x0], $0xffff  }
0x329: {  	v4 =	vor.u32 v42, v1;
	_ =	sdelay $0x3  }
0x32a: {  	[tilespmem:v3+s17+$0x0] =	vst.idx.msk $0xffff, v2  }
0x32b: {  	v3 =	vor.u32 v43, v0;
	v2 =	vld.idx.msk [tilespmem:v4+s13+$0x0], $0xffff  }
0x32c: {  	v4 =	vor.u32 v44, v1;
	_ =	sdelay $0x3  }
0x32d: {  	[tilespmem:v3+s17+$0x0] =	vst.idx.msk $0xffff, v2  }
0x32e: {  	v3 =	vor.u32 v45, v0;
	v2 =	vld.idx.msk [tilespmem:v4+s13+$0x0], $0xffff  }
0x32f: {  	v4 =	vor.u32 v46, v1;
	_ =	sdelay $0x3  }
0x330: {  	[tilespmem:v3+s17+$0x0] =	vst.idx.msk $0xffff, v2  }
0x331: {  	v3 =	vor.u32 v47, v0;
	v2 =	vld.idx.msk [tilespmem:v4+s13+$0x0], $0xffff  }
0x332: {  	v4 =	vor.u32 v48, v1;
	_ =	sdelay $0x3  }
0x333: {  	[tilespmem:v3+s17+$0x0] =	vst.idx.msk $0xffff, v2  }
0x334: {  	v3 =	vor.u32 v49, v0;
	v2 =	vld.idx.msk [tilespmem:v4+s13+$0x0], $0xffff  }
0x335: {  	v4 =	vor.u32 v50, v1;
	_ =	sdelay $0x3  }
0x336: {  	[tilespmem:v3+s17+$0x0] =	vst.idx.msk $0xffff, v2  }
0x337: {  	v3 =	vor.u32 v51, v0;
	v2 =	vld.idx.msk [tilespmem:v4+s13+$0x0], $0xffff  }
0x338: {  	v4 =	vor.u32 v52, v1;
	_ =	sdelay $0x3  }
0x339: {  	[tilespmem:v3+s17+$0x0] =	vst.idx.msk $0xffff, v2  }
0x33a: {  	v3 =	vor.u32 v53, v0;
	v2 =	vld.idx.msk [tilespmem:v4+s13+$0x0], $0xffff  }
0x33b: {  	v4 =	vor.u32 v54, v1;
	_ =	sdelay $0x3  }
0x33c: {  	[tilespmem:v3+s17+$0x0] =	vst.idx.msk $0xffff, v2  }
0x33d: {  	v3 =	vor.u32 v55, v0;
	v2 =	vld.idx.msk [tilespmem:v4+s13+$0x0], $0xffff  }
0x33e: {  	v4 =	vor.u32 v56, v1;
	_ =	sdelay $0x3  }
0x33f: {  	[tilespmem:v3+s17+$0x0] =	vst.idx.msk $0xffff, v2  }
0x340: {  	v3 =	vor.u32 v57, v0;
	v2 =	vld.idx.msk [tilespmem:v4+s13+$0x0], $0xffff  }
0x341: {  	v4 =	vor.u32 v58, v1;
	_ =	sdelay $0x3  }
0x342: {  	[tilespmem:v3+s17+$0x0] =	vst.idx.msk $0xffff, v2  }
0x343: {  	v3 =	vor.u32 v59, v0;
	v2 =	vld.idx.msk [tilespmem:v4+s13+$0x0], $0xffff  }
0x344: {  	v4 =	vor.u32 v60, v1;
	_ =	sdelay $0x3  }
0x345: {  	[tilespmem:v3+s17+$0x0] =	vst.idx.msk $0xffff, v2  }
0x346: {  	v3 =	vor.u32 v61, v0;
	v2 =	vld.idx.msk [tilespmem:v4+s13+$0x0], $0xffff  }
0x347: {  	v1 =	vor.u32 v62, v1;
	_ =	sdelay $0x3  }
0x348: {  	s31 =	simm.s32 $0x1;
	[tilespmem:v3+s17+$0x0] =	vst.idx.msk $0xffff, v2  }
0x349: {  	s7 =	simm.s32 $0x2;
	v3 =	vadd.s32 s31, v5;
	v2 =	vld.idx.msk [tilespmem:v1+s13+$0x0], $0xffff  }
.LBB2_7:
0x34a: {  	v1 =	vand.u32 $0x1F, v3;
	v0 =	vor.u32 v63, v0  }
0x34b: {  	v4 =	vor.u32 v6, v1;
	_ =	sdelay $0x3  }
0x34c: {  	[tilespmem:v0+s17+$0x0] =	vst.idx.msk $0xffff, v2  }
0x34d: {  	v2 =	vld.idx.msk [tilespmem:v4+s13+$0x0], $0xffff  }
0x34e: {  	v4 =	vld [tilespmem:$0x1FE80]  }
0x34f: {  	v5 =	vshll.u32 v3, $0x9;
	v3 =	vshll.u32 v3, $0x7  }
0x350: {  	v5 =	vand.u32 $0x3000, v5;
	v3 =	vand.u32 $0x380, v3  }
0x351: {  	v0 =	vor.u32 v3, v5;
	v5 =	vlaneseq.u32  }
0x352: {  	v3 =	vor.u32 v5, v0  }
0x353: {  	v4 =	vor.u32 v4, v1;
	_ =	sdelay $0x3  }
0x354: {  	[tilespmem:v3+s17+$0x0] =	vst.idx.msk $0xffff, v2;
	v3 =	vld [tilespmem:$0x1FE90]  }
0x355: {  	v2 =	vld.idx.msk [tilespmem:v4+s13+$0x0], $0xffff  }
0x356: {  	v4 =	vld [tilespmem:$0x1FEA0];
	_ =	sdelay $0x3  }
0x357: {  	v3 =	vor.u32 v3, v0  }
0x358: {  	v4 =	vor.u32 v4, v1;
	_ =	sdelay $0x3  }
0x359: {  	[tilespmem:v3+s17+$0x0] =	vst.idx.msk $0xffff, v2;
	v3 =	vld [tilespmem:$0x1FEB0]  }
0x35a: {  	v2 =	vld.idx.msk [tilespmem:v4+s13+$0x0], $0xffff  }
0x35b: {  	v4 =	vld [tilespmem:$0x1FEC0];
	_ =	sdelay $0x3  }
0x35c: {  	v3 =	vor.u32 v3, v0  }
0x35d: {  	v4 =	vor.u32 v4, v1;
	_ =	sdelay $0x3  }
0x35e: {  	[tilespmem:v3+s17+$0x0] =	vst.idx.msk $0xffff, v2  }
0x35f: {  	v3 =	vor.u32 v12, v0;
	v2 =	vld.idx.msk [tilespmem:v4+s13+$0x0], $0xffff  }
0x360: {  	v4 =	vor.u32 v13, v1;
	_ =	sdelay $0x3  }
0x361: {  	[tilespmem:v3+s17+$0x0] =	vst.idx.msk $0xffff, v2  }
0x362: {  	v3 =	vor.u32 v14, v0;
	v2 =	vld.idx.msk [tilespmem:v4+s13+$0x0], $0xffff  }
0x363: {  	v4 =	vor.u32 v15, v1;
	_ =	sdelay $0x3  }
0x364: {  	[tilespmem:v3+s17+$0x0] =	vst.idx.msk $0xffff, v2  }
0x365: {  	v3 =	vor.u32 v16, v0;
	v2 =	vld.idx.msk [tilespmem:v4+s13+$0x0], $0xffff  }
0x366: {  	v4 =	vor.u32 v17, v1;
	_ =	sdelay $0x3  }
0x367: {  	[tilespmem:v3+s17+$0x0] =	vst.idx.msk $0xffff, v2  }
0x368: {  	v3 =	vor.u32 v18, v0;
	v2 =	vld.idx.msk [tilespmem:v4+s13+$0x0], $0xffff  }
0x369: {  	v4 =	vor.u32 v19, v1;
	_ =	sdelay $0x3  }
0x36a: {  	[tilespmem:v3+s17+$0x0] =	vst.idx.msk $0xffff, v2  }
0x36b: {  	v3 =	vor.u32 v20, v0;
	v2 =	vld.idx.msk [tilespmem:v4+s13+$0x0], $0xffff  }
0x36c: {  	v4 =	vor.u32 v21, v1;
	_ =	sdelay $0x3  }
0x36d: {  	[tilespmem:v3+s17+$0x0] =	vst.idx.msk $0xffff, v2  }
0x36e: {  	v3 =	vor.u32 v7, v0;
	v2 =	vld.idx.msk [tilespmem:v4+s13+$0x0], $0xffff  }
0x36f: {  	v4 =	vor.u32 v8, v1;
	_ =	sdelay $0x3  }
0x370: {  	[tilespmem:v3+s17+$0x0] =	vst.idx.msk $0xffff, v2  }
0x371: {  	v3 =	vor.u32 v22, v0;
	v2 =	vld.idx.msk [tilespmem:v4+s13+$0x0], $0xffff  }
0x372: {  	v4 =	vor.u32 v23, v1;
	_ =	sdelay $0x3  }
0x373: {  	[tilespmem:v3+s17+$0x0] =	vst.idx.msk $0xffff, v2  }
0x374: {  	v3 =	vor.u32 v24, v0;
	v2 =	vld.idx.msk [tilespmem:v4+s13+$0x0], $0xffff  }
0x375: {  	v4 =	vor.u32 v9, v1;
	_ =	sdelay $0x3  }
0x376: {  	[tilespmem:v3+s17+$0x0] =	vst.idx.msk $0xffff, v2  }
0x377: {  	v3 =	vor.u32 v10, v0;
	v2 =	vld.idx.msk [tilespmem:v4+s13+$0x0], $0xffff  }
0x378: {  	v4 =	vor.u32 v11, v1;
	_ =	sdelay $0x3  }
0x379: {  	[tilespmem:v3+s17+$0x0] =	vst.idx.msk $0xffff, v2  }
0x37a: {  	v3 =	vor.u32 v25, v0;
	v2 =	vld.idx.msk [tilespmem:v4+s13+$0x0], $0xffff  }
0x37b: {  	v4 =	vor.u32 v26, v1;
	_ =	sdelay $0x3  }
0x37c: {  	[tilespmem:v3+s17+$0x0] =	vst.idx.msk $0xffff, v2  }
0x37d: {  	v3 =	vor.u32 v27, v0;
	v2 =	vld.idx.msk [tilespmem:v4+s13+$0x0], $0xffff  }
0x37e: {  	v4 =	vor.u32 v28, v1;
	_ =	sdelay $0x3  }
0x37f: {  	[tilespmem:v3+s17+$0x0] =	vst.idx.msk $0xffff, v2  }
0x380: {  	v3 =	vor.u32 v29, v0;
	v2 =	vld.idx.msk [tilespmem:v4+s13+$0x0], $0xffff  }
0x381: {  	v4 =	vor.u32 v30, v1;
	_ =	sdelay $0x3  }
0x382: {  	[tilespmem:v3+s17+$0x0] =	vst.idx.msk $0xffff, v2  }
0x383: {  	v3 =	vor.u32 v31, v0;
	v2 =	vld.idx.msk [tilespmem:v4+s13+$0x0], $0xffff  }
0x384: {  	v4 =	vor.u32 v32, v1;
	_ =	sdelay $0x3  }
0x385: {  	[tilespmem:v3+s17+$0x0] =	vst.idx.msk $0xffff, v2  }
0x386: {  	v3 =	vor.u32 v33, v0;
	v2 =	vld.idx.msk [tilespmem:v4+s13+$0x0], $0xffff  }
0x387: {  	v4 =	vor.u32 v34, v1;
	_ =	sdelay $0x3  }
0x388: {  	[tilespmem:v3+s17+$0x0] =	vst.idx.msk $0xffff, v2  }
0x389: {  	v3 =	vor.u32 v35, v0;
	v2 =	vld.idx.msk [tilespmem:v4+s13+$0x0], $0xffff  }
0x38a: {  	v4 =	vor.u32 v36, v1;
	_ =	sdelay $0x3  }
0x38b: {  	[tilespmem:v3+s17+$0x0] =	vst.idx.msk $0xffff, v2  }
0x38c: {  	v3 =	vor.u32 v37, v0;
	v2 =	vld.idx.msk [tilespmem:v4+s13+$0x0], $0xffff  }
0x38d: {  	v4 =	vor.u32 v38, v1;
	_ =	sdelay $0x3  }
0x38e: {  	[tilespmem:v3+s17+$0x0] =	vst.idx.msk $0xffff, v2  }
0x38f: {  	v3 =	vor.u32 v39, v0;
	v2 =	vld.idx.msk [tilespmem:v4+s13+$0x0], $0xffff  }
0x390: {  	v4 =	vor.u32 v40, v1;
	_ =	sdelay $0x3  }
0x391: {  	[tilespmem:v3+s17+$0x0] =	vst.idx.msk $0xffff, v2  }
0x392: {  	v3 =	vor.u32 v41, v0;
	v2 =	vld.idx.msk [tilespmem:v4+s13+$0x0], $0xffff  }
0x393: {  	v4 =	vor.u32 v42, v1;
	_ =	sdelay $0x3  }
0x394: {  	[tilespmem:v3+s17+$0x0] =	vst.idx.msk $0xffff, v2  }
0x395: {  	v3 =	vor.u32 v43, v0;
	v2 =	vld.idx.msk [tilespmem:v4+s13+$0x0], $0xffff  }
0x396: {  	v4 =	vor.u32 v44, v1;
	_ =	sdelay $0x3  }
0x397: {  	[tilespmem:v3+s17+$0x0] =	vst.idx.msk $0xffff, v2  }
0x398: {  	v3 =	vor.u32 v45, v0;
	v2 =	vld.idx.msk [tilespmem:v4+s13+$0x0], $0xffff  }
0x399: {  	v4 =	vor.u32 v46, v1;
	_ =	sdelay $0x3  }
0x39a: {  	[tilespmem:v3+s17+$0x0] =	vst.idx.msk $0xffff, v2  }
0x39b: {  	v3 =	vor.u32 v47, v0;
	v2 =	vld.idx.msk [tilespmem:v4+s13+$0x0], $0xffff  }
0x39c: {  	v4 =	vor.u32 v48, v1;
	_ =	sdelay $0x3  }
0x39d: {  	[tilespmem:v3+s17+$0x0] =	vst.idx.msk $0xffff, v2  }
0x39e: {  	v3 =	vor.u32 v49, v0;
	v2 =	vld.idx.msk [tilespmem:v4+s13+$0x0], $0xffff  }
0x39f: {  	v4 =	vor.u32 v50, v1;
	_ =	sdelay $0x3  }
0x3a0: {  	[tilespmem:v3+s17+$0x0] =	vst.idx.msk $0xffff, v2  }
0x3a1: {  	v3 =	vor.u32 v51, v0;
	v2 =	vld.idx.msk [tilespmem:v4+s13+$0x0], $0xffff  }
0x3a2: {  	v4 =	vor.u32 v52, v1;
	_ =	sdelay $0x3  }
0x3a3: {  	[tilespmem:v3+s17+$0x0] =	vst.idx.msk $0xffff, v2  }
0x3a4: {  	v3 =	vor.u32 v53, v0;
	v2 =	vld.idx.msk [tilespmem:v4+s13+$0x0], $0xffff  }
0x3a5: {  	v4 =	vor.u32 v54, v1;
	_ =	sdelay $0x3  }
0x3a6: {  	[tilespmem:v3+s17+$0x0] =	vst.idx.msk $0xffff, v2  }
0x3a7: {  	v3 =	vor.u32 v55, v0;
	v2 =	vld.idx.msk [tilespmem:v4+s13+$0x0], $0xffff  }
0x3a8: {  	v4 =	vor.u32 v56, v1;
	_ =	sdelay $0x3  }
0x3a9: {  	[tilespmem:v3+s17+$0x0] =	vst.idx.msk $0xffff, v2  }
0x3aa: {  	v3 =	vor.u32 v57, v0;
	v2 =	vld.idx.msk [tilespmem:v4+s13+$0x0], $0xffff  }
0x3ab: {  	v4 =	vor.u32 v58, v1;
	_ =	sdelay $0x3  }
0x3ac: {  	[tilespmem:v3+s17+$0x0] =	vst.idx.msk $0xffff, v2  }
0x3ad: {  	v3 =	vor.u32 v59, v0;
	v2 =	vld.idx.msk [tilespmem:v4+s13+$0x0], $0xffff  }
0x3ae: {  	v4 =	vor.u32 v60, v1;
	_ =	sdelay $0x3  }
0x3af: {  	[tilespmem:v3+s17+$0x0] =	vst.idx.msk $0xffff, v2  }
0x3b0: {  	v3 =	vor.u32 v61, v0;
	v2 =	vld.idx.msk [tilespmem:v4+s13+$0x0], $0xffff  }
0x3b1: {  	p0 =	sne.s32 s7, $0x1F;
	v1 =	vor.u32 v62, v1  }
.Ltmp2:
0x3b2: {  	_ = 	snop;
	(pc) =	sbr.rel @p0 .LBB2_7-.Ltmp2, $3  }
0x3b3: {  	_ =	sdelay $0x1  }
0x3b4: {  	[tilespmem:v3+s17+$0x0] =	vst.idx.msk $0xffff, v2  }
0x3b5: {  	v3 =	vadd.s32 s7, v5;
	s7 =	sadd.s32 $0x1, s7;
	v2 =	vld.idx.msk [tilespmem:v1+s13+$0x0], $0xffff  }
0x3b6: {  	v1 =	vand.u32 $0x1F, v3;
	v0 =	vor.u32 v63, v0  }
0x3b7: {  	v4 =	vor.u32 v6, v1;
	_ =	sdelay $0x1  }
0x3b8: {  	v5 =	vshll.u32 v3, $0x9;
	v3 =	vshll.u32 v3, $0x7  }
0x3b9: {  	v5 =	vand.u32 $0x3000, v5;
	v3 =	vand.u32 $0x380, v3  }
0x3ba: {  	[tilespmem:v0+s17+$0x0] =	vst.idx.msk $0xffff, v2;
	v0 =	vor.u32 v3, v5;
	v3 =	vlaneseq.u32  }
0x3bb: {  	v2 =	vld.idx.msk [tilespmem:v4+s13+$0x0], $0xffff;
	v3 =	vor.u32 v3, v0;
	_ =	sdelay $0x3  }
0x3bc: {  	v4 =	vld [tilespmem:$0x1FE80]  }
0x3bd: {  	[tilespmem:v3+s17+$0x0] =	vst.idx.msk $0xffff, v2;
	v2 =	vld [tilespmem:$0x1FE90];
	_ =	sdelay $0x3  }
0x3be: {  	v4 =	vor.u32 v4, v1  }
0x3bf: {  	v3 =	vor.u32 v2, v0;
	v2 =	vld [tilespmem:$0x1FEA0];
	_ =	sdelay $0x3  }
0x3c0: {  	v5 =	vld.idx.msk [tilespmem:v4+s13+$0x0], $0xffff  }
0x3c1: {  	v4 =	vor.u32 v2, v1;
	v2 =	vld [tilespmem:$0x1FEB0];
	_ =	sdelay $0x4  }
0x3c2: {  	[tilespmem:v3+s17+$0x0] =	vst.idx.msk $0xffff, v5;
	v3 =	vor.u32 v2, v0;
	v2 =	vld [tilespmem:$0x1FEC0];
	_ =	sdelay $0x3  }
0x3c3: {  	v5 =	vld.idx.msk [tilespmem:v4+s13+$0x0], $0xffff  }
0x3c4: {  	v4 =	vor.u32 v2, v1;
	_ =	sdelay $0x3  }
0x3c5: {  	[tilespmem:v3+s17+$0x0] =	vst.idx.msk $0xffff, v5  }
0x3c6: {  	v3 =	vor.u32 v12, v0;
	v5 =	vld.idx.msk [tilespmem:v4+s13+$0x0], $0xffff  }
0x3c7: {  	v4 =	vor.u32 v13, v1;
	_ =	sdelay $0x3  }
0x3c8: {  	[tilespmem:v3+s17+$0x0] =	vst.idx.msk $0xffff, v5  }
0x3c9: {  	v3 =	vor.u32 v14, v0;
	v5 =	vld.idx.msk [tilespmem:v4+s13+$0x0], $0xffff  }
0x3ca: {  	v4 =	vor.u32 v15, v1;
	_ =	sdelay $0x3  }
0x3cb: {  	[tilespmem:v3+s17+$0x0] =	vst.idx.msk $0xffff, v5  }
0x3cc: {  	v3 =	vor.u32 v16, v0;
	v5 =	vld.idx.msk [tilespmem:v4+s13+$0x0], $0xffff  }
0x3cd: {  	v4 =	vor.u32 v17, v1;
	_ =	sdelay $0x3  }
0x3ce: {  	[tilespmem:v3+s17+$0x0] =	vst.idx.msk $0xffff, v5  }
0x3cf: {  	v3 =	vor.u32 v18, v0;
	v5 =	vld.idx.msk [tilespmem:v4+s13+$0x0], $0xffff  }
0x3d0: {  	v4 =	vor.u32 v19, v1;
	_ =	sdelay $0x3  }
0x3d1: {  	[tilespmem:v3+s17+$0x0] =	vst.idx.msk $0xffff, v5  }
0x3d2: {  	v3 =	vor.u32 v20, v0;
	v5 =	vld.idx.msk [tilespmem:v4+s13+$0x0], $0xffff  }
0x3d3: {  	v4 =	vor.u32 v21, v1;
	_ =	sdelay $0x3  }
0x3d4: {  	[tilespmem:v3+s17+$0x0] =	vst.idx.msk $0xffff, v5  }
0x3d5: {  	v3 =	vor.u32 v7, v0;
	v5 =	vld.idx.msk [tilespmem:v4+s13+$0x0], $0xffff  }
0x3d6: {  	v4 =	vor.u32 v8, v1;
	_ =	sdelay $0x3  }
0x3d7: {  	[tilespmem:v3+s17+$0x0] =	vst.idx.msk $0xffff, v5  }
0x3d8: {  	v3 =	vor.u32 v22, v0;
	v5 =	vld.idx.msk [tilespmem:v4+s13+$0x0], $0xffff  }
0x3d9: {  	v4 =	vor.u32 v23, v1;
	_ =	sdelay $0x3  }
0x3da: {  	[tilespmem:v3+s17+$0x0] =	vst.idx.msk $0xffff, v5  }
0x3db: {  	v3 =	vor.u32 v24, v0;
	v5 =	vld.idx.msk [tilespmem:v4+s13+$0x0], $0xffff  }
0x3dc: {  	v4 =	vor.u32 v9, v1;
	_ =	sdelay $0x3  }
0x3dd: {  	[tilespmem:v3+s17+$0x0] =	vst.idx.msk $0xffff, v5  }
0x3de: {  	v3 =	vor.u32 v10, v0;
	v5 =	vld.idx.msk [tilespmem:v4+s13+$0x0], $0xffff  }
0x3df: {  	v4 =	vor.u32 v11, v1;
	_ =	sdelay $0x3  }
0x3e0: {  	[tilespmem:v3+s17+$0x0] =	vst.idx.msk $0xffff, v5  }
0x3e1: {  	v3 =	vor.u32 v25, v0;
	v2 =	vld.idx.msk [tilespmem:v4+s13+$0x0], $0xffff  }
0x3e2: {  	v4 =	vor.u32 v26, v1;
	_ =	sdelay $0x3  }
0x3e3: {  	[tilespmem:v3+s17+$0x0] =	vst.idx.msk $0xffff, v2  }
0x3e4: {  	v3 =	vor.u32 v27, v0;
	v2 =	vld.idx.msk [tilespmem:v4+s13+$0x0], $0xffff  }
0x3e5: {  	v4 =	vor.u32 v28, v1;
	_ =	sdelay $0x3  }
0x3e6: {  	[tilespmem:v3+s17+$0x0] =	vst.idx.msk $0xffff, v2  }
0x3e7: {  	v3 =	vor.u32 v29, v0;
	v2 =	vld.idx.msk [tilespmem:v4+s13+$0x0], $0xffff  }
0x3e8: {  	v4 =	vor.u32 v30, v1;
	_ =	sdelay $0x3  }
0x3e9: {  	[tilespmem:v3+s17+$0x0] =	vst.idx.msk $0xffff, v2  }
0x3ea: {  	v3 =	vor.u32 v31, v0;
	v2 =	vld.idx.msk [tilespmem:v4+s13+$0x0], $0xffff  }
0x3eb: {  	v4 =	vor.u32 v32, v1;
	_ =	sdelay $0x3  }
0x3ec: {  	[tilespmem:v3+s17+$0x0] =	vst.idx.msk $0xffff, v2  }
0x3ed: {  	v3 =	vor.u32 v33, v0;
	v2 =	vld.idx.msk [tilespmem:v4+s13+$0x0], $0xffff  }
0x3ee: {  	v4 =	vor.u32 v34, v1;
	_ =	sdelay $0x3  }
0x3ef: {  	[tilespmem:v3+s17+$0x0] =	vst.idx.msk $0xffff, v2  }
0x3f0: {  	v3 =	vor.u32 v35, v0;
	v2 =	vld.idx.msk [tilespmem:v4+s13+$0x0], $0xffff  }
0x3f1: {  	v4 =	vor.u32 v36, v1;
	_ =	sdelay $0x3  }
0x3f2: {  	[tilespmem:v3+s17+$0x0] =	vst.idx.msk $0xffff, v2  }
0x3f3: {  	v3 =	vor.u32 v37, v0;
	v2 =	vld.idx.msk [tilespmem:v4+s13+$0x0], $0xffff  }
0x3f4: {  	v4 =	vor.u32 v38, v1;
	_ =	sdelay $0x3  }
0x3f5: {  	[tilespmem:v3+s17+$0x0] =	vst.idx.msk $0xffff, v2  }
0x3f6: {  	v3 =	vor.u32 v39, v0;
	v2 =	vld.idx.msk [tilespmem:v4+s13+$0x0], $0xffff  }
0x3f7: {  	v4 =	vor.u32 v40, v1;
	_ =	sdelay $0x3  }
0x3f8: {  	[tilespmem:v3+s17+$0x0] =	vst.idx.msk $0xffff, v2  }
0x3f9: {  	v3 =	vor.u32 v41, v0;
	v2 =	vld.idx.msk [tilespmem:v4+s13+$0x0], $0xffff  }
0x3fa: {  	v4 =	vor.u32 v42, v1;
	_ =	sdelay $0x3  }
0x3fb: {  	[tilespmem:v3+s17+$0x0] =	vst.idx.msk $0xffff, v2  }
0x3fc: {  	v3 =	vor.u32 v43, v0;
	v2 =	vld.idx.msk [tilespmem:v4+s13+$0x0], $0xffff  }
0x3fd: {  	v4 =	vor.u32 v44, v1;
	_ =	sdelay $0x3  }
0x3fe: {  	[tilespmem:v3+s17+$0x0] =	vst.idx.msk $0xffff, v2  }
0x3ff: {  	v3 =	vor.u32 v45, v0;
	v2 =	vld.idx.msk [tilespmem:v4+s13+$0x0], $0xffff  }
0x400: {  	v4 =	vor.u32 v46, v1;
	_ =	sdelay $0x3  }
0x401: {  	[tilespmem:v3+s17+$0x0] =	vst.idx.msk $0xffff, v2  }
0x402: {  	v3 =	vor.u32 v47, v0;
	v2 =	vld.idx.msk [tilespmem:v4+s13+$0x0], $0xffff  }
0x403: {  	v4 =	vor.u32 v48, v1;
	_ =	sdelay $0x3  }
0x404: {  	[tilespmem:v3+s17+$0x0] =	vst.idx.msk $0xffff, v2  }
0x405: {  	v3 =	vor.u32 v49, v0;
	v2 =	vld.idx.msk [tilespmem:v4+s13+$0x0], $0xffff  }
0x406: {  	v4 =	vor.u32 v50, v1;
	_ =	sdelay $0x3  }
0x407: {  	[tilespmem:v3+s17+$0x0] =	vst.idx.msk $0xffff, v2  }
0x408: {  	v3 =	vor.u32 v51, v0;
	v2 =	vld.idx.msk [tilespmem:v4+s13+$0x0], $0xffff  }
0x409: {  	v4 =	vor.u32 v52, v1;
	_ =	sdelay $0x3  }
0x40a: {  	[tilespmem:v3+s17+$0x0] =	vst.idx.msk $0xffff, v2  }
0x40b: {  	v3 =	vor.u32 v53, v0;
	v2 =	vld.idx.msk [tilespmem:v4+s13+$0x0], $0xffff  }
0x40c: {  	v4 =	vor.u32 v54, v1;
	_ =	sdelay $0x3  }
0x40d: {  	[tilespmem:v3+s17+$0x0] =	vst.idx.msk $0xffff, v2  }
0x40e: {  	v3 =	vor.u32 v55, v0;
	v2 =	vld.idx.msk [tilespmem:v4+s13+$0x0], $0xffff  }
0x40f: {  	v4 =	vor.u32 v56, v1;
	_ =	sdelay $0x3  }
0x410: {  	[tilespmem:v3+s17+$0x0] =	vst.idx.msk $0xffff, v2  }
0x411: {  	v3 =	vor.u32 v57, v0;
	v2 =	vld.idx.msk [tilespmem:v4+s13+$0x0], $0xffff  }
0x412: {  	v4 =	vor.u32 v58, v1;
	_ =	sdelay $0x3  }
0x413: {  	[tilespmem:v3+s17+$0x0] =	vst.idx.msk $0xffff, v2  }
0x414: {  	v3 =	vor.u32 v59, v0;
	v2 =	vld.idx.msk [tilespmem:v4+s13+$0x0], $0xffff  }
0x415: {  	v4 =	vor.u32 v60, v1;
	_ =	sdelay $0x3  }
0x416: {  	[tilespmem:v3+s17+$0x0] =	vst.idx.msk $0xffff, v2  }
0x417: {  	v3 =	vor.u32 v61, v0;
	v2 =	vld.idx.msk [tilespmem:v4+s13+$0x0], $0xffff  }
0x418: {  	v1 =	vor.u32 v62, v1;
	_ =	sdelay $0x3  }
0x419: {  	[tilespmem:v3+s17+$0x0] =	vst.idx.msk $0xffff, v2  }
0x41a: {  	s7 =	sshll.u32 s1, $0x1;
	v0 =	vor.u32 v63, v0;
	v1 =	vld.idx.msk [tilespmem:v1+s13+$0x0], $0xffff  }
0x41b: {  	s31 =	sadd.s32 s3, s7  }
0x41c: {  	s18 =	sshll.u32 s31, $0x9;
	s31 =	sshll.u32 s31, $0xB  }
0x41d: {  	s18 =	sand.u32 $0x3C00, s18;
	s31 =	sand.u32 $0xFFF0000, s31  }
0x41e: {  	s18 =	sor.u32 s18, s31  }
0x41f: {  	s31 =	sadd.s32 s2, s18;
	[tilespmem:v0+s17+$0x0] =	vst.idx.msk $0xffff, v1  }
0x420: {  	[hbm4b:s31+s21] =	stream.linear.scatter [tilespmem:s17], [sflag:$0x5], $0x1000, $0x38;
	[tilespmem:$0x10400] =	vst v63  }
0x421: {  	s22 =	simm.s32 $0x9400;
	s31 =	sadd.s32 s18, s8  }
0x422: {  	[hbm4b:s31+s21] =	stream.linear.scatter [tilespmem:s22], [sflag:$0x5], $0x1000, $0x38;
	[tilespmem:$0x10400] =	vst v63  }
0x423: {  	s31 =	sadd.s32 s18, s11;
	s22 =	simm.s32 $0xA400  }
0x424: {  	[hbm4b:s31+s21] =	stream.linear.scatter [tilespmem:s22], [sflag:$0x5], $0x1000, $0x38;
	[tilespmem:$0x10400] =	vst v63  }
0x425: {  	s18 =	sadd.s32 s18, s12;
	s31 =	simm.s32 $0xB400  }
0x426: {  	[hbm4b:s18+s21] =	stream.linear.scatter [tilespmem:s31], [sflag:$0x5], $0x1000, $0x38;
	[tilespmem:$0x10400] =	vst v63  }
0x427: {  	_ =	swait.ge [sflag:s23], $0x4000  }
0x428: {  	[sflag:s23] =	ssyncset.done $0x0  }
0x429: {  	[sflag:s23] =	ssyncadd.s32 $0xFFFFC000  }
0x42a: {  	_ =	swait.ge [sflag:s0], $0x200  }
0x42b: {  	s9 =	sadd.s32 s9, s20;
	[sflag:s0] =	ssyncset.done $0x0;
	v2 =	vld [tilespmem:$0x1FFF0]  }
0x42c: {  	s9 =	sshrl.u32 s9, $0x3;
	v4 =	vlaneseq.u32;
	[sflag:s0] =	ssyncadd.s32 $0xFFFFFE00  }
0x42d: {  	v0 =	vadd.s32 s21, v4;
	[tilespmem:s13], [sflag:$0x3] =	stream.indirect.gather [hbm4b:s6+s10], $0x20, s21, s10, $0xb8;
	[tilespmem:$0x10400] =	vst v63  }
0x42e: {  	s9 =	sadd.s32 s5, s9;
	v1 =	vand.u32 $0x1F, v0;
	v3 =	vshll.u32 v0, $0x9;
	v0 =	vshll.u32 v0, $0x7  }
0x42f: {  	v3 =	vand.u32 $0x3000, v3;
	v0 =	vand.u32 $0x380, v0;
	[tilespmem:s10], [sflag:$0x2] =	stream.linear.gather [hbm4b:s9+s21], $0x200, $0x38;
	[tilespmem:$0x10400] =	vst v63  }
0x430: {  	v0 =	vor.u32 v0, v3;
	v2 =	vor.u32 v2, v1;
	_ =	swait.ge [sflag:s30], $0x4000  }
0x431: {  	v3 =	vor.u32 v4, v0;
	v4 =	vld [tilespmem:$0x1FE80];
	_ =	sdelay $0x1  }
0x432: {  	[sflag:s30] =	ssyncset.done $0x0  }
0x433: {  	[sflag:s30] =	ssyncadd.s32 $0xFFFFC000  }
0x434: {  	v2 =	vld.idx.msk [tilespmem:v2+s16+$0x0], $0xffff  }
0x435: {  	v4 =	vor.u32 v4, v1;
	_ =	sdelay $0x3  }
0x436: {  	[tilespmem:v3+s24+$0x0] =	vst.idx.msk $0xffff, v2;
	v3 =	vld [tilespmem:$0x1FE90]  }
0x437: {  	v2 =	vld.idx.msk [tilespmem:v4+s16+$0x0], $0xffff  }
0x438: {  	v4 =	vld [tilespmem:$0x1FEA0];
	_ =	sdelay $0x3  }
0x439: {  	v3 =	vor.u32 v3, v0  }
0x43a: {  	v4 =	vor.u32 v4, v1;
	_ =	sdelay $0x3  }
0x43b: {  	[tilespmem:v3+s24+$0x0] =	vst.idx.msk $0xffff, v2;
	v3 =	vld [tilespmem:$0x1FEB0]  }
0x43c: {  	v2 =	vld.idx.msk [tilespmem:v4+s16+$0x0], $0xffff  }
0x43d: {  	v4 =	vld [tilespmem:$0x1FEC0];
	_ =	sdelay $0x3  }
0x43e: {  	v3 =	vor.u32 v3, v0  }
0x43f: {  	v4 =	vor.u32 v4, v1;
	_ =	sdelay $0x3  }
0x440: {  	[tilespmem:v3+s24+$0x0] =	vst.idx.msk $0xffff, v2;
	v3 =	vld [tilespmem:$0x1FED0]  }
0x441: {  	v2 =	vld.idx.msk [tilespmem:v4+s16+$0x0], $0xffff  }
0x442: {  	v4 =	vld [tilespmem:$0x1FF60];
	_ =	sdelay $0x3  }
0x443: {  	v3 =	vor.u32 v3, v0  }
0x444: {  	v4 =	vor.u32 v4, v1;
	_ =	sdelay $0x3  }
0x445: {  	[tilespmem:v3+s24+$0x0] =	vst.idx.msk $0xffff, v2;
	v3 =	vld [tilespmem:$0x1FEE0]  }
0x446: {  	v2 =	vld.idx.msk [tilespmem:v4+s16+$0x0], $0xffff  }
0x447: {  	v4 =	vld [tilespmem:$0x1FF70];
	_ =	sdelay $0x3  }
0x448: {  	v3 =	vor.u32 v3, v0  }
0x449: {  	v4 =	vor.u32 v4, v1;
	_ =	sdelay $0x3  }
0x44a: {  	[tilespmem:v3+s24+$0x0] =	vst.idx.msk $0xffff, v2;
	v3 =	vld [tilespmem:$0x1FEF0]  }
0x44b: {  	v2 =	vld.idx.msk [tilespmem:v4+s16+$0x0], $0xffff  }
0x44c: {  	v4 =	vld [tilespmem:$0x1FF80];
	_ =	sdelay $0x3  }
0x44d: {  	v3 =	vor.u32 v3, v0  }
0x44e: {  	v4 =	vor.u32 v4, v1;
	_ =	sdelay $0x3  }
0x44f: {  	[tilespmem:v3+s24+$0x0] =	vst.idx.msk $0xffff, v2;
	v3 =	vld [tilespmem:$0x1FF00]  }
0x450: {  	v2 =	vld.idx.msk [tilespmem:v4+s16+$0x0], $0xffff  }
0x451: {  	v4 =	vld [tilespmem:$0x1FF90];
	_ =	sdelay $0x3  }
0x452: {  	v3 =	vor.u32 v3, v0  }
0x453: {  	v4 =	vor.u32 v4, v1;
	_ =	sdelay $0x3  }
0x454: {  	[tilespmem:v3+s24+$0x0] =	vst.idx.msk $0xffff, v2;
	v3 =	vld [tilespmem:$0x1FF10]  }
0x455: {  	v2 =	vld.idx.msk [tilespmem:v4+s16+$0x0], $0xffff  }
0x456: {  	v4 =	vld [tilespmem:$0x1FFA0];
	_ =	sdelay $0x3  }
0x457: {  	v3 =	vor.u32 v3, v0  }
0x458: {  	v4 =	vor.u32 v4, v1;
	_ =	sdelay $0x3  }
0x459: {  	[tilespmem:v3+s24+$0x0] =	vst.idx.msk $0xffff, v2;
	v3 =	vld [tilespmem:$0x1FF20]  }
0x45a: {  	v2 =	vld.idx.msk [tilespmem:v4+s16+$0x0], $0xffff  }
0x45b: {  	v4 =	vld [tilespmem:$0x1FFB0];
	_ =	sdelay $0x3  }
0x45c: {  	v3 =	vor.u32 v3, v0  }
0x45d: {  	v4 =	vor.u32 v4, v1;
	_ =	sdelay $0x3  }
0x45e: {  	[tilespmem:v3+s24+$0x0] =	vst.idx.msk $0xffff, v2;
	v3 =	vld [tilespmem:$0x1FF30]  }
0x45f: {  	v2 =	vld.idx.msk [tilespmem:v4+s16+$0x0], $0xffff  }
0x460: {  	v4 =	vld [tilespmem:$0x1FFC0];
	_ =	sdelay $0x3  }
0x461: {  	v3 =	vor.u32 v3, v0  }
0x462: {  	v4 =	vor.u32 v4, v1;
	_ =	sdelay $0x3  }
0x463: {  	[tilespmem:v3+s24+$0x0] =	vst.idx.msk $0xffff, v2;
	v3 =	vld [tilespmem:$0x1FF40]  }
0x464: {  	v2 =	vld.idx.msk [tilespmem:v4+s16+$0x0], $0xffff  }
0x465: {  	v4 =	vld [tilespmem:$0x1FFD0];
	_ =	sdelay $0x3  }
0x466: {  	v3 =	vor.u32 v3, v0  }
0x467: {  	v4 =	vor.u32 v4, v1;
	_ =	sdelay $0x3  }
0x468: {  	[tilespmem:v3+s24+$0x0] =	vst.idx.msk $0xffff, v2;
	v3 =	vld [tilespmem:$0x1FF50]  }
0x469: {  	v2 =	vld.idx.msk [tilespmem:v4+s16+$0x0], $0xffff  }
0x46a: {  	v4 =	vld [tilespmem:$0x1FFE0];
	_ =	sdelay $0x3  }
0x46b: {  	v3 =	vor.u32 v3, v0  }
0x46c: {  	v4 =	vor.u32 v4, v1;
	_ =	sdelay $0x3  }
0x46d: {  	[tilespmem:v3+s24+$0x0] =	vst.idx.msk $0xffff, v2  }
0x46e: {  	v3 =	vor.u32 v25, v0;
	v2 =	vld.idx.msk [tilespmem:v4+s16+$0x0], $0xffff  }
0x46f: {  	v4 =	vor.u32 v26, v1;
	_ =	sdelay $0x3  }
0x470: {  	[tilespmem:v3+s24+$0x0] =	vst.idx.msk $0xffff, v2  }
0x471: {  	v3 =	vor.u32 v27, v0;
	v2 =	vld.idx.msk [tilespmem:v4+s16+$0x0], $0xffff  }
0x472: {  	v4 =	vor.u32 v28, v1;
	_ =	sdelay $0x3  }
0x473: {  	[tilespmem:v3+s24+$0x0] =	vst.idx.msk $0xffff, v2  }
0x474: {  	v3 =	vor.u32 v29, v0;
	v2 =	vld.idx.msk [tilespmem:v4+s16+$0x0], $0xffff  }
0x475: {  	v4 =	vor.u32 v30, v1;
	_ =	sdelay $0x3  }
0x476: {  	[tilespmem:v3+s24+$0x0] =	vst.idx.msk $0xffff, v2  }
0x477: {  	v3 =	vor.u32 v31, v0;
	v2 =	vld.idx.msk [tilespmem:v4+s16+$0x0], $0xffff  }
0x478: {  	v4 =	vor.u32 v32, v1;
	_ =	sdelay $0x3  }
0x479: {  	[tilespmem:v3+s24+$0x0] =	vst.idx.msk $0xffff, v2  }
0x47a: {  	v3 =	vor.u32 v33, v0;
	v2 =	vld.idx.msk [tilespmem:v4+s16+$0x0], $0xffff  }
0x47b: {  	v4 =	vor.u32 v34, v1;
	_ =	sdelay $0x3  }
0x47c: {  	[tilespmem:v3+s24+$0x0] =	vst.idx.msk $0xffff, v2  }
0x47d: {  	v3 =	vor.u32 v35, v0;
	v2 =	vld.idx.msk [tilespmem:v4+s16+$0x0], $0xffff  }
0x47e: {  	v4 =	vor.u32 v36, v1;
	_ =	sdelay $0x3  }
0x47f: {  	[tilespmem:v3+s24+$0x0] =	vst.idx.msk $0xffff, v2  }
0x480: {  	v3 =	vor.u32 v37, v0;
	v2 =	vld.idx.msk [tilespmem:v4+s16+$0x0], $0xffff  }
0x481: {  	v4 =	vor.u32 v38, v1;
	_ =	sdelay $0x3  }
0x482: {  	[tilespmem:v3+s24+$0x0] =	vst.idx.msk $0xffff, v2  }
0x483: {  	v3 =	vor.u32 v39, v0;
	v2 =	vld.idx.msk [tilespmem:v4+s16+$0x0], $0xffff  }
0x484: {  	v4 =	vor.u32 v40, v1;
	_ =	sdelay $0x3  }
0x485: {  	[tilespmem:v3+s24+$0x0] =	vst.idx.msk $0xffff, v2  }
0x486: {  	v3 =	vor.u32 v41, v0;
	v2 =	vld.idx.msk [tilespmem:v4+s16+$0x0], $0xffff  }
0x487: {  	v4 =	vor.u32 v42, v1;
	_ =	sdelay $0x3  }
0x488: {  	[tilespmem:v3+s24+$0x0] =	vst.idx.msk $0xffff, v2  }
0x489: {  	v3 =	vor.u32 v43, v0;
	v2 =	vld.idx.msk [tilespmem:v4+s16+$0x0], $0xffff  }
0x48a: {  	v4 =	vor.u32 v44, v1;
	_ =	sdelay $0x3  }
0x48b: {  	[tilespmem:v3+s24+$0x0] =	vst.idx.msk $0xffff, v2  }
0x48c: {  	v3 =	vor.u32 v45, v0;
	v2 =	vld.idx.msk [tilespmem:v4+s16+$0x0], $0xffff  }
0x48d: {  	v4 =	vor.u32 v46, v1;
	_ =	sdelay $0x3  }
0x48e: {  	[tilespmem:v3+s24+$0x0] =	vst.idx.msk $0xffff, v2  }
0x48f: {  	v3 =	vor.u32 v47, v0;
	v2 =	vld.idx.msk [tilespmem:v4+s16+$0x0], $0xffff  }
0x490: {  	v4 =	vor.u32 v48, v1;
	_ =	sdelay $0x3  }
0x491: {  	[tilespmem:v3+s24+$0x0] =	vst.idx.msk $0xffff, v2  }
0x492: {  	v3 =	vor.u32 v49, v0;
	v2 =	vld.idx.msk [tilespmem:v4+s16+$0x0], $0xffff  }
0x493: {  	v4 =	vor.u32 v50, v1;
	_ =	sdelay $0x3  }
0x494: {  	[tilespmem:v3+s24+$0x0] =	vst.idx.msk $0xffff, v2  }
0x495: {  	v3 =	vor.u32 v51, v0;
	v2 =	vld.idx.msk [tilespmem:v4+s16+$0x0], $0xffff  }
0x496: {  	v4 =	vor.u32 v52, v1;
	_ =	sdelay $0x3  }
0x497: {  	[tilespmem:v3+s24+$0x0] =	vst.idx.msk $0xffff, v2  }
0x498: {  	v3 =	vor.u32 v53, v0;
	v2 =	vld.idx.msk [tilespmem:v4+s16+$0x0], $0xffff  }
0x499: {  	v4 =	vor.u32 v54, v1;
	_ =	sdelay $0x3  }
0x49a: {  	[tilespmem:v3+s24+$0x0] =	vst.idx.msk $0xffff, v2  }
0x49b: {  	v3 =	vor.u32 v55, v0;
	v2 =	vld.idx.msk [tilespmem:v4+s16+$0x0], $0xffff  }
0x49c: {  	v4 =	vor.u32 v56, v1;
	_ =	sdelay $0x3  }
0x49d: {  	[tilespmem:v3+s24+$0x0] =	vst.idx.msk $0xffff, v2  }
0x49e: {  	v3 =	vor.u32 v57, v0;
	v2 =	vld.idx.msk [tilespmem:v4+s16+$0x0], $0xffff  }
0x49f: {  	v4 =	vor.u32 v58, v1;
	_ =	sdelay $0x3  }
0x4a0: {  	[tilespmem:v3+s24+$0x0] =	vst.idx.msk $0xffff, v2  }
0x4a1: {  	v3 =	vor.u32 v59, v0;
	v2 =	vld.idx.msk [tilespmem:v4+s16+$0x0], $0xffff  }
0x4a2: {  	v4 =	vor.u32 v60, v1;
	_ =	sdelay $0x3  }
0x4a3: {  	[tilespmem:v3+s24+$0x0] =	vst.idx.msk $0xffff, v2  }
0x4a4: {  	v3 =	vor.u32 v61, v0;
	v2 =	vld.idx.msk [tilespmem:v4+s16+$0x0], $0xffff  }
0x4a5: {  	v1 =	vor.u32 v62, v1;
	_ =	sdelay $0x3  }
0x4a6: {  	v5 =	vlaneseq.u32;
	s31 =	simm.s32 $0x1;
	[tilespmem:v3+s24+$0x0] =	vst.idx.msk $0xffff, v2  }
0x4a7: {  	s9 =	simm.s32 $0x2;
	v3 =	vadd.s32 s31, v5;
	v2 =	vld.idx.msk [tilespmem:v1+s16+$0x0], $0xffff  }
.LBB2_9:
0x4a8: {  	v1 =	vand.u32 $0x1F, v3;
	v0 =	vor.u32 v63, v0  }
0x4a9: {  	v4 =	vor.u32 v6, v1;
	_ =	sdelay $0x3  }
0x4aa: {  	[tilespmem:v0+s24+$0x0] =	vst.idx.msk $0xffff, v2  }
0x4ab: {  	v2 =	vld.idx.msk [tilespmem:v4+s16+$0x0], $0xffff  }
0x4ac: {  	v4 =	vld [tilespmem:$0x1FE80]  }
0x4ad: {  	v5 =	vshll.u32 v3, $0x9;
	v3 =	vshll.u32 v3, $0x7  }
0x4ae: {  	v5 =	vand.u32 $0x3000, v5;
	v3 =	vand.u32 $0x380, v3  }
0x4af: {  	v0 =	vor.u32 v3, v5;
	v5 =	vlaneseq.u32  }
0x4b0: {  	v3 =	vor.u32 v5, v0  }
0x4b1: {  	v4 =	vor.u32 v4, v1;
	_ =	sdelay $0x3  }
0x4b2: {  	[tilespmem:v3+s24+$0x0] =	vst.idx.msk $0xffff, v2;
	v3 =	vld [tilespmem:$0x1FE90]  }
0x4b3: {  	v2 =	vld.idx.msk [tilespmem:v4+s16+$0x0], $0xffff  }
0x4b4: {  	v4 =	vld [tilespmem:$0x1FEA0];
	_ =	sdelay $0x3  }
0x4b5: {  	v3 =	vor.u32 v3, v0  }
0x4b6: {  	v4 =	vor.u32 v4, v1;
	_ =	sdelay $0x3  }
0x4b7: {  	[tilespmem:v3+s24+$0x0] =	vst.idx.msk $0xffff, v2;
	v3 =	vld [tilespmem:$0x1FEB0]  }
0x4b8: {  	v2 =	vld.idx.msk [tilespmem:v4+s16+$0x0], $0xffff  }
0x4b9: {  	v4 =	vld [tilespmem:$0x1FEC0];
	_ =	sdelay $0x3  }
0x4ba: {  	v3 =	vor.u32 v3, v0  }
0x4bb: {  	v4 =	vor.u32 v4, v1;
	_ =	sdelay $0x3  }
0x4bc: {  	[tilespmem:v3+s24+$0x0] =	vst.idx.msk $0xffff, v2  }
0x4bd: {  	v3 =	vor.u32 v12, v0;
	v2 =	vld.idx.msk [tilespmem:v4+s16+$0x0], $0xffff  }
0x4be: {  	v4 =	vor.u32 v13, v1;
	_ =	sdelay $0x3  }
0x4bf: {  	[tilespmem:v3+s24+$0x0] =	vst.idx.msk $0xffff, v2  }
0x4c0: {  	v3 =	vor.u32 v14, v0;
	v2 =	vld.idx.msk [tilespmem:v4+s16+$0x0], $0xffff  }
0x4c1: {  	v4 =	vor.u32 v15, v1;
	_ =	sdelay $0x3  }
0x4c2: {  	[tilespmem:v3+s24+$0x0] =	vst.idx.msk $0xffff, v2  }
0x4c3: {  	v3 =	vor.u32 v16, v0;
	v2 =	vld.idx.msk [tilespmem:v4+s16+$0x0], $0xffff  }
0x4c4: {  	v4 =	vor.u32 v17, v1;
	_ =	sdelay $0x3  }
0x4c5: {  	[tilespmem:v3+s24+$0x0] =	vst.idx.msk $0xffff, v2  }
0x4c6: {  	v3 =	vor.u32 v18, v0;
	v2 =	vld.idx.msk [tilespmem:v4+s16+$0x0], $0xffff  }
0x4c7: {  	v4 =	vor.u32 v19, v1;
	_ =	sdelay $0x3  }
0x4c8: {  	[tilespmem:v3+s24+$0x0] =	vst.idx.msk $0xffff, v2  }
0x4c9: {  	v3 =	vor.u32 v20, v0;
	v2 =	vld.idx.msk [tilespmem:v4+s16+$0x0], $0xffff  }
0x4ca: {  	v4 =	vor.u32 v21, v1;
	_ =	sdelay $0x3  }
0x4cb: {  	[tilespmem:v3+s24+$0x0] =	vst.idx.msk $0xffff, v2  }
0x4cc: {  	v3 =	vor.u32 v7, v0;
	v2 =	vld.idx.msk [tilespmem:v4+s16+$0x0], $0xffff  }
0x4cd: {  	v4 =	vor.u32 v8, v1;
	_ =	sdelay $0x3  }
0x4ce: {  	[tilespmem:v3+s24+$0x0] =	vst.idx.msk $0xffff, v2  }
0x4cf: {  	v3 =	vor.u32 v22, v0;
	v2 =	vld.idx.msk [tilespmem:v4+s16+$0x0], $0xffff  }
0x4d0: {  	v4 =	vor.u32 v23, v1;
	_ =	sdelay $0x3  }
0x4d1: {  	[tilespmem:v3+s24+$0x0] =	vst.idx.msk $0xffff, v2  }
0x4d2: {  	v3 =	vor.u32 v24, v0;
	v2 =	vld.idx.msk [tilespmem:v4+s16+$0x0], $0xffff  }
0x4d3: {  	v4 =	vor.u32 v9, v1;
	_ =	sdelay $0x3  }
0x4d4: {  	[tilespmem:v3+s24+$0x0] =	vst.idx.msk $0xffff, v2  }
0x4d5: {  	v3 =	vor.u32 v10, v0;
	v2 =	vld.idx.msk [tilespmem:v4+s16+$0x0], $0xffff  }
0x4d6: {  	v4 =	vor.u32 v11, v1;
	_ =	sdelay $0x3  }
0x4d7: {  	[tilespmem:v3+s24+$0x0] =	vst.idx.msk $0xffff, v2  }
0x4d8: {  	v3 =	vor.u32 v25, v0;
	v2 =	vld.idx.msk [tilespmem:v4+s16+$0x0], $0xffff  }
0x4d9: {  	v4 =	vor.u32 v26, v1;
	_ =	sdelay $0x3  }
0x4da: {  	[tilespmem:v3+s24+$0x0] =	vst.idx.msk $0xffff, v2  }
0x4db: {  	v3 =	vor.u32 v27, v0;
	v2 =	vld.idx.msk [tilespmem:v4+s16+$0x0], $0xffff  }
0x4dc: {  	v4 =	vor.u32 v28, v1;
	_ =	sdelay $0x3  }
0x4dd: {  	[tilespmem:v3+s24+$0x0] =	vst.idx.msk $0xffff, v2  }
0x4de: {  	v3 =	vor.u32 v29, v0;
	v2 =	vld.idx.msk [tilespmem:v4+s16+$0x0], $0xffff  }
0x4df: {  	v4 =	vor.u32 v30, v1;
	_ =	sdelay $0x3  }
0x4e0: {  	[tilespmem:v3+s24+$0x0] =	vst.idx.msk $0xffff, v2  }
0x4e1: {  	v3 =	vor.u32 v31, v0;
	v2 =	vld.idx.msk [tilespmem:v4+s16+$0x0], $0xffff  }
0x4e2: {  	v4 =	vor.u32 v32, v1;
	_ =	sdelay $0x3  }
0x4e3: {  	[tilespmem:v3+s24+$0x0] =	vst.idx.msk $0xffff, v2  }
0x4e4: {  	v3 =	vor.u32 v33, v0;
	v2 =	vld.idx.msk [tilespmem:v4+s16+$0x0], $0xffff  }
0x4e5: {  	v4 =	vor.u32 v34, v1;
	_ =	sdelay $0x3  }
0x4e6: {  	[tilespmem:v3+s24+$0x0] =	vst.idx.msk $0xffff, v2  }
0x4e7: {  	v3 =	vor.u32 v35, v0;
	v2 =	vld.idx.msk [tilespmem:v4+s16+$0x0], $0xffff  }
0x4e8: {  	v4 =	vor.u32 v36, v1;
	_ =	sdelay $0x3  }
0x4e9: {  	[tilespmem:v3+s24+$0x0] =	vst.idx.msk $0xffff, v2  }
0x4ea: {  	v3 =	vor.u32 v37, v0;
	v2 =	vld.idx.msk [tilespmem:v4+s16+$0x0], $0xffff  }
0x4eb: {  	v4 =	vor.u32 v38, v1;
	_ =	sdelay $0x3  }
0x4ec: {  	[tilespmem:v3+s24+$0x0] =	vst.idx.msk $0xffff, v2  }
0x4ed: {  	v3 =	vor.u32 v39, v0;
	v2 =	vld.idx.msk [tilespmem:v4+s16+$0x0], $0xffff  }
0x4ee: {  	v4 =	vor.u32 v40, v1;
	_ =	sdelay $0x3  }
0x4ef: {  	[tilespmem:v3+s24+$0x0] =	vst.idx.msk $0xffff, v2  }
0x4f0: {  	v3 =	vor.u32 v41, v0;
	v2 =	vld.idx.msk [tilespmem:v4+s16+$0x0], $0xffff  }
0x4f1: {  	v4 =	vor.u32 v42, v1;
	_ =	sdelay $0x3  }
0x4f2: {  	[tilespmem:v3+s24+$0x0] =	vst.idx.msk $0xffff, v2  }
0x4f3: {  	v3 =	vor.u32 v43, v0;
	v2 =	vld.idx.msk [tilespmem:v4+s16+$0x0], $0xffff  }
0x4f4: {  	v4 =	vor.u32 v44, v1;
	_ =	sdelay $0x3  }
0x4f5: {  	[tilespmem:v3+s24+$0x0] =	vst.idx.msk $0xffff, v2  }
0x4f6: {  	v3 =	vor.u32 v45, v0;
	v2 =	vld.idx.msk [tilespmem:v4+s16+$0x0], $0xffff  }
0x4f7: {  	v4 =	vor.u32 v46, v1;
	_ =	sdelay $0x3  }
0x4f8: {  	[tilespmem:v3+s24+$0x0] =	vst.idx.msk $0xffff, v2  }
0x4f9: {  	v3 =	vor.u32 v47, v0;
	v2 =	vld.idx.msk [tilespmem:v4+s16+$0x0], $0xffff  }
0x4fa: {  	v4 =	vor.u32 v48, v1;
	_ =	sdelay $0x3  }
0x4fb: {  	[tilespmem:v3+s24+$0x0] =	vst.idx.msk $0xffff, v2  }
0x4fc: {  	v3 =	vor.u32 v49, v0;
	v2 =	vld.idx.msk [tilespmem:v4+s16+$0x0], $0xffff  }
0x4fd: {  	v4 =	vor.u32 v50, v1;
	_ =	sdelay $0x3  }
0x4fe: {  	[tilespmem:v3+s24+$0x0] =	vst.idx.msk $0xffff, v2  }
0x4ff: {  	v3 =	vor.u32 v51, v0;
	v2 =	vld.idx.msk [tilespmem:v4+s16+$0x0], $0xffff  }
0x500: {  	v4 =	vor.u32 v52, v1;
	_ =	sdelay $0x3  }
0x501: {  	[tilespmem:v3+s24+$0x0] =	vst.idx.msk $0xffff, v2  }
0x502: {  	v3 =	vor.u32 v53, v0;
	v2 =	vld.idx.msk [tilespmem:v4+s16+$0x0], $0xffff  }
0x503: {  	v4 =	vor.u32 v54, v1;
	_ =	sdelay $0x3  }
0x504: {  	[tilespmem:v3+s24+$0x0] =	vst.idx.msk $0xffff, v2  }
0x505: {  	v3 =	vor.u32 v55, v0;
	v2 =	vld.idx.msk [tilespmem:v4+s16+$0x0], $0xffff  }
0x506: {  	v4 =	vor.u32 v56, v1;
	_ =	sdelay $0x3  }
0x507: {  	[tilespmem:v3+s24+$0x0] =	vst.idx.msk $0xffff, v2  }
0x508: {  	v3 =	vor.u32 v57, v0;
	v2 =	vld.idx.msk [tilespmem:v4+s16+$0x0], $0xffff  }
0x509: {  	v4 =	vor.u32 v58, v1;
	_ =	sdelay $0x3  }
0x50a: {  	[tilespmem:v3+s24+$0x0] =	vst.idx.msk $0xffff, v2  }
0x50b: {  	v3 =	vor.u32 v59, v0;
	v2 =	vld.idx.msk [tilespmem:v4+s16+$0x0], $0xffff  }
0x50c: {  	v4 =	vor.u32 v60, v1;
	_ =	sdelay $0x3  }
0x50d: {  	[tilespmem:v3+s24+$0x0] =	vst.idx.msk $0xffff, v2  }
0x50e: {  	v3 =	vor.u32 v61, v0;
	v2 =	vld.idx.msk [tilespmem:v4+s16+$0x0], $0xffff  }
0x50f: {  	p0 =	sne.s32 s9, $0x1F;
	v1 =	vor.u32 v62, v1  }
.Ltmp3:
0x510: {  	_ = 	snop;
	(pc) =	sbr.rel @p0 .LBB2_9-.Ltmp3, $3  }
0x511: {  	_ =	sdelay $0x1  }
0x512: {  	[tilespmem:v3+s24+$0x0] =	vst.idx.msk $0xffff, v2  }
0x513: {  	v4 =	vlaneseq.u32;
	v3 =	vadd.s32 s9, v5;
	s9 =	sadd.s32 $0x1, s9;
	v2 =	vld.idx.msk [tilespmem:v1+s16+$0x0], $0xffff  }
0x514: {  	v0 =	vor.u32 v63, v0;
	_ =	sdelay $0x1  }
0x515: {  	v1 =	vand.u32 $0x1F, v3  }
0x516: {  	v5 =	vor.u32 v6, v1  }
0x517: {  	[tilespmem:$0x1FE60] =	vst v5  }
0x518: {  	[tilespmem:v0+s24+$0x0] =	vst.idx.msk $0xffff, v2;
	v2 =	vld [tilespmem:$0x1FE60]  }
0x519: {  	v5 =	vshll.u32 v3, $0x9;
	v3 =	vshll.u32 v3, $0x7  }
0x51a: {  	v5 =	vand.u32 $0x3000, v5;
	v3 =	vand.u32 $0x380, v3  }
0x51b: {  	v0 =	vor.u32 v3, v5  }
0x51c: {  	v3 =	vor.u32 v4, v0;
	v4 =	vld [tilespmem:$0x1FE80];
	_ =	sdelay $0x3  }
0x51d: {  	v2 =	vld.idx.msk [tilespmem:v2+s16+$0x0], $0xffff  }
0x51e: {  	v4 =	vor.u32 v4, v1;
	_ =	sdelay $0x3  }
0x51f: {  	[tilespmem:v3+s24+$0x0] =	vst.idx.msk $0xffff, v2;
	v3 =	vld [tilespmem:$0x1FE90]  }
0x520: {  	v2 =	vld.idx.msk [tilespmem:v4+s16+$0x0], $0xffff  }
0x521: {  	v4 =	vld [tilespmem:$0x1FEA0];
	_ =	sdelay $0x3  }
0x522: {  	v3 =	vor.u32 v3, v0  }
0x523: {  	v4 =	vor.u32 v4, v1;
	_ =	sdelay $0x3  }
0x524: {  	[tilespmem:v3+s24+$0x0] =	vst.idx.msk $0xffff, v2;
	v3 =	vld [tilespmem:$0x1FEB0]  }
0x525: {  	v2 =	vld.idx.msk [tilespmem:v4+s16+$0x0], $0xffff  }
0x526: {  	v4 =	vld [tilespmem:$0x1FEC0];
	_ =	sdelay $0x3  }
0x527: {  	v3 =	vor.u32 v3, v0  }
0x528: {  	v4 =	vor.u32 v4, v1;
	_ =	sdelay $0x3  }
0x529: {  	[tilespmem:v3+s24+$0x0] =	vst.idx.msk $0xffff, v2  }
0x52a: {  	v3 =	vor.u32 v12, v0;
	v2 =	vld.idx.msk [tilespmem:v4+s16+$0x0], $0xffff  }
0x52b: {  	v4 =	vor.u32 v13, v1;
	_ =	sdelay $0x3  }
0x52c: {  	[tilespmem:v3+s24+$0x0] =	vst.idx.msk $0xffff, v2  }
0x52d: {  	v3 =	vor.u32 v14, v0;
	v2 =	vld.idx.msk [tilespmem:v4+s16+$0x0], $0xffff  }
0x52e: {  	v4 =	vor.u32 v15, v1;
	_ =	sdelay $0x3  }
0x52f: {  	[tilespmem:v3+s24+$0x0] =	vst.idx.msk $0xffff, v2  }
0x530: {  	v3 =	vor.u32 v16, v0;
	v2 =	vld.idx.msk [tilespmem:v4+s16+$0x0], $0xffff  }
0x531: {  	v4 =	vor.u32 v17, v1;
	_ =	sdelay $0x3  }
0x532: {  	[tilespmem:v3+s24+$0x0] =	vst.idx.msk $0xffff, v2  }
0x533: {  	v3 =	vor.u32 v18, v0;
	v2 =	vld.idx.msk [tilespmem:v4+s16+$0x0], $0xffff  }
0x534: {  	v4 =	vor.u32 v19, v1;
	_ =	sdelay $0x3  }
0x535: {  	[tilespmem:v3+s24+$0x0] =	vst.idx.msk $0xffff, v2  }
0x536: {  	v3 =	vor.u32 v20, v0;
	v2 =	vld.idx.msk [tilespmem:v4+s16+$0x0], $0xffff  }
0x537: {  	v4 =	vor.u32 v21, v1;
	_ =	sdelay $0x3  }
0x538: {  	[tilespmem:v3+s24+$0x0] =	vst.idx.msk $0xffff, v2  }
0x539: {  	v3 =	vor.u32 v7, v0;
	v2 =	vld.idx.msk [tilespmem:v4+s16+$0x0], $0xffff  }
0x53a: {  	v4 =	vor.u32 v8, v1;
	_ =	sdelay $0x3  }
0x53b: {  	[tilespmem:v3+s24+$0x0] =	vst.idx.msk $0xffff, v2  }
0x53c: {  	v3 =	vor.u32 v22, v0;
	v2 =	vld.idx.msk [tilespmem:v4+s16+$0x0], $0xffff  }
0x53d: {  	v4 =	vor.u32 v23, v1;
	_ =	sdelay $0x3  }
0x53e: {  	[tilespmem:v3+s24+$0x0] =	vst.idx.msk $0xffff, v2  }
0x53f: {  	v3 =	vor.u32 v24, v0;
	v2 =	vld.idx.msk [tilespmem:v4+s16+$0x0], $0xffff  }
0x540: {  	v4 =	vor.u32 v9, v1;
	_ =	sdelay $0x3  }
0x541: {  	[tilespmem:v3+s24+$0x0] =	vst.idx.msk $0xffff, v2  }
0x542: {  	v3 =	vor.u32 v10, v0;
	v2 =	vld.idx.msk [tilespmem:v4+s16+$0x0], $0xffff  }
0x543: {  	v4 =	vor.u32 v11, v1;
	_ =	sdelay $0x3  }
0x544: {  	[tilespmem:v3+s24+$0x0] =	vst.idx.msk $0xffff, v2  }
0x545: {  	v3 =	vor.u32 v25, v0;
	v2 =	vld.idx.msk [tilespmem:v4+s16+$0x0], $0xffff  }
0x546: {  	v4 =	vor.u32 v26, v1;
	_ =	sdelay $0x3  }
0x547: {  	[tilespmem:v3+s24+$0x0] =	vst.idx.msk $0xffff, v2  }
0x548: {  	v3 =	vor.u32 v27, v0;
	v2 =	vld.idx.msk [tilespmem:v4+s16+$0x0], $0xffff  }
0x549: {  	v4 =	vor.u32 v28, v1;
	_ =	sdelay $0x3  }
0x54a: {  	[tilespmem:v3+s24+$0x0] =	vst.idx.msk $0xffff, v2  }
0x54b: {  	v3 =	vor.u32 v29, v0;
	v2 =	vld.idx.msk [tilespmem:v4+s16+$0x0], $0xffff  }
0x54c: {  	v4 =	vor.u32 v30, v1;
	_ =	sdelay $0x3  }
0x54d: {  	[tilespmem:v3+s24+$0x0] =	vst.idx.msk $0xffff, v2  }
0x54e: {  	v3 =	vor.u32 v31, v0;
	v2 =	vld.idx.msk [tilespmem:v4+s16+$0x0], $0xffff  }
0x54f: {  	v4 =	vor.u32 v32, v1;
	_ =	sdelay $0x3  }
0x550: {  	[tilespmem:v3+s24+$0x0] =	vst.idx.msk $0xffff, v2  }
0x551: {  	v3 =	vor.u32 v33, v0;
	v2 =	vld.idx.msk [tilespmem:v4+s16+$0x0], $0xffff  }
0x552: {  	v4 =	vor.u32 v34, v1;
	_ =	sdelay $0x3  }
0x553: {  	[tilespmem:v3+s24+$0x0] =	vst.idx.msk $0xffff, v2  }
0x554: {  	v3 =	vor.u32 v35, v0;
	v2 =	vld.idx.msk [tilespmem:v4+s16+$0x0], $0xffff  }
0x555: {  	v4 =	vor.u32 v36, v1;
	_ =	sdelay $0x3  }
0x556: {  	[tilespmem:v3+s24+$0x0] =	vst.idx.msk $0xffff, v2  }
0x557: {  	v3 =	vor.u32 v37, v0;
	v2 =	vld.idx.msk [tilespmem:v4+s16+$0x0], $0xffff  }
0x558: {  	v4 =	vor.u32 v38, v1;
	_ =	sdelay $0x3  }
0x559: {  	[tilespmem:v3+s24+$0x0] =	vst.idx.msk $0xffff, v2  }
0x55a: {  	v3 =	vor.u32 v39, v0;
	v2 =	vld.idx.msk [tilespmem:v4+s16+$0x0], $0xffff  }
0x55b: {  	v4 =	vor.u32 v40, v1;
	_ =	sdelay $0x3  }
0x55c: {  	[tilespmem:v3+s24+$0x0] =	vst.idx.msk $0xffff, v2  }
0x55d: {  	v3 =	vor.u32 v41, v0;
	v2 =	vld.idx.msk [tilespmem:v4+s16+$0x0], $0xffff  }
0x55e: {  	v4 =	vor.u32 v42, v1;
	_ =	sdelay $0x3  }
0x55f: {  	[tilespmem:v3+s24+$0x0] =	vst.idx.msk $0xffff, v2  }
0x560: {  	v3 =	vor.u32 v43, v0;
	v2 =	vld.idx.msk [tilespmem:v4+s16+$0x0], $0xffff  }
0x561: {  	v4 =	vor.u32 v44, v1;
	_ =	sdelay $0x3  }
0x562: {  	[tilespmem:v3+s24+$0x0] =	vst.idx.msk $0xffff, v2  }
0x563: {  	v3 =	vor.u32 v45, v0;
	v2 =	vld.idx.msk [tilespmem:v4+s16+$0x0], $0xffff  }
0x564: {  	v4 =	vor.u32 v46, v1;
	_ =	sdelay $0x3  }
0x565: {  	[tilespmem:v3+s24+$0x0] =	vst.idx.msk $0xffff, v2  }
0x566: {  	v3 =	vor.u32 v47, v0;
	v2 =	vld.idx.msk [tilespmem:v4+s16+$0x0], $0xffff  }
0x567: {  	v4 =	vor.u32 v48, v1;
	_ =	sdelay $0x3  }
0x568: {  	[tilespmem:v3+s24+$0x0] =	vst.idx.msk $0xffff, v2  }
0x569: {  	v3 =	vor.u32 v49, v0;
	v2 =	vld.idx.msk [tilespmem:v4+s16+$0x0], $0xffff  }
0x56a: {  	v4 =	vor.u32 v50, v1;
	_ =	sdelay $0x3  }
0x56b: {  	[tilespmem:v3+s24+$0x0] =	vst.idx.msk $0xffff, v2  }
0x56c: {  	v3 =	vor.u32 v51, v0;
	v2 =	vld.idx.msk [tilespmem:v4+s16+$0x0], $0xffff  }
0x56d: {  	v4 =	vor.u32 v52, v1;
	_ =	sdelay $0x3  }
0x56e: {  	[tilespmem:v3+s24+$0x0] =	vst.idx.msk $0xffff, v2  }
0x56f: {  	v3 =	vor.u32 v53, v0;
	v2 =	vld.idx.msk [tilespmem:v4+s16+$0x0], $0xffff  }
0x570: {  	v4 =	vor.u32 v54, v1;
	_ =	sdelay $0x3  }
0x571: {  	[tilespmem:v3+s24+$0x0] =	vst.idx.msk $0xffff, v2  }
0x572: {  	v3 =	vor.u32 v55, v0;
	v2 =	vld.idx.msk [tilespmem:v4+s16+$0x0], $0xffff  }
0x573: {  	v4 =	vor.u32 v56, v1;
	_ =	sdelay $0x3  }
0x574: {  	[tilespmem:v3+s24+$0x0] =	vst.idx.msk $0xffff, v2  }
0x575: {  	v3 =	vor.u32 v57, v0;
	v2 =	vld.idx.msk [tilespmem:v4+s16+$0x0], $0xffff  }
0x576: {  	v4 =	vor.u32 v58, v1;
	_ =	sdelay $0x3  }
0x577: {  	[tilespmem:v3+s24+$0x0] =	vst.idx.msk $0xffff, v2  }
0x578: {  	v3 =	vor.u32 v59, v0;
	v2 =	vld.idx.msk [tilespmem:v4+s16+$0x0], $0xffff  }
0x579: {  	v4 =	vor.u32 v60, v1;
	_ =	sdelay $0x3  }
0x57a: {  	[tilespmem:v3+s24+$0x0] =	vst.idx.msk $0xffff, v2  }
0x57b: {  	v3 =	vor.u32 v61, v0;
	v2 =	vld.idx.msk [tilespmem:v4+s16+$0x0], $0xffff  }
0x57c: {  	v1 =	vor.u32 v62, v1;
	_ =	sdelay $0x3  }
0x57d: {  	[tilespmem:v3+s24+$0x0] =	vst.idx.msk $0xffff, v2  }
0x57e: {  	s7 =	sadd.s32 s7, s3;
	v0 =	vor.u32 v63, v0;
	v1 =	vld.idx.msk [tilespmem:v1+s16+$0x0], $0xffff  }
0x57f: {  	s7 =	sadd.s32 $0x1, s7  }
0x580: {  	s9 =	sshll.u32 s7, $0x9;
	s7 =	sshll.u32 s7, $0xB  }
0x581: {  	s9 =	sand.u32 $0x3E00, s9;
	s7 =	sand.u32 $0xFFF0000, s7  }
0x582: {  	s7 =	sor.u32 s9, s7  }
0x583: {  	s1 =	sadd.s32 $0x1, s1;
	s9 =	sadd.s32 s2, s7;
	[tilespmem:v0+s24+$0x0] =	vst.idx.msk $0xffff, v1  }
0x584: {  	[hbm4b:s9+s4] =	stream.linear.scatter [tilespmem:s24], [sflag:$0x6], $0x1000, $0x38;
	[tilespmem:$0x10400] =	vst v63  }
0x585: {  	p0 =	sne.s32 s1, $0x63;
	s22 =	sadd.s32 s7, s8  }
0x586: {  	[hbm4b:s22+s4] =	stream.linear.scatter [tilespmem:s25], [sflag:$0x6], $0x1000, $0x38;
	[tilespmem:$0x10400] =	vst v63  }
.Ltmp4:
0x587: {  	_ = 	snop;
	(pc) =	sbr.rel @p0 .LBB2_6-.Ltmp4, $4  }
0x588: {  	s31 =	sadd.s32 s7, s11  }
0x589: {  	[hbm4b:s31+s4] =	stream.linear.scatter [tilespmem:s26], [sflag:$0x6], $0x1000, $0x38;
	[tilespmem:$0x10400] =	vst v63  }
0x58a: {  	s7 =	sadd.s32 s7, s12  }
0x58b: {  	[hbm4b:s7+s4] =	stream.linear.scatter [tilespmem:s28], [sflag:$0x6], $0x1000, $0x38;
	[tilespmem:$0x10400] =	vst v63  }
0x58c: {  	_ =	swait.ge [sflag:s14], $0x4000  }
0x58d: {  	[sflag:s14] =	ssyncset.done $0x0  }
0x58e: {  	[sflag:s14] =	ssyncadd.s32 $0xFFFFC000  }
0x58f: {  	_ =	swait.ge [sflag:s15], $0x200  }
0x590: {  	s1 =	simm.s32 $0x0;
	v5 =	vlaneseq.u32;
	[sflag:s15] =	ssyncset.done $0x0  }
0x591: {  	v0 =	vadd.s32 s1, v5;
	[sflag:s15] =	ssyncadd.s32 $0xFFFFFE00  }
0x592: {  	v1 =	vand.u32 $0x1F, v0;
	[tilespmem:s16], [sflag:$0x4] =	stream.indirect.gather [hbm4b:s6+s10], $0x20, s10, s10, $0xb8;
	[tilespmem:$0x10400] =	vst v63  }
0x593: {  	v2 =	vor.u32 v6, v1;
	_ =	swait.ge [sflag:s29], $0x4000  }
0x594: {  	v4 =	vld [tilespmem:$0x1FE80]  }
0x595: {  	v3 =	vshll.u32 v0, $0x9;
	v0 =	vshll.u32 v0, $0x7  }
0x596: {  	v3 =	vand.u32 $0x3000, v3;
	v0 =	vand.u32 $0x380, v0;
	[sflag:s29] =	ssyncset.done $0x0  }
0x597: {  	v0 =	vor.u32 v0, v3;
	[sflag:s29] =	ssyncadd.s32 $0xFFFFC000  }
0x598: {  	v3 =	vor.u32 v5, v0;
	v2 =	vld.idx.msk [tilespmem:v2+s13+$0x0], $0xffff  }
0x599: {  	v4 =	vor.u32 v4, v1;
	_ =	sdelay $0x3  }
0x59a: {  	[tilespmem:v3+s17+$0x0] =	vst.idx.msk $0xffff, v2;
	v3 =	vld [tilespmem:$0x1FE90]  }
0x59b: {  	v2 =	vld.idx.msk [tilespmem:v4+s13+$0x0], $0xffff  }
0x59c: {  	v4 =	vld [tilespmem:$0x1FEA0];
	_ =	sdelay $0x3  }
0x59d: {  	v3 =	vor.u32 v3, v0  }
0x59e: {  	v4 =	vor.u32 v4, v1;
	_ =	sdelay $0x3  }
0x59f: {  	[tilespmem:v3+s17+$0x0] =	vst.idx.msk $0xffff, v2;
	v3 =	vld [tilespmem:$0x1FEB0]  }
0x5a0: {  	v2 =	vld.idx.msk [tilespmem:v4+s13+$0x0], $0xffff  }
0x5a1: {  	v4 =	vld [tilespmem:$0x1FEC0];
	_ =	sdelay $0x3  }
0x5a2: {  	v3 =	vor.u32 v3, v0  }
0x5a3: {  	v4 =	vor.u32 v4, v1;
	_ =	sdelay $0x3  }
0x5a4: {  	[tilespmem:v3+s17+$0x0] =	vst.idx.msk $0xffff, v2  }
0x5a5: {  	v3 =	vor.u32 v12, v0;
	v2 =	vld.idx.msk [tilespmem:v4+s13+$0x0], $0xffff  }
0x5a6: {  	v4 =	vor.u32 v13, v1;
	_ =	sdelay $0x3  }
0x5a7: {  	[tilespmem:v3+s17+$0x0] =	vst.idx.msk $0xffff, v2  }
0x5a8: {  	v3 =	vor.u32 v14, v0;
	v2 =	vld.idx.msk [tilespmem:v4+s13+$0x0], $0xffff  }
0x5a9: {  	v4 =	vor.u32 v15, v1;
	_ =	sdelay $0x3  }
0x5aa: {  	[tilespmem:v3+s17+$0x0] =	vst.idx.msk $0xffff, v2  }
0x5ab: {  	v3 =	vor.u32 v16, v0;
	v2 =	vld.idx.msk [tilespmem:v4+s13+$0x0], $0xffff  }
0x5ac: {  	v4 =	vor.u32 v17, v1;
	_ =	sdelay $0x3  }
0x5ad: {  	[tilespmem:v3+s17+$0x0] =	vst.idx.msk $0xffff, v2  }
0x5ae: {  	v3 =	vor.u32 v18, v0;
	v2 =	vld.idx.msk [tilespmem:v4+s13+$0x0], $0xffff  }
0x5af: {  	v4 =	vor.u32 v19, v1;
	_ =	sdelay $0x3  }
0x5b0: {  	[tilespmem:v3+s17+$0x0] =	vst.idx.msk $0xffff, v2  }
0x5b1: {  	v3 =	vor.u32 v20, v0;
	v2 =	vld.idx.msk [tilespmem:v4+s13+$0x0], $0xffff  }
0x5b2: {  	v4 =	vor.u32 v21, v1;
	_ =	sdelay $0x3  }
0x5b3: {  	[tilespmem:v3+s17+$0x0] =	vst.idx.msk $0xffff, v2  }
0x5b4: {  	v3 =	vor.u32 v7, v0;
	v2 =	vld.idx.msk [tilespmem:v4+s13+$0x0], $0xffff  }
0x5b5: {  	v4 =	vor.u32 v8, v1;
	_ =	sdelay $0x3  }
0x5b6: {  	[tilespmem:v3+s17+$0x0] =	vst.idx.msk $0xffff, v2  }
0x5b7: {  	v3 =	vor.u32 v22, v0;
	v2 =	vld.idx.msk [tilespmem:v4+s13+$0x0], $0xffff  }
0x5b8: {  	v4 =	vor.u32 v23, v1;
	_ =	sdelay $0x3  }
0x5b9: {  	[tilespmem:v3+s17+$0x0] =	vst.idx.msk $0xffff, v2  }
0x5ba: {  	v3 =	vor.u32 v24, v0;
	v2 =	vld.idx.msk [tilespmem:v4+s13+$0x0], $0xffff  }
0x5bb: {  	v4 =	vor.u32 v9, v1;
	_ =	sdelay $0x3  }
0x5bc: {  	[tilespmem:v3+s17+$0x0] =	vst.idx.msk $0xffff, v2  }
0x5bd: {  	v3 =	vor.u32 v10, v0;
	v2 =	vld.idx.msk [tilespmem:v4+s13+$0x0], $0xffff  }
0x5be: {  	v4 =	vor.u32 v11, v1;
	_ =	sdelay $0x3  }
0x5bf: {  	[tilespmem:v3+s17+$0x0] =	vst.idx.msk $0xffff, v2  }
0x5c0: {  	v3 =	vor.u32 v25, v0;
	v2 =	vld.idx.msk [tilespmem:v4+s13+$0x0], $0xffff  }
0x5c1: {  	v4 =	vor.u32 v26, v1;
	_ =	sdelay $0x3  }
0x5c2: {  	[tilespmem:v3+s17+$0x0] =	vst.idx.msk $0xffff, v2  }
0x5c3: {  	v3 =	vor.u32 v27, v0;
	v2 =	vld.idx.msk [tilespmem:v4+s13+$0x0], $0xffff  }
0x5c4: {  	v4 =	vor.u32 v28, v1;
	_ =	sdelay $0x3  }
0x5c5: {  	[tilespmem:v3+s17+$0x0] =	vst.idx.msk $0xffff, v2  }
0x5c6: {  	v3 =	vor.u32 v29, v0;
	v2 =	vld.idx.msk [tilespmem:v4+s13+$0x0], $0xffff  }
0x5c7: {  	v4 =	vor.u32 v30, v1;
	_ =	sdelay $0x3  }
0x5c8: {  	[tilespmem:v3+s17+$0x0] =	vst.idx.msk $0xffff, v2  }
0x5c9: {  	v3 =	vor.u32 v31, v0;
	v2 =	vld.idx.msk [tilespmem:v4+s13+$0x0], $0xffff  }
0x5ca: {  	v4 =	vor.u32 v32, v1;
	_ =	sdelay $0x3  }
0x5cb: {  	[tilespmem:v3+s17+$0x0] =	vst.idx.msk $0xffff, v2  }
0x5cc: {  	v3 =	vor.u32 v33, v0;
	v2 =	vld.idx.msk [tilespmem:v4+s13+$0x0], $0xffff  }
0x5cd: {  	v4 =	vor.u32 v34, v1;
	_ =	sdelay $0x3  }
0x5ce: {  	[tilespmem:v3+s17+$0x0] =	vst.idx.msk $0xffff, v2  }
0x5cf: {  	v3 =	vor.u32 v35, v0;
	v2 =	vld.idx.msk [tilespmem:v4+s13+$0x0], $0xffff  }
0x5d0: {  	v4 =	vor.u32 v36, v1;
	_ =	sdelay $0x3  }
0x5d1: {  	[tilespmem:v3+s17+$0x0] =	vst.idx.msk $0xffff, v2  }
0x5d2: {  	v3 =	vor.u32 v37, v0;
	v2 =	vld.idx.msk [tilespmem:v4+s13+$0x0], $0xffff  }
0x5d3: {  	v4 =	vor.u32 v38, v1;
	_ =	sdelay $0x3  }
0x5d4: {  	[tilespmem:v3+s17+$0x0] =	vst.idx.msk $0xffff, v2  }
0x5d5: {  	v3 =	vor.u32 v39, v0;
	v2 =	vld.idx.msk [tilespmem:v4+s13+$0x0], $0xffff  }
0x5d6: {  	v4 =	vor.u32 v40, v1;
	_ =	sdelay $0x3  }
0x5d7: {  	[tilespmem:v3+s17+$0x0] =	vst.idx.msk $0xffff, v2  }
0x5d8: {  	v3 =	vor.u32 v41, v0;
	v2 =	vld.idx.msk [tilespmem:v4+s13+$0x0], $0xffff  }
0x5d9: {  	v4 =	vor.u32 v42, v1;
	_ =	sdelay $0x3  }
0x5da: {  	[tilespmem:v3+s17+$0x0] =	vst.idx.msk $0xffff, v2  }
0x5db: {  	v3 =	vor.u32 v43, v0;
	v2 =	vld.idx.msk [tilespmem:v4+s13+$0x0], $0xffff  }
0x5dc: {  	v4 =	vor.u32 v44, v1;
	_ =	sdelay $0x3  }
0x5dd: {  	[tilespmem:v3+s17+$0x0] =	vst.idx.msk $0xffff, v2  }
0x5de: {  	v3 =	vor.u32 v45, v0;
	v2 =	vld.idx.msk [tilespmem:v4+s13+$0x0], $0xffff  }
0x5df: {  	v4 =	vor.u32 v46, v1;
	_ =	sdelay $0x3  }
0x5e0: {  	[tilespmem:v3+s17+$0x0] =	vst.idx.msk $0xffff, v2  }
0x5e1: {  	v3 =	vor.u32 v47, v0;
	v2 =	vld.idx.msk [tilespmem:v4+s13+$0x0], $0xffff  }
0x5e2: {  	v4 =	vor.u32 v48, v1;
	_ =	sdelay $0x3  }
0x5e3: {  	[tilespmem:v3+s17+$0x0] =	vst.idx.msk $0xffff, v2  }
0x5e4: {  	v3 =	vor.u32 v49, v0;
	v2 =	vld.idx.msk [tilespmem:v4+s13+$0x0], $0xffff  }
0x5e5: {  	v4 =	vor.u32 v50, v1;
	_ =	sdelay $0x3  }
0x5e6: {  	[tilespmem:v3+s17+$0x0] =	vst.idx.msk $0xffff, v2  }
0x5e7: {  	v3 =	vor.u32 v51, v0;
	v2 =	vld.idx.msk [tilespmem:v4+s13+$0x0], $0xffff  }
0x5e8: {  	v4 =	vor.u32 v52, v1;
	_ =	sdelay $0x3  }
0x5e9: {  	[tilespmem:v3+s17+$0x0] =	vst.idx.msk $0xffff, v2  }
0x5ea: {  	v3 =	vor.u32 v53, v0;
	v2 =	vld.idx.msk [tilespmem:v4+s13+$0x0], $0xffff  }
0x5eb: {  	v4 =	vor.u32 v54, v1;
	_ =	sdelay $0x3  }
0x5ec: {  	[tilespmem:v3+s17+$0x0] =	vst.idx.msk $0xffff, v2  }
0x5ed: {  	v3 =	vor.u32 v55, v0;
	v2 =	vld.idx.msk [tilespmem:v4+s13+$0x0], $0xffff  }
0x5ee: {  	v4 =	vor.u32 v56, v1;
	_ =	sdelay $0x3  }
0x5ef: {  	[tilespmem:v3+s17+$0x0] =	vst.idx.msk $0xffff, v2  }
0x5f0: {  	v3 =	vor.u32 v57, v0;
	v2 =	vld.idx.msk [tilespmem:v4+s13+$0x0], $0xffff  }
0x5f1: {  	v4 =	vor.u32 v58, v1;
	_ =	sdelay $0x3  }
0x5f2: {  	[tilespmem:v3+s17+$0x0] =	vst.idx.msk $0xffff, v2  }
0x5f3: {  	v3 =	vor.u32 v59, v0;
	v2 =	vld.idx.msk [tilespmem:v4+s13+$0x0], $0xffff  }
0x5f4: {  	v4 =	vor.u32 v60, v1;
	_ =	sdelay $0x3  }
0x5f5: {  	[tilespmem:v3+s17+$0x0] =	vst.idx.msk $0xffff, v2  }
0x5f6: {  	v3 =	vor.u32 v61, v0;
	v2 =	vld.idx.msk [tilespmem:v4+s13+$0x0], $0xffff  }
0x5f7: {  	v1 =	vor.u32 v62, v1;
	_ =	sdelay $0x3  }
0x5f8: {  	s31 =	simm.s32 $0x1;
	[tilespmem:v3+s17+$0x0] =	vst.idx.msk $0xffff, v2  }
0x5f9: {  	s1 =	simm.s32 $0x2;
	v3 =	vadd.s32 s31, v5;
	v2 =	vld.idx.msk [tilespmem:v1+s13+$0x0], $0xffff  }
.LBB2_12:
0x5fa: {  	v1 =	vand.u32 $0x1F, v3;
	v0 =	vor.u32 v63, v0  }
0x5fb: {  	v4 =	vor.u32 v6, v1;
	_ =	sdelay $0x3  }
0x5fc: {  	[tilespmem:v0+s17+$0x0] =	vst.idx.msk $0xffff, v2  }
0x5fd: {  	v2 =	vld.idx.msk [tilespmem:v4+s13+$0x0], $0xffff  }
0x5fe: {  	v4 =	vld [tilespmem:$0x1FE80]  }
0x5ff: {  	v5 =	vshll.u32 v3, $0x9;
	v3 =	vshll.u32 v3, $0x7  }
0x600: {  	v5 =	vand.u32 $0x3000, v5;
	v3 =	vand.u32 $0x380, v3  }
0x601: {  	v0 =	vor.u32 v3, v5;
	v5 =	vlaneseq.u32  }
0x602: {  	v3 =	vor.u32 v5, v0  }
0x603: {  	v4 =	vor.u32 v4, v1;
	_ =	sdelay $0x3  }
0x604: {  	[tilespmem:v3+s17+$0x0] =	vst.idx.msk $0xffff, v2;
	v3 =	vld [tilespmem:$0x1FE90]  }
0x605: {  	v2 =	vld.idx.msk [tilespmem:v4+s13+$0x0], $0xffff  }
0x606: {  	v4 =	vld [tilespmem:$0x1FEA0];
	_ =	sdelay $0x3  }
0x607: {  	v3 =	vor.u32 v3, v0  }
0x608: {  	v4 =	vor.u32 v4, v1;
	_ =	sdelay $0x3  }
0x609: {  	[tilespmem:v3+s17+$0x0] =	vst.idx.msk $0xffff, v2;
	v3 =	vld [tilespmem:$0x1FEB0]  }
0x60a: {  	v2 =	vld.idx.msk [tilespmem:v4+s13+$0x0], $0xffff  }
0x60b: {  	v4 =	vld [tilespmem:$0x1FEC0];
	_ =	sdelay $0x3  }
0x60c: {  	v3 =	vor.u32 v3, v0  }
0x60d: {  	v4 =	vor.u32 v4, v1;
	_ =	sdelay $0x3  }
0x60e: {  	[tilespmem:v3+s17+$0x0] =	vst.idx.msk $0xffff, v2  }
0x60f: {  	v3 =	vor.u32 v12, v0;
	v2 =	vld.idx.msk [tilespmem:v4+s13+$0x0], $0xffff  }
0x610: {  	v4 =	vor.u32 v13, v1;
	_ =	sdelay $0x3  }
0x611: {  	[tilespmem:v3+s17+$0x0] =	vst.idx.msk $0xffff, v2  }
0x612: {  	v3 =	vor.u32 v14, v0;
	v2 =	vld.idx.msk [tilespmem:v4+s13+$0x0], $0xffff  }
0x613: {  	v4 =	vor.u32 v15, v1;
	_ =	sdelay $0x3  }
0x614: {  	[tilespmem:v3+s17+$0x0] =	vst.idx.msk $0xffff, v2  }
0x615: {  	v3 =	vor.u32 v16, v0;
	v2 =	vld.idx.msk [tilespmem:v4+s13+$0x0], $0xffff  }
0x616: {  	v4 =	vor.u32 v17, v1;
	_ =	sdelay $0x3  }
0x617: {  	[tilespmem:v3+s17+$0x0] =	vst.idx.msk $0xffff, v2  }
0x618: {  	v3 =	vor.u32 v18, v0;
	v2 =	vld.idx.msk [tilespmem:v4+s13+$0x0], $0xffff  }
0x619: {  	v4 =	vor.u32 v19, v1;
	_ =	sdelay $0x3  }
0x61a: {  	[tilespmem:v3+s17+$0x0] =	vst.idx.msk $0xffff, v2  }
0x61b: {  	v3 =	vor.u32 v20, v0;
	v2 =	vld.idx.msk [tilespmem:v4+s13+$0x0], $0xffff  }
0x61c: {  	v4 =	vor.u32 v21, v1;
	_ =	sdelay $0x3  }
0x61d: {  	[tilespmem:v3+s17+$0x0] =	vst.idx.msk $0xffff, v2  }
0x61e: {  	v3 =	vor.u32 v7, v0;
	v2 =	vld.idx.msk [tilespmem:v4+s13+$0x0], $0xffff  }
0x61f: {  	v4 =	vor.u32 v8, v1;
	_ =	sdelay $0x3  }
0x620: {  	[tilespmem:v3+s17+$0x0] =	vst.idx.msk $0xffff, v2  }
0x621: {  	v3 =	vor.u32 v22, v0;
	v2 =	vld.idx.msk [tilespmem:v4+s13+$0x0], $0xffff  }
0x622: {  	v4 =	vor.u32 v23, v1;
	_ =	sdelay $0x3  }
0x623: {  	[tilespmem:v3+s17+$0x0] =	vst.idx.msk $0xffff, v2  }
0x624: {  	v3 =	vor.u32 v24, v0;
	v2 =	vld.idx.msk [tilespmem:v4+s13+$0x0], $0xffff  }
0x625: {  	v4 =	vor.u32 v9, v1;
	_ =	sdelay $0x3  }
0x626: {  	[tilespmem:v3+s17+$0x0] =	vst.idx.msk $0xffff, v2  }
0x627: {  	v3 =	vor.u32 v10, v0;
	v2 =	vld.idx.msk [tilespmem:v4+s13+$0x0], $0xffff  }
0x628: {  	v4 =	vor.u32 v11, v1;
	_ =	sdelay $0x3  }
0x629: {  	[tilespmem:v3+s17+$0x0] =	vst.idx.msk $0xffff, v2  }
0x62a: {  	v3 =	vor.u32 v25, v0;
	v2 =	vld.idx.msk [tilespmem:v4+s13+$0x0], $0xffff  }
0x62b: {  	v4 =	vor.u32 v26, v1;
	_ =	sdelay $0x3  }
0x62c: {  	[tilespmem:v3+s17+$0x0] =	vst.idx.msk $0xffff, v2  }
0x62d: {  	v3 =	vor.u32 v27, v0;
	v2 =	vld.idx.msk [tilespmem:v4+s13+$0x0], $0xffff  }
0x62e: {  	v4 =	vor.u32 v28, v1;
	_ =	sdelay $0x3  }
0x62f: {  	[tilespmem:v3+s17+$0x0] =	vst.idx.msk $0xffff, v2  }
0x630: {  	v3 =	vor.u32 v29, v0;
	v2 =	vld.idx.msk [tilespmem:v4+s13+$0x0], $0xffff  }
0x631: {  	v4 =	vor.u32 v30, v1;
	_ =	sdelay $0x3  }
0x632: {  	[tilespmem:v3+s17+$0x0] =	vst.idx.msk $0xffff, v2  }
0x633: {  	v3 =	vor.u32 v31, v0;
	v2 =	vld.idx.msk [tilespmem:v4+s13+$0x0], $0xffff  }
0x634: {  	v4 =	vor.u32 v32, v1;
	_ =	sdelay $0x3  }
0x635: {  	[tilespmem:v3+s17+$0x0] =	vst.idx.msk $0xffff, v2  }
0x636: {  	v3 =	vor.u32 v33, v0;
	v2 =	vld.idx.msk [tilespmem:v4+s13+$0x0], $0xffff  }
0x637: {  	v4 =	vor.u32 v34, v1;
	_ =	sdelay $0x3  }
0x638: {  	[tilespmem:v3+s17+$0x0] =	vst.idx.msk $0xffff, v2  }
0x639: {  	v3 =	vor.u32 v35, v0;
	v2 =	vld.idx.msk [tilespmem:v4+s13+$0x0], $0xffff  }
0x63a: {  	v4 =	vor.u32 v36, v1;
	_ =	sdelay $0x3  }
0x63b: {  	[tilespmem:v3+s17+$0x0] =	vst.idx.msk $0xffff, v2  }
0x63c: {  	v3 =	vor.u32 v37, v0;
	v2 =	vld.idx.msk [tilespmem:v4+s13+$0x0], $0xffff  }
0x63d: {  	v4 =	vor.u32 v38, v1;
	_ =	sdelay $0x3  }
0x63e: {  	[tilespmem:v3+s17+$0x0] =	vst.idx.msk $0xffff, v2  }
0x63f: {  	v3 =	vor.u32 v39, v0;
	v2 =	vld.idx.msk [tilespmem:v4+s13+$0x0], $0xffff  }
0x640: {  	v4 =	vor.u32 v40, v1;
	_ =	sdelay $0x3  }
0x641: {  	[tilespmem:v3+s17+$0x0] =	vst.idx.msk $0xffff, v2  }
0x642: {  	v3 =	vor.u32 v41, v0;
	v2 =	vld.idx.msk [tilespmem:v4+s13+$0x0], $0xffff  }
0x643: {  	v4 =	vor.u32 v42, v1;
	_ =	sdelay $0x3  }
0x644: {  	[tilespmem:v3+s17+$0x0] =	vst.idx.msk $0xffff, v2  }
0x645: {  	v3 =	vor.u32 v43, v0;
	v2 =	vld.idx.msk [tilespmem:v4+s13+$0x0], $0xffff  }
0x646: {  	v4 =	vor.u32 v44, v1;
	_ =	sdelay $0x3  }
0x647: {  	[tilespmem:v3+s17+$0x0] =	vst.idx.msk $0xffff, v2  }
0x648: {  	v3 =	vor.u32 v45, v0;
	v2 =	vld.idx.msk [tilespmem:v4+s13+$0x0], $0xffff  }
0x649: {  	v4 =	vor.u32 v46, v1;
	_ =	sdelay $0x3  }
0x64a: {  	[tilespmem:v3+s17+$0x0] =	vst.idx.msk $0xffff, v2  }
0x64b: {  	v3 =	vor.u32 v47, v0;
	v2 =	vld.idx.msk [tilespmem:v4+s13+$0x0], $0xffff  }
0x64c: {  	v4 =	vor.u32 v48, v1;
	_ =	sdelay $0x3  }
0x64d: {  	[tilespmem:v3+s17+$0x0] =	vst.idx.msk $0xffff, v2  }
0x64e: {  	v3 =	vor.u32 v49, v0;
	v2 =	vld.idx.msk [tilespmem:v4+s13+$0x0], $0xffff  }
0x64f: {  	v4 =	vor.u32 v50, v1;
	_ =	sdelay $0x3  }
0x650: {  	[tilespmem:v3+s17+$0x0] =	vst.idx.msk $0xffff, v2  }
0x651: {  	v3 =	vor.u32 v51, v0;
	v2 =	vld.idx.msk [tilespmem:v4+s13+$0x0], $0xffff  }
0x652: {  	v4 =	vor.u32 v52, v1;
	_ =	sdelay $0x3  }
0x653: {  	[tilespmem:v3+s17+$0x0] =	vst.idx.msk $0xffff, v2  }
0x654: {  	v3 =	vor.u32 v53, v0;
	v2 =	vld.idx.msk [tilespmem:v4+s13+$0x0], $0xffff  }
0x655: {  	v4 =	vor.u32 v54, v1;
	_ =	sdelay $0x3  }
0x656: {  	[tilespmem:v3+s17+$0x0] =	vst.idx.msk $0xffff, v2  }
0x657: {  	v3 =	vor.u32 v55, v0;
	v2 =	vld.idx.msk [tilespmem:v4+s13+$0x0], $0xffff  }
0x658: {  	v4 =	vor.u32 v56, v1;
	_ =	sdelay $0x3  }
0x659: {  	[tilespmem:v3+s17+$0x0] =	vst.idx.msk $0xffff, v2  }
0x65a: {  	v3 =	vor.u32 v57, v0;
	v2 =	vld.idx.msk [tilespmem:v4+s13+$0x0], $0xffff  }
0x65b: {  	v4 =	vor.u32 v58, v1;
	_ =	sdelay $0x3  }
0x65c: {  	[tilespmem:v3+s17+$0x0] =	vst.idx.msk $0xffff, v2  }
0x65d: {  	v3 =	vor.u32 v59, v0;
	v2 =	vld.idx.msk [tilespmem:v4+s13+$0x0], $0xffff  }
0x65e: {  	v4 =	vor.u32 v60, v1;
	_ =	sdelay $0x3  }
0x65f: {  	[tilespmem:v3+s17+$0x0] =	vst.idx.msk $0xffff, v2  }
0x660: {  	v3 =	vor.u32 v61, v0;
	v2 =	vld.idx.msk [tilespmem:v4+s13+$0x0], $0xffff  }
0x661: {  	p0 =	sne.s32 s1, $0x1F;
	v1 =	vor.u32 v62, v1  }
.Ltmp5:
0x662: {  	_ = 	snop;
	(pc) =	sbr.rel @p0 .LBB2_12-.Ltmp5, $3  }
0x663: {  	_ =	sdelay $0x1  }
0x664: {  	[tilespmem:v3+s17+$0x0] =	vst.idx.msk $0xffff, v2  }
0x665: {  	v3 =	vadd.s32 s1, v5;
	s1 =	sadd.s32 $0x1, s1;
	v2 =	vld.idx.msk [tilespmem:v1+s13+$0x0], $0xffff  }
0x666: {  	v1 =	vand.u32 $0x1F, v3;
	v0 =	vor.u32 v63, v0  }
0x667: {  	v4 =	vor.u32 v6, v1;
	_ =	sdelay $0x1  }
0x668: {  	v5 =	vshll.u32 v3, $0x9;
	v3 =	vshll.u32 v3, $0x7  }
0x669: {  	v5 =	vand.u32 $0x3000, v5;
	v3 =	vand.u32 $0x380, v3  }
0x66a: {  	[tilespmem:v0+s17+$0x0] =	vst.idx.msk $0xffff, v2;
	v0 =	vor.u32 v3, v5;
	v3 =	vlaneseq.u32  }
0x66b: {  	v2 =	vld.idx.msk [tilespmem:v4+s13+$0x0], $0xffff;
	v3 =	vor.u32 v3, v0;
	_ =	sdelay $0x3  }
0x66c: {  	v4 =	vld [tilespmem:$0x1FE80]  }
0x66d: {  	[tilespmem:v3+s17+$0x0] =	vst.idx.msk $0xffff, v2;
	v2 =	vld [tilespmem:$0x1FE90];
	_ =	sdelay $0x3  }
0x66e: {  	v4 =	vor.u32 v4, v1  }
0x66f: {  	v3 =	vor.u32 v2, v0;
	v2 =	vld [tilespmem:$0x1FEA0];
	_ =	sdelay $0x3  }
0x670: {  	v5 =	vld.idx.msk [tilespmem:v4+s13+$0x0], $0xffff  }
0x671: {  	v4 =	vor.u32 v2, v1;
	v2 =	vld [tilespmem:$0x1FEB0];
	_ =	sdelay $0x4  }
0x672: {  	[tilespmem:v3+s17+$0x0] =	vst.idx.msk $0xffff, v5;
	v3 =	vor.u32 v2, v0;
	v2 =	vld [tilespmem:$0x1FEC0];
	_ =	sdelay $0x3  }
0x673: {  	v5 =	vld.idx.msk [tilespmem:v4+s13+$0x0], $0xffff  }
0x674: {  	v4 =	vor.u32 v2, v1;
	_ =	sdelay $0x3  }
0x675: {  	[tilespmem:v3+s17+$0x0] =	vst.idx.msk $0xffff, v5  }
0x676: {  	v3 =	vor.u32 v12, v0;
	v5 =	vld.idx.msk [tilespmem:v4+s13+$0x0], $0xffff  }
0x677: {  	v4 =	vor.u32 v13, v1;
	_ =	sdelay $0x3  }
0x678: {  	[tilespmem:v3+s17+$0x0] =	vst.idx.msk $0xffff, v5  }
0x679: {  	v3 =	vor.u32 v14, v0;
	v5 =	vld.idx.msk [tilespmem:v4+s13+$0x0], $0xffff  }
0x67a: {  	v4 =	vor.u32 v15, v1;
	_ =	sdelay $0x3  }
0x67b: {  	[tilespmem:v3+s17+$0x0] =	vst.idx.msk $0xffff, v5  }
0x67c: {  	v3 =	vor.u32 v16, v0;
	v5 =	vld.idx.msk [tilespmem:v4+s13+$0x0], $0xffff  }
0x67d: {  	v4 =	vor.u32 v17, v1;
	_ =	sdelay $0x3  }
0x67e: {  	[tilespmem:v3+s17+$0x0] =	vst.idx.msk $0xffff, v5  }
0x67f: {  	v3 =	vor.u32 v18, v0;
	v5 =	vld.idx.msk [tilespmem:v4+s13+$0x0], $0xffff  }
0x680: {  	v4 =	vor.u32 v19, v1;
	_ =	sdelay $0x3  }
0x681: {  	[tilespmem:v3+s17+$0x0] =	vst.idx.msk $0xffff, v5  }
0x682: {  	v3 =	vor.u32 v20, v0;
	v5 =	vld.idx.msk [tilespmem:v4+s13+$0x0], $0xffff  }
0x683: {  	v4 =	vor.u32 v21, v1;
	_ =	sdelay $0x3  }
0x684: {  	[tilespmem:v3+s17+$0x0] =	vst.idx.msk $0xffff, v5  }
0x685: {  	v3 =	vor.u32 v7, v0;
	v5 =	vld.idx.msk [tilespmem:v4+s13+$0x0], $0xffff  }
0x686: {  	v4 =	vor.u32 v8, v1;
	_ =	sdelay $0x3  }
0x687: {  	[tilespmem:v3+s17+$0x0] =	vst.idx.msk $0xffff, v5  }
0x688: {  	v3 =	vor.u32 v22, v0;
	v5 =	vld.idx.msk [tilespmem:v4+s13+$0x0], $0xffff  }
0x689: {  	v4 =	vor.u32 v23, v1;
	_ =	sdelay $0x3  }
0x68a: {  	[tilespmem:v3+s17+$0x0] =	vst.idx.msk $0xffff, v5  }
0x68b: {  	v3 =	vor.u32 v24, v0;
	v5 =	vld.idx.msk [tilespmem:v4+s13+$0x0], $0xffff  }
0x68c: {  	v4 =	vor.u32 v9, v1;
	_ =	sdelay $0x3  }
0x68d: {  	[tilespmem:v3+s17+$0x0] =	vst.idx.msk $0xffff, v5  }
0x68e: {  	v3 =	vor.u32 v10, v0;
	v5 =	vld.idx.msk [tilespmem:v4+s13+$0x0], $0xffff  }
0x68f: {  	v4 =	vor.u32 v11, v1;
	_ =	sdelay $0x3  }
0x690: {  	[tilespmem:v3+s17+$0x0] =	vst.idx.msk $0xffff, v5  }
0x691: {  	v3 =	vor.u32 v25, v0;
	v2 =	vld.idx.msk [tilespmem:v4+s13+$0x0], $0xffff  }
0x692: {  	v4 =	vor.u32 v26, v1;
	_ =	sdelay $0x3  }
0x693: {  	[tilespmem:v3+s17+$0x0] =	vst.idx.msk $0xffff, v2  }
0x694: {  	v3 =	vor.u32 v27, v0;
	v2 =	vld.idx.msk [tilespmem:v4+s13+$0x0], $0xffff  }
0x695: {  	v4 =	vor.u32 v28, v1;
	_ =	sdelay $0x3  }
0x696: {  	[tilespmem:v3+s17+$0x0] =	vst.idx.msk $0xffff, v2  }
0x697: {  	v3 =	vor.u32 v29, v0;
	v2 =	vld.idx.msk [tilespmem:v4+s13+$0x0], $0xffff  }
0x698: {  	v4 =	vor.u32 v30, v1;
	_ =	sdelay $0x3  }
0x699: {  	[tilespmem:v3+s17+$0x0] =	vst.idx.msk $0xffff, v2  }
0x69a: {  	v3 =	vor.u32 v31, v0;
	v2 =	vld.idx.msk [tilespmem:v4+s13+$0x0], $0xffff  }
0x69b: {  	v4 =	vor.u32 v32, v1;
	_ =	sdelay $0x3  }
0x69c: {  	[tilespmem:v3+s17+$0x0] =	vst.idx.msk $0xffff, v2  }
0x69d: {  	v3 =	vor.u32 v33, v0;
	v2 =	vld.idx.msk [tilespmem:v4+s13+$0x0], $0xffff  }
0x69e: {  	v4 =	vor.u32 v34, v1;
	_ =	sdelay $0x3  }
0x69f: {  	[tilespmem:v3+s17+$0x0] =	vst.idx.msk $0xffff, v2  }
0x6a0: {  	v3 =	vor.u32 v35, v0;
	v2 =	vld.idx.msk [tilespmem:v4+s13+$0x0], $0xffff  }
0x6a1: {  	v4 =	vor.u32 v36, v1;
	_ =	sdelay $0x3  }
0x6a2: {  	[tilespmem:v3+s17+$0x0] =	vst.idx.msk $0xffff, v2  }
0x6a3: {  	v3 =	vor.u32 v37, v0;
	v2 =	vld.idx.msk [tilespmem:v4+s13+$0x0], $0xffff  }
0x6a4: {  	v4 =	vor.u32 v38, v1;
	_ =	sdelay $0x3  }
0x6a5: {  	[tilespmem:v3+s17+$0x0] =	vst.idx.msk $0xffff, v2  }
0x6a6: {  	v3 =	vor.u32 v39, v0;
	v2 =	vld.idx.msk [tilespmem:v4+s13+$0x0], $0xffff  }
0x6a7: {  	v4 =	vor.u32 v40, v1;
	_ =	sdelay $0x3  }
0x6a8: {  	[tilespmem:v3+s17+$0x0] =	vst.idx.msk $0xffff, v2  }
0x6a9: {  	v3 =	vor.u32 v41, v0;
	v2 =	vld.idx.msk [tilespmem:v4+s13+$0x0], $0xffff  }
0x6aa: {  	v4 =	vor.u32 v42, v1;
	_ =	sdelay $0x3  }
0x6ab: {  	[tilespmem:v3+s17+$0x0] =	vst.idx.msk $0xffff, v2  }
0x6ac: {  	v3 =	vor.u32 v43, v0;
	v2 =	vld.idx.msk [tilespmem:v4+s13+$0x0], $0xffff  }
0x6ad: {  	v4 =	vor.u32 v44, v1;
	_ =	sdelay $0x3  }
0x6ae: {  	[tilespmem:v3+s17+$0x0] =	vst.idx.msk $0xffff, v2  }
0x6af: {  	v3 =	vor.u32 v45, v0;
	v2 =	vld.idx.msk [tilespmem:v4+s13+$0x0], $0xffff  }
0x6b0: {  	v4 =	vor.u32 v46, v1;
	_ =	sdelay $0x3  }
0x6b1: {  	[tilespmem:v3+s17+$0x0] =	vst.idx.msk $0xffff, v2  }
0x6b2: {  	v3 =	vor.u32 v47, v0;
	v2 =	vld.idx.msk [tilespmem:v4+s13+$0x0], $0xffff  }
0x6b3: {  	v4 =	vor.u32 v48, v1;
	_ =	sdelay $0x3  }
0x6b4: {  	[tilespmem:v3+s17+$0x0] =	vst.idx.msk $0xffff, v2  }
0x6b5: {  	v3 =	vor.u32 v49, v0;
	v2 =	vld.idx.msk [tilespmem:v4+s13+$0x0], $0xffff  }
0x6b6: {  	v4 =	vor.u32 v50, v1;
	_ =	sdelay $0x3  }
0x6b7: {  	[tilespmem:v3+s17+$0x0] =	vst.idx.msk $0xffff, v2  }
0x6b8: {  	v3 =	vor.u32 v51, v0;
	v2 =	vld.idx.msk [tilespmem:v4+s13+$0x0], $0xffff  }
0x6b9: {  	v4 =	vor.u32 v52, v1;
	_ =	sdelay $0x3  }
0x6ba: {  	[tilespmem:v3+s17+$0x0] =	vst.idx.msk $0xffff, v2  }
0x6bb: {  	v3 =	vor.u32 v53, v0;
	v2 =	vld.idx.msk [tilespmem:v4+s13+$0x0], $0xffff  }
0x6bc: {  	v4 =	vor.u32 v54, v1;
	_ =	sdelay $0x3  }
0x6bd: {  	[tilespmem:v3+s17+$0x0] =	vst.idx.msk $0xffff, v2  }
0x6be: {  	v3 =	vor.u32 v55, v0;
	v2 =	vld.idx.msk [tilespmem:v4+s13+$0x0], $0xffff  }
0x6bf: {  	v4 =	vor.u32 v56, v1;
	_ =	sdelay $0x3  }
0x6c0: {  	[tilespmem:v3+s17+$0x0] =	vst.idx.msk $0xffff, v2  }
0x6c1: {  	v3 =	vor.u32 v57, v0;
	v2 =	vld.idx.msk [tilespmem:v4+s13+$0x0], $0xffff  }
0x6c2: {  	v4 =	vor.u32 v58, v1;
	_ =	sdelay $0x3  }
0x6c3: {  	[tilespmem:v3+s17+$0x0] =	vst.idx.msk $0xffff, v2  }
0x6c4: {  	v3 =	vor.u32 v59, v0;
	v2 =	vld.idx.msk [tilespmem:v4+s13+$0x0], $0xffff  }
0x6c5: {  	v4 =	vor.u32 v60, v1;
	_ =	sdelay $0x3  }
0x6c6: {  	[tilespmem:v3+s17+$0x0] =	vst.idx.msk $0xffff, v2  }
0x6c7: {  	v3 =	vor.u32 v61, v0;
	v2 =	vld.idx.msk [tilespmem:v4+s13+$0x0], $0xffff  }
0x6c8: {  	v1 =	vor.u32 v62, v1;
	_ =	sdelay $0x3  }
0x6c9: {  	[tilespmem:v3+s17+$0x0] =	vst.idx.msk $0xffff, v2  }
0x6ca: {  	v0 =	vor.u32 v63, v0;
	v1 =	vld.idx.msk [tilespmem:v1+s13+$0x0], $0xffff;
	_ =	sdelay $0x4  }
0x6cb: {  	s1 =	simm.s32 $0x0;
	s7 =	rddreg [dreg:$0xc];
	[tilespmem:v0+s17+$0x0] =	vst.idx.msk $0xffff, v1  }
0x6cc: {  	[hbm4b:s7+s1] =	stream.linear.scatter [tilespmem:s17], [sflag:$0x5], $0x1000, $0x38;
	[tilespmem:$0x10400] =	vst v63  }
0x6cd: {  	s18 =	rddreg [dreg:$0xd];
	s9 =	simm.s32 $0x9400  }
0x6ce: {  	[hbm4b:s18+s1] =	stream.linear.scatter [tilespmem:s9], [sflag:$0x5], $0x1000, $0x38;
	[tilespmem:$0x10400] =	vst v63  }
0x6cf: {  	s22 =	rddreg [dreg:$0xe];
	s31 =	simm.s32 $0xA400  }
0x6d0: {  	[hbm4b:s22+s1] =	stream.linear.scatter [tilespmem:s31], [sflag:$0x5], $0x1000, $0x38;
	[tilespmem:$0x10400] =	vst v63  }
0x6d1: {  	s18 =	rddreg [dreg:$0xf];
	s22 =	simm.s32 $0xB400  }
0x6d2: {  	[hbm4b:s18+s1] =	stream.linear.scatter [tilespmem:s22], [sflag:$0x5], $0x1000, $0x38;
	[tilespmem:$0x10400] =	vst v63  }
0x6d3: {  	_ =	swait.ge [sflag:s23], $0x4000  }
0x6d4: {  	v2 =	vld [tilespmem:$0x1FFF0]  }
0x6d5: {  	v4 =	vlaneseq.u32  }
0x6d6: {  	v0 =	vadd.s32 s1, v4  }
0x6d7: {  	v1 =	vand.u32 $0x1F, v0;
	v3 =	vshll.u32 v0, $0x9;
	v0 =	vshll.u32 v0, $0x7;
	[sflag:s23] =	ssyncset.done $0x0  }
0x6d8: {  	v3 =	vand.u32 $0x3000, v3;
	v0 =	vand.u32 $0x380, v0;
	[sflag:s23] =	ssyncadd.s32 $0xFFFFC000  }
0x6d9: {  	v0 =	vor.u32 v0, v3;
	_ =	swait.ge [sflag:s30], $0x4000;
	v2 =	vor.u32 v2, v1  }
0x6da: {  	v3 =	vor.u32 v4, v0;
	v4 =	vld [tilespmem:$0x1FE80];
	_ =	sdelay $0x1  }
0x6db: {  	[sflag:s30] =	ssyncset.done $0x0  }
0x6dc: {  	[sflag:s30] =	ssyncadd.s32 $0xFFFFC000  }
0x6dd: {  	v2 =	vld.idx.msk [tilespmem:v2+s16+$0x0], $0xffff  }
0x6de: {  	v4 =	vor.u32 v4, v1;
	_ =	sdelay $0x3  }
0x6df: {  	[tilespmem:v3+s24+$0x0] =	vst.idx.msk $0xffff, v2;
	v3 =	vld [tilespmem:$0x1FE90]  }
0x6e0: {  	v2 =	vld.idx.msk [tilespmem:v4+s16+$0x0], $0xffff  }
0x6e1: {  	v4 =	vld [tilespmem:$0x1FEA0];
	_ =	sdelay $0x3  }
0x6e2: {  	v3 =	vor.u32 v3, v0  }
0x6e3: {  	v4 =	vor.u32 v4, v1;
	_ =	sdelay $0x3  }
0x6e4: {  	[tilespmem:v3+s24+$0x0] =	vst.idx.msk $0xffff, v2;
	v3 =	vld [tilespmem:$0x1FEB0]  }
0x6e5: {  	v2 =	vld.idx.msk [tilespmem:v4+s16+$0x0], $0xffff  }
0x6e6: {  	v4 =	vld [tilespmem:$0x1FEC0];
	_ =	sdelay $0x3  }
0x6e7: {  	v3 =	vor.u32 v3, v0  }
0x6e8: {  	v4 =	vor.u32 v4, v1;
	_ =	sdelay $0x3  }
0x6e9: {  	[tilespmem:v3+s24+$0x0] =	vst.idx.msk $0xffff, v2;
	v3 =	vld [tilespmem:$0x1FED0]  }
0x6ea: {  	v2 =	vld.idx.msk [tilespmem:v4+s16+$0x0], $0xffff  }
0x6eb: {  	v4 =	vld [tilespmem:$0x1FF60];
	_ =	sdelay $0x3  }
0x6ec: {  	v3 =	vor.u32 v3, v0  }
0x6ed: {  	v4 =	vor.u32 v4, v1;
	_ =	sdelay $0x3  }
0x6ee: {  	[tilespmem:v3+s24+$0x0] =	vst.idx.msk $0xffff, v2;
	v3 =	vld [tilespmem:$0x1FEE0]  }
0x6ef: {  	v2 =	vld.idx.msk [tilespmem:v4+s16+$0x0], $0xffff  }
0x6f0: {  	v4 =	vld [tilespmem:$0x1FF70];
	_ =	sdelay $0x3  }
0x6f1: {  	v3 =	vor.u32 v3, v0  }
0x6f2: {  	v4 =	vor.u32 v4, v1;
	_ =	sdelay $0x3  }
0x6f3: {  	[tilespmem:v3+s24+$0x0] =	vst.idx.msk $0xffff, v2;
	v3 =	vld [tilespmem:$0x1FEF0]  }
0x6f4: {  	v2 =	vld.idx.msk [tilespmem:v4+s16+$0x0], $0xffff  }
0x6f5: {  	v4 =	vld [tilespmem:$0x1FF80];
	_ =	sdelay $0x3  }
0x6f6: {  	v3 =	vor.u32 v3, v0  }
0x6f7: {  	v4 =	vor.u32 v4, v1;
	_ =	sdelay $0x3  }
0x6f8: {  	[tilespmem:v3+s24+$0x0] =	vst.idx.msk $0xffff, v2;
	v3 =	vld [tilespmem:$0x1FF00]  }
0x6f9: {  	v2 =	vld.idx.msk [tilespmem:v4+s16+$0x0], $0xffff  }
0x6fa: {  	v4 =	vld [tilespmem:$0x1FF90];
	_ =	sdelay $0x3  }
0x6fb: {  	v3 =	vor.u32 v3, v0  }
0x6fc: {  	v4 =	vor.u32 v4, v1;
	_ =	sdelay $0x3  }
0x6fd: {  	[tilespmem:v3+s24+$0x0] =	vst.idx.msk $0xffff, v2;
	v3 =	vld [tilespmem:$0x1FF10]  }
0x6fe: {  	v2 =	vld.idx.msk [tilespmem:v4+s16+$0x0], $0xffff  }
0x6ff: {  	v4 =	vld [tilespmem:$0x1FFA0];
	_ =	sdelay $0x3  }
0x700: {  	v3 =	vor.u32 v3, v0  }
0x701: {  	v4 =	vor.u32 v4, v1;
	_ =	sdelay $0x3  }
0x702: {  	[tilespmem:v3+s24+$0x0] =	vst.idx.msk $0xffff, v2;
	v3 =	vld [tilespmem:$0x1FF20]  }
0x703: {  	v2 =	vld.idx.msk [tilespmem:v4+s16+$0x0], $0xffff  }
0x704: {  	v4 =	vld [tilespmem:$0x1FFB0];
	_ =	sdelay $0x3  }
0x705: {  	v3 =	vor.u32 v3, v0  }
0x706: {  	v4 =	vor.u32 v4, v1;
	_ =	sdelay $0x3  }
0x707: {  	[tilespmem:v3+s24+$0x0] =	vst.idx.msk $0xffff, v2;
	v3 =	vld [tilespmem:$0x1FF30]  }
0x708: {  	v2 =	vld.idx.msk [tilespmem:v4+s16+$0x0], $0xffff  }
0x709: {  	v4 =	vld [tilespmem:$0x1FFC0];
	_ =	sdelay $0x3  }
0x70a: {  	v3 =	vor.u32 v3, v0  }
0x70b: {  	v4 =	vor.u32 v4, v1;
	_ =	sdelay $0x3  }
0x70c: {  	[tilespmem:v3+s24+$0x0] =	vst.idx.msk $0xffff, v2;
	v3 =	vld [tilespmem:$0x1FF40]  }
0x70d: {  	v2 =	vld.idx.msk [tilespmem:v4+s16+$0x0], $0xffff  }
0x70e: {  	v4 =	vld [tilespmem:$0x1FFD0];
	_ =	sdelay $0x3  }
0x70f: {  	v3 =	vor.u32 v3, v0  }
0x710: {  	v4 =	vor.u32 v4, v1;
	_ =	sdelay $0x3  }
0x711: {  	[tilespmem:v3+s24+$0x0] =	vst.idx.msk $0xffff, v2;
	v3 =	vld [tilespmem:$0x1FF50]  }
0x712: {  	v2 =	vld.idx.msk [tilespmem:v4+s16+$0x0], $0xffff  }
0x713: {  	v4 =	vld [tilespmem:$0x1FFE0];
	_ =	sdelay $0x3  }
0x714: {  	v3 =	vor.u32 v3, v0  }
0x715: {  	v4 =	vor.u32 v4, v1;
	_ =	sdelay $0x3  }
0x716: {  	[tilespmem:v3+s24+$0x0] =	vst.idx.msk $0xffff, v2  }
0x717: {  	v3 =	vor.u32 v25, v0;
	v2 =	vld.idx.msk [tilespmem:v4+s16+$0x0], $0xffff  }
0x718: {  	v4 =	vor.u32 v26, v1;
	_ =	sdelay $0x3  }
0x719: {  	[tilespmem:v3+s24+$0x0] =	vst.idx.msk $0xffff, v2  }
0x71a: {  	v3 =	vor.u32 v27, v0;
	v2 =	vld.idx.msk [tilespmem:v4+s16+$0x0], $0xffff  }
0x71b: {  	v4 =	vor.u32 v28, v1;
	_ =	sdelay $0x3  }
0x71c: {  	[tilespmem:v3+s24+$0x0] =	vst.idx.msk $0xffff, v2  }
0x71d: {  	v3 =	vor.u32 v29, v0;
	v2 =	vld.idx.msk [tilespmem:v4+s16+$0x0], $0xffff  }
0x71e: {  	v4 =	vor.u32 v30, v1;
	_ =	sdelay $0x3  }
0x71f: {  	[tilespmem:v3+s24+$0x0] =	vst.idx.msk $0xffff, v2  }
0x720: {  	v3 =	vor.u32 v31, v0;
	v2 =	vld.idx.msk [tilespmem:v4+s16+$0x0], $0xffff  }
0x721: {  	v4 =	vor.u32 v32, v1;
	_ =	sdelay $0x3  }
0x722: {  	[tilespmem:v3+s24+$0x0] =	vst.idx.msk $0xffff, v2  }
0x723: {  	v3 =	vor.u32 v33, v0;
	v2 =	vld.idx.msk [tilespmem:v4+s16+$0x0], $0xffff  }
0x724: {  	v4 =	vor.u32 v34, v1;
	_ =	sdelay $0x3  }
0x725: {  	[tilespmem:v3+s24+$0x0] =	vst.idx.msk $0xffff, v2  }
0x726: {  	v3 =	vor.u32 v35, v0;
	v2 =	vld.idx.msk [tilespmem:v4+s16+$0x0], $0xffff  }
0x727: {  	v4 =	vor.u32 v36, v1;
	_ =	sdelay $0x3  }
0x728: {  	[tilespmem:v3+s24+$0x0] =	vst.idx.msk $0xffff, v2  }
0x729: {  	v3 =	vor.u32 v37, v0;
	v2 =	vld.idx.msk [tilespmem:v4+s16+$0x0], $0xffff  }
0x72a: {  	v4 =	vor.u32 v38, v1;
	_ =	sdelay $0x3  }
0x72b: {  	[tilespmem:v3+s24+$0x0] =	vst.idx.msk $0xffff, v2  }
0x72c: {  	v3 =	vor.u32 v39, v0;
	v2 =	vld.idx.msk [tilespmem:v4+s16+$0x0], $0xffff  }
0x72d: {  	v4 =	vor.u32 v40, v1;
	_ =	sdelay $0x3  }
0x72e: {  	[tilespmem:v3+s24+$0x0] =	vst.idx.msk $0xffff, v2  }
0x72f: {  	v3 =	vor.u32 v41, v0;
	v2 =	vld.idx.msk [tilespmem:v4+s16+$0x0], $0xffff  }
0x730: {  	v4 =	vor.u32 v42, v1;
	_ =	sdelay $0x3  }
0x731: {  	[tilespmem:v3+s24+$0x0] =	vst.idx.msk $0xffff, v2  }
0x732: {  	v3 =	vor.u32 v43, v0;
	v2 =	vld.idx.msk [tilespmem:v4+s16+$0x0], $0xffff  }
0x733: {  	v4 =	vor.u32 v44, v1;
	_ =	sdelay $0x3  }
0x734: {  	[tilespmem:v3+s24+$0x0] =	vst.idx.msk $0xffff, v2  }
0x735: {  	v3 =	vor.u32 v45, v0;
	v2 =	vld.idx.msk [tilespmem:v4+s16+$0x0], $0xffff  }
0x736: {  	v4 =	vor.u32 v46, v1;
	_ =	sdelay $0x3  }
0x737: {  	[tilespmem:v3+s24+$0x0] =	vst.idx.msk $0xffff, v2  }
0x738: {  	v3 =	vor.u32 v47, v0;
	v2 =	vld.idx.msk [tilespmem:v4+s16+$0x0], $0xffff  }
0x739: {  	v4 =	vor.u32 v48, v1;
	_ =	sdelay $0x3  }
0x73a: {  	[tilespmem:v3+s24+$0x0] =	vst.idx.msk $0xffff, v2  }
0x73b: {  	v3 =	vor.u32 v49, v0;
	v2 =	vld.idx.msk [tilespmem:v4+s16+$0x0], $0xffff  }
0x73c: {  	v4 =	vor.u32 v50, v1;
	_ =	sdelay $0x3  }
0x73d: {  	[tilespmem:v3+s24+$0x0] =	vst.idx.msk $0xffff, v2  }
0x73e: {  	v3 =	vor.u32 v51, v0;
	v2 =	vld.idx.msk [tilespmem:v4+s16+$0x0], $0xffff  }
0x73f: {  	v4 =	vor.u32 v52, v1;
	_ =	sdelay $0x3  }
0x740: {  	[tilespmem:v3+s24+$0x0] =	vst.idx.msk $0xffff, v2  }
0x741: {  	v3 =	vor.u32 v53, v0;
	v2 =	vld.idx.msk [tilespmem:v4+s16+$0x0], $0xffff  }
0x742: {  	v4 =	vor.u32 v54, v1;
	_ =	sdelay $0x3  }
0x743: {  	[tilespmem:v3+s24+$0x0] =	vst.idx.msk $0xffff, v2  }
0x744: {  	v3 =	vor.u32 v55, v0;
	v2 =	vld.idx.msk [tilespmem:v4+s16+$0x0], $0xffff  }
0x745: {  	v4 =	vor.u32 v56, v1;
	_ =	sdelay $0x3  }
0x746: {  	[tilespmem:v3+s24+$0x0] =	vst.idx.msk $0xffff, v2  }
0x747: {  	v3 =	vor.u32 v57, v0;
	v2 =	vld.idx.msk [tilespmem:v4+s16+$0x0], $0xffff  }
0x748: {  	v4 =	vor.u32 v58, v1;
	_ =	sdelay $0x3  }
0x749: {  	[tilespmem:v3+s24+$0x0] =	vst.idx.msk $0xffff, v2  }
0x74a: {  	v3 =	vor.u32 v59, v0;
	v2 =	vld.idx.msk [tilespmem:v4+s16+$0x0], $0xffff  }
0x74b: {  	v4 =	vor.u32 v60, v1;
	_ =	sdelay $0x3  }
0x74c: {  	[tilespmem:v3+s24+$0x0] =	vst.idx.msk $0xffff, v2  }
0x74d: {  	v3 =	vor.u32 v61, v0;
	v2 =	vld.idx.msk [tilespmem:v4+s16+$0x0], $0xffff  }
0x74e: {  	v1 =	vor.u32 v62, v1;
	_ =	sdelay $0x3  }
0x74f: {  	v5 =	vlaneseq.u32;
	s31 =	simm.s32 $0x1;
	[tilespmem:v3+s24+$0x0] =	vst.idx.msk $0xffff, v2  }
0x750: {  	s1 =	simm.s32 $0x2;
	v3 =	vadd.s32 s31, v5;
	v2 =	vld.idx.msk [tilespmem:v1+s16+$0x0], $0xffff  }
.LBB2_14:
0x751: {  	v1 =	vand.u32 $0x1F, v3;
	v0 =	vor.u32 v63, v0  }
0x752: {  	v4 =	vor.u32 v6, v1;
	_ =	sdelay $0x3  }
0x753: {  	[tilespmem:v0+s24+$0x0] =	vst.idx.msk $0xffff, v2  }
0x754: {  	v2 =	vld.idx.msk [tilespmem:v4+s16+$0x0], $0xffff  }
0x755: {  	v4 =	vld [tilespmem:$0x1FE80]  }
0x756: {  	v5 =	vshll.u32 v3, $0x9;
	v3 =	vshll.u32 v3, $0x7  }
0x757: {  	v5 =	vand.u32 $0x3000, v5;
	v3 =	vand.u32 $0x380, v3  }
0x758: {  	v0 =	vor.u32 v3, v5;
	v5 =	vlaneseq.u32  }
0x759: {  	v3 =	vor.u32 v5, v0  }
0x75a: {  	v4 =	vor.u32 v4, v1;
	_ =	sdelay $0x3  }
0x75b: {  	[tilespmem:v3+s24+$0x0] =	vst.idx.msk $0xffff, v2;
	v3 =	vld [tilespmem:$0x1FE90]  }
0x75c: {  	v2 =	vld.idx.msk [tilespmem:v4+s16+$0x0], $0xffff  }
0x75d: {  	v4 =	vld [tilespmem:$0x1FEA0];
	_ =	sdelay $0x3  }
0x75e: {  	v3 =	vor.u32 v3, v0  }
0x75f: {  	v4 =	vor.u32 v4, v1;
	_ =	sdelay $0x3  }
0x760: {  	[tilespmem:v3+s24+$0x0] =	vst.idx.msk $0xffff, v2;
	v3 =	vld [tilespmem:$0x1FEB0]  }
0x761: {  	v2 =	vld.idx.msk [tilespmem:v4+s16+$0x0], $0xffff  }
0x762: {  	v4 =	vld [tilespmem:$0x1FEC0];
	_ =	sdelay $0x3  }
0x763: {  	v3 =	vor.u32 v3, v0  }
0x764: {  	v4 =	vor.u32 v4, v1;
	_ =	sdelay $0x3  }
0x765: {  	[tilespmem:v3+s24+$0x0] =	vst.idx.msk $0xffff, v2  }
0x766: {  	v3 =	vor.u32 v12, v0;
	v2 =	vld.idx.msk [tilespmem:v4+s16+$0x0], $0xffff  }
0x767: {  	v4 =	vor.u32 v13, v1;
	_ =	sdelay $0x3  }
0x768: {  	[tilespmem:v3+s24+$0x0] =	vst.idx.msk $0xffff, v2  }
0x769: {  	v3 =	vor.u32 v14, v0;
	v2 =	vld.idx.msk [tilespmem:v4+s16+$0x0], $0xffff  }
0x76a: {  	v4 =	vor.u32 v15, v1;
	_ =	sdelay $0x3  }
0x76b: {  	[tilespmem:v3+s24+$0x0] =	vst.idx.msk $0xffff, v2  }
0x76c: {  	v3 =	vor.u32 v16, v0;
	v2 =	vld.idx.msk [tilespmem:v4+s16+$0x0], $0xffff  }
0x76d: {  	v4 =	vor.u32 v17, v1;
	_ =	sdelay $0x3  }
0x76e: {  	[tilespmem:v3+s24+$0x0] =	vst.idx.msk $0xffff, v2  }
0x76f: {  	v3 =	vor.u32 v18, v0;
	v2 =	vld.idx.msk [tilespmem:v4+s16+$0x0], $0xffff  }
0x770: {  	v4 =	vor.u32 v19, v1;
	_ =	sdelay $0x3  }
0x771: {  	[tilespmem:v3+s24+$0x0] =	vst.idx.msk $0xffff, v2  }
0x772: {  	v3 =	vor.u32 v20, v0;
	v2 =	vld.idx.msk [tilespmem:v4+s16+$0x0], $0xffff  }
0x773: {  	v4 =	vor.u32 v21, v1;
	_ =	sdelay $0x3  }
0x774: {  	[tilespmem:v3+s24+$0x0] =	vst.idx.msk $0xffff, v2  }
0x775: {  	v3 =	vor.u32 v7, v0;
	v2 =	vld.idx.msk [tilespmem:v4+s16+$0x0], $0xffff  }
0x776: {  	v4 =	vor.u32 v8, v1;
	_ =	sdelay $0x3  }
0x777: {  	[tilespmem:v3+s24+$0x0] =	vst.idx.msk $0xffff, v2  }
0x778: {  	v3 =	vor.u32 v22, v0;
	v2 =	vld.idx.msk [tilespmem:v4+s16+$0x0], $0xffff  }
0x779: {  	v4 =	vor.u32 v23, v1;
	_ =	sdelay $0x3  }
0x77a: {  	[tilespmem:v3+s24+$0x0] =	vst.idx.msk $0xffff, v2  }
0x77b: {  	v3 =	vor.u32 v24, v0;
	v2 =	vld.idx.msk [tilespmem:v4+s16+$0x0], $0xffff  }
0x77c: {  	v4 =	vor.u32 v9, v1;
	_ =	sdelay $0x3  }
0x77d: {  	[tilespmem:v3+s24+$0x0] =	vst.idx.msk $0xffff, v2  }
0x77e: {  	v3 =	vor.u32 v10, v0;
	v2 =	vld.idx.msk [tilespmem:v4+s16+$0x0], $0xffff  }
0x77f: {  	v4 =	vor.u32 v11, v1;
	_ =	sdelay $0x3  }
0x780: {  	[tilespmem:v3+s24+$0x0] =	vst.idx.msk $0xffff, v2  }
0x781: {  	v3 =	vor.u32 v25, v0;
	v2 =	vld.idx.msk [tilespmem:v4+s16+$0x0], $0xffff  }
0x782: {  	v4 =	vor.u32 v26, v1;
	_ =	sdelay $0x3  }
0x783: {  	[tilespmem:v3+s24+$0x0] =	vst.idx.msk $0xffff, v2  }
0x784: {  	v3 =	vor.u32 v27, v0;
	v2 =	vld.idx.msk [tilespmem:v4+s16+$0x0], $0xffff  }
0x785: {  	v4 =	vor.u32 v28, v1;
	_ =	sdelay $0x3  }
0x786: {  	[tilespmem:v3+s24+$0x0] =	vst.idx.msk $0xffff, v2  }
0x787: {  	v3 =	vor.u32 v29, v0;
	v2 =	vld.idx.msk [tilespmem:v4+s16+$0x0], $0xffff  }
0x788: {  	v4 =	vor.u32 v30, v1;
	_ =	sdelay $0x3  }
0x789: {  	[tilespmem:v3+s24+$0x0] =	vst.idx.msk $0xffff, v2  }
0x78a: {  	v3 =	vor.u32 v31, v0;
	v2 =	vld.idx.msk [tilespmem:v4+s16+$0x0], $0xffff  }
0x78b: {  	v4 =	vor.u32 v32, v1;
	_ =	sdelay $0x3  }
0x78c: {  	[tilespmem:v3+s24+$0x0] =	vst.idx.msk $0xffff, v2  }
0x78d: {  	v3 =	vor.u32 v33, v0;
	v2 =	vld.idx.msk [tilespmem:v4+s16+$0x0], $0xffff  }
0x78e: {  	v4 =	vor.u32 v34, v1;
	_ =	sdelay $0x3  }
0x78f: {  	[tilespmem:v3+s24+$0x0] =	vst.idx.msk $0xffff, v2  }
0x790: {  	v3 =	vor.u32 v35, v0;
	v2 =	vld.idx.msk [tilespmem:v4+s16+$0x0], $0xffff  }
0x791: {  	v4 =	vor.u32 v36, v1;
	_ =	sdelay $0x3  }
0x792: {  	[tilespmem:v3+s24+$0x0] =	vst.idx.msk $0xffff, v2  }
0x793: {  	v3 =	vor.u32 v37, v0;
	v2 =	vld.idx.msk [tilespmem:v4+s16+$0x0], $0xffff  }
0x794: {  	v4 =	vor.u32 v38, v1;
	_ =	sdelay $0x3  }
0x795: {  	[tilespmem:v3+s24+$0x0] =	vst.idx.msk $0xffff, v2  }
0x796: {  	v3 =	vor.u32 v39, v0;
	v2 =	vld.idx.msk [tilespmem:v4+s16+$0x0], $0xffff  }
0x797: {  	v4 =	vor.u32 v40, v1;
	_ =	sdelay $0x3  }
0x798: {  	[tilespmem:v3+s24+$0x0] =	vst.idx.msk $0xffff, v2  }
0x799: {  	v3 =	vor.u32 v41, v0;
	v2 =	vld.idx.msk [tilespmem:v4+s16+$0x0], $0xffff  }
0x79a: {  	v4 =	vor.u32 v42, v1;
	_ =	sdelay $0x3  }
0x79b: {  	[tilespmem:v3+s24+$0x0] =	vst.idx.msk $0xffff, v2  }
0x79c: {  	v3 =	vor.u32 v43, v0;
	v2 =	vld.idx.msk [tilespmem:v4+s16+$0x0], $0xffff  }
0x79d: {  	v4 =	vor.u32 v44, v1;
	_ =	sdelay $0x3  }
0x79e: {  	[tilespmem:v3+s24+$0x0] =	vst.idx.msk $0xffff, v2  }
0x79f: {  	v3 =	vor.u32 v45, v0;
	v2 =	vld.idx.msk [tilespmem:v4+s16+$0x0], $0xffff  }
0x7a0: {  	v4 =	vor.u32 v46, v1;
	_ =	sdelay $0x3  }
0x7a1: {  	[tilespmem:v3+s24+$0x0] =	vst.idx.msk $0xffff, v2  }
0x7a2: {  	v3 =	vor.u32 v47, v0;
	v2 =	vld.idx.msk [tilespmem:v4+s16+$0x0], $0xffff  }
0x7a3: {  	v4 =	vor.u32 v48, v1;
	_ =	sdelay $0x3  }
0x7a4: {  	[tilespmem:v3+s24+$0x0] =	vst.idx.msk $0xffff, v2  }
0x7a5: {  	v3 =	vor.u32 v49, v0;
	v2 =	vld.idx.msk [tilespmem:v4+s16+$0x0], $0xffff  }
0x7a6: {  	v4 =	vor.u32 v50, v1;
	_ =	sdelay $0x3  }
0x7a7: {  	[tilespmem:v3+s24+$0x0] =	vst.idx.msk $0xffff, v2  }
0x7a8: {  	v3 =	vor.u32 v51, v0;
	v2 =	vld.idx.msk [tilespmem:v4+s16+$0x0], $0xffff  }
0x7a9: {  	v4 =	vor.u32 v52, v1;
	_ =	sdelay $0x3  }
0x7aa: {  	[tilespmem:v3+s24+$0x0] =	vst.idx.msk $0xffff, v2  }
0x7ab: {  	v3 =	vor.u32 v53, v0;
	v2 =	vld.idx.msk [tilespmem:v4+s16+$0x0], $0xffff  }
0x7ac: {  	v4 =	vor.u32 v54, v1;
	_ =	sdelay $0x3  }
0x7ad: {  	[tilespmem:v3+s24+$0x0] =	vst.idx.msk $0xffff, v2  }
0x7ae: {  	v3 =	vor.u32 v55, v0;
	v2 =	vld.idx.msk [tilespmem:v4+s16+$0x0], $0xffff  }
0x7af: {  	v4 =	vor.u32 v56, v1;
	_ =	sdelay $0x3  }
0x7b0: {  	[tilespmem:v3+s24+$0x0] =	vst.idx.msk $0xffff, v2  }
0x7b1: {  	v3 =	vor.u32 v57, v0;
	v2 =	vld.idx.msk [tilespmem:v4+s16+$0x0], $0xffff  }
0x7b2: {  	v4 =	vor.u32 v58, v1;
	_ =	sdelay $0x3  }
0x7b3: {  	[tilespmem:v3+s24+$0x0] =	vst.idx.msk $0xffff, v2  }
0x7b4: {  	v3 =	vor.u32 v59, v0;
	v2 =	vld.idx.msk [tilespmem:v4+s16+$0x0], $0xffff  }
0x7b5: {  	v4 =	vor.u32 v60, v1;
	_ =	sdelay $0x3  }
0x7b6: {  	[tilespmem:v3+s24+$0x0] =	vst.idx.msk $0xffff, v2  }
0x7b7: {  	v3 =	vor.u32 v61, v0;
	v2 =	vld.idx.msk [tilespmem:v4+s16+$0x0], $0xffff  }
0x7b8: {  	p0 =	sne.s32 s1, $0x1F;
	v1 =	vor.u32 v62, v1  }
.Ltmp6:
0x7b9: {  	_ = 	snop;
	(pc) =	sbr.rel @p0 .LBB2_14-.Ltmp6, $3  }
0x7ba: {  	_ =	sdelay $0x1  }
0x7bb: {  	[tilespmem:v3+s24+$0x0] =	vst.idx.msk $0xffff, v2  }
0x7bc: {  	v4 =	vlaneseq.u32;
	v3 =	vadd.s32 s1, v5;
	s1 =	sadd.s32 $0x1, s1;
	v2 =	vld.idx.msk [tilespmem:v1+s16+$0x0], $0xffff  }
0x7bd: {  	v0 =	vor.u32 v63, v0;
	_ =	sdelay $0x1  }
0x7be: {  	v1 =	vand.u32 $0x1F, v3  }
0x7bf: {  	v5 =	vor.u32 v6, v1  }
0x7c0: {  	[tilespmem:$0x1FE50] =	vst v5  }
0x7c1: {  	[tilespmem:v0+s24+$0x0] =	vst.idx.msk $0xffff, v2;
	v2 =	vld [tilespmem:$0x1FE50]  }
0x7c2: {  	v5 =	vshll.u32 v3, $0x9;
	v3 =	vshll.u32 v3, $0x7  }
0x7c3: {  	v5 =	vand.u32 $0x3000, v5;
	v3 =	vand.u32 $0x380, v3  }
0x7c4: {  	v0 =	vor.u32 v3, v5  }
0x7c5: {  	v3 =	vor.u32 v4, v0;
	v4 =	vld [tilespmem:$0x1FE80];
	_ =	sdelay $0x3  }
0x7c6: {  	v2 =	vld.idx.msk [tilespmem:v2+s16+$0x0], $0xffff  }
0x7c7: {  	v4 =	vor.u32 v4, v1;
	_ =	sdelay $0x3  }
0x7c8: {  	[tilespmem:v3+s24+$0x0] =	vst.idx.msk $0xffff, v2;
	v3 =	vld [tilespmem:$0x1FE90]  }
0x7c9: {  	v2 =	vld.idx.msk [tilespmem:v4+s16+$0x0], $0xffff  }
0x7ca: {  	v4 =	vld [tilespmem:$0x1FEA0];
	_ =	sdelay $0x3  }
0x7cb: {  	v3 =	vor.u32 v3, v0  }
0x7cc: {  	v4 =	vor.u32 v4, v1;
	_ =	sdelay $0x3  }
0x7cd: {  	[tilespmem:v3+s24+$0x0] =	vst.idx.msk $0xffff, v2;
	v3 =	vld [tilespmem:$0x1FEB0]  }
0x7ce: {  	v2 =	vld.idx.msk [tilespmem:v4+s16+$0x0], $0xffff  }
0x7cf: {  	v4 =	vld [tilespmem:$0x1FEC0];
	_ =	sdelay $0x3  }
0x7d0: {  	v3 =	vor.u32 v3, v0  }
0x7d1: {  	v4 =	vor.u32 v4, v1;
	_ =	sdelay $0x3  }
0x7d2: {  	[tilespmem:v3+s24+$0x0] =	vst.idx.msk $0xffff, v2  }
0x7d3: {  	v3 =	vor.u32 v12, v0;
	v2 =	vld.idx.msk [tilespmem:v4+s16+$0x0], $0xffff  }
0x7d4: {  	v4 =	vor.u32 v13, v1;
	_ =	sdelay $0x3  }
0x7d5: {  	[tilespmem:v3+s24+$0x0] =	vst.idx.msk $0xffff, v2  }
0x7d6: {  	v3 =	vor.u32 v14, v0;
	v2 =	vld.idx.msk [tilespmem:v4+s16+$0x0], $0xffff  }
0x7d7: {  	v4 =	vor.u32 v15, v1;
	_ =	sdelay $0x3  }
0x7d8: {  	[tilespmem:v3+s24+$0x0] =	vst.idx.msk $0xffff, v2  }
0x7d9: {  	v3 =	vor.u32 v16, v0;
	v2 =	vld.idx.msk [tilespmem:v4+s16+$0x0], $0xffff  }
0x7da: {  	v4 =	vor.u32 v17, v1;
	_ =	sdelay $0x3  }
0x7db: {  	[tilespmem:v3+s24+$0x0] =	vst.idx.msk $0xffff, v2  }
0x7dc: {  	v3 =	vor.u32 v18, v0;
	v2 =	vld.idx.msk [tilespmem:v4+s16+$0x0], $0xffff  }
0x7dd: {  	v4 =	vor.u32 v19, v1;
	_ =	sdelay $0x3  }
0x7de: {  	[tilespmem:v3+s24+$0x0] =	vst.idx.msk $0xffff, v2  }
0x7df: {  	v3 =	vor.u32 v20, v0;
	v2 =	vld.idx.msk [tilespmem:v4+s16+$0x0], $0xffff  }
0x7e0: {  	v4 =	vor.u32 v21, v1;
	_ =	sdelay $0x3  }
0x7e1: {  	[tilespmem:v3+s24+$0x0] =	vst.idx.msk $0xffff, v2  }
0x7e2: {  	v3 =	vor.u32 v7, v0;
	v2 =	vld.idx.msk [tilespmem:v4+s16+$0x0], $0xffff  }
0x7e3: {  	v4 =	vor.u32 v8, v1;
	_ =	sdelay $0x3  }
0x7e4: {  	[tilespmem:v3+s24+$0x0] =	vst.idx.msk $0xffff, v2  }
0x7e5: {  	v3 =	vor.u32 v22, v0;
	v2 =	vld.idx.msk [tilespmem:v4+s16+$0x0], $0xffff  }
0x7e6: {  	v4 =	vor.u32 v23, v1;
	_ =	sdelay $0x3  }
0x7e7: {  	[tilespmem:v3+s24+$0x0] =	vst.idx.msk $0xffff, v2  }
0x7e8: {  	v3 =	vor.u32 v24, v0;
	v2 =	vld.idx.msk [tilespmem:v4+s16+$0x0], $0xffff  }
0x7e9: {  	v4 =	vor.u32 v9, v1;
	_ =	sdelay $0x3  }
0x7ea: {  	[tilespmem:v3+s24+$0x0] =	vst.idx.msk $0xffff, v2  }
0x7eb: {  	v3 =	vor.u32 v10, v0;
	v2 =	vld.idx.msk [tilespmem:v4+s16+$0x0], $0xffff  }
0x7ec: {  	v4 =	vor.u32 v11, v1;
	_ =	sdelay $0x3  }
0x7ed: {  	[tilespmem:v3+s24+$0x0] =	vst.idx.msk $0xffff, v2  }
0x7ee: {  	v3 =	vor.u32 v25, v0;
	v2 =	vld.idx.msk [tilespmem:v4+s16+$0x0], $0xffff  }
0x7ef: {  	v4 =	vor.u32 v26, v1;
	_ =	sdelay $0x3  }
0x7f0: {  	[tilespmem:v3+s24+$0x0] =	vst.idx.msk $0xffff, v2  }
0x7f1: {  	v3 =	vor.u32 v27, v0;
	v2 =	vld.idx.msk [tilespmem:v4+s16+$0x0], $0xffff  }
0x7f2: {  	v4 =	vor.u32 v28, v1;
	_ =	sdelay $0x3  }
0x7f3: {  	[tilespmem:v3+s24+$0x0] =	vst.idx.msk $0xffff, v2  }
0x7f4: {  	v3 =	vor.u32 v29, v0;
	v2 =	vld.idx.msk [tilespmem:v4+s16+$0x0], $0xffff  }
0x7f5: {  	v4 =	vor.u32 v30, v1;
	_ =	sdelay $0x3  }
0x7f6: {  	[tilespmem:v3+s24+$0x0] =	vst.idx.msk $0xffff, v2  }
0x7f7: {  	v3 =	vor.u32 v31, v0;
	v2 =	vld.idx.msk [tilespmem:v4+s16+$0x0], $0xffff  }
0x7f8: {  	v4 =	vor.u32 v32, v1;
	_ =	sdelay $0x3  }
0x7f9: {  	[tilespmem:v3+s24+$0x0] =	vst.idx.msk $0xffff, v2  }
0x7fa: {  	v3 =	vor.u32 v33, v0;
	v2 =	vld.idx.msk [tilespmem:v4+s16+$0x0], $0xffff  }
0x7fb: {  	v4 =	vor.u32 v34, v1;
	_ =	sdelay $0x3  }
0x7fc: {  	[tilespmem:v3+s24+$0x0] =	vst.idx.msk $0xffff, v2  }
0x7fd: {  	v3 =	vor.u32 v35, v0;
	v2 =	vld.idx.msk [tilespmem:v4+s16+$0x0], $0xffff  }
0x7fe: {  	v4 =	vor.u32 v36, v1;
	_ =	sdelay $0x3  }
0x7ff: {  	[tilespmem:v3+s24+$0x0] =	vst.idx.msk $0xffff, v2  }
0x800: {  	v3 =	vor.u32 v37, v0;
	v2 =	vld.idx.msk [tilespmem:v4+s16+$0x0], $0xffff  }
0x801: {  	v4 =	vor.u32 v38, v1;
	_ =	sdelay $0x3  }
0x802: {  	[tilespmem:v3+s24+$0x0] =	vst.idx.msk $0xffff, v2  }
0x803: {  	v3 =	vor.u32 v39, v0;
	v2 =	vld.idx.msk [tilespmem:v4+s16+$0x0], $0xffff  }
0x804: {  	v4 =	vor.u32 v40, v1;
	_ =	sdelay $0x3  }
0x805: {  	[tilespmem:v3+s24+$0x0] =	vst.idx.msk $0xffff, v2  }
0x806: {  	v3 =	vor.u32 v41, v0;
	v2 =	vld.idx.msk [tilespmem:v4+s16+$0x0], $0xffff  }
0x807: {  	v4 =	vor.u32 v42, v1;
	_ =	sdelay $0x3  }
0x808: {  	[tilespmem:v3+s24+$0x0] =	vst.idx.msk $0xffff, v2  }
0x809: {  	v3 =	vor.u32 v43, v0;
	v2 =	vld.idx.msk [tilespmem:v4+s16+$0x0], $0xffff  }
0x80a: {  	v4 =	vor.u32 v44, v1;
	_ =	sdelay $0x3  }
0x80b: {  	[tilespmem:v3+s24+$0x0] =	vst.idx.msk $0xffff, v2  }
0x80c: {  	v3 =	vor.u32 v45, v0;
	v2 =	vld.idx.msk [tilespmem:v4+s16+$0x0], $0xffff  }
0x80d: {  	v4 =	vor.u32 v46, v1;
	_ =	sdelay $0x3  }
0x80e: {  	[tilespmem:v3+s24+$0x0] =	vst.idx.msk $0xffff, v2  }
0x80f: {  	v3 =	vor.u32 v47, v0;
	v2 =	vld.idx.msk [tilespmem:v4+s16+$0x0], $0xffff  }
0x810: {  	v4 =	vor.u32 v48, v1;
	_ =	sdelay $0x3  }
0x811: {  	[tilespmem:v3+s24+$0x0] =	vst.idx.msk $0xffff, v2  }
0x812: {  	v3 =	vor.u32 v49, v0;
	v2 =	vld.idx.msk [tilespmem:v4+s16+$0x0], $0xffff  }
0x813: {  	v4 =	vor.u32 v50, v1;
	_ =	sdelay $0x3  }
0x814: {  	[tilespmem:v3+s24+$0x0] =	vst.idx.msk $0xffff, v2  }
0x815: {  	v3 =	vor.u32 v51, v0;
	v2 =	vld.idx.msk [tilespmem:v4+s16+$0x0], $0xffff  }
0x816: {  	v4 =	vor.u32 v52, v1;
	_ =	sdelay $0x3  }
0x817: {  	[tilespmem:v3+s24+$0x0] =	vst.idx.msk $0xffff, v2  }
0x818: {  	v3 =	vor.u32 v53, v0;
	v2 =	vld.idx.msk [tilespmem:v4+s16+$0x0], $0xffff  }
0x819: {  	v4 =	vor.u32 v54, v1;
	_ =	sdelay $0x3  }
0x81a: {  	[tilespmem:v3+s24+$0x0] =	vst.idx.msk $0xffff, v2  }
0x81b: {  	v3 =	vor.u32 v55, v0;
	v2 =	vld.idx.msk [tilespmem:v4+s16+$0x0], $0xffff  }
0x81c: {  	v4 =	vor.u32 v56, v1;
	_ =	sdelay $0x3  }
0x81d: {  	[tilespmem:v3+s24+$0x0] =	vst.idx.msk $0xffff, v2  }
0x81e: {  	v3 =	vor.u32 v57, v0;
	v2 =	vld.idx.msk [tilespmem:v4+s16+$0x0], $0xffff  }
0x81f: {  	v4 =	vor.u32 v58, v1;
	_ =	sdelay $0x3  }
0x820: {  	[tilespmem:v3+s24+$0x0] =	vst.idx.msk $0xffff, v2  }
0x821: {  	v3 =	vor.u32 v59, v0;
	v2 =	vld.idx.msk [tilespmem:v4+s16+$0x0], $0xffff  }
0x822: {  	v4 =	vor.u32 v60, v1;
	_ =	sdelay $0x3  }
0x823: {  	[tilespmem:v3+s24+$0x0] =	vst.idx.msk $0xffff, v2  }
0x824: {  	v3 =	vor.u32 v61, v0;
	v2 =	vld.idx.msk [tilespmem:v4+s16+$0x0], $0xffff  }
0x825: {  	v1 =	vor.u32 v62, v1;
	_ =	sdelay $0x3  }
0x826: {  	[tilespmem:v3+s24+$0x0] =	vst.idx.msk $0xffff, v2  }
0x827: {  	v0 =	vor.u32 v63, v0;
	v1 =	vld.idx.msk [tilespmem:v1+s16+$0x0], $0xffff;
	_ =	sdelay $0x4  }
0x828: {  	s1 =	rddreg [dreg:$0x10];
	[tilespmem:v0+s24+$0x0] =	vst.idx.msk $0xffff, v1  }
0x829: {  	[hbm4b:s1+s4] =	stream.linear.scatter [tilespmem:s24], [sflag:$0x6], $0x1000, $0x38;
	[tilespmem:$0x10400] =	vst v63  }
0x82a: {  	s9 =	rddreg [dreg:$0x11]  }
0x82b: {  	[hbm4b:s9+s4] =	stream.linear.scatter [tilespmem:s25], [sflag:$0x6], $0x1000, $0x38;
	[tilespmem:$0x10400] =	vst v63  }
0x82c: {  	s18 =	rddreg [dreg:$0x12]  }
0x82d: {  	[hbm4b:s18+s4] =	stream.linear.scatter [tilespmem:s26], [sflag:$0x6], $0x1000, $0x38;
	[tilespmem:$0x10400] =	vst v63  }
0x82e: {  	s22 =	rddreg [dreg:$0x13]  }
0x82f: {  	[hbm4b:s22+s4] =	stream.linear.scatter [tilespmem:s28], [sflag:$0x6], $0x1000, $0x38;
	[tilespmem:$0x10400] =	vst v63  }
0x830: {  	_ =	swait.ge [sflag:s29], $0x4000  }
0x831: {  	[sflag:s29] =	ssyncset.done $0x0  }
0x832: {  	[sflag:s29] =	ssyncadd.s32 $0xFFFFC000  }
0x833: {  	_ =	swait.ge [sflag:s30], $0x4000  }
0x834: {  	s7 =	rddreg [dreg:$0x18]  }
0x835: {  	s31 =	rddreg [dreg:$0x14];
	s7 =	sadd.s32 $0x1, s7  }
0x836: {  	p0 =	sne.s32 s7, s31  }
.Ltmp7:
0x837: {  	_ = 	snop;
	(pc) =	sbr.rel @p0 .LBB2_1-.Ltmp7, $3  }
0x838: {  	_ =	sdelay $0x1  }
0x839: {  	[sflag:s30] =	ssyncset.done $0x0  }
0x83a: {  	[sflag:s30] =	ssyncadd.s32 $0xFFFFC000  }
0x83b: {  	_ =	sfence.sel $0x180000  }
0x83c: {  	[bflag:$0x0] =	sbarrier.arrive $0xFFFF  }
0x83d: {  	_ =	strace $0x90000047  }
0x83e: {  	s0 =	stileid.u32;
	[bflag:$0x2] =	sbarrier.arrive $0xFFFF  }
0x83f: {  	p0 =	sne.s32 s0, $0x0;
	s0 =	rddreg [dreg:$0x2]  }
0x840: {  	s0 =	sadd.s32 @!p0 $0x100000, s0  }
0x841: {  	[sflag:s0] =	ssyncadd.tile.s32 @!p0 $0x1;
	_ =	shalt  }
.Lfunc_end2:
_tile_overlayer_lowered:
.L_overlay_start_2:
0x842: {  	(tag) =	ssettag $0x2  }
0x843: {  	s0 =	rddreg [dreg:$0x0];
	s2 =	stileid.u32  }
0x844: {  	s1 =	rddreg [dreg:$0x1];
	p0 =	sne.s32 s2, $0x0  }
0x845: {  	s3 =	rddreg [dreg:$0x2];
	[bflag:$0x3] =	sbarrier.arrive $0xFFFF;
	s2 =	simm.s32 @!p0 $0x1C07  }
0x846: {  	[timem:s3], [sflag:s2] =	dma.local @!p0 [hbm:s0], s1  }
0x847: {  	s0 =	simm.s32 @!p0 $0x7  }
0x848: {  	_ =	swait.ge @!p0 [sflag:s0], s1  }
0x849: {  	s1 =	ssub.s32 @!p0 $0x0, s1;
	[sflag:s0] =	ssyncset.done @!p0 $0x0  }
0x84a: {  	[sflag:s0] =	ssyncadd.s32 @!p0 s1  }
0x84b: {  	[bflag:$0x3] =	sbarrier.arrive $0xFFFF  }
0x84c: {  	_ =	shalt  }

</sc_bundles>
